<compile_context>
chip_gen: v7x
topology: tpu7x:2x2x1
jax: 0.10.2.dev20260603
libtpu: 0.0.44.dev20260713+nightly
codegen_flags: <defaults>
</compile_context>

<pallas_src>
import functools

import jax
import jax.numpy as jnp
from jax import lax
from jax.experimental import pallas as pl
from jax.experimental.pallas import tpu as pltpu
from jax.experimental.pallas import tpu_sc as plsc

N = 10000
E = 320000
H = 16
C = 16

L = 16
NC, NS = 2, 16
NW = NC * NS
CHUNK = 128
RPW = 80
EPW = RPW * CHUNK
EP = NW * EPW
KFIRE = 8
NBLK = RPW // KFIRE
NPAD = 10240
PROWS = NPAD * L // 128
ORPT = NPAD // NS
SPT = NPAD // NS
PRPT = PROWS // NS

_mesh = plsc.VectorSubcoreMesh(core_axis_name="c", subcore_axis_name="s")
_sc_params = pltpu.CompilerParams(
    needs_layout_passes=False, use_tc_tiling_on_sc=False)



@functools.partial(
    pl.kernel,
    out_type=jax.ShapeDtypeStruct((NC, PROWS, 128), jnp.float32),
    mesh=_mesh,
    scratch_types=[
        pltpu.VMEM((RPW, CHUNK), jnp.int32),
        pltpu.VMEM((NPAD,), jnp.float32),
        pltpu.VMEM((NS, SPT), jnp.float32),
        pltpu.VMEM((SPT,), jnp.float32),
        pltpu.VMEM((PRPT, 128), jnp.float32),
        pltpu.VMEM_SHARED((NS, NPAD), jnp.float32),
        pltpu.SemaphoreType.DMA,
    ],
    compiler_params=_sc_params,
)
def _deg_kernel(ei_hbm, out_hbm, dstbuf, pdeg, tmp, accbuf, bcast, deg_sh, sem):
    cid = lax.axis_index("c")
    sid = lax.axis_index("s")
    wid = cid * NS + sid
    pltpu.async_copy(ei_hbm.at[1, pl.ds(wid * RPW, RPW)], dstbuf, sem)

    zeros16 = jnp.zeros((L,), jnp.float32)

    def zero_body(i, carry):
        for u in range(4):
            pdeg[pl.ds((i * 4 + u) * L, L)] = zeros16
        return carry

    lax.fori_loop(0, NPAD // L // 4, zero_body, 0)
    pltpu.make_async_copy(ei_hbm.at[1, pl.ds(wid * RPW, RPW)], dstbuf, sem).wait()

    ones16 = jnp.ones((L,), jnp.float32)
    GPR = CHUNK // L

    def scat_body(i, carry):
        for u in range(GPR):
            d = dstbuf[i, pl.ds(u * L, L)]
            plsc.addupdate_scatter(pdeg, [d], ones16)
        return carry

    lax.fori_loop(0, RPW, scat_body, 0)

    pltpu.sync_copy(pdeg, deg_sh.at[sid])
    plsc.subcore_barrier()

    pltpu.sync_copy(deg_sh.at[:, pl.ds(sid * SPT, SPT)], tmp)

    def add_body(i, carry):
        sl = pl.ds(i * L, L)
        v = tmp[0, sl]
        for t in range(1, NS):
            v = v + tmp[t, sl]
        accbuf[sl] = v
        return carry

    lax.fori_loop(0, SPT // L, add_body, 0)

    def bc_body(i, carry):
        v = accbuf[pl.ds(i * L, L)]
        for l in range(L):
            bcast[i * 2 + l // 8, pl.ds((l % 8) * L, L)] = jnp.full(
                (L,), v[l], jnp.float32)
        return carry

    lax.fori_loop(0, SPT // L, bc_body, 0)
    pltpu.sync_copy(bcast, out_hbm.at[cid, pl.ds(sid * PRPT, PRPT)])



@functools.partial(
    pl.kernel,
    out_type=jax.ShapeDtypeStruct((NC, PROWS, 128), jnp.float32),
    mesh=_mesh,
    scratch_types=[
        pltpu.VMEM((RPW, CHUNK), jnp.int32),
        pltpu.VMEM((RPW, CHUNK), jnp.int32),
        pltpu.VMEM((2, KFIRE, CHUNK, L), jnp.float32),
        pltpu.VMEM((ORPT, L), jnp.float32),
        pltpu.VMEM((PRPT, 128), jnp.float32),
        pltpu.VMEM_SHARED((NPAD, L), jnp.float32),
        pltpu.VMEM_SHARED((NPAD, L), jnp.float32),
        pltpu.SemaphoreType.DMA,
        pltpu.SemaphoreType.DMA,
    ],
    compiler_params=_sc_params,
)
def _agg_kernel(y_hbm, ei_hbm, out_hbm, srcbuf, dstbuf, msg, zbuf, pack,
                y_sh, acc_sh, semg, sems):
    cid = lax.axis_index("c")
    sid = lax.axis_index("s")
    wid = cid * NS + sid
    pltpu.async_copy(ei_hbm.at[0, pl.ds(wid * RPW, RPW)], srcbuf, semg)
    pltpu.async_copy(ei_hbm.at[1, pl.ds(wid * RPW, RPW)], dstbuf, semg)
    pltpu.async_copy(y_hbm.at[pl.ds(sid * ORPT, ORPT)],
                     y_sh.at[pl.ds(sid * ORPT, ORPT)], semg)

    zeros16 = jnp.zeros((L,), jnp.float32)

    def zero_body(i, carry):
        for u in range(4):
            zbuf[i * 4 + u] = zeros16
        return carry

    lax.fori_loop(0, ORPT // 4, zero_body, 0)
    pltpu.make_async_copy(ei_hbm.at[0, pl.ds(wid * RPW, RPW)], srcbuf, semg).wait()
    pltpu.make_async_copy(ei_hbm.at[1, pl.ds(wid * RPW, RPW)], dstbuf, semg).wait()
    pltpu.make_async_copy(y_hbm.at[pl.ds(sid * ORPT, ORPT)],
                          y_sh.at[pl.ds(sid * ORPT, ORPT)], semg).wait()
    pltpu.sync_copy(zbuf, acc_sh.at[pl.ds(sid * ORPT, ORPT)])
    plsc.subcore_barrier()

    def fire_gather(row, s, b):
        pltpu.async_copy(y_sh.at[srcbuf.at[row]], msg.at[s, b], semg)

    for b in range(KFIRE):
        fire_gather(b, 0, b)

    def blk_body(blk, carry):
        s = blk % 2
        @pl.when(blk + 1 < NBLK)
        def _():
            for b in range(KFIRE):
                fire_gather((blk + 1) * KFIRE + b, 1 - s, b)

        for b in range(KFIRE):
            j = blk * KFIRE + b
            pltpu.make_async_copy(
                y_sh.at[srcbuf.at[j]], msg.at[s, b], semg).wait()
            pltpu.async_copy(
                msg.at[s, b], acc_sh.at[dstbuf.at[j]], sems, add=True)
        for b in range(KFIRE):
            pltpu.make_async_copy(
                msg.at[s, b], acc_sh.at[dstbuf.at[0]], sems).wait()
        return carry

    lax.fori_loop(0, NBLK, blk_body, 0)
    plsc.subcore_barrier()

    pltpu.sync_copy(acc_sh.at[pl.ds(sid * ORPT, ORPT)], zbuf)

    def repack_body(i, carry):
        for u in range(8):
            pack[i, pl.ds(u * L, L)] = zbuf[i * 8 + u]
        return carry

    lax.fori_loop(0, PRPT, repack_body, 0)
    pltpu.sync_copy(pack, out_hbm.at[cid, pl.ds(sid * PRPT, PRPT)])



def _tc_mm_body(x_ref, w1_ref, xw_ref):
    xw_ref[0:N, :] = jnp.dot(x_ref[...], w1_ref[...],
                             preferred_element_type=jnp.float32)
    xw_ref[N:NPAD, :] = jnp.zeros((NPAD - N, H), jnp.float32)


def _tc_s1_body(xw_ref, dp_ref, y1_ref, dinv_ref):
    deg = dp_ref[0] + dp_ref[1] + 1.0
    dinv = lax.rsqrt(deg)
    y1_ref[...] = xw_ref[...] * dinv
    dinv_ref[...] = dinv


def _tc_b_body(p_ref, y1_ref, dinv_ref, b1_ref, w2bd_ref, y2_ref):
    agg = p_ref[0] + p_ref[1] + y1_ref[...]
    pre = agg * dinv_ref[...] + b1_ref[...]
    h = jnp.maximum(pre, 0.0)
    hw = jnp.dot(h, w2bd_ref[...], preferred_element_type=jnp.float32)
    y2_ref[...] = hw * dinv_ref[...]


def _tc_c_body(p_ref, y2_ref, dinv_ref, b2_ref, mones_ref, out_ref):
    pre = (p_ref[0] + p_ref[1] + y2_ref[...]) * dinv_ref[...] + b2_ref[...]
    ex = jnp.exp(pre)
    s = jnp.dot(ex, mones_ref[...], preferred_element_type=jnp.float32)
    out_ref[...] = pre - jnp.log(s)


def kernel(x, edge_index, W1, b1, W2, b2):
    ei = edge_index.astype(jnp.int32)
    npd = EP - E
    pad = jnp.stack([
        N + (jnp.arange(npd, dtype=jnp.int32) % (NPAD - N)),
        N + (jnp.arange(npd, dtype=jnp.int32) % (NPAD - N - 16)),
    ])
    ein = jnp.concatenate([ei, pad], axis=1).reshape(2, NW * RPW, CHUNK)

    eye8 = jnp.eye(8, dtype=jnp.float32)
    w2bd = jnp.kron(eye8, W2)
    mones = jnp.kron(eye8, jnp.ones((C, C), jnp.float32))
    b1t = jnp.tile(b1, 8).reshape(1, 128)
    b2t = jnp.tile(b2, 8).reshape(1, 128)

    dp = _deg_kernel(ein)

    xw = pl.pallas_call(
        _tc_mm_body,
        out_shape=jax.ShapeDtypeStruct((NPAD, H), jnp.float32),
    )(x, W1)
    xw_p = xw.reshape(PROWS, 128)

    y1_p, dinv_p = pl.pallas_call(
        _tc_s1_body,
        out_shape=[
            jax.ShapeDtypeStruct((PROWS, 128), jnp.float32),
            jax.ShapeDtypeStruct((PROWS, 128), jnp.float32),
        ],
    )(xw_p, dp)

    parts1 = _agg_kernel(y1_p.reshape(NPAD, L), ein)

    y2_p = pl.pallas_call(
        _tc_b_body,
        out_shape=jax.ShapeDtypeStruct((PROWS, 128), jnp.float32),
    )(parts1, y1_p, dinv_p, b1t, w2bd)

    parts2 = _agg_kernel(y2_p.reshape(NPAD, L), ein)

    out_p = pl.pallas_call(
        _tc_c_body,
        out_shape=jax.ShapeDtypeStruct((PROWS, 128), jnp.float32),
    )(parts2, y2_p, dinv_p, b2t, mones)
    return out_p.reshape(NPAD, L)[:N]

# --- scband reference (transcript-rebuilt; emitter-appended) ---
"""Pipeline reference for scband-net-62998580298292 (READ-ONLY COPY).

The authoritative reference and input builder live on the scoring server;
editing this copy changes nothing except your own understanding.
"""

import jax, jax.numpy as jnp
import numpy as np

N = 10000
E = 320000
F_IN = 128
H = 16
C = 16


def setup_inputs(seed: int = 0) -> dict:
    key = jax.random.key(seed)
    k1, k2, k3, k4, k5, k6 = jax.random.split(key, 6)
    x = jax.random.normal(k1, (N, F_IN), dtype=jnp.float32)
    edge_index = jax.random.randint(k2, (2, E), 0, N, dtype=jnp.int64)
    W1 = jax.random.normal(k3, (F_IN, H), dtype=jnp.float32) * 0.05
    b1 = jnp.zeros((H,), dtype=jnp.float32)
    W2 = jax.random.normal(k4, (H, C), dtype=jnp.float32) * 0.05
    b2 = jnp.zeros((C,), dtype=jnp.float32)
    return {"x": x, "edge_index": edge_index, "W1": W1, "b1": b1, "W2": W2, "b2": b2}


def _gcn_conv(x, edge_index, W, b):
    n = x.shape[0]
    loops = jnp.arange(n, dtype=edge_index.dtype)
    src = jnp.concatenate([edge_index[0], loops])
    dst = jnp.concatenate([edge_index[1], loops])
    xw = x @ W
    ones = jnp.ones(dst.shape[0], dtype=xw.dtype)
    deg = jax.ops.segment_sum(ones, dst, num_segments=n)
    dinv = jnp.where(deg > 0, deg ** -0.5, 0.0)
    norm = dinv[src] * dinv[dst]
    msg = xw[src] * norm[:, None]
    out = jax.ops.segment_sum(msg, dst, num_segments=n)
    return out + b


def reference(x, edge_index, W1, b1, W2, b2):
    h = jax.nn.relu(_gcn_conv(x, edge_index, W1, b1))
    # F.dropout with training=False (eval) is identity
    h = _gcn_conv(h, edge_index, W2, b2)
    return jax.nn.log_softmax(h, axis=1)

if __name__ == "__main__":
    import jax
    _d = setup_inputs()
    print(jax.jit(kernel)(*tuple(_d.values())))

</pallas_src>

<mosaic_0001>
#map = affine_map<(d0, d1) -> (0, 0, 0)>
module attributes {stable_mosaic.version = 14 : i64} {
  func.func @_deg_kernel(%arg0: i32, %arg1: i32, %arg2: memref<2x2560x128xi32, #tpu.memory_space<hbm>>, %arg3: memref<2x1280x128xf32, #tpu.memory_space<hbm>>, %arg4: memref<80x128xi32, #tpu.memory_space<vmem>>, %arg5: memref<10240xf32, #tpu.memory_space<vmem>>, %arg6: memref<16x640xf32, #tpu.memory_space<vmem>>, %arg7: memref<640xf32, #tpu.memory_space<vmem>>, %arg8: memref<80x128xf32, #tpu.memory_space<vmem>>, %arg9: memref<16x10240xf32, #tpu.memory_space<vmem_shared>>, %arg10: memref<!tpu.dma_semaphore, #tpu.memory_space<semaphore_mem>>) attributes {dimension_semantics = [#tpu.dimension_semantics<core_parallel>, #tpu.dimension_semantics<subcore_parallel>], iteration_bounds = array<i64: 2, 16>, scalar_prefetch = 0 : i64, scratch_operands = 7 : i64, tpu.core_type = #tpu.core_type<sc_vector_subcore>, window_params = [{transform_indices = #map}, {transform_indices = #map}]} {
    %mul3A = arith.constant 16 : i32
    %mul3A_0 = arith.muli %arg0, %mul3A : i32
    %add3A = arith.addi %mul3A_0, %arg1 : i32
    %mul3A_1 = arith.constant 80 : i32
    %mul3A_2 = arith.muli %add3A, %mul3A_1 : i32
    %dma_start3A = arith.constant 1 : i32
    %dma_start3A_3 = arith.constant 0 : i32
    %dma_start3A_4 = tpu.memref_slice %arg2[%dma_start3A, %mul3A_2, %dma_start3A_3] : memref<2x2560x128xi32, #tpu.memory_space<hbm>> -> memref<1x80x128xi32, #tpu.memory_space<hbm>>
    %dma_start3A_5 = tpu.memref_squeeze %dma_start3A_4 : memref<1x80x128xi32, #tpu.memory_space<hbm>> -> memref<80x128xi32, #tpu.memory_space<hbm>>
    %dma_start3A_6 = arith.constant 0 : i32
    %dma_start3A_7 = tpu.memref_slice %arg2[%dma_start3A, %mul3A_2, %dma_start3A_6] : memref<2x2560x128xi32, #tpu.memory_space<hbm>> -> memref<1x80x128xi32, #tpu.memory_space<hbm>>
    %dma_start3A_8 = tpu.memref_squeeze %dma_start3A_7 : memref<1x80x128xi32, #tpu.memory_space<hbm>> -> memref<80x128xi32, #tpu.memory_space<hbm>>
    tpu.enqueue_dma source(%dma_start3A_8 : memref<80x128xi32, #tpu.memory_space<hbm>>) target(%arg4 : memref<80x128xi32, #tpu.memory_space<vmem>>) target_semaphore(%arg10 : memref<!tpu.dma_semaphore, #tpu.memory_space<semaphore_mem>>)
    %broadcast_in_dim3A = arith.constant 0.000000e+00 : f32
    %broadcast_in_dim3A_9 = vector.broadcast %broadcast_in_dim3A : f32 to vector<16xf32>
    %scan3A = arith.constant 0 : i32
    %scan3A_10 = arith.constant 0 : i32
    %scan3A_11 = arith.constant 160 : i32
    %scan3A_12 = arith.addi %scan3A_10, %scan3A_11 : i32
    %scan3A_13 = arith.constant 1 : i32
    scf.for %scan3A_47 = %scan3A_10 to %scan3A_12 step %scan3A_13  : i32 {
      %mul3A_48 = arith.constant 4 : i32
      %mul3A_49 = arith.muli %scan3A_47, %mul3A_48 : i32
      %add3A_50 = arith.constant 0 : i32
      %add3A_51 = arith.addi %mul3A_49, %add3A_50 : i32
      %mul3A_52 = arith.constant 16 : i32
      %mul3A_53 = arith.muli %add3A_51, %mul3A_52 : i32
      %swap3A = arith.index_cast %mul3A_53 : i32 to index
      %swap3A_54 = tpu.vector_load %arg5[%swap3A] {strides = array<i32>} : memref<10240xf32, #tpu.memory_space<vmem>>, vector<16xf32>,
      tpu.vector_store %arg5[%swap3A], %broadcast_in_dim3A_9 {strides = array<i32>} : memref<10240xf32, #tpu.memory_space<vmem>>, vector<16xf32>,
      %mul3A_55 = arith.constant 4 : i32
      %mul3A_56 = arith.muli %scan3A_47, %mul3A_55 : i32
      %add3A_57 = arith.constant 1 : i32
      %add3A_58 = arith.addi %mul3A_56, %add3A_57 : i32
      %mul3A_59 = arith.constant 16 : i32
      %mul3A_60 = arith.muli %add3A_58, %mul3A_59 : i32
      %swap3A_61 = arith.index_cast %mul3A_60 : i32 to index
      %swap3A_62 = tpu.vector_load %arg5[%swap3A_61] {strides = array<i32>} : memref<10240xf32, #tpu.memory_space<vmem>>, vector<16xf32>,
      tpu.vector_store %arg5[%swap3A_61], %broadcast_in_dim3A_9 {strides = array<i32>} : memref<10240xf32, #tpu.memory_space<vmem>>, vector<16xf32>,
      %mul3A_63 = arith.constant 4 : i32
      %mul3A_64 = arith.muli %scan3A_47, %mul3A_63 : i32
      %add3A_65 = arith.constant 2 : i32
      %add3A_66 = arith.addi %mul3A_64, %add3A_65 : i32
      %mul3A_67 = arith.constant 16 : i32
      %mul3A_68 = arith.muli %add3A_66, %mul3A_67 : i32
      %swap3A_69 = arith.index_cast %mul3A_68 : i32 to index
      %swap3A_70 = tpu.vector_load %arg5[%swap3A_69] {strides = array<i32>} : memref<10240xf32, #tpu.memory_space<vmem>>, vector<16xf32>,
      tpu.vector_store %arg5[%swap3A_69], %broadcast_in_dim3A_9 {strides = array<i32>} : memref<10240xf32, #tpu.memory_space<vmem>>, vector<16xf32>,
      %mul3A_71 = arith.constant 4 : i32
      %mul3A_72 = arith.muli %scan3A_47, %mul3A_71 : i32
      %add3A_73 = arith.constant 3 : i32
      %add3A_74 = arith.addi %mul3A_72, %add3A_73 : i32
      %mul3A_75 = arith.constant 16 : i32
      %mul3A_76 = arith.muli %add3A_74, %mul3A_75 : i32
      %swap3A_77 = arith.index_cast %mul3A_76 : i32 to index
      %swap3A_78 = tpu.vector_load %arg5[%swap3A_77] {strides = array<i32>} : memref<10240xf32, #tpu.memory_space<vmem>>, vector<16xf32>,
      tpu.vector_store %arg5[%swap3A_77], %broadcast_in_dim3A_9 {strides = array<i32>} : memref<10240xf32, #tpu.memory_space<vmem>>, vector<16xf32>,
    }
    %scan3A_14 = arith.constant 160 : i32
    %mul3A_15 = arith.constant 80 : i32
    %mul3A_16 = arith.muli %add3A, %mul3A_15 : i32
    %dma_wait3A = arith.constant 1 : i32
    %dma_wait3A_17 = arith.constant 0 : i32
    %dma_wait3A_18 = tpu.memref_slice %arg2[%dma_wait3A, %mul3A_16, %dma_wait3A_17] : memref<2x2560x128xi32, #tpu.memory_space<hbm>> -> memref<1x80x128xi32, #tpu.memory_space<hbm>>
    %dma_wait3A_19 = tpu.memref_squeeze %dma_wait3A_18 : memref<1x80x128xi32, #tpu.memory_space<hbm>> -> memref<80x128xi32, #tpu.memory_space<hbm>>
    %dma_wait3A_20 = arith.constant 0 : i32
    %dma_wait3A_21 = tpu.memref_slice %arg2[%dma_wait3A, %mul3A_16, %dma_wait3A_20] : memref<2x2560x128xi32, #tpu.memory_space<hbm>> -> memref<1x80x128xi32, #tpu.memory_space<hbm>>
    %dma_wait3A_22 = tpu.memref_squeeze %dma_wait3A_21 : memref<1x80x128xi32, #tpu.memory_space<hbm>> -> memref<80x128xi32, #tpu.memory_space<hbm>>
    tpu.wait_dma2 semaphore(%arg10 : memref<!tpu.dma_semaphore, #tpu.memory_space<semaphore_mem>>) src(%dma_wait3A_22 : memref<80x128xi32, #tpu.memory_space<hbm>>) dst(%arg4 : memref<80x128xi32, #tpu.memory_space<vmem>>)
    %broadcast_in_dim3A_23 = arith.constant 1.000000e+00 : f32
    %broadcast_in_dim3A_24 = vector.broadcast %broadcast_in_dim3A_23 : f32 to vector<16xf32>
    %scan3A_25 = arith.constant 0 : i32
    %scan3A_26 = arith.constant 0 : i32
    %scan3A_27 = arith.constant 80 : i32
    %scan3A_28 = arith.addi %scan3A_26, %scan3A_27 : i32
    %scan3A_29 = arith.constant 1 : i32
    scf.for %scan3A_47 = %scan3A_26 to %scan3A_28 step %scan3A_29  : i32 {
      %get3A = arith.index_cast %scan3A_47 : i32 to index
      %get3A_48 = arith.constant 0 : index
      %get3A_49 = tpu.vector_load %arg4[%get3A, %get3A_48] {strides = array<i32>} : memref<80x128xi32, #tpu.memory_space<vmem>>, vector<16xi32>,
      tpu.vector_store_idx %arg5[%get3A_49], %broadcast_in_dim3A_24 {add = true} : memref<10240xf32, #tpu.memory_space<vmem>>[vector<16xi32>], vector<16xf32>,
      %get3A_50 = arith.index_cast %scan3A_47 : i32 to index
      %get3A_51 = arith.constant 16 : index
      %get3A_52 = tpu.vector_load %arg4[%get3A_50, %get3A_51] {strides = array<i32>} : memref<80x128xi32, #tpu.memory_space<vmem>>, vector<16xi32>,
      tpu.vector_store_idx %arg5[%get3A_52], %broadcast_in_dim3A_24 {add = true} : memref<10240xf32, #tpu.memory_space<vmem>>[vector<16xi32>], vector<16xf32>,
      %get3A_53 = arith.index_cast %scan3A_47 : i32 to index
      %get3A_54 = arith.constant 32 : index
      %get3A_55 = tpu.vector_load %arg4[%get3A_53, %get3A_54] {strides = array<i32>} : memref<80x128xi32, #tpu.memory_space<vmem>>, vector<16xi32>,
      tpu.vector_store_idx %arg5[%get3A_55], %broadcast_in_dim3A_24 {add = true} : memref<10240xf32, #tpu.memory_space<vmem>>[vector<16xi32>], vector<16xf32>,
      %get3A_56 = arith.index_cast %scan3A_47 : i32 to index
      %get3A_57 = arith.constant 48 : index
      %get3A_58 = tpu.vector_load %arg4[%get3A_56, %get3A_57] {strides = array<i32>} : memref<80x128xi32, #tpu.memory_space<vmem>>, vector<16xi32>,
      tpu.vector_store_idx %arg5[%get3A_58], %broadcast_in_dim3A_24 {add = true} : memref<10240xf32, #tpu.memory_space<vmem>>[vector<16xi32>], vector<16xf32>,
      %get3A_59 = arith.index_cast %scan3A_47 : i32 to index
      %get3A_60 = arith.constant 64 : index
      %get3A_61 = tpu.vector_load %arg4[%get3A_59, %get3A_60] {strides = array<i32>} : memref<80x128xi32, #tpu.memory_space<vmem>>, vector<16xi32>,
      tpu.vector_store_idx %arg5[%get3A_61], %broadcast_in_dim3A_24 {add = true} : memref<10240xf32, #tpu.memory_space<vmem>>[vector<16xi32>], vector<16xf32>,
      %get3A_62 = arith.index_cast %scan3A_47 : i32 to index
      %get3A_63 = arith.constant 80 : index
      %get3A_64 = tpu.vector_load %arg4[%get3A_62, %get3A_63] {strides = array<i32>} : memref<80x128xi32, #tpu.memory_space<vmem>>, vector<16xi32>,
      tpu.vector_store_idx %arg5[%get3A_64], %broadcast_in_dim3A_24 {add = true} : memref<10240xf32, #tpu.memory_space<vmem>>[vector<16xi32>], vector<16xf32>,
      %get3A_65 = arith.index_cast %scan3A_47 : i32 to index
      %get3A_66 = arith.constant 96 : index
      %get3A_67 = tpu.vector_load %arg4[%get3A_65, %get3A_66] {strides = array<i32>} : memref<80x128xi32, #tpu.memory_space<vmem>>, vector<16xi32>,
      tpu.vector_store_idx %arg5[%get3A_67], %broadcast_in_dim3A_24 {add = true} : memref<10240xf32, #tpu.memory_space<vmem>>[vector<16xi32>], vector<16xf32>,
      %get3A_68 = arith.index_cast %scan3A_47 : i32 to index
      %get3A_69 = arith.constant 112 : index
      %get3A_70 = tpu.vector_load %arg4[%get3A_68, %get3A_69] {strides = array<i32>} : memref<80x128xi32, #tpu.memory_space<vmem>>, vector<16xi32>,
      tpu.vector_store_idx %arg5[%get3A_70], %broadcast_in_dim3A_24 {add = true} : memref<10240xf32, #tpu.memory_space<vmem>>[vector<16xi32>], vector<16xf32>,
    }
    %scan3A_30 = arith.constant 80 : i32
    "tpu.region"() ({
      %run_scoped3A = tpu.sem_alloc : memref<!tpu.dma_semaphore, #tpu.memory_space<semaphore_mem>>
      %dma_start3A_47 = arith.constant 0 : i32
      %dma_start3A_48 = tpu.memref_slice %arg9[%arg1, %dma_start3A_47] : memref<16x10240xf32, #tpu.memory_space<vmem_shared>> -> memref<1x10240xf32, #tpu.memory_space<vmem_shared>>
      %dma_start3A_49 = tpu.memref_squeeze %dma_start3A_48 : memref<1x10240xf32, #tpu.memory_space<vmem_shared>> -> memref<10240xf32, #tpu.memory_space<vmem_shared>>
      %dma_start3A_50 = arith.constant 0 : i32
      %dma_start3A_51 = tpu.memref_slice %arg9[%arg1, %dma_start3A_50] : memref<16x10240xf32, #tpu.memory_space<vmem_shared>> -> memref<1x10240xf32, #tpu.memory_space<vmem_shared>>
      %dma_start3A_52 = tpu.memref_squeeze %dma_start3A_51 : memref<1x10240xf32, #tpu.memory_space<vmem_shared>> -> memref<10240xf32, #tpu.memory_space<vmem_shared>>
      tpu.enqueue_dma source(%arg5 : memref<10240xf32, #tpu.memory_space<vmem>>) target(%dma_start3A_52 : memref<10240xf32, #tpu.memory_space<vmem_shared>>) target_semaphore(%run_scoped3A : memref<!tpu.dma_semaphore, #tpu.memory_space<semaphore_mem>>)
      %dma_wait3A_53 = arith.constant 0 : i32
      %dma_wait3A_54 = tpu.memref_slice %arg9[%arg1, %dma_wait3A_53] : memref<16x10240xf32, #tpu.memory_space<vmem_shared>> -> memref<1x10240xf32, #tpu.memory_space<vmem_shared>>
      %dma_wait3A_55 = tpu.memref_squeeze %dma_wait3A_54 : memref<1x10240xf32, #tpu.memory_space<vmem_shared>> -> memref<10240xf32, #tpu.memory_space<vmem_shared>>
      %dma_wait3A_56 = arith.constant 0 : i32
      %dma_wait3A_57 = tpu.memref_slice %arg9[%arg1, %dma_wait3A_56] : memref<16x10240xf32, #tpu.memory_space<vmem_shared>> -> memref<1x10240xf32, #tpu.memory_space<vmem_shared>>
      %dma_wait3A_58 = tpu.memref_squeeze %dma_wait3A_57 : memref<1x10240xf32, #tpu.memory_space<vmem_shared>> -> memref<10240xf32, #tpu.memory_space<vmem_shared>>
      tpu.wait_dma2 semaphore(%run_scoped3A : memref<!tpu.dma_semaphore, #tpu.memory_space<semaphore_mem>>) src(%arg5 : memref<10240xf32, #tpu.memory_space<vmem>>) dst(%dma_wait3A_58 : memref<10240xf32, #tpu.memory_space<vmem_shared>>)
      tpu.yield
    }) : () -> ()
    %barrier3A = arith.constant 0 : index
    tpu.barrier barrier_id(%barrier3A)
    %mul3A_31 = arith.constant 640 : i32
    %mul3A_32 = arith.muli %arg1, %mul3A_31 : i32
    "tpu.region"() ({
      %run_scoped3A = tpu.sem_alloc : memref<!tpu.dma_semaphore, #tpu.memory_space<semaphore_mem>>
      %dma_start3A_47 = arith.constant 0 : i32
      %dma_start3A_48 = tpu.memref_slice %arg9[%dma_start3A_47, %mul3A_32] : memref<16x10240xf32, #tpu.memory_space<vmem_shared>> -> memref<16x640xf32, #tpu.memory_space<vmem_shared>>
      %dma_start3A_49 = arith.constant 0 : i32
      %dma_start3A_50 = tpu.memref_slice %arg9[%dma_start3A_49, %mul3A_32] : memref<16x10240xf32, #tpu.memory_space<vmem_shared>> -> memref<16x640xf32, #tpu.memory_space<vmem_shared>>
      tpu.enqueue_dma source(%dma_start3A_50 : memref<16x640xf32, #tpu.memory_space<vmem_shared>>) target(%arg6 : memref<16x640xf32, #tpu.memory_space<vmem>>) target_semaphore(%run_scoped3A : memref<!tpu.dma_semaphore, #tpu.memory_space<semaphore_mem>>)
      %dma_wait3A_51 = arith.constant 0 : i32
      %dma_wait3A_52 = tpu.memref_slice %arg9[%dma_wait3A_51, %mul3A_32] : memref<16x10240xf32, #tpu.memory_space<vmem_shared>> -> memref<16x640xf32, #tpu.memory_space<vmem_shared>>
      %dma_wait3A_53 = arith.constant 0 : i32
      %dma_wait3A_54 = tpu.memref_slice %arg9[%dma_wait3A_53, %mul3A_32] : memref<16x10240xf32, #tpu.memory_space<vmem_shared>> -> memref<16x640xf32, #tpu.memory_space<vmem_shared>>
      tpu.wait_dma2 semaphore(%run_scoped3A : memref<!tpu.dma_semaphore, #tpu.memory_space<semaphore_mem>>) src(%dma_wait3A_54 : memref<16x640xf32, #tpu.memory_space<vmem_shared>>) dst(%arg6 : memref<16x640xf32, #tpu.memory_space<vmem>>)
      tpu.yield
    }) : () -> ()
    %scan3A_33 = arith.constant 0 : i32
    %scan3A_34 = arith.constant 0 : i32
    %scan3A_35 = arith.constant 40 : i32
    %scan3A_36 = arith.addi %scan3A_34, %scan3A_35 : i32
    %scan3A_37 = arith.constant 1 : i32
    scf.for %scan3A_47 = %scan3A_34 to %scan3A_36 step %scan3A_37  : i32 {
      %mul3A_48 = arith.constant 16 : i32
      %mul3A_49 = arith.muli %scan3A_47, %mul3A_48 : i32
      %get3A = arith.constant 0 : i32
      %get3A_50 = arith.index_cast %get3A : i32 to index
      %get3A_51 = arith.index_cast %mul3A_49 : i32 to index
      %get3A_52 = tpu.vector_load %arg6[%get3A_50, %get3A_51] {strides = array<i32>} : memref<16x640xf32, #tpu.memory_space<vmem>>, vector<16xf32>,
      %get3A_53 = arith.constant 1 : i32
      %get3A_54 = arith.index_cast %get3A_53 : i32 to index
      %get3A_55 = arith.index_cast %mul3A_49 : i32 to index
      %get3A_56 = tpu.vector_load %arg6[%get3A_54, %get3A_55] {strides = array<i32>} : memref<16x640xf32, #tpu.memory_space<vmem>>, vector<16xf32>,
      %add3A_57 = arith.addf %get3A_52, %get3A_56 : vector<16xf32>
      %get3A_58 = arith.constant 2 : i32
      %get3A_59 = arith.index_cast %get3A_58 : i32 to index
      %get3A_60 = arith.index_cast %mul3A_49 : i32 to index
      %get3A_61 = tpu.vector_load %arg6[%get3A_59, %get3A_60] {strides = array<i32>} : memref<16x640xf32, #tpu.memory_space<vmem>>, vector<16xf32>,
      %add3A_62 = arith.addf %add3A_57, %get3A_61 : vector<16xf32>
      %get3A_63 = arith.constant 3 : i32
      %get3A_64 = arith.index_cast %get3A_63 : i32 to index
      %get3A_65 = arith.index_cast %mul3A_49 : i32 to index
      %get3A_66 = tpu.vector_load %arg6[%get3A_64, %get3A_65] {strides = array<i32>} : memref<16x640xf32, #tpu.memory_space<vmem>>, vector<16xf32>,
      %add3A_67 = arith.addf %add3A_62, %get3A_66 : vector<16xf32>
      %get3A_68 = arith.constant 4 : i32
      %get3A_69 = arith.index_cast %get3A_68 : i32 to index
      %get3A_70 = arith.index_cast %mul3A_49 : i32 to index
      %get3A_71 = tpu.vector_load %arg6[%get3A_69, %get3A_70] {strides = array<i32>} : memref<16x640xf32, #tpu.memory_space<vmem>>, vector<16xf32>,
      %add3A_72 = arith.addf %add3A_67, %get3A_71 : vector<16xf32>
      %get3A_73 = arith.constant 5 : i32
      %get3A_74 = arith.index_cast %get3A_73 : i32 to index
      %get3A_75 = arith.index_cast %mul3A_49 : i32 to index
      %get3A_76 = tpu.vector_load %arg6[%get3A_74, %get3A_75] {strides = array<i32>} : memref<16x640xf32, #tpu.memory_space<vmem>>, vector<16xf32>,
      %add3A_77 = arith.addf %add3A_72, %get3A_76 : vector<16xf32>
      %get3A_78 = arith.constant 6 : i32
      %get3A_79 = arith.index_cast %get3A_78 : i32 to index
      %get3A_80 = arith.index_cast %mul3A_49 : i32 to index
      %get3A_81 = tpu.vector_load %arg6[%get3A_79, %get3A_80] {strides = array<i32>} : memref<16x640xf32, #tpu.memory_space<vmem>>, vector<16xf32>,
      %add3A_82 = arith.addf %add3A_77, %get3A_81 : vector<16xf32>
      %get3A_83 = arith.constant 7 : i32
      %get3A_84 = arith.index_cast %get3A_83 : i32 to index
      %get3A_85 = arith.index_cast %mul3A_49 : i32 to index
      %get3A_86 = tpu.vector_load %arg6[%get3A_84, %get3A_85] {strides = array<i32>} : memref<16x640xf32, #tpu.memory_space<vmem>>, vector<16xf32>,
      %add3A_87 = arith.addf %add3A_82, %get3A_86 : vector<16xf32>
      %get3A_88 = arith.constant 8 : i32
      %get3A_89 = arith.index_cast %get3A_88 : i32 to index
      %get3A_90 = arith.index_cast %mul3A_49 : i32 to index
      %get3A_91 = tpu.vector_load %arg6[%get3A_89, %get3A_90] {strides = array<i32>} : memref<16x640xf32, #tpu.memory_space<vmem>>, vector<16xf32>,
      %add3A_92 = arith.addf %add3A_87, %get3A_91 : vector<16xf32>
      %get3A_93 = arith.constant 9 : i32
      %get3A_94 = arith.index_cast %get3A_93 : i32 to index
      %get3A_95 = arith.index_cast %mul3A_49 : i32 to index
      %get3A_96 = tpu.vector_load %arg6[%get3A_94, %get3A_95] {strides = array<i32>} : memref<16x640xf32, #tpu.memory_space<vmem>>, vector<16xf32>,
      %add3A_97 = arith.addf %add3A_92, %get3A_96 : vector<16xf32>
      %get3A_98 = arith.constant 10 : i32
      %get3A_99 = arith.index_cast %get3A_98 : i32 to index
      %get3A_100 = arith.index_cast %mul3A_49 : i32 to index
      %get3A_101 = tpu.vector_load %arg6[%get3A_99, %get3A_100] {strides = array<i32>} : memref<16x640xf32, #tpu.memory_space<vmem>>, vector<16xf32>,
      %add3A_102 = arith.addf %add3A_97, %get3A_101 : vector<16xf32>
      %get3A_103 = arith.constant 11 : i32
      %get3A_104 = arith.index_cast %get3A_103 : i32 to index
      %get3A_105 = arith.index_cast %mul3A_49 : i32 to index
      %get3A_106 = tpu.vector_load %arg6[%get3A_104, %get3A_105] {strides = array<i32>} : memref<16x640xf32, #tpu.memory_space<vmem>>, vector<16xf32>,
      %add3A_107 = arith.addf %add3A_102, %get3A_106 : vector<16xf32>
      %get3A_108 = arith.constant 12 : i32
      %get3A_109 = arith.index_cast %get3A_108 : i32 to index
      %get3A_110 = arith.index_cast %mul3A_49 : i32 to index
      %get3A_111 = tpu.vector_load %arg6[%get3A_109, %get3A_110] {strides = array<i32>} : memref<16x640xf32, #tpu.memory_space<vmem>>, vector<16xf32>,
      %add3A_112 = arith.addf %add3A_107, %get3A_111 : vector<16xf32>
      %get3A_113 = arith.constant 13 : i32
      %get3A_114 = arith.index_cast %get3A_113 : i32 to index
      %get3A_115 = arith.index_cast %mul3A_49 : i32 to index
      %get3A_116 = tpu.vector_load %arg6[%get3A_114, %get3A_115] {strides = array<i32>} : memref<16x640xf32, #tpu.memory_space<vmem>>, vector<16xf32>,
      %add3A_117 = arith.addf %add3A_112, %get3A_116 : vector<16xf32>
      %get3A_118 = arith.constant 14 : i32
      %get3A_119 = arith.index_cast %get3A_118 : i32 to index
      %get3A_120 = arith.index_cast %mul3A_49 : i32 to index
      %get3A_121 = tpu.vector_load %arg6[%get3A_119, %get3A_120] {strides = array<i32>} : memref<16x640xf32, #tpu.memory_space<vmem>>, vector<16xf32>,
      %add3A_122 = arith.addf %add3A_117, %get3A_121 : vector<16xf32>
      %get3A_123 = arith.constant 15 : i32
      %get3A_124 = arith.index_cast %get3A_123 : i32 to index
      %get3A_125 = arith.index_cast %mul3A_49 : i32 to index
      %get3A_126 = tpu.vector_load %arg6[%get3A_124, %get3A_125] {strides = array<i32>} : memref<16x640xf32, #tpu.memory_space<vmem>>, vector<16xf32>,
      %add3A_127 = arith.addf %add3A_122, %get3A_126 : vector<16xf32>
      %swap3A = arith.index_cast %mul3A_49 : i32 to index
      %swap3A_128 = tpu.vector_load %arg7[%swap3A] {strides = array<i32>} : memref<640xf32, #tpu.memory_space<vmem>>, vector<16xf32>,
      tpu.vector_store %arg7[%swap3A], %add3A_127 {strides = array<i32>} : memref<640xf32, #tpu.memory_space<vmem>>, vector<16xf32>,
    }
    %scan3A_38 = arith.constant 40 : i32
    %scan3A_39 = arith.constant 0 : i32
    %scan3A_40 = arith.constant 0 : i32
    %scan3A_41 = arith.constant 40 : i32
    %scan3A_42 = arith.addi %scan3A_40, %scan3A_41 : i32
    %scan3A_43 = arith.constant 1 : i32
    scf.for %scan3A_47 = %scan3A_40 to %scan3A_42 step %scan3A_43  : i32 {
      %mul3A_48 = arith.constant 16 : i32
      %mul3A_49 = arith.muli %scan3A_47, %mul3A_48 : i32
      %get3A = arith.index_cast %mul3A_49 : i32 to index
      %get3A_50 = tpu.vector_load %arg7[%get3A] {strides = array<i32>} : memref<640xf32, #tpu.memory_space<vmem>>, vector<16xf32>,
      %slice3A = vector.extract_strided_slice %get3A_50 {offsets = [0], sizes = [1], strides = [1]} : vector<16xf32> to vector<1xf32>
      %squeeze3A = vector.extract %slice3A[0] : f32 from vector<1xf32>
      %broadcast_in_dim3A_51 = vector.broadcast %squeeze3A : f32 to vector<16xf32>
      %mul3A_52 = arith.constant 2 : i32
      %mul3A_53 = arith.muli %scan3A_47, %mul3A_52 : i32
      %add3A_54 = arith.constant 0 : i32
      %add3A_55 = arith.addi %mul3A_53, %add3A_54 : i32
      %swap3A = arith.index_cast %add3A_55 : i32 to index
      %swap3A_56 = arith.constant 0 : index
      %swap3A_57 = tpu.vector_load %arg8[%swap3A, %swap3A_56] {strides = array<i32>} : memref<80x128xf32, #tpu.memory_space<vmem>>, vector<16xf32>,
      tpu.vector_store %arg8[%swap3A, %swap3A_56], %broadcast_in_dim3A_51 {strides = array<i32>} : memref<80x128xf32, #tpu.memory_space<vmem>>, vector<16xf32>,
      %slice3A_58 = vector.extract_strided_slice %get3A_50 {offsets = [1], sizes = [1], strides = [1]} : vector<16xf32> to vector<1xf32>
      %squeeze3A_59 = vector.extract %slice3A_58[0] : f32 from vector<1xf32>
      %broadcast_in_dim3A_60 = vector.broadcast %squeeze3A_59 : f32 to vector<16xf32>
      %mul3A_61 = arith.constant 2 : i32
      %mul3A_62 = arith.muli %scan3A_47, %mul3A_61 : i32
      %add3A_63 = arith.constant 0 : i32
      %add3A_64 = arith.addi %mul3A_62, %add3A_63 : i32
      %swap3A_65 = arith.index_cast %add3A_64 : i32 to index
      %swap3A_66 = arith.constant 16 : index
      %swap3A_67 = tpu.vector_load %arg8[%swap3A_65, %swap3A_66] {strides = array<i32>} : memref<80x128xf32, #tpu.memory_space<vmem>>, vector<16xf32>,
      tpu.vector_store %arg8[%swap3A_65, %swap3A_66], %broadcast_in_dim3A_60 {strides = array<i32>} : memref<80x128xf32, #tpu.memory_space<vmem>>, vector<16xf32>,
      %slice3A_68 = vector.extract_strided_slice %get3A_50 {offsets = [2], sizes = [1], strides = [1]} : vector<16xf32> to vector<1xf32>
      %squeeze3A_69 = vector.extract %slice3A_68[0] : f32 from vector<1xf32>
      %broadcast_in_dim3A_70 = vector.broadcast %squeeze3A_69 : f32 to vector<16xf32>
      %mul3A_71 = arith.constant 2 : i32
      %mul3A_72 = arith.muli %scan3A_47, %mul3A_71 : i32
      %add3A_73 = arith.constant 0 : i32
      %add3A_74 = arith.addi %mul3A_72, %add3A_73 : i32
      %swap3A_75 = arith.index_cast %add3A_74 : i32 to index
      %swap3A_76 = arith.constant 32 : index
      %swap3A_77 = tpu.vector_load %arg8[%swap3A_75, %swap3A_76] {strides = array<i32>} : memref<80x128xf32, #tpu.memory_space<vmem>>, vector<16xf32>,
      tpu.vector_store %arg8[%swap3A_75, %swap3A_76], %broadcast_in_dim3A_70 {strides = array<i32>} : memref<80x128xf32, #tpu.memory_space<vmem>>, vector<16xf32>,
      %slice3A_78 = vector.extract_strided_slice %get3A_50 {offsets = [3], sizes = [1], strides = [1]} : vector<16xf32> to vector<1xf32>
      %squeeze3A_79 = vector.extract %slice3A_78[0] : f32 from vector<1xf32>
      %broadcast_in_dim3A_80 = vector.broadcast %squeeze3A_79 : f32 to vector<16xf32>
      %mul3A_81 = arith.constant 2 : i32
      %mul3A_82 = arith.muli %scan3A_47, %mul3A_81 : i32
      %add3A_83 = arith.constant 0 : i32
      %add3A_84 = arith.addi %mul3A_82, %add3A_83 : i32
      %swap3A_85 = arith.index_cast %add3A_84 : i32 to index
      %swap3A_86 = arith.constant 48 : index
      %swap3A_87 = tpu.vector_load %arg8[%swap3A_85, %swap3A_86] {strides = array<i32>} : memref<80x128xf32, #tpu.memory_space<vmem>>, vector<16xf32>,
      tpu.vector_store %arg8[%swap3A_85, %swap3A_86], %broadcast_in_dim3A_80 {strides = array<i32>} : memref<80x128xf32, #tpu.memory_space<vmem>>, vector<16xf32>,
      %slice3A_88 = vector.extract_strided_slice %get3A_50 {offsets = [4], sizes = [1], strides = [1]} : vector<16xf32> to vector<1xf32>
      %squeeze3A_89 = vector.extract %slice3A_88[0] : f32 from vector<1xf32>
      %broadcast_in_dim3A_90 = vector.broadcast %squeeze3A_89 : f32 to vector<16xf32>
      %mul3A_91 = arith.constant 2 : i32
      %mul3A_92 = arith.muli %scan3A_47, %mul3A_91 : i32
      %add3A_93 = arith.constant 0 : i32
      %add3A_94 = arith.addi %mul3A_92, %add3A_93 : i32
      %swap3A_95 = arith.index_cast %add3A_94 : i32 to index
      %swap3A_96 = arith.constant 64 : index
      %swap3A_97 = tpu.vector_load %arg8[%swap3A_95, %swap3A_96] {strides = array<i32>} : memref<80x128xf32, #tpu.memory_space<vmem>>, vector<16xf32>,
      tpu.vector_store %arg8[%swap3A_95, %swap3A_96], %broadcast_in_dim3A_90 {strides = array<i32>} : memref<80x128xf32, #tpu.memory_space<vmem>>, vector<16xf32>,
      %slice3A_98 = vector.extract_strided_slice %get3A_50 {offsets = [5], sizes = [1], strides = [1]} : vector<16xf32> to vector<1xf32>
      %squeeze3A_99 = vector.extract %slice3A_98[0] : f32 from vector<1xf32>
      %broadcast_in_dim3A_100 = vector.broadcast %squeeze3A_99 : f32 to vector<16xf32>
      %mul3A_101 = arith.constant 2 : i32
      %mul3A_102 = arith.muli %scan3A_47, %mul3A_101 : i32
      %add3A_103 = arith.constant 0 : i32
      %add3A_104 = arith.addi %mul3A_102, %add3A_103 : i32
      %swap3A_105 = arith.index_cast %add3A_104 : i32 to index
      %swap3A_106 = arith.constant 80 : index
      %swap3A_107 = tpu.vector_load %arg8[%swap3A_105, %swap3A_106] {strides = array<i32>} : memref<80x128xf32, #tpu.memory_space<vmem>>, vector<16xf32>,
      tpu.vector_store %arg8[%swap3A_105, %swap3A_106], %broadcast_in_dim3A_100 {strides = array<i32>} : memref<80x128xf32, #tpu.memory_space<vmem>>, vector<16xf32>,
      %slice3A_108 = vector.extract_strided_slice %get3A_50 {offsets = [6], sizes = [1], strides = [1]} : vector<16xf32> to vector<1xf32>
      %squeeze3A_109 = vector.extract %slice3A_108[0] : f32 from vector<1xf32>
      %broadcast_in_dim3A_110 = vector.broadcast %squeeze3A_109 : f32 to vector<16xf32>
      %mul3A_111 = arith.constant 2 : i32
      %mul3A_112 = arith.muli %scan3A_47, %mul3A_111 : i32
      %add3A_113 = arith.constant 0 : i32
      %add3A_114 = arith.addi %mul3A_112, %add3A_113 : i32
      %swap3A_115 = arith.index_cast %add3A_114 : i32 to index
      %swap3A_116 = arith.constant 96 : index
      %swap3A_117 = tpu.vector_load %arg8[%swap3A_115, %swap3A_116] {strides = array<i32>} : memref<80x128xf32, #tpu.memory_space<vmem>>, vector<16xf32>,
      tpu.vector_store %arg8[%swap3A_115, %swap3A_116], %broadcast_in_dim3A_110 {strides = array<i32>} : memref<80x128xf32, #tpu.memory_space<vmem>>, vector<16xf32>,
      %slice3A_118 = vector.extract_strided_slice %get3A_50 {offsets = [7], sizes = [1], strides = [1]} : vector<16xf32> to vector<1xf32>
      %squeeze3A_119 = vector.extract %slice3A_118[0] : f32 from vector<1xf32>
      %broadcast_in_dim3A_120 = vector.broadcast %squeeze3A_119 : f32 to vector<16xf32>
      %mul3A_121 = arith.constant 2 : i32
      %mul3A_122 = arith.muli %scan3A_47, %mul3A_121 : i32
      %add3A_123 = arith.constant 0 : i32
      %add3A_124 = arith.addi %mul3A_122, %add3A_123 : i32
      %swap3A_125 = arith.index_cast %add3A_124 : i32 to index
      %swap3A_126 = arith.constant 112 : index
      %swap3A_127 = tpu.vector_load %arg8[%swap3A_125, %swap3A_126] {strides = array<i32>} : memref<80x128xf32, #tpu.memory_space<vmem>>, vector<16xf32>,
      tpu.vector_store %arg8[%swap3A_125, %swap3A_126], %broadcast_in_dim3A_120 {strides = array<i32>} : memref<80x128xf32, #tpu.memory_space<vmem>>, vector<16xf32>,
      %slice3A_128 = vector.extract_strided_slice %get3A_50 {offsets = [8], sizes = [1], strides = [1]} : vector<16xf32> to vector<1xf32>
      %squeeze3A_129 = vector.extract %slice3A_128[0] : f32 from vector<1xf32>
      %broadcast_in_dim3A_130 = vector.broadcast %squeeze3A_129 : f32 to vector<16xf32>
      %mul3A_131 = arith.constant 2 : i32
      %mul3A_132 = arith.muli %scan3A_47, %mul3A_131 : i32
      %add3A_133 = arith.constant 1 : i32
      %add3A_134 = arith.addi %mul3A_132, %add3A_133 : i32
      %swap3A_135 = arith.index_cast %add3A_134 : i32 to index
      %swap3A_136 = arith.constant 0 : index
      %swap3A_137 = tpu.vector_load %arg8[%swap3A_135, %swap3A_136] {strides = array<i32>} : memref<80x128xf32, #tpu.memory_space<vmem>>, vector<16xf32>,
      tpu.vector_store %arg8[%swap3A_135, %swap3A_136], %broadcast_in_dim3A_130 {strides = array<i32>} : memref<80x128xf32, #tpu.memory_space<vmem>>, vector<16xf32>,
      %slice3A_138 = vector.extract_strided_slice %get3A_50 {offsets = [9], sizes = [1], strides = [1]} : vector<16xf32> to vector<1xf32>
      %squeeze3A_139 = vector.extract %slice3A_138[0] : f32 from vector<1xf32>
      %broadcast_in_dim3A_140 = vector.broadcast %squeeze3A_139 : f32 to vector<16xf32>
      %mul3A_141 = arith.constant 2 : i32
      %mul3A_142 = arith.muli %scan3A_47, %mul3A_141 : i32
      %add3A_143 = arith.constant 1 : i32
      %add3A_144 = arith.addi %mul3A_142, %add3A_143 : i32
      %swap3A_145 = arith.index_cast %add3A_144 : i32 to index
      %swap3A_146 = arith.constant 16 : index
      %swap3A_147 = tpu.vector_load %arg8[%swap3A_145, %swap3A_146] {strides = array<i32>} : memref<80x128xf32, #tpu.memory_space<vmem>>, vector<16xf32>,
      tpu.vector_store %arg8[%swap3A_145, %swap3A_146], %broadcast_in_dim3A_140 {strides = array<i32>} : memref<80x128xf32, #tpu.memory_space<vmem>>, vector<16xf32>,
      %slice3A_148 = vector.extract_strided_slice %get3A_50 {offsets = [10], sizes = [1], strides = [1]} : vector<16xf32> to vector<1xf32>
      %squeeze3A_149 = vector.extract %slice3A_148[0] : f32 from vector<1xf32>
      %broadcast_in_dim3A_150 = vector.broadcast %squeeze3A_149 : f32 to vector<16xf32>
      %mul3A_151 = arith.constant 2 : i32
      %mul3A_152 = arith.muli %scan3A_47, %mul3A_151 : i32
      %add3A_153 = arith.constant 1 : i32
      %add3A_154 = arith.addi %mul3A_152, %add3A_153 : i32
      %swap3A_155 = arith.index_cast %add3A_154 : i32 to index
      %swap3A_156 = arith.constant 32 : index
      %swap3A_157 = tpu.vector_load %arg8[%swap3A_155, %swap3A_156] {strides = array<i32>} : memref<80x128xf32, #tpu.memory_space<vmem>>, vector<16xf32>,
      tpu.vector_store %arg8[%swap3A_155, %swap3A_156], %broadcast_in_dim3A_150 {strides = array<i32>} : memref<80x128xf32, #tpu.memory_space<vmem>>, vector<16xf32>,
      %slice3A_158 = vector.extract_strided_slice %get3A_50 {offsets = [11], sizes = [1], strides = [1]} : vector<16xf32> to vector<1xf32>
      %squeeze3A_159 = vector.extract %slice3A_158[0] : f32 from vector<1xf32>
      %broadcast_in_dim3A_160 = vector.broadcast %squeeze3A_159 : f32 to vector<16xf32>
      %mul3A_161 = arith.constant 2 : i32
      %mul3A_162 = arith.muli %scan3A_47, %mul3A_161 : i32
      %add3A_163 = arith.constant 1 : i32
      %add3A_164 = arith.addi %mul3A_162, %add3A_163 : i32
      %swap3A_165 = arith.index_cast %add3A_164 : i32 to index
      %swap3A_166 = arith.constant 48 : index
      %swap3A_167 = tpu.vector_load %arg8[%swap3A_165, %swap3A_166] {strides = array<i32>} : memref<80x128xf32, #tpu.memory_space<vmem>>, vector<16xf32>,
      tpu.vector_store %arg8[%swap3A_165, %swap3A_166], %broadcast_in_dim3A_160 {strides = array<i32>} : memref<80x128xf32, #tpu.memory_space<vmem>>, vector<16xf32>,
      %slice3A_168 = vector.extract_strided_slice %get3A_50 {offsets = [12], sizes = [1], strides = [1]} : vector<16xf32> to vector<1xf32>
      %squeeze3A_169 = vector.extract %slice3A_168[0] : f32 from vector<1xf32>
      %broadcast_in_dim3A_170 = vector.broadcast %squeeze3A_169 : f32 to vector<16xf32>
      %mul3A_171 = arith.constant 2 : i32
      %mul3A_172 = arith.muli %scan3A_47, %mul3A_171 : i32
      %add3A_173 = arith.constant 1 : i32
      %add3A_174 = arith.addi %mul3A_172, %add3A_173 : i32
      %swap3A_175 = arith.index_cast %add3A_174 : i32 to index
      %swap3A_176 = arith.constant 64 : index
      %swap3A_177 = tpu.vector_load %arg8[%swap3A_175, %swap3A_176] {strides = array<i32>} : memref<80x128xf32, #tpu.memory_space<vmem>>, vector<16xf32>,
      tpu.vector_store %arg8[%swap3A_175, %swap3A_176], %broadcast_in_dim3A_170 {strides = array<i32>} : memref<80x128xf32, #tpu.memory_space<vmem>>, vector<16xf32>,
      %slice3A_178 = vector.extract_strided_slice %get3A_50 {offsets = [13], sizes = [1], strides = [1]} : vector<16xf32> to vector<1xf32>
      %squeeze3A_179 = vector.extract %slice3A_178[0] : f32 from vector<1xf32>
      %broadcast_in_dim3A_180 = vector.broadcast %squeeze3A_179 : f32 to vector<16xf32>
      %mul3A_181 = arith.constant 2 : i32
      %mul3A_182 = arith.muli %scan3A_47, %mul3A_181 : i32
      %add3A_183 = arith.constant 1 : i32
      %add3A_184 = arith.addi %mul3A_182, %add3A_183 : i32
      %swap3A_185 = arith.index_cast %add3A_184 : i32 to index
      %swap3A_186 = arith.constant 80 : index
      %swap3A_187 = tpu.vector_load %arg8[%swap3A_185, %swap3A_186] {strides = array<i32>} : memref<80x128xf32, #tpu.memory_space<vmem>>, vector<16xf32>,
      tpu.vector_store %arg8[%swap3A_185, %swap3A_186], %broadcast_in_dim3A_180 {strides = array<i32>} : memref<80x128xf32, #tpu.memory_space<vmem>>, vector<16xf32>,
      %slice3A_188 = vector.extract_strided_slice %get3A_50 {offsets = [14], sizes = [1], strides = [1]} : vector<16xf32> to vector<1xf32>
      %squeeze3A_189 = vector.extract %slice3A_188[0] : f32 from vector<1xf32>
      %broadcast_in_dim3A_190 = vector.broadcast %squeeze3A_189 : f32 to vector<16xf32>
      %mul3A_191 = arith.constant 2 : i32
      %mul3A_192 = arith.muli %scan3A_47, %mul3A_191 : i32
      %add3A_193 = arith.constant 1 : i32
      %add3A_194 = arith.addi %mul3A_192, %add3A_193 : i32
      %swap3A_195 = arith.index_cast %add3A_194 : i32 to index
      %swap3A_196 = arith.constant 96 : index
      %swap3A_197 = tpu.vector_load %arg8[%swap3A_195, %swap3A_196] {strides = array<i32>} : memref<80x128xf32, #tpu.memory_space<vmem>>, vector<16xf32>,
      tpu.vector_store %arg8[%swap3A_195, %swap3A_196], %broadcast_in_dim3A_190 {strides = array<i32>} : memref<80x128xf32, #tpu.memory_space<vmem>>, vector<16xf32>,
      %slice3A_198 = vector.extract_strided_slice %get3A_50 {offsets = [15], sizes = [1], strides = [1]} : vector<16xf32> to vector<1xf32>
      %squeeze3A_199 = vector.extract %slice3A_198[0] : f32 from vector<1xf32>
      %broadcast_in_dim3A_200 = vector.broadcast %squeeze3A_199 : f32 to vector<16xf32>
      %mul3A_201 = arith.constant 2 : i32
      %mul3A_202 = arith.muli %scan3A_47, %mul3A_201 : i32
      %add3A_203 = arith.constant 1 : i32
      %add3A_204 = arith.addi %mul3A_202, %add3A_203 : i32
      %swap3A_205 = arith.index_cast %add3A_204 : i32 to index
      %swap3A_206 = arith.constant 112 : index
      %swap3A_207 = tpu.vector_load %arg8[%swap3A_205, %swap3A_206] {strides = array<i32>} : memref<80x128xf32, #tpu.memory_space<vmem>>, vector<16xf32>,
      tpu.vector_store %arg8[%swap3A_205, %swap3A_206], %broadcast_in_dim3A_200 {strides = array<i32>} : memref<80x128xf32, #tpu.memory_space<vmem>>, vector<16xf32>,
    }
    %scan3A_44 = arith.constant 40 : i32
    %mul3A_45 = arith.constant 80 : i32
    %mul3A_46 = arith.muli %arg1, %mul3A_45 : i32
    "tpu.region"() ({
      %run_scoped3A = tpu.sem_alloc : memref<!tpu.dma_semaphore, #tpu.memory_space<semaphore_mem>>
      %dma_start3A_47 = arith.constant 0 : i32
      %dma_start3A_48 = tpu.memref_slice %arg3[%arg0, %mul3A_46, %dma_start3A_47] : memref<2x1280x128xf32, #tpu.memory_space<hbm>> -> memref<1x80x128xf32, #tpu.memory_space<hbm>>
      %dma_start3A_49 = tpu.memref_squeeze %dma_start3A_48 : memref<1x80x128xf32, #tpu.memory_space<hbm>> -> memref<80x128xf32, #tpu.memory_space<hbm>>
      %dma_start3A_50 = arith.constant 0 : i32
      %dma_start3A_51 = tpu.memref_slice %arg3[%arg0, %mul3A_46, %dma_start3A_50] : memref<2x1280x128xf32, #tpu.memory_space<hbm>> -> memref<1x80x128xf32, #tpu.memory_space<hbm>>
      %dma_start3A_52 = tpu.memref_squeeze %dma_start3A_51 : memref<1x80x128xf32, #tpu.memory_space<hbm>> -> memref<80x128xf32, #tpu.memory_space<hbm>>
      tpu.enqueue_dma source(%arg8 : memref<80x128xf32, #tpu.memory_space<vmem>>) target(%dma_start3A_52 : memref<80x128xf32, #tpu.memory_space<hbm>>) target_semaphore(%run_scoped3A : memref<!tpu.dma_semaphore, #tpu.memory_space<semaphore_mem>>)
      %dma_wait3A_53 = arith.constant 0 : i32
      %dma_wait3A_54 = tpu.memref_slice %arg3[%arg0, %mul3A_46, %dma_wait3A_53] : memref<2x1280x128xf32, #tpu.memory_space<hbm>> -> memref<1x80x128xf32, #tpu.memory_space<hbm>>
      %dma_wait3A_55 = tpu.memref_squeeze %dma_wait3A_54 : memref<1x80x128xf32, #tpu.memory_space<hbm>> -> memref<80x128xf32, #tpu.memory_space<hbm>>
      %dma_wait3A_56 = arith.constant 0 : i32
      %dma_wait3A_57 = tpu.memref_slice %arg3[%arg0, %mul3A_46, %dma_wait3A_56] : memref<2x1280x128xf32, #tpu.memory_space<hbm>> -> memref<1x80x128xf32, #tpu.memory_space<hbm>>
      %dma_wait3A_58 = tpu.memref_squeeze %dma_wait3A_57 : memref<1x80x128xf32, #tpu.memory_space<hbm>> -> memref<80x128xf32, #tpu.memory_space<hbm>>
      tpu.wait_dma2 semaphore(%run_scoped3A : memref<!tpu.dma_semaphore, #tpu.memory_space<semaphore_mem>>) src(%arg8 : memref<80x128xf32, #tpu.memory_space<vmem>>) dst(%dma_wait3A_58 : memref<80x128xf32, #tpu.memory_space<hbm>>)
      tpu.yield
    }) : () -> ()
    return
  }
}

#map = affine_map<(d0, d1) -> (0, 0)>
#map1 = affine_map<(d0, d1) -> (0, 0, 0)>
module attributes {stable_mosaic.version = 14 : i64} {
  func.func @_agg_kernel(%arg0: i32, %arg1: i32, %arg2: memref<10240x16xf32, #tpu.memory_space<hbm>>, %arg3: memref<2x2560x128xi32, #tpu.memory_space<hbm>>, %arg4: memref<2x1280x128xf32, #tpu.memory_space<hbm>>, %arg5: memref<80x128xi32, #tpu.memory_space<vmem>>, %arg6: memref<80x128xi32, #tpu.memory_space<vmem>>, %arg7: memref<2x8x128x16xf32, #tpu.memory_space<vmem>>, %arg8: memref<640x16xf32, #tpu.memory_space<vmem>>, %arg9: memref<80x128xf32, #tpu.memory_space<vmem>>, %arg10: memref<10240x16xf32, #tpu.memory_space<vmem_shared>>, %arg11: memref<10240x16xf32, #tpu.memory_space<vmem_shared>>, %arg12: memref<!tpu.dma_semaphore, #tpu.memory_space<semaphore_mem>>, %arg13: memref<!tpu.dma_semaphore, #tpu.memory_space<semaphore_mem>>) attributes {dimension_semantics = [#tpu.dimension_semantics<core_parallel>, #tpu.dimension_semantics<subcore_parallel>], iteration_bounds = array<i64: 2, 16>, scalar_prefetch = 0 : i64, scratch_operands = 9 : i64, tpu.core_type = #tpu.core_type<sc_vector_subcore>, window_params = [{transform_indices = #map}, {transform_indices = #map1}, {transform_indices = #map1}]} {
    %mul3A = arith.constant 16 : i32
    %mul3A_0 = arith.muli %arg0, %mul3A : i32
    %add3A = arith.addi %mul3A_0, %arg1 : i32
    %mul3A_1 = arith.constant 80 : i32
    %mul3A_2 = arith.muli %add3A, %mul3A_1 : i32
    %dma_start3A = arith.constant 0 : i32
    %dma_start3A_3 = arith.constant 0 : i32
    %dma_start3A_4 = tpu.memref_slice %arg3[%dma_start3A, %mul3A_2, %dma_start3A_3] : memref<2x2560x128xi32, #tpu.memory_space<hbm>> -> memref<1x80x128xi32, #tpu.memory_space<hbm>>
    %dma_start3A_5 = tpu.memref_squeeze %dma_start3A_4 : memref<1x80x128xi32, #tpu.memory_space<hbm>> -> memref<80x128xi32, #tpu.memory_space<hbm>>
    %dma_start3A_6 = arith.constant 0 : i32
    %dma_start3A_7 = tpu.memref_slice %arg3[%dma_start3A, %mul3A_2, %dma_start3A_6] : memref<2x2560x128xi32, #tpu.memory_space<hbm>> -> memref<1x80x128xi32, #tpu.memory_space<hbm>>
    %dma_start3A_8 = tpu.memref_squeeze %dma_start3A_7 : memref<1x80x128xi32, #tpu.memory_space<hbm>> -> memref<80x128xi32, #tpu.memory_space<hbm>>
    tpu.enqueue_dma source(%dma_start3A_8 : memref<80x128xi32, #tpu.memory_space<hbm>>) target(%arg5 : memref<80x128xi32, #tpu.memory_space<vmem>>) target_semaphore(%arg12 : memref<!tpu.dma_semaphore, #tpu.memory_space<semaphore_mem>>)
    %mul3A_9 = arith.constant 80 : i32
    %mul3A_10 = arith.muli %add3A, %mul3A_9 : i32
    %dma_start3A_11 = arith.constant 1 : i32
    %dma_start3A_12 = arith.constant 0 : i32
    %dma_start3A_13 = tpu.memref_slice %arg3[%dma_start3A_11, %mul3A_10, %dma_start3A_12] : memref<2x2560x128xi32, #tpu.memory_space<hbm>> -> memref<1x80x128xi32, #tpu.memory_space<hbm>>
    %dma_start3A_14 = tpu.memref_squeeze %dma_start3A_13 : memref<1x80x128xi32, #tpu.memory_space<hbm>> -> memref<80x128xi32, #tpu.memory_space<hbm>>
    %dma_start3A_15 = arith.constant 0 : i32
    %dma_start3A_16 = tpu.memref_slice %arg3[%dma_start3A_11, %mul3A_10, %dma_start3A_15] : memref<2x2560x128xi32, #tpu.memory_space<hbm>> -> memref<1x80x128xi32, #tpu.memory_space<hbm>>
    %dma_start3A_17 = tpu.memref_squeeze %dma_start3A_16 : memref<1x80x128xi32, #tpu.memory_space<hbm>> -> memref<80x128xi32, #tpu.memory_space<hbm>>
    tpu.enqueue_dma source(%dma_start3A_17 : memref<80x128xi32, #tpu.memory_space<hbm>>) target(%arg6 : memref<80x128xi32, #tpu.memory_space<vmem>>) target_semaphore(%arg12 : memref<!tpu.dma_semaphore, #tpu.memory_space<semaphore_mem>>)
    %mul3A_18 = arith.constant 640 : i32
    %mul3A_19 = arith.muli %arg1, %mul3A_18 : i32
    %mul3A_20 = arith.constant 640 : i32
    %mul3A_21 = arith.muli %arg1, %mul3A_20 : i32
    %dma_start3A_22 = arith.constant 0 : i32
    %dma_start3A_23 = tpu.memref_slice %arg10[%mul3A_21, %dma_start3A_22] : memref<10240x16xf32, #tpu.memory_space<vmem_shared>> -> memref<640x16xf32, #tpu.memory_space<vmem_shared>>
    %dma_start3A_24 = arith.constant 0 : i32
    %dma_start3A_25 = tpu.memref_slice %arg2[%mul3A_19, %dma_start3A_24] : memref<10240x16xf32, #tpu.memory_space<hbm>> -> memref<640x16xf32, #tpu.memory_space<hbm>>
    tpu.enqueue_dma source(%dma_start3A_25 : memref<640x16xf32, #tpu.memory_space<hbm>>) target(%dma_start3A_23 : memref<640x16xf32, #tpu.memory_space<vmem_shared>>) target_semaphore(%arg12 : memref<!tpu.dma_semaphore, #tpu.memory_space<semaphore_mem>>)
    %broadcast_in_dim3A = arith.constant 0.000000e+00 : f32
    %broadcast_in_dim3A_26 = vector.broadcast %broadcast_in_dim3A : f32 to vector<16xf32>
    %scan3A = arith.constant 0 : i32
    %scan3A_27 = arith.constant 0 : i32
    %scan3A_28 = arith.constant 160 : i32
    %scan3A_29 = arith.addi %scan3A_27, %scan3A_28 : i32
    %scan3A_30 = arith.constant 1 : i32
    scf.for %scan3A_180 = %scan3A_27 to %scan3A_29 step %scan3A_30  : i32 {
      %mul3A_181 = arith.constant 4 : i32
      %mul3A_182 = arith.muli %scan3A_180, %mul3A_181 : i32
      %add3A_183 = arith.constant 0 : i32
      %add3A_184 = arith.addi %mul3A_182, %add3A_183 : i32
      %swap3A = arith.index_cast %add3A_184 : i32 to index
      %swap3A_185 = arith.constant 0 : index
      %swap3A_186 = tpu.vector_load %arg8[%swap3A, %swap3A_185] {strides = array<i32>} : memref<640x16xf32, #tpu.memory_space<vmem>>, vector<16xf32>,
      tpu.vector_store %arg8[%swap3A, %swap3A_185], %broadcast_in_dim3A_26 {strides = array<i32>} : memref<640x16xf32, #tpu.memory_space<vmem>>, vector<16xf32>,
      %mul3A_187 = arith.constant 4 : i32
      %mul3A_188 = arith.muli %scan3A_180, %mul3A_187 : i32
      %add3A_189 = arith.constant 1 : i32
      %add3A_190 = arith.addi %mul3A_188, %add3A_189 : i32
      %swap3A_191 = arith.index_cast %add3A_190 : i32 to index
      %swap3A_192 = arith.constant 0 : index
      %swap3A_193 = tpu.vector_load %arg8[%swap3A_191, %swap3A_192] {strides = array<i32>} : memref<640x16xf32, #tpu.memory_space<vmem>>, vector<16xf32>,
      tpu.vector_store %arg8[%swap3A_191, %swap3A_192], %broadcast_in_dim3A_26 {strides = array<i32>} : memref<640x16xf32, #tpu.memory_space<vmem>>, vector<16xf32>,
      %mul3A_194 = arith.constant 4 : i32
      %mul3A_195 = arith.muli %scan3A_180, %mul3A_194 : i32
      %add3A_196 = arith.constant 2 : i32
      %add3A_197 = arith.addi %mul3A_195, %add3A_196 : i32
      %swap3A_198 = arith.index_cast %add3A_197 : i32 to index
      %swap3A_199 = arith.constant 0 : index
      %swap3A_200 = tpu.vector_load %arg8[%swap3A_198, %swap3A_199] {strides = array<i32>} : memref<640x16xf32, #tpu.memory_space<vmem>>, vector<16xf32>,
      tpu.vector_store %arg8[%swap3A_198, %swap3A_199], %broadcast_in_dim3A_26 {strides = array<i32>} : memref<640x16xf32, #tpu.memory_space<vmem>>, vector<16xf32>,
      %mul3A_201 = arith.constant 4 : i32
      %mul3A_202 = arith.muli %scan3A_180, %mul3A_201 : i32
      %add3A_203 = arith.constant 3 : i32
      %add3A_204 = arith.addi %mul3A_202, %add3A_203 : i32
      %swap3A_205 = arith.index_cast %add3A_204 : i32 to index
      %swap3A_206 = arith.constant 0 : index
      %swap3A_207 = tpu.vector_load %arg8[%swap3A_205, %swap3A_206] {strides = array<i32>} : memref<640x16xf32, #tpu.memory_space<vmem>>, vector<16xf32>,
      tpu.vector_store %arg8[%swap3A_205, %swap3A_206], %broadcast_in_dim3A_26 {strides = array<i32>} : memref<640x16xf32, #tpu.memory_space<vmem>>, vector<16xf32>,
    }
    %scan3A_31 = arith.constant 160 : i32
    %mul3A_32 = arith.constant 80 : i32
    %mul3A_33 = arith.muli %add3A, %mul3A_32 : i32
    %dma_wait3A = arith.constant 0 : i32
    %dma_wait3A_34 = arith.constant 0 : i32
    %dma_wait3A_35 = tpu.memref_slice %arg3[%dma_wait3A, %mul3A_33, %dma_wait3A_34] : memref<2x2560x128xi32, #tpu.memory_space<hbm>> -> memref<1x80x128xi32, #tpu.memory_space<hbm>>
    %dma_wait3A_36 = tpu.memref_squeeze %dma_wait3A_35 : memref<1x80x128xi32, #tpu.memory_space<hbm>> -> memref<80x128xi32, #tpu.memory_space<hbm>>
    %dma_wait3A_37 = arith.constant 0 : i32
    %dma_wait3A_38 = tpu.memref_slice %arg3[%dma_wait3A, %mul3A_33, %dma_wait3A_37] : memref<2x2560x128xi32, #tpu.memory_space<hbm>> -> memref<1x80x128xi32, #tpu.memory_space<hbm>>
    %dma_wait3A_39 = tpu.memref_squeeze %dma_wait3A_38 : memref<1x80x128xi32, #tpu.memory_space<hbm>> -> memref<80x128xi32, #tpu.memory_space<hbm>>
    tpu.wait_dma2 semaphore(%arg12 : memref<!tpu.dma_semaphore, #tpu.memory_space<semaphore_mem>>) src(%dma_wait3A_39 : memref<80x128xi32, #tpu.memory_space<hbm>>) dst(%arg5 : memref<80x128xi32, #tpu.memory_space<vmem>>)
    %mul3A_40 = arith.constant 80 : i32
    %mul3A_41 = arith.muli %add3A, %mul3A_40 : i32
    %dma_wait3A_42 = arith.constant 1 : i32
    %dma_wait3A_43 = arith.constant 0 : i32
    %dma_wait3A_44 = tpu.memref_slice %arg3[%dma_wait3A_42, %mul3A_41, %dma_wait3A_43] : memref<2x2560x128xi32, #tpu.memory_space<hbm>> -> memref<1x80x128xi32, #tpu.memory_space<hbm>>
    %dma_wait3A_45 = tpu.memref_squeeze %dma_wait3A_44 : memref<1x80x128xi32, #tpu.memory_space<hbm>> -> memref<80x128xi32, #tpu.memory_space<hbm>>
    %dma_wait3A_46 = arith.constant 0 : i32
    %dma_wait3A_47 = tpu.memref_slice %arg3[%dma_wait3A_42, %mul3A_41, %dma_wait3A_46] : memref<2x2560x128xi32, #tpu.memory_space<hbm>> -> memref<1x80x128xi32, #tpu.memory_space<hbm>>
    %dma_wait3A_48 = tpu.memref_squeeze %dma_wait3A_47 : memref<1x80x128xi32, #tpu.memory_space<hbm>> -> memref<80x128xi32, #tpu.memory_space<hbm>>
    tpu.wait_dma2 semaphore(%arg12 : memref<!tpu.dma_semaphore, #tpu.memory_space<semaphore_mem>>) src(%dma_wait3A_48 : memref<80x128xi32, #tpu.memory_space<hbm>>) dst(%arg6 : memref<80x128xi32, #tpu.memory_space<vmem>>)
    %mul3A_49 = arith.constant 640 : i32
    %mul3A_50 = arith.muli %arg1, %mul3A_49 : i32
    %mul3A_51 = arith.constant 640 : i32
    %mul3A_52 = arith.muli %arg1, %mul3A_51 : i32
    %dma_wait3A_53 = arith.constant 0 : i32
    %dma_wait3A_54 = tpu.memref_slice %arg10[%mul3A_52, %dma_wait3A_53] : memref<10240x16xf32, #tpu.memory_space<vmem_shared>> -> memref<640x16xf32, #tpu.memory_space<vmem_shared>>
    %dma_wait3A_55 = arith.constant 0 : i32
    %dma_wait3A_56 = tpu.memref_slice %arg2[%mul3A_50, %dma_wait3A_55] : memref<10240x16xf32, #tpu.memory_space<hbm>> -> memref<640x16xf32, #tpu.memory_space<hbm>>
    tpu.wait_dma2 semaphore(%arg12 : memref<!tpu.dma_semaphore, #tpu.memory_space<semaphore_mem>>) src(%dma_wait3A_56 : memref<640x16xf32, #tpu.memory_space<hbm>>) dst(%dma_wait3A_54 : memref<640x16xf32, #tpu.memory_space<vmem_shared>>)
    %mul3A_57 = arith.constant 640 : i32
    %mul3A_58 = arith.muli %arg1, %mul3A_57 : i32
    "tpu.region"() ({
      %run_scoped3A = tpu.sem_alloc : memref<!tpu.dma_semaphore, #tpu.memory_space<semaphore_mem>>
      %dma_start3A_180 = arith.constant 0 : i32
      %dma_start3A_181 = tpu.memref_slice %arg11[%mul3A_58, %dma_start3A_180] : memref<10240x16xf32, #tpu.memory_space<vmem_shared>> -> memref<640x16xf32, #tpu.memory_space<vmem_shared>>
      %dma_start3A_182 = arith.constant 0 : i32
      %dma_start3A_183 = tpu.memref_slice %arg11[%mul3A_58, %dma_start3A_182] : memref<10240x16xf32, #tpu.memory_space<vmem_shared>> -> memref<640x16xf32, #tpu.memory_space<vmem_shared>>
      tpu.enqueue_dma source(%arg8 : memref<640x16xf32, #tpu.memory_space<vmem>>) target(%dma_start3A_183 : memref<640x16xf32, #tpu.memory_space<vmem_shared>>) target_semaphore(%run_scoped3A : memref<!tpu.dma_semaphore, #tpu.memory_space<semaphore_mem>>)
      %dma_wait3A_184 = arith.constant 0 : i32
      %dma_wait3A_185 = tpu.memref_slice %arg11[%mul3A_58, %dma_wait3A_184] : memref<10240x16xf32, #tpu.memory_space<vmem_shared>> -> memref<640x16xf32, #tpu.memory_space<vmem_shared>>
      %dma_wait3A_186 = arith.constant 0 : i32
      %dma_wait3A_187 = tpu.memref_slice %arg11[%mul3A_58, %dma_wait3A_186] : memref<10240x16xf32, #tpu.memory_space<vmem_shared>> -> memref<640x16xf32, #tpu.memory_space<vmem_shared>>
      tpu.wait_dma2 semaphore(%run_scoped3A : memref<!tpu.dma_semaphore, #tpu.memory_space<semaphore_mem>>) src(%arg8 : memref<640x16xf32, #tpu.memory_space<vmem>>) dst(%dma_wait3A_187 : memref<640x16xf32, #tpu.memory_space<vmem_shared>>)
      tpu.yield
    }) : () -> ()
    %barrier3A = arith.constant 0 : index
    tpu.barrier barrier_id(%barrier3A)
    %dma_start3A_59 = arith.constant 0 : i32
    %dma_start3A_60 = arith.constant 0 : i32
    %dma_start3A_61 = arith.constant 0 : i32
    %dma_start3A_62 = arith.constant 0 : i32
    %dma_start3A_63 = arith.constant 0 : i32
    %dma_start3A_64 = tpu.memref_slice %arg7[%dma_start3A_60, %dma_start3A_61, %dma_start3A_62, %dma_start3A_63] : memref<2x8x128x16xf32, #tpu.memory_space<vmem>> -> memref<1x1x128x16xf32, #tpu.memory_space<vmem>>
    %dma_start3A_65 = tpu.memref_squeeze %dma_start3A_64 : memref<1x1x128x16xf32, #tpu.memory_space<vmem>> -> memref<128x16xf32, #tpu.memory_space<vmem>>
    %dma_start3A_66 = arith.constant 0 : i32
    %dma_start3A_67 = tpu.memref_slice %arg5[%dma_start3A_59, %dma_start3A_66] : memref<80x128xi32, #tpu.memory_space<vmem>> -> memref<1x128xi32, #tpu.memory_space<vmem>>
    %dma_start3A_68 = tpu.memref_squeeze %dma_start3A_67 : memref<1x128xi32, #tpu.memory_space<vmem>> -> memref<128xi32, #tpu.memory_space<vmem>>
    %dma_start3A_69 = arith.constant 0 : i32
    %dma_start3A_70 = arith.constant 0 : i32
    %dma_start3A_71 = tpu.memref_slice %arg10[%dma_start3A_69, %dma_start3A_70] : memref<10240x16xf32, #tpu.memory_space<vmem_shared>> -> memref<10240x16xf32, #tpu.memory_space<vmem_shared>>
    tpu.enqueue_indirect_dma source(%dma_start3A_71 : memref<10240x16xf32, #tpu.memory_space<vmem_shared>>) target(%dma_start3A_65 : memref<128x16xf32, #tpu.memory_space<vmem>>) offsets(%dma_start3A_68 : memref<128xi32, #tpu.memory_space<vmem>>) semaphore(%arg12 : memref<!tpu.dma_semaphore, #tpu.memory_space<semaphore_mem>>)
    %dma_start3A_72 = arith.constant 1 : i32
    %dma_start3A_73 = arith.constant 0 : i32
    %dma_start3A_74 = arith.constant 1 : i32
    %dma_start3A_75 = arith.constant 0 : i32
    %dma_start3A_76 = arith.constant 0 : i32
    %dma_start3A_77 = tpu.memref_slice %arg7[%dma_start3A_73, %dma_start3A_74, %dma_start3A_75, %dma_start3A_76] : memref<2x8x128x16xf32, #tpu.memory_space<vmem>> -> memref<1x1x128x16xf32, #tpu.memory_space<vmem>>
    %dma_start3A_78 = tpu.memref_squeeze %dma_start3A_77 : memref<1x1x128x16xf32, #tpu.memory_space<vmem>> -> memref<128x16xf32, #tpu.memory_space<vmem>>
    %dma_start3A_79 = arith.constant 0 : i32
    %dma_start3A_80 = tpu.memref_slice %arg5[%dma_start3A_72, %dma_start3A_79] : memref<80x128xi32, #tpu.memory_space<vmem>> -> memref<1x128xi32, #tpu.memory_space<vmem>>
    %dma_start3A_81 = tpu.memref_squeeze %dma_start3A_80 : memref<1x128xi32, #tpu.memory_space<vmem>> -> memref<128xi32, #tpu.memory_space<vmem>>
    %dma_start3A_82 = arith.constant 0 : i32
    %dma_start3A_83 = arith.constant 0 : i32
    %dma_start3A_84 = tpu.memref_slice %arg10[%dma_start3A_82, %dma_start3A_83] : memref<10240x16xf32, #tpu.memory_space<vmem_shared>> -> memref<10240x16xf32, #tpu.memory_space<vmem_shared>>
    tpu.enqueue_indirect_dma source(%dma_start3A_84 : memref<10240x16xf32, #tpu.memory_space<vmem_shared>>) target(%dma_start3A_78 : memref<128x16xf32, #tpu.memory_space<vmem>>) offsets(%dma_start3A_81 : memref<128xi32, #tpu.memory_space<vmem>>) semaphore(%arg12 : memref<!tpu.dma_semaphore, #tpu.memory_space<semaphore_mem>>)
    %dma_start3A_85 = arith.constant 2 : i32
    %dma_start3A_86 = arith.constant 0 : i32
    %dma_start3A_87 = arith.constant 2 : i32
    %dma_start3A_88 = arith.constant 0 : i32
    %dma_start3A_89 = arith.constant 0 : i32
    %dma_start3A_90 = tpu.memref_slice %arg7[%dma_start3A_86, %dma_start3A_87, %dma_start3A_88, %dma_start3A_89] : memref<2x8x128x16xf32, #tpu.memory_space<vmem>> -> memref<1x1x128x16xf32, #tpu.memory_space<vmem>>
    %dma_start3A_91 = tpu.memref_squeeze %dma_start3A_90 : memref<1x1x128x16xf32, #tpu.memory_space<vmem>> -> memref<128x16xf32, #tpu.memory_space<vmem>>
    %dma_start3A_92 = arith.constant 0 : i32
    %dma_start3A_93 = tpu.memref_slice %arg5[%dma_start3A_85, %dma_start3A_92] : memref<80x128xi32, #tpu.memory_space<vmem>> -> memref<1x128xi32, #tpu.memory_space<vmem>>
    %dma_start3A_94 = tpu.memref_squeeze %dma_start3A_93 : memref<1x128xi32, #tpu.memory_space<vmem>> -> memref<128xi32, #tpu.memory_space<vmem>>
    %dma_start3A_95 = arith.constant 0 : i32
    %dma_start3A_96 = arith.constant 0 : i32
    %dma_start3A_97 = tpu.memref_slice %arg10[%dma_start3A_95, %dma_start3A_96] : memref<10240x16xf32, #tpu.memory_space<vmem_shared>> -> memref<10240x16xf32, #tpu.memory_space<vmem_shared>>
    tpu.enqueue_indirect_dma source(%dma_start3A_97 : memref<10240x16xf32, #tpu.memory_space<vmem_shared>>) target(%dma_start3A_91 : memref<128x16xf32, #tpu.memory_space<vmem>>) offsets(%dma_start3A_94 : memref<128xi32, #tpu.memory_space<vmem>>) semaphore(%arg12 : memref<!tpu.dma_semaphore, #tpu.memory_space<semaphore_mem>>)
    %dma_start3A_98 = arith.constant 3 : i32
    %dma_start3A_99 = arith.constant 0 : i32
    %dma_start3A_100 = arith.constant 3 : i32
    %dma_start3A_101 = arith.constant 0 : i32
    %dma_start3A_102 = arith.constant 0 : i32
    %dma_start3A_103 = tpu.memref_slice %arg7[%dma_start3A_99, %dma_start3A_100, %dma_start3A_101, %dma_start3A_102] : memref<2x8x128x16xf32, #tpu.memory_space<vmem>> -> memref<1x1x128x16xf32, #tpu.memory_space<vmem>>
    %dma_start3A_104 = tpu.memref_squeeze %dma_start3A_103 : memref<1x1x128x16xf32, #tpu.memory_space<vmem>> -> memref<128x16xf32, #tpu.memory_space<vmem>>
    %dma_start3A_105 = arith.constant 0 : i32
    %dma_start3A_106 = tpu.memref_slice %arg5[%dma_start3A_98, %dma_start3A_105] : memref<80x128xi32, #tpu.memory_space<vmem>> -> memref<1x128xi32, #tpu.memory_space<vmem>>
    %dma_start3A_107 = tpu.memref_squeeze %dma_start3A_106 : memref<1x128xi32, #tpu.memory_space<vmem>> -> memref<128xi32, #tpu.memory_space<vmem>>
    %dma_start3A_108 = arith.constant 0 : i32
    %dma_start3A_109 = arith.constant 0 : i32
    %dma_start3A_110 = tpu.memref_slice %arg10[%dma_start3A_108, %dma_start3A_109] : memref<10240x16xf32, #tpu.memory_space<vmem_shared>> -> memref<10240x16xf32, #tpu.memory_space<vmem_shared>>
    tpu.enqueue_indirect_dma source(%dma_start3A_110 : memref<10240x16xf32, #tpu.memory_space<vmem_shared>>) target(%dma_start3A_104 : memref<128x16xf32, #tpu.memory_space<vmem>>) offsets(%dma_start3A_107 : memref<128xi32, #tpu.memory_space<vmem>>) semaphore(%arg12 : memref<!tpu.dma_semaphore, #tpu.memory_space<semaphore_mem>>)
    %dma_start3A_111 = arith.constant 4 : i32
    %dma_start3A_112 = arith.constant 0 : i32
    %dma_start3A_113 = arith.constant 4 : i32
    %dma_start3A_114 = arith.constant 0 : i32
    %dma_start3A_115 = arith.constant 0 : i32
    %dma_start3A_116 = tpu.memref_slice %arg7[%dma_start3A_112, %dma_start3A_113, %dma_start3A_114, %dma_start3A_115] : memref<2x8x128x16xf32, #tpu.memory_space<vmem>> -> memref<1x1x128x16xf32, #tpu.memory_space<vmem>>
    %dma_start3A_117 = tpu.memref_squeeze %dma_start3A_116 : memref<1x1x128x16xf32, #tpu.memory_space<vmem>> -> memref<128x16xf32, #tpu.memory_space<vmem>>
    %dma_start3A_118 = arith.constant 0 : i32
    %dma_start3A_119 = tpu.memref_slice %arg5[%dma_start3A_111, %dma_start3A_118] : memref<80x128xi32, #tpu.memory_space<vmem>> -> memref<1x128xi32, #tpu.memory_space<vmem>>
    %dma_start3A_120 = tpu.memref_squeeze %dma_start3A_119 : memref<1x128xi32, #tpu.memory_space<vmem>> -> memref<128xi32, #tpu.memory_space<vmem>>
    %dma_start3A_121 = arith.constant 0 : i32
    %dma_start3A_122 = arith.constant 0 : i32
    %dma_start3A_123 = tpu.memref_slice %arg10[%dma_start3A_121, %dma_start3A_122] : memref<10240x16xf32, #tpu.memory_space<vmem_shared>> -> memref<10240x16xf32, #tpu.memory_space<vmem_shared>>
    tpu.enqueue_indirect_dma source(%dma_start3A_123 : memref<10240x16xf32, #tpu.memory_space<vmem_shared>>) target(%dma_start3A_117 : memref<128x16xf32, #tpu.memory_space<vmem>>) offsets(%dma_start3A_120 : memref<128xi32, #tpu.memory_space<vmem>>) semaphore(%arg12 : memref<!tpu.dma_semaphore, #tpu.memory_space<semaphore_mem>>)
    %dma_start3A_124 = arith.constant 5 : i32
    %dma_start3A_125 = arith.constant 0 : i32
    %dma_start3A_126 = arith.constant 5 : i32
    %dma_start3A_127 = arith.constant 0 : i32
    %dma_start3A_128 = arith.constant 0 : i32
    %dma_start3A_129 = tpu.memref_slice %arg7[%dma_start3A_125, %dma_start3A_126, %dma_start3A_127, %dma_start3A_128] : memref<2x8x128x16xf32, #tpu.memory_space<vmem>> -> memref<1x1x128x16xf32, #tpu.memory_space<vmem>>
    %dma_start3A_130 = tpu.memref_squeeze %dma_start3A_129 : memref<1x1x128x16xf32, #tpu.memory_space<vmem>> -> memref<128x16xf32, #tpu.memory_space<vmem>>
    %dma_start3A_131 = arith.constant 0 : i32
    %dma_start3A_132 = tpu.memref_slice %arg5[%dma_start3A_124, %dma_start3A_131] : memref<80x128xi32, #tpu.memory_space<vmem>> -> memref<1x128xi32, #tpu.memory_space<vmem>>
    %dma_start3A_133 = tpu.memref_squeeze %dma_start3A_132 : memref<1x128xi32, #tpu.memory_space<vmem>> -> memref<128xi32, #tpu.memory_space<vmem>>
    %dma_start3A_134 = arith.constant 0 : i32
    %dma_start3A_135 = arith.constant 0 : i32
    %dma_start3A_136 = tpu.memref_slice %arg10[%dma_start3A_134, %dma_start3A_135] : memref<10240x16xf32, #tpu.memory_space<vmem_shared>> -> memref<10240x16xf32, #tpu.memory_space<vmem_shared>>
    tpu.enqueue_indirect_dma source(%dma_start3A_136 : memref<10240x16xf32, #tpu.memory_space<vmem_shared>>) target(%dma_start3A_130 : memref<128x16xf32, #tpu.memory_space<vmem>>) offsets(%dma_start3A_133 : memref<128xi32, #tpu.memory_space<vmem>>) semaphore(%arg12 : memref<!tpu.dma_semaphore, #tpu.memory_space<semaphore_mem>>)
    %dma_start3A_137 = arith.constant 6 : i32
    %dma_start3A_138 = arith.constant 0 : i32
    %dma_start3A_139 = arith.constant 6 : i32
    %dma_start3A_140 = arith.constant 0 : i32
    %dma_start3A_141 = arith.constant 0 : i32
    %dma_start3A_142 = tpu.memref_slice %arg7[%dma_start3A_138, %dma_start3A_139, %dma_start3A_140, %dma_start3A_141] : memref<2x8x128x16xf32, #tpu.memory_space<vmem>> -> memref<1x1x128x16xf32, #tpu.memory_space<vmem>>
    %dma_start3A_143 = tpu.memref_squeeze %dma_start3A_142 : memref<1x1x128x16xf32, #tpu.memory_space<vmem>> -> memref<128x16xf32, #tpu.memory_space<vmem>>
    %dma_start3A_144 = arith.constant 0 : i32
    %dma_start3A_145 = tpu.memref_slice %arg5[%dma_start3A_137, %dma_start3A_144] : memref<80x128xi32, #tpu.memory_space<vmem>> -> memref<1x128xi32, #tpu.memory_space<vmem>>
    %dma_start3A_146 = tpu.memref_squeeze %dma_start3A_145 : memref<1x128xi32, #tpu.memory_space<vmem>> -> memref<128xi32, #tpu.memory_space<vmem>>
    %dma_start3A_147 = arith.constant 0 : i32
    %dma_start3A_148 = arith.constant 0 : i32
    %dma_start3A_149 = tpu.memref_slice %arg10[%dma_start3A_147, %dma_start3A_148] : memref<10240x16xf32, #tpu.memory_space<vmem_shared>> -> memref<10240x16xf32, #tpu.memory_space<vmem_shared>>
    tpu.enqueue_indirect_dma source(%dma_start3A_149 : memref<10240x16xf32, #tpu.memory_space<vmem_shared>>) target(%dma_start3A_143 : memref<128x16xf32, #tpu.memory_space<vmem>>) offsets(%dma_start3A_146 : memref<128xi32, #tpu.memory_space<vmem>>) semaphore(%arg12 : memref<!tpu.dma_semaphore, #tpu.memory_space<semaphore_mem>>)
    %dma_start3A_150 = arith.constant 7 : i32
    %dma_start3A_151 = arith.constant 0 : i32
    %dma_start3A_152 = arith.constant 7 : i32
    %dma_start3A_153 = arith.constant 0 : i32
    %dma_start3A_154 = arith.constant 0 : i32
    %dma_start3A_155 = tpu.memref_slice %arg7[%dma_start3A_151, %dma_start3A_152, %dma_start3A_153, %dma_start3A_154] : memref<2x8x128x16xf32, #tpu.memory_space<vmem>> -> memref<1x1x128x16xf32, #tpu.memory_space<vmem>>
    %dma_start3A_156 = tpu.memref_squeeze %dma_start3A_155 : memref<1x1x128x16xf32, #tpu.memory_space<vmem>> -> memref<128x16xf32, #tpu.memory_space<vmem>>
    %dma_start3A_157 = arith.constant 0 : i32
    %dma_start3A_158 = tpu.memref_slice %arg5[%dma_start3A_150, %dma_start3A_157] : memref<80x128xi32, #tpu.memory_space<vmem>> -> memref<1x128xi32, #tpu.memory_space<vmem>>
    %dma_start3A_159 = tpu.memref_squeeze %dma_start3A_158 : memref<1x128xi32, #tpu.memory_space<vmem>> -> memref<128xi32, #tpu.memory_space<vmem>>
    %dma_start3A_160 = arith.constant 0 : i32
    %dma_start3A_161 = arith.constant 0 : i32
    %dma_start3A_162 = tpu.memref_slice %arg10[%dma_start3A_160, %dma_start3A_161] : memref<10240x16xf32, #tpu.memory_space<vmem_shared>> -> memref<10240x16xf32, #tpu.memory_space<vmem_shared>>
    tpu.enqueue_indirect_dma source(%dma_start3A_162 : memref<10240x16xf32, #tpu.memory_space<vmem_shared>>) target(%dma_start3A_156 : memref<128x16xf32, #tpu.memory_space<vmem>>) offsets(%dma_start3A_159 : memref<128xi32, #tpu.memory_space<vmem>>) semaphore(%arg12 : memref<!tpu.dma_semaphore, #tpu.memory_space<semaphore_mem>>)
    %scan3A_163 = arith.constant 0 : i32
    %scan3A_164 = arith.constant 0 : i32
    %scan3A_165 = arith.constant 10 : i32
    %scan3A_166 = arith.addi %scan3A_164, %scan3A_165 : i32
    %scan3A_167 = arith.constant 1 : i32
    scf.for %scan3A_180 = %scan3A_164 to %scan3A_166 step %scan3A_167  : i32 {
      %jit3A = arith.constant 2 : i32
      %eq3A = arith.constant 0 : i32
      %eq3A_181 = arith.cmpi eq, %jit3A, %eq3A : i32
      %jit3A_182 = arith.constant 1 : i32
      %select_n3A = arith.select %eq3A_181, %jit3A_182, %jit3A : i32
      %rem3A = arith.remsi %scan3A_180, %select_n3A : i32
      %ne3A = arith.constant 0 : i32
      %ne3A_183 = arith.cmpi ne, %rem3A, %ne3A : i32
      %lt3A = arith.constant 0 : i32
      %lt3A_184 = arith.cmpi slt, %rem3A, %lt3A : i32
      %lt3A_185 = arith.constant 0 : i32
      %lt3A_186 = arith.cmpi slt, %select_n3A, %lt3A_185 : i32
      %ne3A_187 = arith.xori %lt3A_184, %lt3A_186 : i1
      %and3A = arith.andi %ne3A_187, %ne3A_183 : i1
      %add3A_188 = arith.addi %rem3A, %select_n3A : i32
      %select_n3A_189 = arith.select %and3A, %add3A_188, %rem3A : i32
      %add3A_190 = arith.constant 1 : i32
      %add3A_191 = arith.addi %scan3A_180, %add3A_190 : i32
      %lt3A_192 = arith.constant 10 : i32
      %lt3A_193 = arith.cmpi slt, %add3A_191, %lt3A_192 : i32
      %convert_element_type3A = arith.extui %lt3A_193 : i1 to i32
      %cond3A = arith.constant 0 : i32
      %cond3A_194 = arith.cmpi ne, %convert_element_type3A, %cond3A : i32
      scf.if %cond3A_194 {
        %add3A_499 = arith.constant 1 : i32
        %add3A_500 = arith.addi %scan3A_180, %add3A_499 : i32
        %mul3A_501 = arith.constant 8 : i32
        %mul3A_502 = arith.muli %add3A_500, %mul3A_501 : i32
        %add3A_503 = arith.constant 0 : i32
        %add3A_504 = arith.addi %mul3A_502, %add3A_503 : i32
        %sub3A = arith.constant 1 : i32
        %sub3A_505 = arith.subi %sub3A, %select_n3A_189 : i32
        %dma_start3A_506 = arith.constant 0 : i32
        %dma_start3A_507 = arith.constant 0 : i32
        %dma_start3A_508 = arith.constant 0 : i32
        %dma_start3A_509 = tpu.memref_slice %arg7[%sub3A_505, %dma_start3A_506, %dma_start3A_507, %dma_start3A_508] : memref<2x8x128x16xf32, #tpu.memory_space<vmem>> -> memref<1x1x128x16xf32, #tpu.memory_space<vmem>>
        %dma_start3A_510 = tpu.memref_squeeze %dma_start3A_509 : memref<1x1x128x16xf32, #tpu.memory_space<vmem>> -> memref<128x16xf32, #tpu.memory_space<vmem>>
        %dma_start3A_511 = arith.constant 0 : i32
        %dma_start3A_512 = tpu.memref_slice %arg5[%add3A_504, %dma_start3A_511] : memref<80x128xi32, #tpu.memory_space<vmem>> -> memref<1x128xi32, #tpu.memory_space<vmem>>
        %dma_start3A_513 = tpu.memref_squeeze %dma_start3A_512 : memref<1x128xi32, #tpu.memory_space<vmem>> -> memref<128xi32, #tpu.memory_space<vmem>>
        %dma_start3A_514 = arith.constant 0 : i32
        %dma_start3A_515 = arith.constant 0 : i32
        %dma_start3A_516 = tpu.memref_slice %arg10[%dma_start3A_514, %dma_start3A_515] : memref<10240x16xf32, #tpu.memory_space<vmem_shared>> -> memref<10240x16xf32, #tpu.memory_space<vmem_shared>>
        tpu.enqueue_indirect_dma source(%dma_start3A_516 : memref<10240x16xf32, #tpu.memory_space<vmem_shared>>) target(%dma_start3A_510 : memref<128x16xf32, #tpu.memory_space<vmem>>) offsets(%dma_start3A_513 : memref<128xi32, #tpu.memory_space<vmem>>) semaphore(%arg12 : memref<!tpu.dma_semaphore, #tpu.memory_space<semaphore_mem>>)
        %add3A_517 = arith.constant 1 : i32
        %add3A_518 = arith.addi %scan3A_180, %add3A_517 : i32
        %mul3A_519 = arith.constant 8 : i32
        %mul3A_520 = arith.muli %add3A_518, %mul3A_519 : i32
        %add3A_521 = arith.constant 1 : i32
        %add3A_522 = arith.addi %mul3A_520, %add3A_521 : i32
        %sub3A_523 = arith.constant 1 : i32
        %sub3A_524 = arith.subi %sub3A_523, %select_n3A_189 : i32
        %dma_start3A_525 = arith.constant 1 : i32
        %dma_start3A_526 = arith.constant 0 : i32
        %dma_start3A_527 = arith.constant 0 : i32
        %dma_start3A_528 = tpu.memref_slice %arg7[%sub3A_524, %dma_start3A_525, %dma_start3A_526, %dma_start3A_527] : memref<2x8x128x16xf32, #tpu.memory_space<vmem>> -> memref<1x1x128x16xf32, #tpu.memory_space<vmem>>
        %dma_start3A_529 = tpu.memref_squeeze %dma_start3A_528 : memref<1x1x128x16xf32, #tpu.memory_space<vmem>> -> memref<128x16xf32, #tpu.memory_space<vmem>>
        %dma_start3A_530 = arith.constant 0 : i32
        %dma_start3A_531 = tpu.memref_slice %arg5[%add3A_522, %dma_start3A_530] : memref<80x128xi32, #tpu.memory_space<vmem>> -> memref<1x128xi32, #tpu.memory_space<vmem>>
        %dma_start3A_532 = tpu.memref_squeeze %dma_start3A_531 : memref<1x128xi32, #tpu.memory_space<vmem>> -> memref<128xi32, #tpu.memory_space<vmem>>
        %dma_start3A_533 = arith.constant 0 : i32
        %dma_start3A_534 = arith.constant 0 : i32
        %dma_start3A_535 = tpu.memref_slice %arg10[%dma_start3A_533, %dma_start3A_534] : memref<10240x16xf32, #tpu.memory_space<vmem_shared>> -> memref<10240x16xf32, #tpu.memory_space<vmem_shared>>
        tpu.enqueue_indirect_dma source(%dma_start3A_535 : memref<10240x16xf32, #tpu.memory_space<vmem_shared>>) target(%dma_start3A_529 : memref<128x16xf32, #tpu.memory_space<vmem>>) offsets(%dma_start3A_532 : memref<128xi32, #tpu.memory_space<vmem>>) semaphore(%arg12 : memref<!tpu.dma_semaphore, #tpu.memory_space<semaphore_mem>>)
        %add3A_536 = arith.constant 1 : i32
        %add3A_537 = arith.addi %scan3A_180, %add3A_536 : i32
        %mul3A_538 = arith.constant 8 : i32
        %mul3A_539 = arith.muli %add3A_537, %mul3A_538 : i32
        %add3A_540 = arith.constant 2 : i32
        %add3A_541 = arith.addi %mul3A_539, %add3A_540 : i32
        %sub3A_542 = arith.constant 1 : i32
        %sub3A_543 = arith.subi %sub3A_542, %select_n3A_189 : i32
        %dma_start3A_544 = arith.constant 2 : i32
        %dma_start3A_545 = arith.constant 0 : i32
        %dma_start3A_546 = arith.constant 0 : i32
        %dma_start3A_547 = tpu.memref_slice %arg7[%sub3A_543, %dma_start3A_544, %dma_start3A_545, %dma_start3A_546] : memref<2x8x128x16xf32, #tpu.memory_space<vmem>> -> memref<1x1x128x16xf32, #tpu.memory_space<vmem>>
        %dma_start3A_548 = tpu.memref_squeeze %dma_start3A_547 : memref<1x1x128x16xf32, #tpu.memory_space<vmem>> -> memref<128x16xf32, #tpu.memory_space<vmem>>
        %dma_start3A_549 = arith.constant 0 : i32
        %dma_start3A_550 = tpu.memref_slice %arg5[%add3A_541, %dma_start3A_549] : memref<80x128xi32, #tpu.memory_space<vmem>> -> memref<1x128xi32, #tpu.memory_space<vmem>>
        %dma_start3A_551 = tpu.memref_squeeze %dma_start3A_550 : memref<1x128xi32, #tpu.memory_space<vmem>> -> memref<128xi32, #tpu.memory_space<vmem>>
        %dma_start3A_552 = arith.constant 0 : i32
        %dma_start3A_553 = arith.constant 0 : i32
        %dma_start3A_554 = tpu.memref_slice %arg10[%dma_start3A_552, %dma_start3A_553] : memref<10240x16xf32, #tpu.memory_space<vmem_shared>> -> memref<10240x16xf32, #tpu.memory_space<vmem_shared>>
        tpu.enqueue_indirect_dma source(%dma_start3A_554 : memref<10240x16xf32, #tpu.memory_space<vmem_shared>>) target(%dma_start3A_548 : memref<128x16xf32, #tpu.memory_space<vmem>>) offsets(%dma_start3A_551 : memref<128xi32, #tpu.memory_space<vmem>>) semaphore(%arg12 : memref<!tpu.dma_semaphore, #tpu.memory_space<semaphore_mem>>)
        %add3A_555 = arith.constant 1 : i32
        %add3A_556 = arith.addi %scan3A_180, %add3A_555 : i32
        %mul3A_557 = arith.constant 8 : i32
        %mul3A_558 = arith.muli %add3A_556, %mul3A_557 : i32
        %add3A_559 = arith.constant 3 : i32
        %add3A_560 = arith.addi %mul3A_558, %add3A_559 : i32
        %sub3A_561 = arith.constant 1 : i32
        %sub3A_562 = arith.subi %sub3A_561, %select_n3A_189 : i32
        %dma_start3A_563 = arith.constant 3 : i32
        %dma_start3A_564 = arith.constant 0 : i32
        %dma_start3A_565 = arith.constant 0 : i32
        %dma_start3A_566 = tpu.memref_slice %arg7[%sub3A_562, %dma_start3A_563, %dma_start3A_564, %dma_start3A_565] : memref<2x8x128x16xf32, #tpu.memory_space<vmem>> -> memref<1x1x128x16xf32, #tpu.memory_space<vmem>>
        %dma_start3A_567 = tpu.memref_squeeze %dma_start3A_566 : memref<1x1x128x16xf32, #tpu.memory_space<vmem>> -> memref<128x16xf32, #tpu.memory_space<vmem>>
        %dma_start3A_568 = arith.constant 0 : i32
        %dma_start3A_569 = tpu.memref_slice %arg5[%add3A_560, %dma_start3A_568] : memref<80x128xi32, #tpu.memory_space<vmem>> -> memref<1x128xi32, #tpu.memory_space<vmem>>
        %dma_start3A_570 = tpu.memref_squeeze %dma_start3A_569 : memref<1x128xi32, #tpu.memory_space<vmem>> -> memref<128xi32, #tpu.memory_space<vmem>>
        %dma_start3A_571 = arith.constant 0 : i32
        %dma_start3A_572 = arith.constant 0 : i32
        %dma_start3A_573 = tpu.memref_slice %arg10[%dma_start3A_571, %dma_start3A_572] : memref<10240x16xf32, #tpu.memory_space<vmem_shared>> -> memref<10240x16xf32, #tpu.memory_space<vmem_shared>>
        tpu.enqueue_indirect_dma source(%dma_start3A_573 : memref<10240x16xf32, #tpu.memory_space<vmem_shared>>) target(%dma_start3A_567 : memref<128x16xf32, #tpu.memory_space<vmem>>) offsets(%dma_start3A_570 : memref<128xi32, #tpu.memory_space<vmem>>) semaphore(%arg12 : memref<!tpu.dma_semaphore, #tpu.memory_space<semaphore_mem>>)
        %add3A_574 = arith.constant 1 : i32
        %add3A_575 = arith.addi %scan3A_180, %add3A_574 : i32
        %mul3A_576 = arith.constant 8 : i32
        %mul3A_577 = arith.muli %add3A_575, %mul3A_576 : i32
        %add3A_578 = arith.constant 4 : i32
        %add3A_579 = arith.addi %mul3A_577, %add3A_578 : i32
        %sub3A_580 = arith.constant 1 : i32
        %sub3A_581 = arith.subi %sub3A_580, %select_n3A_189 : i32
        %dma_start3A_582 = arith.constant 4 : i32
        %dma_start3A_583 = arith.constant 0 : i32
        %dma_start3A_584 = arith.constant 0 : i32
        %dma_start3A_585 = tpu.memref_slice %arg7[%sub3A_581, %dma_start3A_582, %dma_start3A_583, %dma_start3A_584] : memref<2x8x128x16xf32, #tpu.memory_space<vmem>> -> memref<1x1x128x16xf32, #tpu.memory_space<vmem>>
        %dma_start3A_586 = tpu.memref_squeeze %dma_start3A_585 : memref<1x1x128x16xf32, #tpu.memory_space<vmem>> -> memref<128x16xf32, #tpu.memory_space<vmem>>
        %dma_start3A_587 = arith.constant 0 : i32
        %dma_start3A_588 = tpu.memref_slice %arg5[%add3A_579, %dma_start3A_587] : memref<80x128xi32, #tpu.memory_space<vmem>> -> memref<1x128xi32, #tpu.memory_space<vmem>>
        %dma_start3A_589 = tpu.memref_squeeze %dma_start3A_588 : memref<1x128xi32, #tpu.memory_space<vmem>> -> memref<128xi32, #tpu.memory_space<vmem>>
        %dma_start3A_590 = arith.constant 0 : i32
        %dma_start3A_591 = arith.constant 0 : i32
        %dma_start3A_592 = tpu.memref_slice %arg10[%dma_start3A_590, %dma_start3A_591] : memref<10240x16xf32, #tpu.memory_space<vmem_shared>> -> memref<10240x16xf32, #tpu.memory_space<vmem_shared>>
        tpu.enqueue_indirect_dma source(%dma_start3A_592 : memref<10240x16xf32, #tpu.memory_space<vmem_shared>>) target(%dma_start3A_586 : memref<128x16xf32, #tpu.memory_space<vmem>>) offsets(%dma_start3A_589 : memref<128xi32, #tpu.memory_space<vmem>>) semaphore(%arg12 : memref<!tpu.dma_semaphore, #tpu.memory_space<semaphore_mem>>)
        %add3A_593 = arith.constant 1 : i32
        %add3A_594 = arith.addi %scan3A_180, %add3A_593 : i32
        %mul3A_595 = arith.constant 8 : i32
        %mul3A_596 = arith.muli %add3A_594, %mul3A_595 : i32
        %add3A_597 = arith.constant 5 : i32
        %add3A_598 = arith.addi %mul3A_596, %add3A_597 : i32
        %sub3A_599 = arith.constant 1 : i32
        %sub3A_600 = arith.subi %sub3A_599, %select_n3A_189 : i32
        %dma_start3A_601 = arith.constant 5 : i32
        %dma_start3A_602 = arith.constant 0 : i32
        %dma_start3A_603 = arith.constant 0 : i32
        %dma_start3A_604 = tpu.memref_slice %arg7[%sub3A_600, %dma_start3A_601, %dma_start3A_602, %dma_start3A_603] : memref<2x8x128x16xf32, #tpu.memory_space<vmem>> -> memref<1x1x128x16xf32, #tpu.memory_space<vmem>>
        %dma_start3A_605 = tpu.memref_squeeze %dma_start3A_604 : memref<1x1x128x16xf32, #tpu.memory_space<vmem>> -> memref<128x16xf32, #tpu.memory_space<vmem>>
        %dma_start3A_606 = arith.constant 0 : i32
        %dma_start3A_607 = tpu.memref_slice %arg5[%add3A_598, %dma_start3A_606] : memref<80x128xi32, #tpu.memory_space<vmem>> -> memref<1x128xi32, #tpu.memory_space<vmem>>
        %dma_start3A_608 = tpu.memref_squeeze %dma_start3A_607 : memref<1x128xi32, #tpu.memory_space<vmem>> -> memref<128xi32, #tpu.memory_space<vmem>>
        %dma_start3A_609 = arith.constant 0 : i32
        %dma_start3A_610 = arith.constant 0 : i32
        %dma_start3A_611 = tpu.memref_slice %arg10[%dma_start3A_609, %dma_start3A_610] : memref<10240x16xf32, #tpu.memory_space<vmem_shared>> -> memref<10240x16xf32, #tpu.memory_space<vmem_shared>>
        tpu.enqueue_indirect_dma source(%dma_start3A_611 : memref<10240x16xf32, #tpu.memory_space<vmem_shared>>) target(%dma_start3A_605 : memref<128x16xf32, #tpu.memory_space<vmem>>) offsets(%dma_start3A_608 : memref<128xi32, #tpu.memory_space<vmem>>) semaphore(%arg12 : memref<!tpu.dma_semaphore, #tpu.memory_space<semaphore_mem>>)
        %add3A_612 = arith.constant 1 : i32
        %add3A_613 = arith.addi %scan3A_180, %add3A_612 : i32
        %mul3A_614 = arith.constant 8 : i32
        %mul3A_615 = arith.muli %add3A_613, %mul3A_614 : i32
        %add3A_616 = arith.constant 6 : i32
        %add3A_617 = arith.addi %mul3A_615, %add3A_616 : i32
        %sub3A_618 = arith.constant 1 : i32
        %sub3A_619 = arith.subi %sub3A_618, %select_n3A_189 : i32
        %dma_start3A_620 = arith.constant 6 : i32
        %dma_start3A_621 = arith.constant 0 : i32
        %dma_start3A_622 = arith.constant 0 : i32
        %dma_start3A_623 = tpu.memref_slice %arg7[%sub3A_619, %dma_start3A_620, %dma_start3A_621, %dma_start3A_622] : memref<2x8x128x16xf32, #tpu.memory_space<vmem>> -> memref<1x1x128x16xf32, #tpu.memory_space<vmem>>
        %dma_start3A_624 = tpu.memref_squeeze %dma_start3A_623 : memref<1x1x128x16xf32, #tpu.memory_space<vmem>> -> memref<128x16xf32, #tpu.memory_space<vmem>>
        %dma_start3A_625 = arith.constant 0 : i32
        %dma_start3A_626 = tpu.memref_slice %arg5[%add3A_617, %dma_start3A_625] : memref<80x128xi32, #tpu.memory_space<vmem>> -> memref<1x128xi32, #tpu.memory_space<vmem>>
        %dma_start3A_627 = tpu.memref_squeeze %dma_start3A_626 : memref<1x128xi32, #tpu.memory_space<vmem>> -> memref<128xi32, #tpu.memory_space<vmem>>
        %dma_start3A_628 = arith.constant 0 : i32
        %dma_start3A_629 = arith.constant 0 : i32
        %dma_start3A_630 = tpu.memref_slice %arg10[%dma_start3A_628, %dma_start3A_629] : memref<10240x16xf32, #tpu.memory_space<vmem_shared>> -> memref<10240x16xf32, #tpu.memory_space<vmem_shared>>
        tpu.enqueue_indirect_dma source(%dma_start3A_630 : memref<10240x16xf32, #tpu.memory_space<vmem_shared>>) target(%dma_start3A_624 : memref<128x16xf32, #tpu.memory_space<vmem>>) offsets(%dma_start3A_627 : memref<128xi32, #tpu.memory_space<vmem>>) semaphore(%arg12 : memref<!tpu.dma_semaphore, #tpu.memory_space<semaphore_mem>>)
        %add3A_631 = arith.constant 1 : i32
        %add3A_632 = arith.addi %scan3A_180, %add3A_631 : i32
        %mul3A_633 = arith.constant 8 : i32
        %mul3A_634 = arith.muli %add3A_632, %mul3A_633 : i32
        %add3A_635 = arith.constant 7 : i32
        %add3A_636 = arith.addi %mul3A_634, %add3A_635 : i32
        %sub3A_637 = arith.constant 1 : i32
        %sub3A_638 = arith.subi %sub3A_637, %select_n3A_189 : i32
        %dma_start3A_639 = arith.constant 7 : i32
        %dma_start3A_640 = arith.constant 0 : i32
        %dma_start3A_641 = arith.constant 0 : i32
        %dma_start3A_642 = tpu.memref_slice %arg7[%sub3A_638, %dma_start3A_639, %dma_start3A_640, %dma_start3A_641] : memref<2x8x128x16xf32, #tpu.memory_space<vmem>> -> memref<1x1x128x16xf32, #tpu.memory_space<vmem>>
        %dma_start3A_643 = tpu.memref_squeeze %dma_start3A_642 : memref<1x1x128x16xf32, #tpu.memory_space<vmem>> -> memref<128x16xf32, #tpu.memory_space<vmem>>
        %dma_start3A_644 = arith.constant 0 : i32
        %dma_start3A_645 = tpu.memref_slice %arg5[%add3A_636, %dma_start3A_644] : memref<80x128xi32, #tpu.memory_space<vmem>> -> memref<1x128xi32, #tpu.memory_space<vmem>>
        %dma_start3A_646 = tpu.memref_squeeze %dma_start3A_645 : memref<1x128xi32, #tpu.memory_space<vmem>> -> memref<128xi32, #tpu.memory_space<vmem>>
        %dma_start3A_647 = arith.constant 0 : i32
        %dma_start3A_648 = arith.constant 0 : i32
        %dma_start3A_649 = tpu.memref_slice %arg10[%dma_start3A_647, %dma_start3A_648] : memref<10240x16xf32, #tpu.memory_space<vmem_shared>> -> memref<10240x16xf32, #tpu.memory_space<vmem_shared>>
        tpu.enqueue_indirect_dma source(%dma_start3A_649 : memref<10240x16xf32, #tpu.memory_space<vmem_shared>>) target(%dma_start3A_643 : memref<128x16xf32, #tpu.memory_space<vmem>>) offsets(%dma_start3A_646 : memref<128xi32, #tpu.memory_space<vmem>>) semaphore(%arg12 : memref<!tpu.dma_semaphore, #tpu.memory_space<semaphore_mem>>)
      } else {
      }
      %mul3A_195 = arith.constant 8 : i32
      %mul3A_196 = arith.muli %scan3A_180, %mul3A_195 : i32
      %add3A_197 = arith.constant 0 : i32
      %add3A_198 = arith.addi %mul3A_196, %add3A_197 : i32
      %dma_wait3A_199 = arith.constant 0 : i32
      %dma_wait3A_200 = arith.constant 0 : i32
      %dma_wait3A_201 = arith.constant 0 : i32
      %dma_wait3A_202 = tpu.memref_slice %arg7[%select_n3A_189, %dma_wait3A_199, %dma_wait3A_200, %dma_wait3A_201] : memref<2x8x128x16xf32, #tpu.memory_space<vmem>> -> memref<1x1x128x16xf32, #tpu.memory_space<vmem>>
      %dma_wait3A_203 = tpu.memref_squeeze %dma_wait3A_202 : memref<1x1x128x16xf32, #tpu.memory_space<vmem>> -> memref<128x16xf32, #tpu.memory_space<vmem>>
      %dma_wait3A_204 = arith.constant 0 : i32
      %dma_wait3A_205 = tpu.memref_slice %arg5[%add3A_198, %dma_wait3A_204] : memref<80x128xi32, #tpu.memory_space<vmem>> -> memref<1x128xi32, #tpu.memory_space<vmem>>
      %dma_wait3A_206 = tpu.memref_squeeze %dma_wait3A_205 : memref<1x128xi32, #tpu.memory_space<vmem>> -> memref<128xi32, #tpu.memory_space<vmem>>
      %dma_wait3A_207 = arith.constant 0 : i32
      %dma_wait3A_208 = arith.constant 0 : i32
      %dma_wait3A_209 = tpu.memref_slice %arg10[%dma_wait3A_207, %dma_wait3A_208] : memref<10240x16xf32, #tpu.memory_space<vmem_shared>> -> memref<10240x16xf32, #tpu.memory_space<vmem_shared>>
      tpu.wait_indirect_dma semaphore(%arg12 : memref<!tpu.dma_semaphore, #tpu.memory_space<semaphore_mem>>) src(%dma_wait3A_209 : memref<10240x16xf32, #tpu.memory_space<vmem_shared>>) dst(%dma_wait3A_203 : memref<128x16xf32, #tpu.memory_space<vmem>>)
      %dma_start3A_210 = arith.constant 0 : i32
      %dma_start3A_211 = arith.constant 0 : i32
      %dma_start3A_212 = arith.constant 0 : i32
      %dma_start3A_213 = tpu.memref_slice %arg7[%select_n3A_189, %dma_start3A_210, %dma_start3A_211, %dma_start3A_212] : memref<2x8x128x16xf32, #tpu.memory_space<vmem>> -> memref<1x1x128x16xf32, #tpu.memory_space<vmem>>
      %dma_start3A_214 = tpu.memref_squeeze %dma_start3A_213 : memref<1x1x128x16xf32, #tpu.memory_space<vmem>> -> memref<128x16xf32, #tpu.memory_space<vmem>>
      %dma_start3A_215 = arith.constant 0 : i32
      %dma_start3A_216 = tpu.memref_slice %arg6[%add3A_198, %dma_start3A_215] : memref<80x128xi32, #tpu.memory_space<vmem>> -> memref<1x128xi32, #tpu.memory_space<vmem>>
      %dma_start3A_217 = tpu.memref_squeeze %dma_start3A_216 : memref<1x128xi32, #tpu.memory_space<vmem>> -> memref<128xi32, #tpu.memory_space<vmem>>
      %dma_start3A_218 = arith.constant 0 : i32
      %dma_start3A_219 = arith.constant 0 : i32
      %dma_start3A_220 = tpu.memref_slice %arg11[%dma_start3A_218, %dma_start3A_219] : memref<10240x16xf32, #tpu.memory_space<vmem_shared>> -> memref<10240x16xf32, #tpu.memory_space<vmem_shared>>
      tpu.enqueue_indirect_dma source(%dma_start3A_214 : memref<128x16xf32, #tpu.memory_space<vmem>>) target(%dma_start3A_220 : memref<10240x16xf32, #tpu.memory_space<vmem_shared>>) offsets(%dma_start3A_217 : memref<128xi32, #tpu.memory_space<vmem>>) semaphore(%arg13 : memref<!tpu.dma_semaphore, #tpu.memory_space<semaphore_mem>>) {add = true}
      %mul3A_221 = arith.constant 8 : i32
      %mul3A_222 = arith.muli %scan3A_180, %mul3A_221 : i32
      %add3A_223 = arith.constant 1 : i32
      %add3A_224 = arith.addi %mul3A_222, %add3A_223 : i32
      %dma_wait3A_225 = arith.constant 1 : i32
      %dma_wait3A_226 = arith.constant 0 : i32
      %dma_wait3A_227 = arith.constant 0 : i32
      %dma_wait3A_228 = tpu.memref_slice %arg7[%select_n3A_189, %dma_wait3A_225, %dma_wait3A_226, %dma_wait3A_227] : memref<2x8x128x16xf32, #tpu.memory_space<vmem>> -> memref<1x1x128x16xf32, #tpu.memory_space<vmem>>
      %dma_wait3A_229 = tpu.memref_squeeze %dma_wait3A_228 : memref<1x1x128x16xf32, #tpu.memory_space<vmem>> -> memref<128x16xf32, #tpu.memory_space<vmem>>
      %dma_wait3A_230 = arith.constant 0 : i32
      %dma_wait3A_231 = tpu.memref_slice %arg5[%add3A_224, %dma_wait3A_230] : memref<80x128xi32, #tpu.memory_space<vmem>> -> memref<1x128xi32, #tpu.memory_space<vmem>>
      %dma_wait3A_232 = tpu.memref_squeeze %dma_wait3A_231 : memref<1x128xi32, #tpu.memory_space<vmem>> -> memref<128xi32, #tpu.memory_space<vmem>>
      %dma_wait3A_233 = arith.constant 0 : i32
      %dma_wait3A_234 = arith.constant 0 : i32
      %dma_wait3A_235 = tpu.memref_slice %arg10[%dma_wait3A_233, %dma_wait3A_234] : memref<10240x16xf32, #tpu.memory_space<vmem_shared>> -> memref<10240x16xf32, #tpu.memory_space<vmem_shared>>
      tpu.wait_indirect_dma semaphore(%arg12 : memref<!tpu.dma_semaphore, #tpu.memory_space<semaphore_mem>>) src(%dma_wait3A_235 : memref<10240x16xf32, #tpu.memory_space<vmem_shared>>) dst(%dma_wait3A_229 : memref<128x16xf32, #tpu.memory_space<vmem>>)
      %dma_start3A_236 = arith.constant 1 : i32
      %dma_start3A_237 = arith.constant 0 : i32
      %dma_start3A_238 = arith.constant 0 : i32
      %dma_start3A_239 = tpu.memref_slice %arg7[%select_n3A_189, %dma_start3A_236, %dma_start3A_237, %dma_start3A_238] : memref<2x8x128x16xf32, #tpu.memory_space<vmem>> -> memref<1x1x128x16xf32, #tpu.memory_space<vmem>>
      %dma_start3A_240 = tpu.memref_squeeze %dma_start3A_239 : memref<1x1x128x16xf32, #tpu.memory_space<vmem>> -> memref<128x16xf32, #tpu.memory_space<vmem>>
      %dma_start3A_241 = arith.constant 0 : i32
      %dma_start3A_242 = tpu.memref_slice %arg6[%add3A_224, %dma_start3A_241] : memref<80x128xi32, #tpu.memory_space<vmem>> -> memref<1x128xi32, #tpu.memory_space<vmem>>
      %dma_start3A_243 = tpu.memref_squeeze %dma_start3A_242 : memref<1x128xi32, #tpu.memory_space<vmem>> -> memref<128xi32, #tpu.memory_space<vmem>>
      %dma_start3A_244 = arith.constant 0 : i32
      %dma_start3A_245 = arith.constant 0 : i32
      %dma_start3A_246 = tpu.memref_slice %arg11[%dma_start3A_244, %dma_start3A_245] : memref<10240x16xf32, #tpu.memory_space<vmem_shared>> -> memref<10240x16xf32, #tpu.memory_space<vmem_shared>>
      tpu.enqueue_indirect_dma source(%dma_start3A_240 : memref<128x16xf32, #tpu.memory_space<vmem>>) target(%dma_start3A_246 : memref<10240x16xf32, #tpu.memory_space<vmem_shared>>) offsets(%dma_start3A_243 : memref<128xi32, #tpu.memory_space<vmem>>) semaphore(%arg13 : memref<!tpu.dma_semaphore, #tpu.memory_space<semaphore_mem>>) {add = true}
      %mul3A_247 = arith.constant 8 : i32
      %mul3A_248 = arith.muli %scan3A_180, %mul3A_247 : i32
      %add3A_249 = arith.constant 2 : i32
      %add3A_250 = arith.addi %mul3A_248, %add3A_249 : i32
      %dma_wait3A_251 = arith.constant 2 : i32
      %dma_wait3A_252 = arith.constant 0 : i32
      %dma_wait3A_253 = arith.constant 0 : i32
      %dma_wait3A_254 = tpu.memref_slice %arg7[%select_n3A_189, %dma_wait3A_251, %dma_wait3A_252, %dma_wait3A_253] : memref<2x8x128x16xf32, #tpu.memory_space<vmem>> -> memref<1x1x128x16xf32, #tpu.memory_space<vmem>>
      %dma_wait3A_255 = tpu.memref_squeeze %dma_wait3A_254 : memref<1x1x128x16xf32, #tpu.memory_space<vmem>> -> memref<128x16xf32, #tpu.memory_space<vmem>>
      %dma_wait3A_256 = arith.constant 0 : i32
      %dma_wait3A_257 = tpu.memref_slice %arg5[%add3A_250, %dma_wait3A_256] : memref<80x128xi32, #tpu.memory_space<vmem>> -> memref<1x128xi32, #tpu.memory_space<vmem>>
      %dma_wait3A_258 = tpu.memref_squeeze %dma_wait3A_257 : memref<1x128xi32, #tpu.memory_space<vmem>> -> memref<128xi32, #tpu.memory_space<vmem>>
      %dma_wait3A_259 = arith.constant 0 : i32
      %dma_wait3A_260 = arith.constant 0 : i32
      %dma_wait3A_261 = tpu.memref_slice %arg10[%dma_wait3A_259, %dma_wait3A_260] : memref<10240x16xf32, #tpu.memory_space<vmem_shared>> -> memref<10240x16xf32, #tpu.memory_space<vmem_shared>>
      tpu.wait_indirect_dma semaphore(%arg12 : memref<!tpu.dma_semaphore, #tpu.memory_space<semaphore_mem>>) src(%dma_wait3A_261 : memref<10240x16xf32, #tpu.memory_space<vmem_shared>>) dst(%dma_wait3A_255 : memref<128x16xf32, #tpu.memory_space<vmem>>)
      %dma_start3A_262 = arith.constant 2 : i32
      %dma_start3A_263 = arith.constant 0 : i32
      %dma_start3A_264 = arith.constant 0 : i32
      %dma_start3A_265 = tpu.memref_slice %arg7[%select_n3A_189, %dma_start3A_262, %dma_start3A_263, %dma_start3A_264] : memref<2x8x128x16xf32, #tpu.memory_space<vmem>> -> memref<1x1x128x16xf32, #tpu.memory_space<vmem>>
      %dma_start3A_266 = tpu.memref_squeeze %dma_start3A_265 : memref<1x1x128x16xf32, #tpu.memory_space<vmem>> -> memref<128x16xf32, #tpu.memory_space<vmem>>
      %dma_start3A_267 = arith.constant 0 : i32
      %dma_start3A_268 = tpu.memref_slice %arg6[%add3A_250, %dma_start3A_267] : memref<80x128xi32, #tpu.memory_space<vmem>> -> memref<1x128xi32, #tpu.memory_space<vmem>>
      %dma_start3A_269 = tpu.memref_squeeze %dma_start3A_268 : memref<1x128xi32, #tpu.memory_space<vmem>> -> memref<128xi32, #tpu.memory_space<vmem>>
      %dma_start3A_270 = arith.constant 0 : i32
      %dma_start3A_271 = arith.constant 0 : i32
      %dma_start3A_272 = tpu.memref_slice %arg11[%dma_start3A_270, %dma_start3A_271] : memref<10240x16xf32, #tpu.memory_space<vmem_shared>> -> memref<10240x16xf32, #tpu.memory_space<vmem_shared>>
      tpu.enqueue_indirect_dma source(%dma_start3A_266 : memref<128x16xf32, #tpu.memory_space<vmem>>) target(%dma_start3A_272 : memref<10240x16xf32, #tpu.memory_space<vmem_shared>>) offsets(%dma_start3A_269 : memref<128xi32, #tpu.memory_space<vmem>>) semaphore(%arg13 : memref<!tpu.dma_semaphore, #tpu.memory_space<semaphore_mem>>) {add = true}
      %mul3A_273 = arith.constant 8 : i32
      %mul3A_274 = arith.muli %scan3A_180, %mul3A_273 : i32
      %add3A_275 = arith.constant 3 : i32
      %add3A_276 = arith.addi %mul3A_274, %add3A_275 : i32
      %dma_wait3A_277 = arith.constant 3 : i32
      %dma_wait3A_278 = arith.constant 0 : i32
      %dma_wait3A_279 = arith.constant 0 : i32
      %dma_wait3A_280 = tpu.memref_slice %arg7[%select_n3A_189, %dma_wait3A_277, %dma_wait3A_278, %dma_wait3A_279] : memref<2x8x128x16xf32, #tpu.memory_space<vmem>> -> memref<1x1x128x16xf32, #tpu.memory_space<vmem>>
      %dma_wait3A_281 = tpu.memref_squeeze %dma_wait3A_280 : memref<1x1x128x16xf32, #tpu.memory_space<vmem>> -> memref<128x16xf32, #tpu.memory_space<vmem>>
      %dma_wait3A_282 = arith.constant 0 : i32
      %dma_wait3A_283 = tpu.memref_slice %arg5[%add3A_276, %dma_wait3A_282] : memref<80x128xi32, #tpu.memory_space<vmem>> -> memref<1x128xi32, #tpu.memory_space<vmem>>
      %dma_wait3A_284 = tpu.memref_squeeze %dma_wait3A_283 : memref<1x128xi32, #tpu.memory_space<vmem>> -> memref<128xi32, #tpu.memory_space<vmem>>
      %dma_wait3A_285 = arith.constant 0 : i32
      %dma_wait3A_286 = arith.constant 0 : i32
      %dma_wait3A_287 = tpu.memref_slice %arg10[%dma_wait3A_285, %dma_wait3A_286] : memref<10240x16xf32, #tpu.memory_space<vmem_shared>> -> memref<10240x16xf32, #tpu.memory_space<vmem_shared>>
      tpu.wait_indirect_dma semaphore(%arg12 : memref<!tpu.dma_semaphore, #tpu.memory_space<semaphore_mem>>) src(%dma_wait3A_287 : memref<10240x16xf32, #tpu.memory_space<vmem_shared>>) dst(%dma_wait3A_281 : memref<128x16xf32, #tpu.memory_space<vmem>>)
      %dma_start3A_288 = arith.constant 3 : i32
      %dma_start3A_289 = arith.constant 0 : i32
      %dma_start3A_290 = arith.constant 0 : i32
      %dma_start3A_291 = tpu.memref_slice %arg7[%select_n3A_189, %dma_start3A_288, %dma_start3A_289, %dma_start3A_290] : memref<2x8x128x16xf32, #tpu.memory_space<vmem>> -> memref<1x1x128x16xf32, #tpu.memory_space<vmem>>
      %dma_start3A_292 = tpu.memref_squeeze %dma_start3A_291 : memref<1x1x128x16xf32, #tpu.memory_space<vmem>> -> memref<128x16xf32, #tpu.memory_space<vmem>>
      %dma_start3A_293 = arith.constant 0 : i32
      %dma_start3A_294 = tpu.memref_slice %arg6[%add3A_276, %dma_start3A_293] : memref<80x128xi32, #tpu.memory_space<vmem>> -> memref<1x128xi32, #tpu.memory_space<vmem>>
      %dma_start3A_295 = tpu.memref_squeeze %dma_start3A_294 : memref<1x128xi32, #tpu.memory_space<vmem>> -> memref<128xi32, #tpu.memory_space<vmem>>
      %dma_start3A_296 = arith.constant 0 : i32
      %dma_start3A_297 = arith.constant 0 : i32
      %dma_start3A_298 = tpu.memref_slice %arg11[%dma_start3A_296, %dma_start3A_297] : memref<10240x16xf32, #tpu.memory_space<vmem_shared>> -> memref<10240x16xf32, #tpu.memory_space<vmem_shared>>
      tpu.enqueue_indirect_dma source(%dma_start3A_292 : memref<128x16xf32, #tpu.memory_space<vmem>>) target(%dma_start3A_298 : memref<10240x16xf32, #tpu.memory_space<vmem_shared>>) offsets(%dma_start3A_295 : memref<128xi32, #tpu.memory_space<vmem>>) semaphore(%arg13 : memref<!tpu.dma_semaphore, #tpu.memory_space<semaphore_mem>>) {add = true}
      %mul3A_299 = arith.constant 8 : i32
      %mul3A_300 = arith.muli %scan3A_180, %mul3A_299 : i32
      %add3A_301 = arith.constant 4 : i32
      %add3A_302 = arith.addi %mul3A_300, %add3A_301 : i32
      %dma_wait3A_303 = arith.constant 4 : i32
      %dma_wait3A_304 = arith.constant 0 : i32
      %dma_wait3A_305 = arith.constant 0 : i32
      %dma_wait3A_306 = tpu.memref_slice %arg7[%select_n3A_189, %dma_wait3A_303, %dma_wait3A_304, %dma_wait3A_305] : memref<2x8x128x16xf32, #tpu.memory_space<vmem>> -> memref<1x1x128x16xf32, #tpu.memory_space<vmem>>
      %dma_wait3A_307 = tpu.memref_squeeze %dma_wait3A_306 : memref<1x1x128x16xf32, #tpu.memory_space<vmem>> -> memref<128x16xf32, #tpu.memory_space<vmem>>
      %dma_wait3A_308 = arith.constant 0 : i32
      %dma_wait3A_309 = tpu.memref_slice %arg5[%add3A_302, %dma_wait3A_308] : memref<80x128xi32, #tpu.memory_space<vmem>> -> memref<1x128xi32, #tpu.memory_space<vmem>>
      %dma_wait3A_310 = tpu.memref_squeeze %dma_wait3A_309 : memref<1x128xi32, #tpu.memory_space<vmem>> -> memref<128xi32, #tpu.memory_space<vmem>>
      %dma_wait3A_311 = arith.constant 0 : i32
      %dma_wait3A_312 = arith.constant 0 : i32
      %dma_wait3A_313 = tpu.memref_slice %arg10[%dma_wait3A_311, %dma_wait3A_312] : memref<10240x16xf32, #tpu.memory_space<vmem_shared>> -> memref<10240x16xf32, #tpu.memory_space<vmem_shared>>
      tpu.wait_indirect_dma semaphore(%arg12 : memref<!tpu.dma_semaphore, #tpu.memory_space<semaphore_mem>>) src(%dma_wait3A_313 : memref<10240x16xf32, #tpu.memory_space<vmem_shared>>) dst(%dma_wait3A_307 : memref<128x16xf32, #tpu.memory_space<vmem>>)
      %dma_start3A_314 = arith.constant 4 : i32
      %dma_start3A_315 = arith.constant 0 : i32
      %dma_start3A_316 = arith.constant 0 : i32
      %dma_start3A_317 = tpu.memref_slice %arg7[%select_n3A_189, %dma_start3A_314, %dma_start3A_315, %dma_start3A_316] : memref<2x8x128x16xf32, #tpu.memory_space<vmem>> -> memref<1x1x128x16xf32, #tpu.memory_space<vmem>>
      %dma_start3A_318 = tpu.memref_squeeze %dma_start3A_317 : memref<1x1x128x16xf32, #tpu.memory_space<vmem>> -> memref<128x16xf32, #tpu.memory_space<vmem>>
      %dma_start3A_319 = arith.constant 0 : i32
      %dma_start3A_320 = tpu.memref_slice %arg6[%add3A_302, %dma_start3A_319] : memref<80x128xi32, #tpu.memory_space<vmem>> -> memref<1x128xi32, #tpu.memory_space<vmem>>
      %dma_start3A_321 = tpu.memref_squeeze %dma_start3A_320 : memref<1x128xi32, #tpu.memory_space<vmem>> -> memref<128xi32, #tpu.memory_space<vmem>>
      %dma_start3A_322 = arith.constant 0 : i32
      %dma_start3A_323 = arith.constant 0 : i32
      %dma_start3A_324 = tpu.memref_slice %arg11[%dma_start3A_322, %dma_start3A_323] : memref<10240x16xf32, #tpu.memory_space<vmem_shared>> -> memref<10240x16xf32, #tpu.memory_space<vmem_shared>>
      tpu.enqueue_indirect_dma source(%dma_start3A_318 : memref<128x16xf32, #tpu.memory_space<vmem>>) target(%dma_start3A_324 : memref<10240x16xf32, #tpu.memory_space<vmem_shared>>) offsets(%dma_start3A_321 : memref<128xi32, #tpu.memory_space<vmem>>) semaphore(%arg13 : memref<!tpu.dma_semaphore, #tpu.memory_space<semaphore_mem>>) {add = true}
      %mul3A_325 = arith.constant 8 : i32
      %mul3A_326 = arith.muli %scan3A_180, %mul3A_325 : i32
      %add3A_327 = arith.constant 5 : i32
      %add3A_328 = arith.addi %mul3A_326, %add3A_327 : i32
      %dma_wait3A_329 = arith.constant 5 : i32
      %dma_wait3A_330 = arith.constant 0 : i32
      %dma_wait3A_331 = arith.constant 0 : i32
      %dma_wait3A_332 = tpu.memref_slice %arg7[%select_n3A_189, %dma_wait3A_329, %dma_wait3A_330, %dma_wait3A_331] : memref<2x8x128x16xf32, #tpu.memory_space<vmem>> -> memref<1x1x128x16xf32, #tpu.memory_space<vmem>>
      %dma_wait3A_333 = tpu.memref_squeeze %dma_wait3A_332 : memref<1x1x128x16xf32, #tpu.memory_space<vmem>> -> memref<128x16xf32, #tpu.memory_space<vmem>>
      %dma_wait3A_334 = arith.constant 0 : i32
      %dma_wait3A_335 = tpu.memref_slice %arg5[%add3A_328, %dma_wait3A_334] : memref<80x128xi32, #tpu.memory_space<vmem>> -> memref<1x128xi32, #tpu.memory_space<vmem>>
      %dma_wait3A_336 = tpu.memref_squeeze %dma_wait3A_335 : memref<1x128xi32, #tpu.memory_space<vmem>> -> memref<128xi32, #tpu.memory_space<vmem>>
      %dma_wait3A_337 = arith.constant 0 : i32
      %dma_wait3A_338 = arith.constant 0 : i32
      %dma_wait3A_339 = tpu.memref_slice %arg10[%dma_wait3A_337, %dma_wait3A_338] : memref<10240x16xf32, #tpu.memory_space<vmem_shared>> -> memref<10240x16xf32, #tpu.memory_space<vmem_shared>>
      tpu.wait_indirect_dma semaphore(%arg12 : memref<!tpu.dma_semaphore, #tpu.memory_space<semaphore_mem>>) src(%dma_wait3A_339 : memref<10240x16xf32, #tpu.memory_space<vmem_shared>>) dst(%dma_wait3A_333 : memref<128x16xf32, #tpu.memory_space<vmem>>)
      %dma_start3A_340 = arith.constant 5 : i32
      %dma_start3A_341 = arith.constant 0 : i32
      %dma_start3A_342 = arith.constant 0 : i32
      %dma_start3A_343 = tpu.memref_slice %arg7[%select_n3A_189, %dma_start3A_340, %dma_start3A_341, %dma_start3A_342] : memref<2x8x128x16xf32, #tpu.memory_space<vmem>> -> memref<1x1x128x16xf32, #tpu.memory_space<vmem>>
      %dma_start3A_344 = tpu.memref_squeeze %dma_start3A_343 : memref<1x1x128x16xf32, #tpu.memory_space<vmem>> -> memref<128x16xf32, #tpu.memory_space<vmem>>
      %dma_start3A_345 = arith.constant 0 : i32
      %dma_start3A_346 = tpu.memref_slice %arg6[%add3A_328, %dma_start3A_345] : memref<80x128xi32, #tpu.memory_space<vmem>> -> memref<1x128xi32, #tpu.memory_space<vmem>>
      %dma_start3A_347 = tpu.memref_squeeze %dma_start3A_346 : memref<1x128xi32, #tpu.memory_space<vmem>> -> memref<128xi32, #tpu.memory_space<vmem>>
      %dma_start3A_348 = arith.constant 0 : i32
      %dma_start3A_349 = arith.constant 0 : i32
      %dma_start3A_350 = tpu.memref_slice %arg11[%dma_start3A_348, %dma_start3A_349] : memref<10240x16xf32, #tpu.memory_space<vmem_shared>> -> memref<10240x16xf32, #tpu.memory_space<vmem_shared>>
      tpu.enqueue_indirect_dma source(%dma_start3A_344 : memref<128x16xf32, #tpu.memory_space<vmem>>) target(%dma_start3A_350 : memref<10240x16xf32, #tpu.memory_space<vmem_shared>>) offsets(%dma_start3A_347 : memref<128xi32, #tpu.memory_space<vmem>>) semaphore(%arg13 : memref<!tpu.dma_semaphore, #tpu.memory_space<semaphore_mem>>) {add = true}
      %mul3A_351 = arith.constant 8 : i32
      %mul3A_352 = arith.muli %scan3A_180, %mul3A_351 : i32
      %add3A_353 = arith.constant 6 : i32
      %add3A_354 = arith.addi %mul3A_352, %add3A_353 : i32
      %dma_wait3A_355 = arith.constant 6 : i32
      %dma_wait3A_356 = arith.constant 0 : i32
      %dma_wait3A_357 = arith.constant 0 : i32
      %dma_wait3A_358 = tpu.memref_slice %arg7[%select_n3A_189, %dma_wait3A_355, %dma_wait3A_356, %dma_wait3A_357] : memref<2x8x128x16xf32, #tpu.memory_space<vmem>> -> memref<1x1x128x16xf32, #tpu.memory_space<vmem>>
      %dma_wait3A_359 = tpu.memref_squeeze %dma_wait3A_358 : memref<1x1x128x16xf32, #tpu.memory_space<vmem>> -> memref<128x16xf32, #tpu.memory_space<vmem>>
      %dma_wait3A_360 = arith.constant 0 : i32
      %dma_wait3A_361 = tpu.memref_slice %arg5[%add3A_354, %dma_wait3A_360] : memref<80x128xi32, #tpu.memory_space<vmem>> -> memref<1x128xi32, #tpu.memory_space<vmem>>
      %dma_wait3A_362 = tpu.memref_squeeze %dma_wait3A_361 : memref<1x128xi32, #tpu.memory_space<vmem>> -> memref<128xi32, #tpu.memory_space<vmem>>
      %dma_wait3A_363 = arith.constant 0 : i32
      %dma_wait3A_364 = arith.constant 0 : i32
      %dma_wait3A_365 = tpu.memref_slice %arg10[%dma_wait3A_363, %dma_wait3A_364] : memref<10240x16xf32, #tpu.memory_space<vmem_shared>> -> memref<10240x16xf32, #tpu.memory_space<vmem_shared>>
      tpu.wait_indirect_dma semaphore(%arg12 : memref<!tpu.dma_semaphore, #tpu.memory_space<semaphore_mem>>) src(%dma_wait3A_365 : memref<10240x16xf32, #tpu.memory_space<vmem_shared>>) dst(%dma_wait3A_359 : memref<128x16xf32, #tpu.memory_space<vmem>>)
      %dma_start3A_366 = arith.constant 6 : i32
      %dma_start3A_367 = arith.constant 0 : i32
      %dma_start3A_368 = arith.constant 0 : i32
      %dma_start3A_369 = tpu.memref_slice %arg7[%select_n3A_189, %dma_start3A_366, %dma_start3A_367, %dma_start3A_368] : memref<2x8x128x16xf32, #tpu.memory_space<vmem>> -> memref<1x1x128x16xf32, #tpu.memory_space<vmem>>
      %dma_start3A_370 = tpu.memref_squeeze %dma_start3A_369 : memref<1x1x128x16xf32, #tpu.memory_space<vmem>> -> memref<128x16xf32, #tpu.memory_space<vmem>>
      %dma_start3A_371 = arith.constant 0 : i32
      %dma_start3A_372 = tpu.memref_slice %arg6[%add3A_354, %dma_start3A_371] : memref<80x128xi32, #tpu.memory_space<vmem>> -> memref<1x128xi32, #tpu.memory_space<vmem>>
      %dma_start3A_373 = tpu.memref_squeeze %dma_start3A_372 : memref<1x128xi32, #tpu.memory_space<vmem>> -> memref<128xi32, #tpu.memory_space<vmem>>
      %dma_start3A_374 = arith.constant 0 : i32
      %dma_start3A_375 = arith.constant 0 : i32
      %dma_start3A_376 = tpu.memref_slice %arg11[%dma_start3A_374, %dma_start3A_375] : memref<10240x16xf32, #tpu.memory_space<vmem_shared>> -> memref<10240x16xf32, #tpu.memory_space<vmem_shared>>
      tpu.enqueue_indirect_dma source(%dma_start3A_370 : memref<128x16xf32, #tpu.memory_space<vmem>>) target(%dma_start3A_376 : memref<10240x16xf32, #tpu.memory_space<vmem_shared>>) offsets(%dma_start3A_373 : memref<128xi32, #tpu.memory_space<vmem>>) semaphore(%arg13 : memref<!tpu.dma_semaphore, #tpu.memory_space<semaphore_mem>>) {add = true}
      %mul3A_377 = arith.constant 8 : i32
      %mul3A_378 = arith.muli %scan3A_180, %mul3A_377 : i32
      %add3A_379 = arith.constant 7 : i32
      %add3A_380 = arith.addi %mul3A_378, %add3A_379 : i32
      %dma_wait3A_381 = arith.constant 7 : i32
      %dma_wait3A_382 = arith.constant 0 : i32
      %dma_wait3A_383 = arith.constant 0 : i32
      %dma_wait3A_384 = tpu.memref_slice %arg7[%select_n3A_189, %dma_wait3A_381, %dma_wait3A_382, %dma_wait3A_383] : memref<2x8x128x16xf32, #tpu.memory_space<vmem>> -> memref<1x1x128x16xf32, #tpu.memory_space<vmem>>
      %dma_wait3A_385 = tpu.memref_squeeze %dma_wait3A_384 : memref<1x1x128x16xf32, #tpu.memory_space<vmem>> -> memref<128x16xf32, #tpu.memory_space<vmem>>
      %dma_wait3A_386 = arith.constant 0 : i32
      %dma_wait3A_387 = tpu.memref_slice %arg5[%add3A_380, %dma_wait3A_386] : memref<80x128xi32, #tpu.memory_space<vmem>> -> memref<1x128xi32, #tpu.memory_space<vmem>>
      %dma_wait3A_388 = tpu.memref_squeeze %dma_wait3A_387 : memref<1x128xi32, #tpu.memory_space<vmem>> -> memref<128xi32, #tpu.memory_space<vmem>>
      %dma_wait3A_389 = arith.constant 0 : i32
      %dma_wait3A_390 = arith.constant 0 : i32
      %dma_wait3A_391 = tpu.memref_slice %arg10[%dma_wait3A_389, %dma_wait3A_390] : memref<10240x16xf32, #tpu.memory_space<vmem_shared>> -> memref<10240x16xf32, #tpu.memory_space<vmem_shared>>
      tpu.wait_indirect_dma semaphore(%arg12 : memref<!tpu.dma_semaphore, #tpu.memory_space<semaphore_mem>>) src(%dma_wait3A_391 : memref<10240x16xf32, #tpu.memory_space<vmem_shared>>) dst(%dma_wait3A_385 : memref<128x16xf32, #tpu.memory_space<vmem>>)
      %dma_start3A_392 = arith.constant 7 : i32
      %dma_start3A_393 = arith.constant 0 : i32
      %dma_start3A_394 = arith.constant 0 : i32
      %dma_start3A_395 = tpu.memref_slice %arg7[%select_n3A_189, %dma_start3A_392, %dma_start3A_393, %dma_start3A_394] : memref<2x8x128x16xf32, #tpu.memory_space<vmem>> -> memref<1x1x128x16xf32, #tpu.memory_space<vmem>>
      %dma_start3A_396 = tpu.memref_squeeze %dma_start3A_395 : memref<1x1x128x16xf32, #tpu.memory_space<vmem>> -> memref<128x16xf32, #tpu.memory_space<vmem>>
      %dma_start3A_397 = arith.constant 0 : i32
      %dma_start3A_398 = tpu.memref_slice %arg6[%add3A_380, %dma_start3A_397] : memref<80x128xi32, #tpu.memory_space<vmem>> -> memref<1x128xi32, #tpu.memory_space<vmem>>
      %dma_start3A_399 = tpu.memref_squeeze %dma_start3A_398 : memref<1x128xi32, #tpu.memory_space<vmem>> -> memref<128xi32, #tpu.memory_space<vmem>>
      %dma_start3A_400 = arith.constant 0 : i32
      %dma_start3A_401 = arith.constant 0 : i32
      %dma_start3A_402 = tpu.memref_slice %arg11[%dma_start3A_400, %dma_start3A_401] : memref<10240x16xf32, #tpu.memory_space<vmem_shared>> -> memref<10240x16xf32, #tpu.memory_space<vmem_shared>>
      tpu.enqueue_indirect_dma source(%dma_start3A_396 : memref<128x16xf32, #tpu.memory_space<vmem>>) target(%dma_start3A_402 : memref<10240x16xf32, #tpu.memory_space<vmem_shared>>) offsets(%dma_start3A_399 : memref<128xi32, #tpu.memory_space<vmem>>) semaphore(%arg13 : memref<!tpu.dma_semaphore, #tpu.memory_space<semaphore_mem>>) {add = true}
      %dma_wait3A_403 = arith.constant 0 : i32
      %dma_wait3A_404 = arith.constant 0 : i32
      %dma_wait3A_405 = arith.constant 0 : i32
      %dma_wait3A_406 = arith.constant 0 : i32
      %dma_wait3A_407 = tpu.memref_slice %arg7[%select_n3A_189, %dma_wait3A_403, %dma_wait3A_405, %dma_wait3A_406] : memref<2x8x128x16xf32, #tpu.memory_space<vmem>> -> memref<1x1x128x16xf32, #tpu.memory_space<vmem>>
      %dma_wait3A_408 = tpu.memref_squeeze %dma_wait3A_407 : memref<1x1x128x16xf32, #tpu.memory_space<vmem>> -> memref<128x16xf32, #tpu.memory_space<vmem>>
      %dma_wait3A_409 = arith.constant 0 : i32
      %dma_wait3A_410 = tpu.memref_slice %arg6[%dma_wait3A_404, %dma_wait3A_409] : memref<80x128xi32, #tpu.memory_space<vmem>> -> memref<1x128xi32, #tpu.memory_space<vmem>>
      %dma_wait3A_411 = tpu.memref_squeeze %dma_wait3A_410 : memref<1x128xi32, #tpu.memory_space<vmem>> -> memref<128xi32, #tpu.memory_space<vmem>>
      %dma_wait3A_412 = arith.constant 0 : i32
      %dma_wait3A_413 = arith.constant 0 : i32
      %dma_wait3A_414 = tpu.memref_slice %arg11[%dma_wait3A_412, %dma_wait3A_413] : memref<10240x16xf32, #tpu.memory_space<vmem_shared>> -> memref<10240x16xf32, #tpu.memory_space<vmem_shared>>
      tpu.wait_indirect_dma semaphore(%arg13 : memref<!tpu.dma_semaphore, #tpu.memory_space<semaphore_mem>>) src(%dma_wait3A_408 : memref<128x16xf32, #tpu.memory_space<vmem>>) dst(%dma_wait3A_414 : memref<10240x16xf32, #tpu.memory_space<vmem_shared>>)
      %dma_wait3A_415 = arith.constant 1 : i32
      %dma_wait3A_416 = arith.constant 0 : i32
      %dma_wait3A_417 = arith.constant 0 : i32
      %dma_wait3A_418 = arith.constant 0 : i32
      %dma_wait3A_419 = tpu.memref_slice %arg7[%select_n3A_189, %dma_wait3A_415, %dma_wait3A_417, %dma_wait3A_418] : memref<2x8x128x16xf32, #tpu.memory_space<vmem>> -> memref<1x1x128x16xf32, #tpu.memory_space<vmem>>
      %dma_wait3A_420 = tpu.memref_squeeze %dma_wait3A_419 : memref<1x1x128x16xf32, #tpu.memory_space<vmem>> -> memref<128x16xf32, #tpu.memory_space<vmem>>
      %dma_wait3A_421 = arith.constant 0 : i32
      %dma_wait3A_422 = tpu.memref_slice %arg6[%dma_wait3A_416, %dma_wait3A_421] : memref<80x128xi32, #tpu.memory_space<vmem>> -> memref<1x128xi32, #tpu.memory_space<vmem>>
      %dma_wait3A_423 = tpu.memref_squeeze %dma_wait3A_422 : memref<1x128xi32, #tpu.memory_space<vmem>> -> memref<128xi32, #tpu.memory_space<vmem>>
      %dma_wait3A_424 = arith.constant 0 : i32
      %dma_wait3A_425 = arith.constant 0 : i32
      %dma_wait3A_426 = tpu.memref_slice %arg11[%dma_wait3A_424, %dma_wait3A_425] : memref<10240x16xf32, #tpu.memory_space<vmem_shared>> -> memref<10240x16xf32, #tpu.memory_space<vmem_shared>>
      tpu.wait_indirect_dma semaphore(%arg13 : memref<!tpu.dma_semaphore, #tpu.memory_space<semaphore_mem>>) src(%dma_wait3A_420 : memref<128x16xf32, #tpu.memory_space<vmem>>) dst(%dma_wait3A_426 : memref<10240x16xf32, #tpu.memory_space<vmem_shared>>)
      %dma_wait3A_427 = arith.constant 2 : i32
      %dma_wait3A_428 = arith.constant 0 : i32
      %dma_wait3A_429 = arith.constant 0 : i32
      %dma_wait3A_430 = arith.constant 0 : i32
      %dma_wait3A_431 = tpu.memref_slice %arg7[%select_n3A_189, %dma_wait3A_427, %dma_wait3A_429, %dma_wait3A_430] : memref<2x8x128x16xf32, #tpu.memory_space<vmem>> -> memref<1x1x128x16xf32, #tpu.memory_space<vmem>>
      %dma_wait3A_432 = tpu.memref_squeeze %dma_wait3A_431 : memref<1x1x128x16xf32, #tpu.memory_space<vmem>> -> memref<128x16xf32, #tpu.memory_space<vmem>>
      %dma_wait3A_433 = arith.constant 0 : i32
      %dma_wait3A_434 = tpu.memref_slice %arg6[%dma_wait3A_428, %dma_wait3A_433] : memref<80x128xi32, #tpu.memory_space<vmem>> -> memref<1x128xi32, #tpu.memory_space<vmem>>
      %dma_wait3A_435 = tpu.memref_squeeze %dma_wait3A_434 : memref<1x128xi32, #tpu.memory_space<vmem>> -> memref<128xi32, #tpu.memory_space<vmem>>
      %dma_wait3A_436 = arith.constant 0 : i32
      %dma_wait3A_437 = arith.constant 0 : i32
      %dma_wait3A_438 = tpu.memref_slice %arg11[%dma_wait3A_436, %dma_wait3A_437] : memref<10240x16xf32, #tpu.memory_space<vmem_shared>> -> memref<10240x16xf32, #tpu.memory_space<vmem_shared>>
      tpu.wait_indirect_dma semaphore(%arg13 : memref<!tpu.dma_semaphore, #tpu.memory_space<semaphore_mem>>) src(%dma_wait3A_432 : memref<128x16xf32, #tpu.memory_space<vmem>>) dst(%dma_wait3A_438 : memref<10240x16xf32, #tpu.memory_space<vmem_shared>>)
      %dma_wait3A_439 = arith.constant 3 : i32
      %dma_wait3A_440 = arith.constant 0 : i32
      %dma_wait3A_441 = arith.constant 0 : i32
      %dma_wait3A_442 = arith.constant 0 : i32
      %dma_wait3A_443 = tpu.memref_slice %arg7[%select_n3A_189, %dma_wait3A_439, %dma_wait3A_441, %dma_wait3A_442] : memref<2x8x128x16xf32, #tpu.memory_space<vmem>> -> memref<1x1x128x16xf32, #tpu.memory_space<vmem>>
      %dma_wait3A_444 = tpu.memref_squeeze %dma_wait3A_443 : memref<1x1x128x16xf32, #tpu.memory_space<vmem>> -> memref<128x16xf32, #tpu.memory_space<vmem>>
      %dma_wait3A_445 = arith.constant 0 : i32
      %dma_wait3A_446 = tpu.memref_slice %arg6[%dma_wait3A_440, %dma_wait3A_445] : memref<80x128xi32, #tpu.memory_space<vmem>> -> memref<1x128xi32, #tpu.memory_space<vmem>>
      %dma_wait3A_447 = tpu.memref_squeeze %dma_wait3A_446 : memref<1x128xi32, #tpu.memory_space<vmem>> -> memref<128xi32, #tpu.memory_space<vmem>>
      %dma_wait3A_448 = arith.constant 0 : i32
      %dma_wait3A_449 = arith.constant 0 : i32
      %dma_wait3A_450 = tpu.memref_slice %arg11[%dma_wait3A_448, %dma_wait3A_449] : memref<10240x16xf32, #tpu.memory_space<vmem_shared>> -> memref<10240x16xf32, #tpu.memory_space<vmem_shared>>
      tpu.wait_indirect_dma semaphore(%arg13 : memref<!tpu.dma_semaphore, #tpu.memory_space<semaphore_mem>>) src(%dma_wait3A_444 : memref<128x16xf32, #tpu.memory_space<vmem>>) dst(%dma_wait3A_450 : memref<10240x16xf32, #tpu.memory_space<vmem_shared>>)
      %dma_wait3A_451 = arith.constant 4 : i32
      %dma_wait3A_452 = arith.constant 0 : i32
      %dma_wait3A_453 = arith.constant 0 : i32
      %dma_wait3A_454 = arith.constant 0 : i32
      %dma_wait3A_455 = tpu.memref_slice %arg7[%select_n3A_189, %dma_wait3A_451, %dma_wait3A_453, %dma_wait3A_454] : memref<2x8x128x16xf32, #tpu.memory_space<vmem>> -> memref<1x1x128x16xf32, #tpu.memory_space<vmem>>
      %dma_wait3A_456 = tpu.memref_squeeze %dma_wait3A_455 : memref<1x1x128x16xf32, #tpu.memory_space<vmem>> -> memref<128x16xf32, #tpu.memory_space<vmem>>
      %dma_wait3A_457 = arith.constant 0 : i32
      %dma_wait3A_458 = tpu.memref_slice %arg6[%dma_wait3A_452, %dma_wait3A_457] : memref<80x128xi32, #tpu.memory_space<vmem>> -> memref<1x128xi32, #tpu.memory_space<vmem>>
      %dma_wait3A_459 = tpu.memref_squeeze %dma_wait3A_458 : memref<1x128xi32, #tpu.memory_space<vmem>> -> memref<128xi32, #tpu.memory_space<vmem>>
      %dma_wait3A_460 = arith.constant 0 : i32
      %dma_wait3A_461 = arith.constant 0 : i32
      %dma_wait3A_462 = tpu.memref_slice %arg11[%dma_wait3A_460, %dma_wait3A_461] : memref<10240x16xf32, #tpu.memory_space<vmem_shared>> -> memref<10240x16xf32, #tpu.memory_space<vmem_shared>>
      tpu.wait_indirect_dma semaphore(%arg13 : memref<!tpu.dma_semaphore, #tpu.memory_space<semaphore_mem>>) src(%dma_wait3A_456 : memref<128x16xf32, #tpu.memory_space<vmem>>) dst(%dma_wait3A_462 : memref<10240x16xf32, #tpu.memory_space<vmem_shared>>)
      %dma_wait3A_463 = arith.constant 5 : i32
      %dma_wait3A_464 = arith.constant 0 : i32
      %dma_wait3A_465 = arith.constant 0 : i32
      %dma_wait3A_466 = arith.constant 0 : i32
      %dma_wait3A_467 = tpu.memref_slice %arg7[%select_n3A_189, %dma_wait3A_463, %dma_wait3A_465, %dma_wait3A_466] : memref<2x8x128x16xf32, #tpu.memory_space<vmem>> -> memref<1x1x128x16xf32, #tpu.memory_space<vmem>>
      %dma_wait3A_468 = tpu.memref_squeeze %dma_wait3A_467 : memref<1x1x128x16xf32, #tpu.memory_space<vmem>> -> memref<128x16xf32, #tpu.memory_space<vmem>>
      %dma_wait3A_469 = arith.constant 0 : i32
      %dma_wait3A_470 = tpu.memref_slice %arg6[%dma_wait3A_464, %dma_wait3A_469] : memref<80x128xi32, #tpu.memory_space<vmem>> -> memref<1x128xi32, #tpu.memory_space<vmem>>
      %dma_wait3A_471 = tpu.memref_squeeze %dma_wait3A_470 : memref<1x128xi32, #tpu.memory_space<vmem>> -> memref<128xi32, #tpu.memory_space<vmem>>
      %dma_wait3A_472 = arith.constant 0 : i32
      %dma_wait3A_473 = arith.constant 0 : i32
      %dma_wait3A_474 = tpu.memref_slice %arg11[%dma_wait3A_472, %dma_wait3A_473] : memref<10240x16xf32, #tpu.memory_space<vmem_shared>> -> memref<10240x16xf32, #tpu.memory_space<vmem_shared>>
      tpu.wait_indirect_dma semaphore(%arg13 : memref<!tpu.dma_semaphore, #tpu.memory_space<semaphore_mem>>) src(%dma_wait3A_468 : memref<128x16xf32, #tpu.memory_space<vmem>>) dst(%dma_wait3A_474 : memref<10240x16xf32, #tpu.memory_space<vmem_shared>>)
      %dma_wait3A_475 = arith.constant 6 : i32
      %dma_wait3A_476 = arith.constant 0 : i32
      %dma_wait3A_477 = arith.constant 0 : i32
      %dma_wait3A_478 = arith.constant 0 : i32
      %dma_wait3A_479 = tpu.memref_slice %arg7[%select_n3A_189, %dma_wait3A_475, %dma_wait3A_477, %dma_wait3A_478] : memref<2x8x128x16xf32, #tpu.memory_space<vmem>> -> memref<1x1x128x16xf32, #tpu.memory_space<vmem>>
      %dma_wait3A_480 = tpu.memref_squeeze %dma_wait3A_479 : memref<1x1x128x16xf32, #tpu.memory_space<vmem>> -> memref<128x16xf32, #tpu.memory_space<vmem>>
      %dma_wait3A_481 = arith.constant 0 : i32
      %dma_wait3A_482 = tpu.memref_slice %arg6[%dma_wait3A_476, %dma_wait3A_481] : memref<80x128xi32, #tpu.memory_space<vmem>> -> memref<1x128xi32, #tpu.memory_space<vmem>>
      %dma_wait3A_483 = tpu.memref_squeeze %dma_wait3A_482 : memref<1x128xi32, #tpu.memory_space<vmem>> -> memref<128xi32, #tpu.memory_space<vmem>>
      %dma_wait3A_484 = arith.constant 0 : i32
      %dma_wait3A_485 = arith.constant 0 : i32
      %dma_wait3A_486 = tpu.memref_slice %arg11[%dma_wait3A_484, %dma_wait3A_485] : memref<10240x16xf32, #tpu.memory_space<vmem_shared>> -> memref<10240x16xf32, #tpu.memory_space<vmem_shared>>
      tpu.wait_indirect_dma semaphore(%arg13 : memref<!tpu.dma_semaphore, #tpu.memory_space<semaphore_mem>>) src(%dma_wait3A_480 : memref<128x16xf32, #tpu.memory_space<vmem>>) dst(%dma_wait3A_486 : memref<10240x16xf32, #tpu.memory_space<vmem_shared>>)
      %dma_wait3A_487 = arith.constant 7 : i32
      %dma_wait3A_488 = arith.constant 0 : i32
      %dma_wait3A_489 = arith.constant 0 : i32
      %dma_wait3A_490 = arith.constant 0 : i32
      %dma_wait3A_491 = tpu.memref_slice %arg7[%select_n3A_189, %dma_wait3A_487, %dma_wait3A_489, %dma_wait3A_490] : memref<2x8x128x16xf32, #tpu.memory_space<vmem>> -> memref<1x1x128x16xf32, #tpu.memory_space<vmem>>
      %dma_wait3A_492 = tpu.memref_squeeze %dma_wait3A_491 : memref<1x1x128x16xf32, #tpu.memory_space<vmem>> -> memref<128x16xf32, #tpu.memory_space<vmem>>
      %dma_wait3A_493 = arith.constant 0 : i32
      %dma_wait3A_494 = tpu.memref_slice %arg6[%dma_wait3A_488, %dma_wait3A_493] : memref<80x128xi32, #tpu.memory_space<vmem>> -> memref<1x128xi32, #tpu.memory_space<vmem>>
      %dma_wait3A_495 = tpu.memref_squeeze %dma_wait3A_494 : memref<1x128xi32, #tpu.memory_space<vmem>> -> memref<128xi32, #tpu.memory_space<vmem>>
      %dma_wait3A_496 = arith.constant 0 : i32
      %dma_wait3A_497 = arith.constant 0 : i32
      %dma_wait3A_498 = tpu.memref_slice %arg11[%dma_wait3A_496, %dma_wait3A_497] : memref<10240x16xf32, #tpu.memory_space<vmem_shared>> -> memref<10240x16xf32, #tpu.memory_space<vmem_shared>>
      tpu.wait_indirect_dma semaphore(%arg13 : memref<!tpu.dma_semaphore, #tpu.memory_space<semaphore_mem>>) src(%dma_wait3A_492 : memref<128x16xf32, #tpu.memory_space<vmem>>) dst(%dma_wait3A_498 : memref<10240x16xf32, #tpu.memory_space<vmem_shared>>)
    }
    %scan3A_168 = arith.constant 10 : i32
    %barrier3A_169 = arith.constant 0 : index
    tpu.barrier barrier_id(%barrier3A_169)
    %mul3A_170 = arith.constant 640 : i32
    %mul3A_171 = arith.muli %arg1, %mul3A_170 : i32
    "tpu.region"() ({
      %run_scoped3A = tpu.sem_alloc : memref<!tpu.dma_semaphore, #tpu.memory_space<semaphore_mem>>
      %dma_start3A_180 = arith.constant 0 : i32
      %dma_start3A_181 = tpu.memref_slice %arg11[%mul3A_171, %dma_start3A_180] : memref<10240x16xf32, #tpu.memory_space<vmem_shared>> -> memref<640x16xf32, #tpu.memory_space<vmem_shared>>
      %dma_start3A_182 = arith.constant 0 : i32
      %dma_start3A_183 = tpu.memref_slice %arg11[%mul3A_171, %dma_start3A_182] : memref<10240x16xf32, #tpu.memory_space<vmem_shared>> -> memref<640x16xf32, #tpu.memory_space<vmem_shared>>
      tpu.enqueue_dma source(%dma_start3A_183 : memref<640x16xf32, #tpu.memory_space<vmem_shared>>) target(%arg8 : memref<640x16xf32, #tpu.memory_space<vmem>>) target_semaphore(%run_scoped3A : memref<!tpu.dma_semaphore, #tpu.memory_space<semaphore_mem>>)
      %dma_wait3A_184 = arith.constant 0 : i32
      %dma_wait3A_185 = tpu.memref_slice %arg11[%mul3A_171, %dma_wait3A_184] : memref<10240x16xf32, #tpu.memory_space<vmem_shared>> -> memref<640x16xf32, #tpu.memory_space<vmem_shared>>
      %dma_wait3A_186 = arith.constant 0 : i32
      %dma_wait3A_187 = tpu.memref_slice %arg11[%mul3A_171, %dma_wait3A_186] : memref<10240x16xf32, #tpu.memory_space<vmem_shared>> -> memref<640x16xf32, #tpu.memory_space<vmem_shared>>
      tpu.wait_dma2 semaphore(%run_scoped3A : memref<!tpu.dma_semaphore, #tpu.memory_space<semaphore_mem>>) src(%dma_wait3A_187 : memref<640x16xf32, #tpu.memory_space<vmem_shared>>) dst(%arg8 : memref<640x16xf32, #tpu.memory_space<vmem>>)
      tpu.yield
    }) : () -> ()
    %scan3A_172 = arith.constant 0 : i32
    %scan3A_173 = arith.constant 0 : i32
    %scan3A_174 = arith.constant 80 : i32
    %scan3A_175 = arith.addi %scan3A_173, %scan3A_174 : i32
    %scan3A_176 = arith.constant 1 : i32
    scf.for %scan3A_180 = %scan3A_173 to %scan3A_175 step %scan3A_176  : i32 {
      %mul3A_181 = arith.constant 8 : i32
      %mul3A_182 = arith.muli %scan3A_180, %mul3A_181 : i32
      %add3A_183 = arith.constant 0 : i32
      %add3A_184 = arith.addi %mul3A_182, %add3A_183 : i32
      %get3A = arith.index_cast %add3A_184 : i32 to index
      %get3A_185 = arith.constant 0 : index
      %get3A_186 = tpu.vector_load %arg8[%get3A, %get3A_185] {strides = array<i32>} : memref<640x16xf32, #tpu.memory_space<vmem>>, vector<16xf32>,
      %swap3A = arith.index_cast %scan3A_180 : i32 to index
      %swap3A_187 = arith.constant 0 : index
      %swap3A_188 = tpu.vector_load %arg9[%swap3A, %swap3A_187] {strides = array<i32>} : memref<80x128xf32, #tpu.memory_space<vmem>>, vector<16xf32>,
      tpu.vector_store %arg9[%swap3A, %swap3A_187], %get3A_186 {strides = array<i32>} : memref<80x128xf32, #tpu.memory_space<vmem>>, vector<16xf32>,
      %mul3A_189 = arith.constant 8 : i32
      %mul3A_190 = arith.muli %scan3A_180, %mul3A_189 : i32
      %add3A_191 = arith.constant 1 : i32
      %add3A_192 = arith.addi %mul3A_190, %add3A_191 : i32
      %get3A_193 = arith.index_cast %add3A_192 : i32 to index
      %get3A_194 = arith.constant 0 : index
      %get3A_195 = tpu.vector_load %arg8[%get3A_193, %get3A_194] {strides = array<i32>} : memref<640x16xf32, #tpu.memory_space<vmem>>, vector<16xf32>,
      %swap3A_196 = arith.index_cast %scan3A_180 : i32 to index
      %swap3A_197 = arith.constant 16 : index
      %swap3A_198 = tpu.vector_load %arg9[%swap3A_196, %swap3A_197] {strides = array<i32>} : memref<80x128xf32, #tpu.memory_space<vmem>>, vector<16xf32>,
      tpu.vector_store %arg9[%swap3A_196, %swap3A_197], %get3A_195 {strides = array<i32>} : memref<80x128xf32, #tpu.memory_space<vmem>>, vector<16xf32>,
      %mul3A_199 = arith.constant 8 : i32
      %mul3A_200 = arith.muli %scan3A_180, %mul3A_199 : i32
      %add3A_201 = arith.constant 2 : i32
      %add3A_202 = arith.addi %mul3A_200, %add3A_201 : i32
      %get3A_203 = arith.index_cast %add3A_202 : i32 to index
      %get3A_204 = arith.constant 0 : index
      %get3A_205 = tpu.vector_load %arg8[%get3A_203, %get3A_204] {strides = array<i32>} : memref<640x16xf32, #tpu.memory_space<vmem>>, vector<16xf32>,
      %swap3A_206 = arith.index_cast %scan3A_180 : i32 to index
      %swap3A_207 = arith.constant 32 : index
      %swap3A_208 = tpu.vector_load %arg9[%swap3A_206, %swap3A_207] {strides = array<i32>} : memref<80x128xf32, #tpu.memory_space<vmem>>, vector<16xf32>,
      tpu.vector_store %arg9[%swap3A_206, %swap3A_207], %get3A_205 {strides = array<i32>} : memref<80x128xf32, #tpu.memory_space<vmem>>, vector<16xf32>,
      %mul3A_209 = arith.constant 8 : i32
      %mul3A_210 = arith.muli %scan3A_180, %mul3A_209 : i32
      %add3A_211 = arith.constant 3 : i32
      %add3A_212 = arith.addi %mul3A_210, %add3A_211 : i32
      %get3A_213 = arith.index_cast %add3A_212 : i32 to index
      %get3A_214 = arith.constant 0 : index
      %get3A_215 = tpu.vector_load %arg8[%get3A_213, %get3A_214] {strides = array<i32>} : memref<640x16xf32, #tpu.memory_space<vmem>>, vector<16xf32>,
      %swap3A_216 = arith.index_cast %scan3A_180 : i32 to index
      %swap3A_217 = arith.constant 48 : index
      %swap3A_218 = tpu.vector_load %arg9[%swap3A_216, %swap3A_217] {strides = array<i32>} : memref<80x128xf32, #tpu.memory_space<vmem>>, vector<16xf32>,
      tpu.vector_store %arg9[%swap3A_216, %swap3A_217], %get3A_215 {strides = array<i32>} : memref<80x128xf32, #tpu.memory_space<vmem>>, vector<16xf32>,
      %mul3A_219 = arith.constant 8 : i32
      %mul3A_220 = arith.muli %scan3A_180, %mul3A_219 : i32
      %add3A_221 = arith.constant 4 : i32
      %add3A_222 = arith.addi %mul3A_220, %add3A_221 : i32
      %get3A_223 = arith.index_cast %add3A_222 : i32 to index
      %get3A_224 = arith.constant 0 : index
      %get3A_225 = tpu.vector_load %arg8[%get3A_223, %get3A_224] {strides = array<i32>} : memref<640x16xf32, #tpu.memory_space<vmem>>, vector<16xf32>,
      %swap3A_226 = arith.index_cast %scan3A_180 : i32 to index
      %swap3A_227 = arith.constant 64 : index
      %swap3A_228 = tpu.vector_load %arg9[%swap3A_226, %swap3A_227] {strides = array<i32>} : memref<80x128xf32, #tpu.memory_space<vmem>>, vector<16xf32>,
      tpu.vector_store %arg9[%swap3A_226, %swap3A_227], %get3A_225 {strides = array<i32>} : memref<80x128xf32, #tpu.memory_space<vmem>>, vector<16xf32>,
      %mul3A_229 = arith.constant 8 : i32
      %mul3A_230 = arith.muli %scan3A_180, %mul3A_229 : i32
      %add3A_231 = arith.constant 5 : i32
      %add3A_232 = arith.addi %mul3A_230, %add3A_231 : i32
      %get3A_233 = arith.index_cast %add3A_232 : i32 to index
      %get3A_234 = arith.constant 0 : index
      %get3A_235 = tpu.vector_load %arg8[%get3A_233, %get3A_234] {strides = array<i32>} : memref<640x16xf32, #tpu.memory_space<vmem>>, vector<16xf32>,
      %swap3A_236 = arith.index_cast %scan3A_180 : i32 to index
      %swap3A_237 = arith.constant 80 : index
      %swap3A_238 = tpu.vector_load %arg9[%swap3A_236, %swap3A_237] {strides = array<i32>} : memref<80x128xf32, #tpu.memory_space<vmem>>, vector<16xf32>,
      tpu.vector_store %arg9[%swap3A_236, %swap3A_237], %get3A_235 {strides = array<i32>} : memref<80x128xf32, #tpu.memory_space<vmem>>, vector<16xf32>,
      %mul3A_239 = arith.constant 8 : i32
      %mul3A_240 = arith.muli %scan3A_180, %mul3A_239 : i32
      %add3A_241 = arith.constant 6 : i32
      %add3A_242 = arith.addi %mul3A_240, %add3A_241 : i32
      %get3A_243 = arith.index_cast %add3A_242 : i32 to index
      %get3A_244 = arith.constant 0 : index
      %get3A_245 = tpu.vector_load %arg8[%get3A_243, %get3A_244] {strides = array<i32>} : memref<640x16xf32, #tpu.memory_space<vmem>>, vector<16xf32>,
      %swap3A_246 = arith.index_cast %scan3A_180 : i32 to index
      %swap3A_247 = arith.constant 96 : index
      %swap3A_248 = tpu.vector_load %arg9[%swap3A_246, %swap3A_247] {strides = array<i32>} : memref<80x128xf32, #tpu.memory_space<vmem>>, vector<16xf32>,
      tpu.vector_store %arg9[%swap3A_246, %swap3A_247], %get3A_245 {strides = array<i32>} : memref<80x128xf32, #tpu.memory_space<vmem>>, vector<16xf32>,
      %mul3A_249 = arith.constant 8 : i32
      %mul3A_250 = arith.muli %scan3A_180, %mul3A_249 : i32
      %add3A_251 = arith.constant 7 : i32
      %add3A_252 = arith.addi %mul3A_250, %add3A_251 : i32
      %get3A_253 = arith.index_cast %add3A_252 : i32 to index
      %get3A_254 = arith.constant 0 : index
      %get3A_255 = tpu.vector_load %arg8[%get3A_253, %get3A_254] {strides = array<i32>} : memref<640x16xf32, #tpu.memory_space<vmem>>, vector<16xf32>,
      %swap3A_256 = arith.index_cast %scan3A_180 : i32 to index
      %swap3A_257 = arith.constant 112 : index
      %swap3A_258 = tpu.vector_load %arg9[%swap3A_256, %swap3A_257] {strides = array<i32>} : memref<80x128xf32, #tpu.memory_space<vmem>>, vector<16xf32>,
      tpu.vector_store %arg9[%swap3A_256, %swap3A_257], %get3A_255 {strides = array<i32>} : memref<80x128xf32, #tpu.memory_space<vmem>>, vector<16xf32>,
    }
    %scan3A_177 = arith.constant 80 : i32
    %mul3A_178 = arith.constant 80 : i32
    %mul3A_179 = arith.muli %arg1, %mul3A_178 : i32
    "tpu.region"() ({
      %run_scoped3A = tpu.sem_alloc : memref<!tpu.dma_semaphore, #tpu.memory_space<semaphore_mem>>
      %dma_start3A_180 = arith.constant 0 : i32
      %dma_start3A_181 = tpu.memref_slice %arg4[%arg0, %mul3A_179, %dma_start3A_180] : memref<2x1280x128xf32, #tpu.memory_space<hbm>> -> memref<1x80x128xf32, #tpu.memory_space<hbm>>
      %dma_start3A_182 = tpu.memref_squeeze %dma_start3A_181 : memref<1x80x128xf32, #tpu.memory_space<hbm>> -> memref<80x128xf32, #tpu.memory_space<hbm>>
      %dma_start3A_183 = arith.constant 0 : i32
      %dma_start3A_184 = tpu.memref_slice %arg4[%arg0, %mul3A_179, %dma_start3A_183] : memref<2x1280x128xf32, #tpu.memory_space<hbm>> -> memref<1x80x128xf32, #tpu.memory_space<hbm>>
      %dma_start3A_185 = tpu.memref_squeeze %dma_start3A_184 : memref<1x80x128xf32, #tpu.memory_space<hbm>> -> memref<80x128xf32, #tpu.memory_space<hbm>>
      tpu.enqueue_dma source(%arg9 : memref<80x128xf32, #tpu.memory_space<vmem>>) target(%dma_start3A_185 : memref<80x128xf32, #tpu.memory_space<hbm>>) target_semaphore(%run_scoped3A : memref<!tpu.dma_semaphore, #tpu.memory_space<semaphore_mem>>)
      %dma_wait3A_186 = arith.constant 0 : i32
      %dma_wait3A_187 = tpu.memref_slice %arg4[%arg0, %mul3A_179, %dma_wait3A_186] : memref<2x1280x128xf32, #tpu.memory_space<hbm>> -> memref<1x80x128xf32, #tpu.memory_space<hbm>>
      %dma_wait3A_188 = tpu.memref_squeeze %dma_wait3A_187 : memref<1x80x128xf32, #tpu.memory_space<hbm>> -> memref<80x128xf32, #tpu.memory_space<hbm>>
      %dma_wait3A_189 = arith.constant 0 : i32
      %dma_wait3A_190 = tpu.memref_slice %arg4[%arg0, %mul3A_179, %dma_wait3A_189] : memref<2x1280x128xf32, #tpu.memory_space<hbm>> -> memref<1x80x128xf32, #tpu.memory_space<hbm>>
      %dma_wait3A_191 = tpu.memref_squeeze %dma_wait3A_190 : memref<1x80x128xf32, #tpu.memory_space<hbm>> -> memref<80x128xf32, #tpu.memory_space<hbm>>
      tpu.wait_dma2 semaphore(%run_scoped3A : memref<!tpu.dma_semaphore, #tpu.memory_space<semaphore_mem>>) src(%arg9 : memref<80x128xf32, #tpu.memory_space<vmem>>) dst(%dma_wait3A_191 : memref<80x128xf32, #tpu.memory_space<hbm>>)
      tpu.yield
    }) : () -> ()
    return
  }
}

#map = affine_map<(d0, d1) -> (0, 0)>
#map1 = affine_map<(d0, d1) -> (0, 0, 0)>
module attributes {stable_mosaic.version = 14 : i64} {
  func.func @_agg_kernel(%arg0: i32, %arg1: i32, %arg2: memref<10240x16xf32, #tpu.memory_space<hbm>>, %arg3: memref<2x2560x128xi32, #tpu.memory_space<hbm>>, %arg4: memref<2x1280x128xf32, #tpu.memory_space<hbm>>, %arg5: memref<80x128xi32, #tpu.memory_space<vmem>>, %arg6: memref<80x128xi32, #tpu.memory_space<vmem>>, %arg7: memref<2x8x128x16xf32, #tpu.memory_space<vmem>>, %arg8: memref<640x16xf32, #tpu.memory_space<vmem>>, %arg9: memref<80x128xf32, #tpu.memory_space<vmem>>, %arg10: memref<10240x16xf32, #tpu.memory_space<vmem_shared>>, %arg11: memref<10240x16xf32, #tpu.memory_space<vmem_shared>>, %arg12: memref<!tpu.dma_semaphore, #tpu.memory_space<semaphore_mem>>, %arg13: memref<!tpu.dma_semaphore, #tpu.memory_space<semaphore_mem>>) attributes {dimension_semantics = [#tpu.dimension_semantics<core_parallel>, #tpu.dimension_semantics<subcore_parallel>], iteration_bounds = array<i64: 2, 16>, scalar_prefetch = 0 : i64, scratch_operands = 9 : i64, tpu.core_type = #tpu.core_type<sc_vector_subcore>, window_params = [{transform_indices = #map}, {transform_indices = #map1}, {transform_indices = #map1}]} {
    %mul3A = arith.constant 16 : i32
    %mul3A_0 = arith.muli %arg0, %mul3A : i32
    %add3A = arith.addi %mul3A_0, %arg1 : i32
    %mul3A_1 = arith.constant 80 : i32
    %mul3A_2 = arith.muli %add3A, %mul3A_1 : i32
    %dma_start3A = arith.constant 0 : i32
    %dma_start3A_3 = arith.constant 0 : i32
    %dma_start3A_4 = tpu.memref_slice %arg3[%dma_start3A, %mul3A_2, %dma_start3A_3] : memref<2x2560x128xi32, #tpu.memory_space<hbm>> -> memref<1x80x128xi32, #tpu.memory_space<hbm>>
    %dma_start3A_5 = tpu.memref_squeeze %dma_start3A_4 : memref<1x80x128xi32, #tpu.memory_space<hbm>> -> memref<80x128xi32, #tpu.memory_space<hbm>>
    %dma_start3A_6 = arith.constant 0 : i32
    %dma_start3A_7 = tpu.memref_slice %arg3[%dma_start3A, %mul3A_2, %dma_start3A_6] : memref<2x2560x128xi32, #tpu.memory_space<hbm>> -> memref<1x80x128xi32, #tpu.memory_space<hbm>>
    %dma_start3A_8 = tpu.memref_squeeze %dma_start3A_7 : memref<1x80x128xi32, #tpu.memory_space<hbm>> -> memref<80x128xi32, #tpu.memory_space<hbm>>
    tpu.enqueue_dma source(%dma_start3A_8 : memref<80x128xi32, #tpu.memory_space<hbm>>) target(%arg5 : memref<80x128xi32, #tpu.memory_space<vmem>>) target_semaphore(%arg12 : memref<!tpu.dma_semaphore, #tpu.memory_space<semaphore_mem>>)
    %mul3A_9 = arith.constant 80 : i32
    %mul3A_10 = arith.muli %add3A, %mul3A_9 : i32
    %dma_start3A_11 = arith.constant 1 : i32
    %dma_start3A_12 = arith.constant 0 : i32
    %dma_start3A_13 = tpu.memref_slice %arg3[%dma_start3A_11, %mul3A_10, %dma_start3A_12] : memref<2x2560x128xi32, #tpu.memory_space<hbm>> -> memref<1x80x128xi32, #tpu.memory_space<hbm>>
    %dma_start3A_14 = tpu.memref_squeeze %dma_start3A_13 : memref<1x80x128xi32, #tpu.memory_space<hbm>> -> memref<80x128xi32, #tpu.memory_space<hbm>>
    %dma_start3A_15 = arith.constant 0 : i32
    %dma_start3A_16 = tpu.memref_slice %arg3[%dma_start3A_11, %mul3A_10, %dma_start3A_15] : memref<2x2560x128xi32, #tpu.memory_space<hbm>> -> memref<1x80x128xi32, #tpu.memory_space<hbm>>
    %dma_start3A_17 = tpu.memref_squeeze %dma_start3A_16 : memref<1x80x128xi32, #tpu.memory_space<hbm>> -> memref<80x128xi32, #tpu.memory_space<hbm>>
    tpu.enqueue_dma source(%dma_start3A_17 : memref<80x128xi32, #tpu.memory_space<hbm>>) target(%arg6 : memref<80x128xi32, #tpu.memory_space<vmem>>) target_semaphore(%arg12 : memref<!tpu.dma_semaphore, #tpu.memory_space<semaphore_mem>>)
    %mul3A_18 = arith.constant 640 : i32
    %mul3A_19 = arith.muli %arg1, %mul3A_18 : i32
    %mul3A_20 = arith.constant 640 : i32
    %mul3A_21 = arith.muli %arg1, %mul3A_20 : i32
    %dma_start3A_22 = arith.constant 0 : i32
    %dma_start3A_23 = tpu.memref_slice %arg10[%mul3A_21, %dma_start3A_22] : memref<10240x16xf32, #tpu.memory_space<vmem_shared>> -> memref<640x16xf32, #tpu.memory_space<vmem_shared>>
    %dma_start3A_24 = arith.constant 0 : i32
    %dma_start3A_25 = tpu.memref_slice %arg2[%mul3A_19, %dma_start3A_24] : memref<10240x16xf32, #tpu.memory_space<hbm>> -> memref<640x16xf32, #tpu.memory_space<hbm>>
    tpu.enqueue_dma source(%dma_start3A_25 : memref<640x16xf32, #tpu.memory_space<hbm>>) target(%dma_start3A_23 : memref<640x16xf32, #tpu.memory_space<vmem_shared>>) target_semaphore(%arg12 : memref<!tpu.dma_semaphore, #tpu.memory_space<semaphore_mem>>)
    %broadcast_in_dim3A = arith.constant 0.000000e+00 : f32
    %broadcast_in_dim3A_26 = vector.broadcast %broadcast_in_dim3A : f32 to vector<16xf32>
    %scan3A = arith.constant 0 : i32
    %scan3A_27 = arith.constant 0 : i32
    %scan3A_28 = arith.constant 160 : i32
    %scan3A_29 = arith.addi %scan3A_27, %scan3A_28 : i32
    %scan3A_30 = arith.constant 1 : i32
    scf.for %scan3A_180 = %scan3A_27 to %scan3A_29 step %scan3A_30  : i32 {
      %mul3A_181 = arith.constant 4 : i32
      %mul3A_182 = arith.muli %scan3A_180, %mul3A_181 : i32
      %add3A_183 = arith.constant 0 : i32
      %add3A_184 = arith.addi %mul3A_182, %add3A_183 : i32
      %swap3A = arith.index_cast %add3A_184 : i32 to index
      %swap3A_185 = arith.constant 0 : index
      %swap3A_186 = tpu.vector_load %arg8[%swap3A, %swap3A_185] {strides = array<i32>} : memref<640x16xf32, #tpu.memory_space<vmem>>, vector<16xf32>,
      tpu.vector_store %arg8[%swap3A, %swap3A_185], %broadcast_in_dim3A_26 {strides = array<i32>} : memref<640x16xf32, #tpu.memory_space<vmem>>, vector<16xf32>,
      %mul3A_187 = arith.constant 4 : i32
      %mul3A_188 = arith.muli %scan3A_180, %mul3A_187 : i32
      %add3A_189 = arith.constant 1 : i32
      %add3A_190 = arith.addi %mul3A_188, %add3A_189 : i32
      %swap3A_191 = arith.index_cast %add3A_190 : i32 to index
      %swap3A_192 = arith.constant 0 : index
      %swap3A_193 = tpu.vector_load %arg8[%swap3A_191, %swap3A_192] {strides = array<i32>} : memref<640x16xf32, #tpu.memory_space<vmem>>, vector<16xf32>,
      tpu.vector_store %arg8[%swap3A_191, %swap3A_192], %broadcast_in_dim3A_26 {strides = array<i32>} : memref<640x16xf32, #tpu.memory_space<vmem>>, vector<16xf32>,
      %mul3A_194 = arith.constant 4 : i32
      %mul3A_195 = arith.muli %scan3A_180, %mul3A_194 : i32
      %add3A_196 = arith.constant 2 : i32
      %add3A_197 = arith.addi %mul3A_195, %add3A_196 : i32
      %swap3A_198 = arith.index_cast %add3A_197 : i32 to index
      %swap3A_199 = arith.constant 0 : index
      %swap3A_200 = tpu.vector_load %arg8[%swap3A_198, %swap3A_199] {strides = array<i32>} : memref<640x16xf32, #tpu.memory_space<vmem>>, vector<16xf32>,
      tpu.vector_store %arg8[%swap3A_198, %swap3A_199], %broadcast_in_dim3A_26 {strides = array<i32>} : memref<640x16xf32, #tpu.memory_space<vmem>>, vector<16xf32>,
      %mul3A_201 = arith.constant 4 : i32
      %mul3A_202 = arith.muli %scan3A_180, %mul3A_201 : i32
      %add3A_203 = arith.constant 3 : i32
      %add3A_204 = arith.addi %mul3A_202, %add3A_203 : i32
      %swap3A_205 = arith.index_cast %add3A_204 : i32 to index
      %swap3A_206 = arith.constant 0 : index
      %swap3A_207 = tpu.vector_load %arg8[%swap3A_205, %swap3A_206] {strides = array<i32>} : memref<640x16xf32, #tpu.memory_space<vmem>>, vector<16xf32>,
      tpu.vector_store %arg8[%swap3A_205, %swap3A_206], %broadcast_in_dim3A_26 {strides = array<i32>} : memref<640x16xf32, #tpu.memory_space<vmem>>, vector<16xf32>,
    }
    %scan3A_31 = arith.constant 160 : i32
    %mul3A_32 = arith.constant 80 : i32
    %mul3A_33 = arith.muli %add3A, %mul3A_32 : i32
    %dma_wait3A = arith.constant 0 : i32
    %dma_wait3A_34 = arith.constant 0 : i32
    %dma_wait3A_35 = tpu.memref_slice %arg3[%dma_wait3A, %mul3A_33, %dma_wait3A_34] : memref<2x2560x128xi32, #tpu.memory_space<hbm>> -> memref<1x80x128xi32, #tpu.memory_space<hbm>>
    %dma_wait3A_36 = tpu.memref_squeeze %dma_wait3A_35 : memref<1x80x128xi32, #tpu.memory_space<hbm>> -> memref<80x128xi32, #tpu.memory_space<hbm>>
    %dma_wait3A_37 = arith.constant 0 : i32
    %dma_wait3A_38 = tpu.memref_slice %arg3[%dma_wait3A, %mul3A_33, %dma_wait3A_37] : memref<2x2560x128xi32, #tpu.memory_space<hbm>> -> memref<1x80x128xi32, #tpu.memory_space<hbm>>
    %dma_wait3A_39 = tpu.memref_squeeze %dma_wait3A_38 : memref<1x80x128xi32, #tpu.memory_space<hbm>> -> memref<80x128xi32, #tpu.memory_space<hbm>>
    tpu.wait_dma2 semaphore(%arg12 : memref<!tpu.dma_semaphore, #tpu.memory_space<semaphore_mem>>) src(%dma_wait3A_39 : memref<80x128xi32, #tpu.memory_space<hbm>>) dst(%arg5 : memref<80x128xi32, #tpu.memory_space<vmem>>)
    %mul3A_40 = arith.constant 80 : i32
    %mul3A_41 = arith.muli %add3A, %mul3A_40 : i32
    %dma_wait3A_42 = arith.constant 1 : i32
    %dma_wait3A_43 = arith.constant 0 : i32
    %dma_wait3A_44 = tpu.memref_slice %arg3[%dma_wait3A_42, %mul3A_41, %dma_wait3A_43] : memref<2x2560x128xi32, #tpu.memory_space<hbm>> -> memref<1x80x128xi32, #tpu.memory_space<hbm>>
    %dma_wait3A_45 = tpu.memref_squeeze %dma_wait3A_44 : memref<1x80x128xi32, #tpu.memory_space<hbm>> -> memref<80x128xi32, #tpu.memory_space<hbm>>
    %dma_wait3A_46 = arith.constant 0 : i32
    %dma_wait3A_47 = tpu.memref_slice %arg3[%dma_wait3A_42, %mul3A_41, %dma_wait3A_46] : memref<2x2560x128xi32, #tpu.memory_space<hbm>> -> memref<1x80x128xi32, #tpu.memory_space<hbm>>
    %dma_wait3A_48 = tpu.memref_squeeze %dma_wait3A_47 : memref<1x80x128xi32, #tpu.memory_space<hbm>> -> memref<80x128xi32, #tpu.memory_space<hbm>>
    tpu.wait_dma2 semaphore(%arg12 : memref<!tpu.dma_semaphore, #tpu.memory_space<semaphore_mem>>) src(%dma_wait3A_48 : memref<80x128xi32, #tpu.memory_space<hbm>>) dst(%arg6 : memref<80x128xi32, #tpu.memory_space<vmem>>)
    %mul3A_49 = arith.constant 640 : i32
    %mul3A_50 = arith.muli %arg1, %mul3A_49 : i32
    %mul3A_51 = arith.constant 640 : i32
    %mul3A_52 = arith.muli %arg1, %mul3A_51 : i32
    %dma_wait3A_53 = arith.constant 0 : i32
    %dma_wait3A_54 = tpu.memref_slice %arg10[%mul3A_52, %dma_wait3A_53] : memref<10240x16xf32, #tpu.memory_space<vmem_shared>> -> memref<640x16xf32, #tpu.memory_space<vmem_shared>>
    %dma_wait3A_55 = arith.constant 0 : i32
    %dma_wait3A_56 = tpu.memref_slice %arg2[%mul3A_50, %dma_wait3A_55] : memref<10240x16xf32, #tpu.memory_space<hbm>> -> memref<640x16xf32, #tpu.memory_space<hbm>>
    tpu.wait_dma2 semaphore(%arg12 : memref<!tpu.dma_semaphore, #tpu.memory_space<semaphore_mem>>) src(%dma_wait3A_56 : memref<640x16xf32, #tpu.memory_space<hbm>>) dst(%dma_wait3A_54 : memref<640x16xf32, #tpu.memory_space<vmem_shared>>)
    %mul3A_57 = arith.constant 640 : i32
    %mul3A_58 = arith.muli %arg1, %mul3A_57 : i32
    "tpu.region"() ({
      %run_scoped3A = tpu.sem_alloc : memref<!tpu.dma_semaphore, #tpu.memory_space<semaphore_mem>>
      %dma_start3A_180 = arith.constant 0 : i32
      %dma_start3A_181 = tpu.memref_slice %arg11[%mul3A_58, %dma_start3A_180] : memref<10240x16xf32, #tpu.memory_space<vmem_shared>> -> memref<640x16xf32, #tpu.memory_space<vmem_shared>>
      %dma_start3A_182 = arith.constant 0 : i32
      %dma_start3A_183 = tpu.memref_slice %arg11[%mul3A_58, %dma_start3A_182] : memref<10240x16xf32, #tpu.memory_space<vmem_shared>> -> memref<640x16xf32, #tpu.memory_space<vmem_shared>>
      tpu.enqueue_dma source(%arg8 : memref<640x16xf32, #tpu.memory_space<vmem>>) target(%dma_start3A_183 : memref<640x16xf32, #tpu.memory_space<vmem_shared>>) target_semaphore(%run_scoped3A : memref<!tpu.dma_semaphore, #tpu.memory_space<semaphore_mem>>)
      %dma_wait3A_184 = arith.constant 0 : i32
      %dma_wait3A_185 = tpu.memref_slice %arg11[%mul3A_58, %dma_wait3A_184] : memref<10240x16xf32, #tpu.memory_space<vmem_shared>> -> memref<640x16xf32, #tpu.memory_space<vmem_shared>>
      %dma_wait3A_186 = arith.constant 0 : i32
      %dma_wait3A_187 = tpu.memref_slice %arg11[%mul3A_58, %dma_wait3A_186] : memref<10240x16xf32, #tpu.memory_space<vmem_shared>> -> memref<640x16xf32, #tpu.memory_space<vmem_shared>>
      tpu.wait_dma2 semaphore(%run_scoped3A : memref<!tpu.dma_semaphore, #tpu.memory_space<semaphore_mem>>) src(%arg8 : memref<640x16xf32, #tpu.memory_space<vmem>>) dst(%dma_wait3A_187 : memref<640x16xf32, #tpu.memory_space<vmem_shared>>)
      tpu.yield
    }) : () -> ()
    %barrier3A = arith.constant 0 : index
    tpu.barrier barrier_id(%barrier3A)
    %dma_start3A_59 = arith.constant 0 : i32
    %dma_start3A_60 = arith.constant 0 : i32
    %dma_start3A_61 = arith.constant 0 : i32
    %dma_start3A_62 = arith.constant 0 : i32
    %dma_start3A_63 = arith.constant 0 : i32
    %dma_start3A_64 = tpu.memref_slice %arg7[%dma_start3A_60, %dma_start3A_61, %dma_start3A_62, %dma_start3A_63] : memref<2x8x128x16xf32, #tpu.memory_space<vmem>> -> memref<1x1x128x16xf32, #tpu.memory_space<vmem>>
    %dma_start3A_65 = tpu.memref_squeeze %dma_start3A_64 : memref<1x1x128x16xf32, #tpu.memory_space<vmem>> -> memref<128x16xf32, #tpu.memory_space<vmem>>
    %dma_start3A_66 = arith.constant 0 : i32
    %dma_start3A_67 = tpu.memref_slice %arg5[%dma_start3A_59, %dma_start3A_66] : memref<80x128xi32, #tpu.memory_space<vmem>> -> memref<1x128xi32, #tpu.memory_space<vmem>>
    %dma_start3A_68 = tpu.memref_squeeze %dma_start3A_67 : memref<1x128xi32, #tpu.memory_space<vmem>> -> memref<128xi32, #tpu.memory_space<vmem>>
    %dma_start3A_69 = arith.constant 0 : i32
    %dma_start3A_70 = arith.constant 0 : i32
    %dma_start3A_71 = tpu.memref_slice %arg10[%dma_start3A_69, %dma_start3A_70] : memref<10240x16xf32, #tpu.memory_space<vmem_shared>> -> memref<10240x16xf32, #tpu.memory_space<vmem_shared>>
    tpu.enqueue_indirect_dma source(%dma_start3A_71 : memref<10240x16xf32, #tpu.memory_space<vmem_shared>>) target(%dma_start3A_65 : memref<128x16xf32, #tpu.memory_space<vmem>>) offsets(%dma_start3A_68 : memref<128xi32, #tpu.memory_space<vmem>>) semaphore(%arg12 : memref<!tpu.dma_semaphore, #tpu.memory_space<semaphore_mem>>)
    %dma_start3A_72 = arith.constant 1 : i32
    %dma_start3A_73 = arith.constant 0 : i32
    %dma_start3A_74 = arith.constant 1 : i32
    %dma_start3A_75 = arith.constant 0 : i32
    %dma_start3A_76 = arith.constant 0 : i32
    %dma_start3A_77 = tpu.memref_slice %arg7[%dma_start3A_73, %dma_start3A_74, %dma_start3A_75, %dma_start3A_76] : memref<2x8x128x16xf32, #tpu.memory_space<vmem>> -> memref<1x1x128x16xf32, #tpu.memory_space<vmem>>
    %dma_start3A_78 = tpu.memref_squeeze %dma_start3A_77 : memref<1x1x128x16xf32, #tpu.memory_space<vmem>> -> memref<128x16xf32, #tpu.memory_space<vmem>>
    %dma_start3A_79 = arith.constant 0 : i32
    %dma_start3A_80 = tpu.memref_slice %arg5[%dma_start3A_72, %dma_start3A_79] : memref<80x128xi32, #tpu.memory_space<vmem>> -> memref<1x128xi32, #tpu.memory_space<vmem>>
    %dma_start3A_81 = tpu.memref_squeeze %dma_start3A_80 : memref<1x128xi32, #tpu.memory_space<vmem>> -> memref<128xi32, #tpu.memory_space<vmem>>
    %dma_start3A_82 = arith.constant 0 : i32
    %dma_start3A_83 = arith.constant 0 : i32
    %dma_start3A_84 = tpu.memref_slice %arg10[%dma_start3A_82, %dma_start3A_83] : memref<10240x16xf32, #tpu.memory_space<vmem_shared>> -> memref<10240x16xf32, #tpu.memory_space<vmem_shared>>
    tpu.enqueue_indirect_dma source(%dma_start3A_84 : memref<10240x16xf32, #tpu.memory_space<vmem_shared>>) target(%dma_start3A_78 : memref<128x16xf32, #tpu.memory_space<vmem>>) offsets(%dma_start3A_81 : memref<128xi32, #tpu.memory_space<vmem>>) semaphore(%arg12 : memref<!tpu.dma_semaphore, #tpu.memory_space<semaphore_mem>>)
    %dma_start3A_85 = arith.constant 2 : i32
    %dma_start3A_86 = arith.constant 0 : i32
    %dma_start3A_87 = arith.constant 2 : i32
    %dma_start3A_88 = arith.constant 0 : i32
    %dma_start3A_89 = arith.constant 0 : i32
    %dma_start3A_90 = tpu.memref_slice %arg7[%dma_start3A_86, %dma_start3A_87, %dma_start3A_88, %dma_start3A_89] : memref<2x8x128x16xf32, #tpu.memory_space<vmem>> -> memref<1x1x128x16xf32, #tpu.memory_space<vmem>>
    %dma_start3A_91 = tpu.memref_squeeze %dma_start3A_90 : memref<1x1x128x16xf32, #tpu.memory_space<vmem>> -> memref<128x16xf32, #tpu.memory_space<vmem>>
    %dma_start3A_92 = arith.constant 0 : i32
    %dma_start3A_93 = tpu.memref_slice %arg5[%dma_start3A_85, %dma_start3A_92] : memref<80x128xi32, #tpu.memory_space<vmem>> -> memref<1x128xi32, #tpu.memory_space<vmem>>
    %dma_start3A_94 = tpu.memref_squeeze %dma_start3A_93 : memref<1x128xi32, #tpu.memory_space<vmem>> -> memref<128xi32, #tpu.memory_space<vmem>>
    %dma_start3A_95 = arith.constant 0 : i32
    %dma_start3A_96 = arith.constant 0 : i32
    %dma_start3A_97 = tpu.memref_slice %arg10[%dma_start3A_95, %dma_start3A_96] : memref<10240x16xf32, #tpu.memory_space<vmem_shared>> -> memref<10240x16xf32, #tpu.memory_space<vmem_shared>>
    tpu.enqueue_indirect_dma source(%dma_start3A_97 : memref<10240x16xf32, #tpu.memory_space<vmem_shared>>) target(%dma_start3A_91 : memref<128x16xf32, #tpu.memory_space<vmem>>) offsets(%dma_start3A_94 : memref<128xi32, #tpu.memory_space<vmem>>) semaphore(%arg12 : memref<!tpu.dma_semaphore, #tpu.memory_space<semaphore_mem>>)
    %dma_start3A_98 = arith.constant 3 : i32
    %dma_start3A_99 = arith.constant 0 : i32
    %dma_start3A_100 = arith.constant 3 : i32
    %dma_start3A_101 = arith.constant 0 : i32
    %dma_start3A_102 = arith.constant 0 : i32
    %dma_start3A_103 = tpu.memref_slice %arg7[%dma_start3A_99, %dma_start3A_100, %dma_start3A_101, %dma_start3A_102] : memref<2x8x128x16xf32, #tpu.memory_space<vmem>> -> memref<1x1x128x16xf32, #tpu.memory_space<vmem>>
    %dma_start3A_104 = tpu.memref_squeeze %dma_start3A_103 : memref<1x1x128x16xf32, #tpu.memory_space<vmem>> -> memref<128x16xf32, #tpu.memory_space<vmem>>
    %dma_start3A_105 = arith.constant 0 : i32
    %dma_start3A_106 = tpu.memref_slice %arg5[%dma_start3A_98, %dma_start3A_105] : memref<80x128xi32, #tpu.memory_space<vmem>> -> memref<1x128xi32, #tpu.memory_space<vmem>>
    %dma_start3A_107 = tpu.memref_squeeze %dma_start3A_106 : memref<1x128xi32, #tpu.memory_space<vmem>> -> memref<128xi32, #tpu.memory_space<vmem>>
    %dma_start3A_108 = arith.constant 0 : i32
    %dma_start3A_109 = arith.constant 0 : i32
    %dma_start3A_110 = tpu.memref_slice %arg10[%dma_start3A_108, %dma_start3A_109] : memref<10240x16xf32, #tpu.memory_space<vmem_shared>> -> memref<10240x16xf32, #tpu.memory_space<vmem_shared>>
    tpu.enqueue_indirect_dma source(%dma_start3A_110 : memref<10240x16xf32, #tpu.memory_space<vmem_shared>>) target(%dma_start3A_104 : memref<128x16xf32, #tpu.memory_space<vmem>>) offsets(%dma_start3A_107 : memref<128xi32, #tpu.memory_space<vmem>>) semaphore(%arg12 : memref<!tpu.dma_semaphore, #tpu.memory_space<semaphore_mem>>)
    %dma_start3A_111 = arith.constant 4 : i32
    %dma_start3A_112 = arith.constant 0 : i32
    %dma_start3A_113 = arith.constant 4 : i32
    %dma_start3A_114 = arith.constant 0 : i32
    %dma_start3A_115 = arith.constant 0 : i32
    %dma_start3A_116 = tpu.memref_slice %arg7[%dma_start3A_112, %dma_start3A_113, %dma_start3A_114, %dma_start3A_115] : memref<2x8x128x16xf32, #tpu.memory_space<vmem>> -> memref<1x1x128x16xf32, #tpu.memory_space<vmem>>
    %dma_start3A_117 = tpu.memref_squeeze %dma_start3A_116 : memref<1x1x128x16xf32, #tpu.memory_space<vmem>> -> memref<128x16xf32, #tpu.memory_space<vmem>>
    %dma_start3A_118 = arith.constant 0 : i32
    %dma_start3A_119 = tpu.memref_slice %arg5[%dma_start3A_111, %dma_start3A_118] : memref<80x128xi32, #tpu.memory_space<vmem>> -> memref<1x128xi32, #tpu.memory_space<vmem>>
    %dma_start3A_120 = tpu.memref_squeeze %dma_start3A_119 : memref<1x128xi32, #tpu.memory_space<vmem>> -> memref<128xi32, #tpu.memory_space<vmem>>
    %dma_start3A_121 = arith.constant 0 : i32
    %dma_start3A_122 = arith.constant 0 : i32
    %dma_start3A_123 = tpu.memref_slice %arg10[%dma_start3A_121, %dma_start3A_122] : memref<10240x16xf32, #tpu.memory_space<vmem_shared>> -> memref<10240x16xf32, #tpu.memory_space<vmem_shared>>
    tpu.enqueue_indirect_dma source(%dma_start3A_123 : memref<10240x16xf32, #tpu.memory_space<vmem_shared>>) target(%dma_start3A_117 : memref<128x16xf32, #tpu.memory_space<vmem>>) offsets(%dma_start3A_120 : memref<128xi32, #tpu.memory_space<vmem>>) semaphore(%arg12 : memref<!tpu.dma_semaphore, #tpu.memory_space<semaphore_mem>>)
    %dma_start3A_124 = arith.constant 5 : i32
    %dma_start3A_125 = arith.constant 0 : i32
    %dma_start3A_126 = arith.constant 5 : i32
    %dma_start3A_127 = arith.constant 0 : i32
    %dma_start3A_128 = arith.constant 0 : i32
    %dma_start3A_129 = tpu.memref_slice %arg7[%dma_start3A_125, %dma_start3A_126, %dma_start3A_127, %dma_start3A_128] : memref<2x8x128x16xf32, #tpu.memory_space<vmem>> -> memref<1x1x128x16xf32, #tpu.memory_space<vmem>>
    %dma_start3A_130 = tpu.memref_squeeze %dma_start3A_129 : memref<1x1x128x16xf32, #tpu.memory_space<vmem>> -> memref<128x16xf32, #tpu.memory_space<vmem>>
    %dma_start3A_131 = arith.constant 0 : i32
    %dma_start3A_132 = tpu.memref_slice %arg5[%dma_start3A_124, %dma_start3A_131] : memref<80x128xi32, #tpu.memory_space<vmem>> -> memref<1x128xi32, #tpu.memory_space<vmem>>
    %dma_start3A_133 = tpu.memref_squeeze %dma_start3A_132 : memref<1x128xi32, #tpu.memory_space<vmem>> -> memref<128xi32, #tpu.memory_space<vmem>>
    %dma_start3A_134 = arith.constant 0 : i32
    %dma_start3A_135 = arith.constant 0 : i32
    %dma_start3A_136 = tpu.memref_slice %arg10[%dma_start3A_134, %dma_start3A_135] : memref<10240x16xf32, #tpu.memory_space<vmem_shared>> -> memref<10240x16xf32, #tpu.memory_space<vmem_shared>>
    tpu.enqueue_indirect_dma source(%dma_start3A_136 : memref<10240x16xf32, #tpu.memory_space<vmem_shared>>) target(%dma_start3A_130 : memref<128x16xf32, #tpu.memory_space<vmem>>) offsets(%dma_start3A_133 : memref<128xi32, #tpu.memory_space<vmem>>) semaphore(%arg12 : memref<!tpu.dma_semaphore, #tpu.memory_space<semaphore_mem>>)
    %dma_start3A_137 = arith.constant 6 : i32
    %dma_start3A_138 = arith.constant 0 : i32
    %dma_start3A_139 = arith.constant 6 : i32
    %dma_start3A_140 = arith.constant 0 : i32
    %dma_start3A_141 = arith.constant 0 : i32
    %dma_start3A_142 = tpu.memref_slice %arg7[%dma_start3A_138, %dma_start3A_139, %dma_start3A_140, %dma_start3A_141] : memref<2x8x128x16xf32, #tpu.memory_space<vmem>> -> memref<1x1x128x16xf32, #tpu.memory_space<vmem>>
    %dma_start3A_143 = tpu.memref_squeeze %dma_start3A_142 : memref<1x1x128x16xf32, #tpu.memory_space<vmem>> -> memref<128x16xf32, #tpu.memory_space<vmem>>
    %dma_start3A_144 = arith.constant 0 : i32
    %dma_start3A_145 = tpu.memref_slice %arg5[%dma_start3A_137, %dma_start3A_144] : memref<80x128xi32, #tpu.memory_space<vmem>> -> memref<1x128xi32, #tpu.memory_space<vmem>>
    %dma_start3A_146 = tpu.memref_squeeze %dma_start3A_145 : memref<1x128xi32, #tpu.memory_space<vmem>> -> memref<128xi32, #tpu.memory_space<vmem>>
    %dma_start3A_147 = arith.constant 0 : i32
    %dma_start3A_148 = arith.constant 0 : i32
    %dma_start3A_149 = tpu.memref_slice %arg10[%dma_start3A_147, %dma_start3A_148] : memref<10240x16xf32, #tpu.memory_space<vmem_shared>> -> memref<10240x16xf32, #tpu.memory_space<vmem_shared>>
    tpu.enqueue_indirect_dma source(%dma_start3A_149 : memref<10240x16xf32, #tpu.memory_space<vmem_shared>>) target(%dma_start3A_143 : memref<128x16xf32, #tpu.memory_space<vmem>>) offsets(%dma_start3A_146 : memref<128xi32, #tpu.memory_space<vmem>>) semaphore(%arg12 : memref<!tpu.dma_semaphore, #tpu.memory_space<semaphore_mem>>)
    %dma_start3A_150 = arith.constant 7 : i32
    %dma_start3A_151 = arith.constant 0 : i32
    %dma_start3A_152 = arith.constant 7 : i32
    %dma_start3A_153 = arith.constant 0 : i32
    %dma_start3A_154 = arith.constant 0 : i32
    %dma_start3A_155 = tpu.memref_slice %arg7[%dma_start3A_151, %dma_start3A_152, %dma_start3A_153, %dma_start3A_154] : memref<2x8x128x16xf32, #tpu.memory_space<vmem>> -> memref<1x1x128x16xf32, #tpu.memory_space<vmem>>
    %dma_start3A_156 = tpu.memref_squeeze %dma_start3A_155 : memref<1x1x128x16xf32, #tpu.memory_space<vmem>> -> memref<128x16xf32, #tpu.memory_space<vmem>>
    %dma_start3A_157 = arith.constant 0 : i32
    %dma_start3A_158 = tpu.memref_slice %arg5[%dma_start3A_150, %dma_start3A_157] : memref<80x128xi32, #tpu.memory_space<vmem>> -> memref<1x128xi32, #tpu.memory_space<vmem>>
    %dma_start3A_159 = tpu.memref_squeeze %dma_start3A_158 : memref<1x128xi32, #tpu.memory_space<vmem>> -> memref<128xi32, #tpu.memory_space<vmem>>
    %dma_start3A_160 = arith.constant 0 : i32
    %dma_start3A_161 = arith.constant 0 : i32
    %dma_start3A_162 = tpu.memref_slice %arg10[%dma_start3A_160, %dma_start3A_161] : memref<10240x16xf32, #tpu.memory_space<vmem_shared>> -> memref<10240x16xf32, #tpu.memory_space<vmem_shared>>
    tpu.enqueue_indirect_dma source(%dma_start3A_162 : memref<10240x16xf32, #tpu.memory_space<vmem_shared>>) target(%dma_start3A_156 : memref<128x16xf32, #tpu.memory_space<vmem>>) offsets(%dma_start3A_159 : memref<128xi32, #tpu.memory_space<vmem>>) semaphore(%arg12 : memref<!tpu.dma_semaphore, #tpu.memory_space<semaphore_mem>>)
    %scan3A_163 = arith.constant 0 : i32
    %scan3A_164 = arith.constant 0 : i32
    %scan3A_165 = arith.constant 10 : i32
    %scan3A_166 = arith.addi %scan3A_164, %scan3A_165 : i32
    %scan3A_167 = arith.constant 1 : i32
    scf.for %scan3A_180 = %scan3A_164 to %scan3A_166 step %scan3A_167  : i32 {
      %jit3A = arith.constant 2 : i32
      %eq3A = arith.constant 0 : i32
      %eq3A_181 = arith.cmpi eq, %jit3A, %eq3A : i32
      %jit3A_182 = arith.constant 1 : i32
      %select_n3A = arith.select %eq3A_181, %jit3A_182, %jit3A : i32
      %rem3A = arith.remsi %scan3A_180, %select_n3A : i32
      %ne3A = arith.constant 0 : i32
      %ne3A_183 = arith.cmpi ne, %rem3A, %ne3A : i32
      %lt3A = arith.constant 0 : i32
      %lt3A_184 = arith.cmpi slt, %rem3A, %lt3A : i32
      %lt3A_185 = arith.constant 0 : i32
      %lt3A_186 = arith.cmpi slt, %select_n3A, %lt3A_185 : i32
      %ne3A_187 = arith.xori %lt3A_184, %lt3A_186 : i1
      %and3A = arith.andi %ne3A_187, %ne3A_183 : i1
      %add3A_188 = arith.addi %rem3A, %select_n3A : i32
      %select_n3A_189 = arith.select %and3A, %add3A_188, %rem3A : i32
      %add3A_190 = arith.constant 1 : i32
      %add3A_191 = arith.addi %scan3A_180, %add3A_190 : i32
      %lt3A_192 = arith.constant 10 : i32
      %lt3A_193 = arith.cmpi slt, %add3A_191, %lt3A_192 : i32
      %convert_element_type3A = arith.extui %lt3A_193 : i1 to i32
      %cond3A = arith.constant 0 : i32
      %cond3A_194 = arith.cmpi ne, %convert_element_type3A, %cond3A : i32
      scf.if %cond3A_194 {
        %add3A_499 = arith.constant 1 : i32
        %add3A_500 = arith.addi %scan3A_180, %add3A_499 : i32
        %mul3A_501 = arith.constant 8 : i32
        %mul3A_502 = arith.muli %add3A_500, %mul3A_501 : i32
        %add3A_503 = arith.constant 0 : i32
        %add3A_504 = arith.addi %mul3A_502, %add3A_503 : i32
        %sub3A = arith.constant 1 : i32
        %sub3A_505 = arith.subi %sub3A, %select_n3A_189 : i32
        %dma_start3A_506 = arith.constant 0 : i32
        %dma_start3A_507 = arith.constant 0 : i32
        %dma_start3A_508 = arith.constant 0 : i32
        %dma_start3A_509 = tpu.memref_slice %arg7[%sub3A_505, %dma_start3A_506, %dma_start3A_507, %dma_start3A_508] : memref<2x8x128x16xf32, #tpu.memory_space<vmem>> -> memref<1x1x128x16xf32, #tpu.memory_space<vmem>>
        %dma_start3A_510 = tpu.memref_squeeze %dma_start3A_509 : memref<1x1x128x16xf32, #tpu.memory_space<vmem>> -> memref<128x16xf32, #tpu.memory_space<vmem>>
        %dma_start3A_511 = arith.constant 0 : i32
        %dma_start3A_512 = tpu.memref_slice %arg5[%add3A_504, %dma_start3A_511] : memref<80x128xi32, #tpu.memory_space<vmem>> -> memref<1x128xi32, #tpu.memory_space<vmem>>
        %dma_start3A_513 = tpu.memref_squeeze %dma_start3A_512 : memref<1x128xi32, #tpu.memory_space<vmem>> -> memref<128xi32, #tpu.memory_space<vmem>>
        %dma_start3A_514 = arith.constant 0 : i32
        %dma_start3A_515 = arith.constant 0 : i32
        %dma_start3A_516 = tpu.memref_slice %arg10[%dma_start3A_514, %dma_start3A_515] : memref<10240x16xf32, #tpu.memory_space<vmem_shared>> -> memref<10240x16xf32, #tpu.memory_space<vmem_shared>>
        tpu.enqueue_indirect_dma source(%dma_start3A_516 : memref<10240x16xf32, #tpu.memory_space<vmem_shared>>) target(%dma_start3A_510 : memref<128x16xf32, #tpu.memory_space<vmem>>) offsets(%dma_start3A_513 : memref<128xi32, #tpu.memory_space<vmem>>) semaphore(%arg12 : memref<!tpu.dma_semaphore, #tpu.memory_space<semaphore_mem>>)
        %add3A_517 = arith.constant 1 : i32
        %add3A_518 = arith.addi %scan3A_180, %add3A_517 : i32
        %mul3A_519 = arith.constant 8 : i32
        %mul3A_520 = arith.muli %add3A_518, %mul3A_519 : i32
        %add3A_521 = arith.constant 1 : i32
        %add3A_522 = arith.addi %mul3A_520, %add3A_521 : i32
        %sub3A_523 = arith.constant 1 : i32
        %sub3A_524 = arith.subi %sub3A_523, %select_n3A_189 : i32
        %dma_start3A_525 = arith.constant 1 : i32
        %dma_start3A_526 = arith.constant 0 : i32
        %dma_start3A_527 = arith.constant 0 : i32
        %dma_start3A_528 = tpu.memref_slice %arg7[%sub3A_524, %dma_start3A_525, %dma_start3A_526, %dma_start3A_527] : memref<2x8x128x16xf32, #tpu.memory_space<vmem>> -> memref<1x1x128x16xf32, #tpu.memory_space<vmem>>
        %dma_start3A_529 = tpu.memref_squeeze %dma_start3A_528 : memref<1x1x128x16xf32, #tpu.memory_space<vmem>> -> memref<128x16xf32, #tpu.memory_space<vmem>>
        %dma_start3A_530 = arith.constant 0 : i32
        %dma_start3A_531 = tpu.memref_slice %arg5[%add3A_522, %dma_start3A_530] : memref<80x128xi32, #tpu.memory_space<vmem>> -> memref<1x128xi32, #tpu.memory_space<vmem>>
        %dma_start3A_532 = tpu.memref_squeeze %dma_start3A_531 : memref<1x128xi32, #tpu.memory_space<vmem>> -> memref<128xi32, #tpu.memory_space<vmem>>
        %dma_start3A_533 = arith.constant 0 : i32
        %dma_start3A_534 = arith.constant 0 : i32
        %dma_start3A_535 = tpu.memref_slice %arg10[%dma_start3A_533, %dma_start3A_534] : memref<10240x16xf32, #tpu.memory_space<vmem_shared>> -> memref<10240x16xf32, #tpu.memory_space<vmem_shared>>
        tpu.enqueue_indirect_dma source(%dma_start3A_535 : memref<10240x16xf32, #tpu.memory_space<vmem_shared>>) target(%dma_start3A_529 : memref<128x16xf32, #tpu.memory_space<vmem>>) offsets(%dma_start3A_532 : memref<128xi32, #tpu.memory_space<vmem>>) semaphore(%arg12 : memref<!tpu.dma_semaphore, #tpu.memory_space<semaphore_mem>>)
        %add3A_536 = arith.constant 1 : i32
        %add3A_537 = arith.addi %scan3A_180, %add3A_536 : i32
        %mul3A_538 = arith.constant 8 : i32
        %mul3A_539 = arith.muli %add3A_537, %mul3A_538 : i32
        %add3A_540 = arith.constant 2 : i32
        %add3A_541 = arith.addi %mul3A_539, %add3A_540 : i32
        %sub3A_542 = arith.constant 1 : i32
        %sub3A_543 = arith.subi %sub3A_542, %select_n3A_189 : i32
        %dma_start3A_544 = arith.constant 2 : i32
        %dma_start3A_545 = arith.constant 0 : i32
        %dma_start3A_546 = arith.constant 0 : i32
        %dma_start3A_547 = tpu.memref_slice %arg7[%sub3A_543, %dma_start3A_544, %dma_start3A_545, %dma_start3A_546] : memref<2x8x128x16xf32, #tpu.memory_space<vmem>> -> memref<1x1x128x16xf32, #tpu.memory_space<vmem>>
        %dma_start3A_548 = tpu.memref_squeeze %dma_start3A_547 : memref<1x1x128x16xf32, #tpu.memory_space<vmem>> -> memref<128x16xf32, #tpu.memory_space<vmem>>
        %dma_start3A_549 = arith.constant 0 : i32
        %dma_start3A_550 = tpu.memref_slice %arg5[%add3A_541, %dma_start3A_549] : memref<80x128xi32, #tpu.memory_space<vmem>> -> memref<1x128xi32, #tpu.memory_space<vmem>>
        %dma_start3A_551 = tpu.memref_squeeze %dma_start3A_550 : memref<1x128xi32, #tpu.memory_space<vmem>> -> memref<128xi32, #tpu.memory_space<vmem>>
        %dma_start3A_552 = arith.constant 0 : i32
        %dma_start3A_553 = arith.constant 0 : i32
        %dma_start3A_554 = tpu.memref_slice %arg10[%dma_start3A_552, %dma_start3A_553] : memref<10240x16xf32, #tpu.memory_space<vmem_shared>> -> memref<10240x16xf32, #tpu.memory_space<vmem_shared>>
        tpu.enqueue_indirect_dma source(%dma_start3A_554 : memref<10240x16xf32, #tpu.memory_space<vmem_shared>>) target(%dma_start3A_548 : memref<128x16xf32, #tpu.memory_space<vmem>>) offsets(%dma_start3A_551 : memref<128xi32, #tpu.memory_space<vmem>>) semaphore(%arg12 : memref<!tpu.dma_semaphore, #tpu.memory_space<semaphore_mem>>)
        %add3A_555 = arith.constant 1 : i32
        %add3A_556 = arith.addi %scan3A_180, %add3A_555 : i32
        %mul3A_557 = arith.constant 8 : i32
        %mul3A_558 = arith.muli %add3A_556, %mul3A_557 : i32
        %add3A_559 = arith.constant 3 : i32
        %add3A_560 = arith.addi %mul3A_558, %add3A_559 : i32
        %sub3A_561 = arith.constant 1 : i32
        %sub3A_562 = arith.subi %sub3A_561, %select_n3A_189 : i32
        %dma_start3A_563 = arith.constant 3 : i32
        %dma_start3A_564 = arith.constant 0 : i32
        %dma_start3A_565 = arith.constant 0 : i32
        %dma_start3A_566 = tpu.memref_slice %arg7[%sub3A_562, %dma_start3A_563, %dma_start3A_564, %dma_start3A_565] : memref<2x8x128x16xf32, #tpu.memory_space<vmem>> -> memref<1x1x128x16xf32, #tpu.memory_space<vmem>>
        %dma_start3A_567 = tpu.memref_squeeze %dma_start3A_566 : memref<1x1x128x16xf32, #tpu.memory_space<vmem>> -> memref<128x16xf32, #tpu.memory_space<vmem>>
        %dma_start3A_568 = arith.constant 0 : i32
        %dma_start3A_569 = tpu.memref_slice %arg5[%add3A_560, %dma_start3A_568] : memref<80x128xi32, #tpu.memory_space<vmem>> -> memref<1x128xi32, #tpu.memory_space<vmem>>
        %dma_start3A_570 = tpu.memref_squeeze %dma_start3A_569 : memref<1x128xi32, #tpu.memory_space<vmem>> -> memref<128xi32, #tpu.memory_space<vmem>>
        %dma_start3A_571 = arith.constant 0 : i32
        %dma_start3A_572 = arith.constant 0 : i32
        %dma_start3A_573 = tpu.memref_slice %arg10[%dma_start3A_571, %dma_start3A_572] : memref<10240x16xf32, #tpu.memory_space<vmem_shared>> -> memref<10240x16xf32, #tpu.memory_space<vmem_shared>>
        tpu.enqueue_indirect_dma source(%dma_start3A_573 : memref<10240x16xf32, #tpu.memory_space<vmem_shared>>) target(%dma_start3A_567 : memref<128x16xf32, #tpu.memory_space<vmem>>) offsets(%dma_start3A_570 : memref<128xi32, #tpu.memory_space<vmem>>) semaphore(%arg12 : memref<!tpu.dma_semaphore, #tpu.memory_space<semaphore_mem>>)
        %add3A_574 = arith.constant 1 : i32
        %add3A_575 = arith.addi %scan3A_180, %add3A_574 : i32
        %mul3A_576 = arith.constant 8 : i32
        %mul3A_577 = arith.muli %add3A_575, %mul3A_576 : i32
        %add3A_578 = arith.constant 4 : i32
        %add3A_579 = arith.addi %mul3A_577, %add3A_578 : i32
        %sub3A_580 = arith.constant 1 : i32
        %sub3A_581 = arith.subi %sub3A_580, %select_n3A_189 : i32
        %dma_start3A_582 = arith.constant 4 : i32
        %dma_start3A_583 = arith.constant 0 : i32
        %dma_start3A_584 = arith.constant 0 : i32
        %dma_start3A_585 = tpu.memref_slice %arg7[%sub3A_581, %dma_start3A_582, %dma_start3A_583, %dma_start3A_584] : memref<2x8x128x16xf32, #tpu.memory_space<vmem>> -> memref<1x1x128x16xf32, #tpu.memory_space<vmem>>
        %dma_start3A_586 = tpu.memref_squeeze %dma_start3A_585 : memref<1x1x128x16xf32, #tpu.memory_space<vmem>> -> memref<128x16xf32, #tpu.memory_space<vmem>>
        %dma_start3A_587 = arith.constant 0 : i32
        %dma_start3A_588 = tpu.memref_slice %arg5[%add3A_579, %dma_start3A_587] : memref<80x128xi32, #tpu.memory_space<vmem>> -> memref<1x128xi32, #tpu.memory_space<vmem>>
        %dma_start3A_589 = tpu.memref_squeeze %dma_start3A_588 : memref<1x128xi32, #tpu.memory_space<vmem>> -> memref<128xi32, #tpu.memory_space<vmem>>
        %dma_start3A_590 = arith.constant 0 : i32
        %dma_start3A_591 = arith.constant 0 : i32
        %dma_start3A_592 = tpu.memref_slice %arg10[%dma_start3A_590, %dma_start3A_591] : memref<10240x16xf32, #tpu.memory_space<vmem_shared>> -> memref<10240x16xf32, #tpu.memory_space<vmem_shared>>
        tpu.enqueue_indirect_dma source(%dma_start3A_592 : memref<10240x16xf32, #tpu.memory_space<vmem_shared>>) target(%dma_start3A_586 : memref<128x16xf32, #tpu.memory_space<vmem>>) offsets(%dma_start3A_589 : memref<128xi32, #tpu.memory_space<vmem>>) semaphore(%arg12 : memref<!tpu.dma_semaphore, #tpu.memory_space<semaphore_mem>>)
        %add3A_593 = arith.constant 1 : i32
        %add3A_594 = arith.addi %scan3A_180, %add3A_593 : i32
        %mul3A_595 = arith.constant 8 : i32
        %mul3A_596 = arith.muli %add3A_594, %mul3A_595 : i32
        %add3A_597 = arith.constant 5 : i32
        %add3A_598 = arith.addi %mul3A_596, %add3A_597 : i32
        %sub3A_599 = arith.constant 1 : i32
        %sub3A_600 = arith.subi %sub3A_599, %select_n3A_189 : i32
        %dma_start3A_601 = arith.constant 5 : i32
        %dma_start3A_602 = arith.constant 0 : i32
        %dma_start3A_603 = arith.constant 0 : i32
        %dma_start3A_604 = tpu.memref_slice %arg7[%sub3A_600, %dma_start3A_601, %dma_start3A_602, %dma_start3A_603] : memref<2x8x128x16xf32, #tpu.memory_space<vmem>> -> memref<1x1x128x16xf32, #tpu.memory_space<vmem>>
        %dma_start3A_605 = tpu.memref_squeeze %dma_start3A_604 : memref<1x1x128x16xf32, #tpu.memory_space<vmem>> -> memref<128x16xf32, #tpu.memory_space<vmem>>
        %dma_start3A_606 = arith.constant 0 : i32
        %dma_start3A_607 = tpu.memref_slice %arg5[%add3A_598, %dma_start3A_606] : memref<80x128xi32, #tpu.memory_space<vmem>> -> memref<1x128xi32, #tpu.memory_space<vmem>>
        %dma_start3A_608 = tpu.memref_squeeze %dma_start3A_607 : memref<1x128xi32, #tpu.memory_space<vmem>> -> memref<128xi32, #tpu.memory_space<vmem>>
        %dma_start3A_609 = arith.constant 0 : i32
        %dma_start3A_610 = arith.constant 0 : i32
        %dma_start3A_611 = tpu.memref_slice %arg10[%dma_start3A_609, %dma_start3A_610] : memref<10240x16xf32, #tpu.memory_space<vmem_shared>> -> memref<10240x16xf32, #tpu.memory_space<vmem_shared>>
        tpu.enqueue_indirect_dma source(%dma_start3A_611 : memref<10240x16xf32, #tpu.memory_space<vmem_shared>>) target(%dma_start3A_605 : memref<128x16xf32, #tpu.memory_space<vmem>>) offsets(%dma_start3A_608 : memref<128xi32, #tpu.memory_space<vmem>>) semaphore(%arg12 : memref<!tpu.dma_semaphore, #tpu.memory_space<semaphore_mem>>)
        %add3A_612 = arith.constant 1 : i32
        %add3A_613 = arith.addi %scan3A_180, %add3A_612 : i32
        %mul3A_614 = arith.constant 8 : i32
        %mul3A_615 = arith.muli %add3A_613, %mul3A_614 : i32
        %add3A_616 = arith.constant 6 : i32
        %add3A_617 = arith.addi %mul3A_615, %add3A_616 : i32
        %sub3A_618 = arith.constant 1 : i32
        %sub3A_619 = arith.subi %sub3A_618, %select_n3A_189 : i32
        %dma_start3A_620 = arith.constant 6 : i32
        %dma_start3A_621 = arith.constant 0 : i32
        %dma_start3A_622 = arith.constant 0 : i32
        %dma_start3A_623 = tpu.memref_slice %arg7[%sub3A_619, %dma_start3A_620, %dma_start3A_621, %dma_start3A_622] : memref<2x8x128x16xf32, #tpu.memory_space<vmem>> -> memref<1x1x128x16xf32, #tpu.memory_space<vmem>>
        %dma_start3A_624 = tpu.memref_squeeze %dma_start3A_623 : memref<1x1x128x16xf32, #tpu.memory_space<vmem>> -> memref<128x16xf32, #tpu.memory_space<vmem>>
        %dma_start3A_625 = arith.constant 0 : i32
        %dma_start3A_626 = tpu.memref_slice %arg5[%add3A_617, %dma_start3A_625] : memref<80x128xi32, #tpu.memory_space<vmem>> -> memref<1x128xi32, #tpu.memory_space<vmem>>
        %dma_start3A_627 = tpu.memref_squeeze %dma_start3A_626 : memref<1x128xi32, #tpu.memory_space<vmem>> -> memref<128xi32, #tpu.memory_space<vmem>>
        %dma_start3A_628 = arith.constant 0 : i32
        %dma_start3A_629 = arith.constant 0 : i32
        %dma_start3A_630 = tpu.memref_slice %arg10[%dma_start3A_628, %dma_start3A_629] : memref<10240x16xf32, #tpu.memory_space<vmem_shared>> -> memref<10240x16xf32, #tpu.memory_space<vmem_shared>>
        tpu.enqueue_indirect_dma source(%dma_start3A_630 : memref<10240x16xf32, #tpu.memory_space<vmem_shared>>) target(%dma_start3A_624 : memref<128x16xf32, #tpu.memory_space<vmem>>) offsets(%dma_start3A_627 : memref<128xi32, #tpu.memory_space<vmem>>) semaphore(%arg12 : memref<!tpu.dma_semaphore, #tpu.memory_space<semaphore_mem>>)
        %add3A_631 = arith.constant 1 : i32
        %add3A_632 = arith.addi %scan3A_180, %add3A_631 : i32
        %mul3A_633 = arith.constant 8 : i32
        %mul3A_634 = arith.muli %add3A_632, %mul3A_633 : i32
        %add3A_635 = arith.constant 7 : i32
        %add3A_636 = arith.addi %mul3A_634, %add3A_635 : i32
        %sub3A_637 = arith.constant 1 : i32
        %sub3A_638 = arith.subi %sub3A_637, %select_n3A_189 : i32
        %dma_start3A_639 = arith.constant 7 : i32
        %dma_start3A_640 = arith.constant 0 : i32
        %dma_start3A_641 = arith.constant 0 : i32
        %dma_start3A_642 = tpu.memref_slice %arg7[%sub3A_638, %dma_start3A_639, %dma_start3A_640, %dma_start3A_641] : memref<2x8x128x16xf32, #tpu.memory_space<vmem>> -> memref<1x1x128x16xf32, #tpu.memory_space<vmem>>
        %dma_start3A_643 = tpu.memref_squeeze %dma_start3A_642 : memref<1x1x128x16xf32, #tpu.memory_space<vmem>> -> memref<128x16xf32, #tpu.memory_space<vmem>>
        %dma_start3A_644 = arith.constant 0 : i32
        %dma_start3A_645 = tpu.memref_slice %arg5[%add3A_636, %dma_start3A_644] : memref<80x128xi32, #tpu.memory_space<vmem>> -> memref<1x128xi32, #tpu.memory_space<vmem>>
        %dma_start3A_646 = tpu.memref_squeeze %dma_start3A_645 : memref<1x128xi32, #tpu.memory_space<vmem>> -> memref<128xi32, #tpu.memory_space<vmem>>
        %dma_start3A_647 = arith.constant 0 : i32
        %dma_start3A_648 = arith.constant 0 : i32
        %dma_start3A_649 = tpu.memref_slice %arg10[%dma_start3A_647, %dma_start3A_648] : memref<10240x16xf32, #tpu.memory_space<vmem_shared>> -> memref<10240x16xf32, #tpu.memory_space<vmem_shared>>
        tpu.enqueue_indirect_dma source(%dma_start3A_649 : memref<10240x16xf32, #tpu.memory_space<vmem_shared>>) target(%dma_start3A_643 : memref<128x16xf32, #tpu.memory_space<vmem>>) offsets(%dma_start3A_646 : memref<128xi32, #tpu.memory_space<vmem>>) semaphore(%arg12 : memref<!tpu.dma_semaphore, #tpu.memory_space<semaphore_mem>>)
      } else {
      }
      %mul3A_195 = arith.constant 8 : i32
      %mul3A_196 = arith.muli %scan3A_180, %mul3A_195 : i32
      %add3A_197 = arith.constant 0 : i32
      %add3A_198 = arith.addi %mul3A_196, %add3A_197 : i32
      %dma_wait3A_199 = arith.constant 0 : i32
      %dma_wait3A_200 = arith.constant 0 : i32
      %dma_wait3A_201 = arith.constant 0 : i32
      %dma_wait3A_202 = tpu.memref_slice %arg7[%select_n3A_189, %dma_wait3A_199, %dma_wait3A_200, %dma_wait3A_201] : memref<2x8x128x16xf32, #tpu.memory_space<vmem>> -> memref<1x1x128x16xf32, #tpu.memory_space<vmem>>
      %dma_wait3A_203 = tpu.memref_squeeze %dma_wait3A_202 : memref<1x1x128x16xf32, #tpu.memory_space<vmem>> -> memref<128x16xf32, #tpu.memory_space<vmem>>
      %dma_wait3A_204 = arith.constant 0 : i32
      %dma_wait3A_205 = tpu.memref_slice %arg5[%add3A_198, %dma_wait3A_204] : memref<80x128xi32, #tpu.memory_space<vmem>> -> memref<1x128xi32, #tpu.memory_space<vmem>>
      %dma_wait3A_206 = tpu.memref_squeeze %dma_wait3A_205 : memref<1x128xi32, #tpu.memory_space<vmem>> -> memref<128xi32, #tpu.memory_space<vmem>>
      %dma_wait3A_207 = arith.constant 0 : i32
      %dma_wait3A_208 = arith.constant 0 : i32
      %dma_wait3A_209 = tpu.memref_slice %arg10[%dma_wait3A_207, %dma_wait3A_208] : memref<10240x16xf32, #tpu.memory_space<vmem_shared>> -> memref<10240x16xf32, #tpu.memory_space<vmem_shared>>
      tpu.wait_indirect_dma semaphore(%arg12 : memref<!tpu.dma_semaphore, #tpu.memory_space<semaphore_mem>>) src(%dma_wait3A_209 : memref<10240x16xf32, #tpu.memory_space<vmem_shared>>) dst(%dma_wait3A_203 : memref<128x16xf32, #tpu.memory_space<vmem>>)
      %dma_start3A_210 = arith.constant 0 : i32
      %dma_start3A_211 = arith.constant 0 : i32
      %dma_start3A_212 = arith.constant 0 : i32
      %dma_start3A_213 = tpu.memref_slice %arg7[%select_n3A_189, %dma_start3A_210, %dma_start3A_211, %dma_start3A_212] : memref<2x8x128x16xf32, #tpu.memory_space<vmem>> -> memref<1x1x128x16xf32, #tpu.memory_space<vmem>>
      %dma_start3A_214 = tpu.memref_squeeze %dma_start3A_213 : memref<1x1x128x16xf32, #tpu.memory_space<vmem>> -> memref<128x16xf32, #tpu.memory_space<vmem>>
      %dma_start3A_215 = arith.constant 0 : i32
      %dma_start3A_216 = tpu.memref_slice %arg6[%add3A_198, %dma_start3A_215] : memref<80x128xi32, #tpu.memory_space<vmem>> -> memref<1x128xi32, #tpu.memory_space<vmem>>
      %dma_start3A_217 = tpu.memref_squeeze %dma_start3A_216 : memref<1x128xi32, #tpu.memory_space<vmem>> -> memref<128xi32, #tpu.memory_space<vmem>>
      %dma_start3A_218 = arith.constant 0 : i32
      %dma_start3A_219 = arith.constant 0 : i32
      %dma_start3A_220 = tpu.memref_slice %arg11[%dma_start3A_218, %dma_start3A_219] : memref<10240x16xf32, #tpu.memory_space<vmem_shared>> -> memref<10240x16xf32, #tpu.memory_space<vmem_shared>>
      tpu.enqueue_indirect_dma source(%dma_start3A_214 : memref<128x16xf32, #tpu.memory_space<vmem>>) target(%dma_start3A_220 : memref<10240x16xf32, #tpu.memory_space<vmem_shared>>) offsets(%dma_start3A_217 : memref<128xi32, #tpu.memory_space<vmem>>) semaphore(%arg13 : memref<!tpu.dma_semaphore, #tpu.memory_space<semaphore_mem>>) {add = true}
      %mul3A_221 = arith.constant 8 : i32
      %mul3A_222 = arith.muli %scan3A_180, %mul3A_221 : i32
      %add3A_223 = arith.constant 1 : i32
      %add3A_224 = arith.addi %mul3A_222, %add3A_223 : i32
      %dma_wait3A_225 = arith.constant 1 : i32
      %dma_wait3A_226 = arith.constant 0 : i32
      %dma_wait3A_227 = arith.constant 0 : i32
      %dma_wait3A_228 = tpu.memref_slice %arg7[%select_n3A_189, %dma_wait3A_225, %dma_wait3A_226, %dma_wait3A_227] : memref<2x8x128x16xf32, #tpu.memory_space<vmem>> -> memref<1x1x128x16xf32, #tpu.memory_space<vmem>>
      %dma_wait3A_229 = tpu.memref_squeeze %dma_wait3A_228 : memref<1x1x128x16xf32, #tpu.memory_space<vmem>> -> memref<128x16xf32, #tpu.memory_space<vmem>>
      %dma_wait3A_230 = arith.constant 0 : i32
      %dma_wait3A_231 = tpu.memref_slice %arg5[%add3A_224, %dma_wait3A_230] : memref<80x128xi32, #tpu.memory_space<vmem>> -> memref<1x128xi32, #tpu.memory_space<vmem>>
      %dma_wait3A_232 = tpu.memref_squeeze %dma_wait3A_231 : memref<1x128xi32, #tpu.memory_space<vmem>> -> memref<128xi32, #tpu.memory_space<vmem>>
      %dma_wait3A_233 = arith.constant 0 : i32
      %dma_wait3A_234 = arith.constant 0 : i32
      %dma_wait3A_235 = tpu.memref_slice %arg10[%dma_wait3A_233, %dma_wait3A_234] : memref<10240x16xf32, #tpu.memory_space<vmem_shared>> -> memref<10240x16xf32, #tpu.memory_space<vmem_shared>>
      tpu.wait_indirect_dma semaphore(%arg12 : memref<!tpu.dma_semaphore, #tpu.memory_space<semaphore_mem>>) src(%dma_wait3A_235 : memref<10240x16xf32, #tpu.memory_space<vmem_shared>>) dst(%dma_wait3A_229 : memref<128x16xf32, #tpu.memory_space<vmem>>)
      %dma_start3A_236 = arith.constant 1 : i32
      %dma_start3A_237 = arith.constant 0 : i32
      %dma_start3A_238 = arith.constant 0 : i32
      %dma_start3A_239 = tpu.memref_slice %arg7[%select_n3A_189, %dma_start3A_236, %dma_start3A_237, %dma_start3A_238] : memref<2x8x128x16xf32, #tpu.memory_space<vmem>> -> memref<1x1x128x16xf32, #tpu.memory_space<vmem>>
      %dma_start3A_240 = tpu.memref_squeeze %dma_start3A_239 : memref<1x1x128x16xf32, #tpu.memory_space<vmem>> -> memref<128x16xf32, #tpu.memory_space<vmem>>
      %dma_start3A_241 = arith.constant 0 : i32
      %dma_start3A_242 = tpu.memref_slice %arg6[%add3A_224, %dma_start3A_241] : memref<80x128xi32, #tpu.memory_space<vmem>> -> memref<1x128xi32, #tpu.memory_space<vmem>>
      %dma_start3A_243 = tpu.memref_squeeze %dma_start3A_242 : memref<1x128xi32, #tpu.memory_space<vmem>> -> memref<128xi32, #tpu.memory_space<vmem>>
      %dma_start3A_244 = arith.constant 0 : i32
      %dma_start3A_245 = arith.constant 0 : i32
      %dma_start3A_246 = tpu.memref_slice %arg11[%dma_start3A_244, %dma_start3A_245] : memref<10240x16xf32, #tpu.memory_space<vmem_shared>> -> memref<10240x16xf32, #tpu.memory_space<vmem_shared>>
      tpu.enqueue_indirect_dma source(%dma_start3A_240 : memref<128x16xf32, #tpu.memory_space<vmem>>) target(%dma_start3A_246 : memref<10240x16xf32, #tpu.memory_space<vmem_shared>>) offsets(%dma_start3A_243 : memref<128xi32, #tpu.memory_space<vmem>>) semaphore(%arg13 : memref<!tpu.dma_semaphore, #tpu.memory_space<semaphore_mem>>) {add = true}
      %mul3A_247 = arith.constant 8 : i32
      %mul3A_248 = arith.muli %scan3A_180, %mul3A_247 : i32
      %add3A_249 = arith.constant 2 : i32
      %add3A_250 = arith.addi %mul3A_248, %add3A_249 : i32
      %dma_wait3A_251 = arith.constant 2 : i32
      %dma_wait3A_252 = arith.constant 0 : i32
      %dma_wait3A_253 = arith.constant 0 : i32
      %dma_wait3A_254 = tpu.memref_slice %arg7[%select_n3A_189, %dma_wait3A_251, %dma_wait3A_252, %dma_wait3A_253] : memref<2x8x128x16xf32, #tpu.memory_space<vmem>> -> memref<1x1x128x16xf32, #tpu.memory_space<vmem>>
      %dma_wait3A_255 = tpu.memref_squeeze %dma_wait3A_254 : memref<1x1x128x16xf32, #tpu.memory_space<vmem>> -> memref<128x16xf32, #tpu.memory_space<vmem>>
      %dma_wait3A_256 = arith.constant 0 : i32
      %dma_wait3A_257 = tpu.memref_slice %arg5[%add3A_250, %dma_wait3A_256] : memref<80x128xi32, #tpu.memory_space<vmem>> -> memref<1x128xi32, #tpu.memory_space<vmem>>
      %dma_wait3A_258 = tpu.memref_squeeze %dma_wait3A_257 : memref<1x128xi32, #tpu.memory_space<vmem>> -> memref<128xi32, #tpu.memory_space<vmem>>
      %dma_wait3A_259 = arith.constant 0 : i32
      %dma_wait3A_260 = arith.constant 0 : i32
      %dma_wait3A_261 = tpu.memref_slice %arg10[%dma_wait3A_259, %dma_wait3A_260] : memref<10240x16xf32, #tpu.memory_space<vmem_shared>> -> memref<10240x16xf32, #tpu.memory_space<vmem_shared>>
      tpu.wait_indirect_dma semaphore(%arg12 : memref<!tpu.dma_semaphore, #tpu.memory_space<semaphore_mem>>) src(%dma_wait3A_261 : memref<10240x16xf32, #tpu.memory_space<vmem_shared>>) dst(%dma_wait3A_255 : memref<128x16xf32, #tpu.memory_space<vmem>>)
      %dma_start3A_262 = arith.constant 2 : i32
      %dma_start3A_263 = arith.constant 0 : i32
      %dma_start3A_264 = arith.constant 0 : i32
      %dma_start3A_265 = tpu.memref_slice %arg7[%select_n3A_189, %dma_start3A_262, %dma_start3A_263, %dma_start3A_264] : memref<2x8x128x16xf32, #tpu.memory_space<vmem>> -> memref<1x1x128x16xf32, #tpu.memory_space<vmem>>
      %dma_start3A_266 = tpu.memref_squeeze %dma_start3A_265 : memref<1x1x128x16xf32, #tpu.memory_space<vmem>> -> memref<128x16xf32, #tpu.memory_space<vmem>>
      %dma_start3A_267 = arith.constant 0 : i32
      %dma_start3A_268 = tpu.memref_slice %arg6[%add3A_250, %dma_start3A_267] : memref<80x128xi32, #tpu.memory_space<vmem>> -> memref<1x128xi32, #tpu.memory_space<vmem>>
      %dma_start3A_269 = tpu.memref_squeeze %dma_start3A_268 : memref<1x128xi32, #tpu.memory_space<vmem>> -> memref<128xi32, #tpu.memory_space<vmem>>
      %dma_start3A_270 = arith.constant 0 : i32
      %dma_start3A_271 = arith.constant 0 : i32
      %dma_start3A_272 = tpu.memref_slice %arg11[%dma_start3A_270, %dma_start3A_271] : memref<10240x16xf32, #tpu.memory_space<vmem_shared>> -> memref<10240x16xf32, #tpu.memory_space<vmem_shared>>
      tpu.enqueue_indirect_dma source(%dma_start3A_266 : memref<128x16xf32, #tpu.memory_space<vmem>>) target(%dma_start3A_272 : memref<10240x16xf32, #tpu.memory_space<vmem_shared>>) offsets(%dma_start3A_269 : memref<128xi32, #tpu.memory_space<vmem>>) semaphore(%arg13 : memref<!tpu.dma_semaphore, #tpu.memory_space<semaphore_mem>>) {add = true}
      %mul3A_273 = arith.constant 8 : i32
      %mul3A_274 = arith.muli %scan3A_180, %mul3A_273 : i32
      %add3A_275 = arith.constant 3 : i32
      %add3A_276 = arith.addi %mul3A_274, %add3A_275 : i32
      %dma_wait3A_277 = arith.constant 3 : i32
      %dma_wait3A_278 = arith.constant 0 : i32
      %dma_wait3A_279 = arith.constant 0 : i32
      %dma_wait3A_280 = tpu.memref_slice %arg7[%select_n3A_189, %dma_wait3A_277, %dma_wait3A_278, %dma_wait3A_279] : memref<2x8x128x16xf32, #tpu.memory_space<vmem>> -> memref<1x1x128x16xf32, #tpu.memory_space<vmem>>
      %dma_wait3A_281 = tpu.memref_squeeze %dma_wait3A_280 : memref<1x1x128x16xf32, #tpu.memory_space<vmem>> -> memref<128x16xf32, #tpu.memory_space<vmem>>
      %dma_wait3A_282 = arith.constant 0 : i32
      %dma_wait3A_283 = tpu.memref_slice %arg5[%add3A_276, %dma_wait3A_282] : memref<80x128xi32, #tpu.memory_space<vmem>> -> memref<1x128xi32, #tpu.memory_space<vmem>>
      %dma_wait3A_284 = tpu.memref_squeeze %dma_wait3A_283 : memref<1x128xi32, #tpu.memory_space<vmem>> -> memref<128xi32, #tpu.memory_space<vmem>>
      %dma_wait3A_285 = arith.constant 0 : i32
      %dma_wait3A_286 = arith.constant 0 : i32
      %dma_wait3A_287 = tpu.memref_slice %arg10[%dma_wait3A_285, %dma_wait3A_286] : memref<10240x16xf32, #tpu.memory_space<vmem_shared>> -> memref<10240x16xf32, #tpu.memory_space<vmem_shared>>
      tpu.wait_indirect_dma semaphore(%arg12 : memref<!tpu.dma_semaphore, #tpu.memory_space<semaphore_mem>>) src(%dma_wait3A_287 : memref<10240x16xf32, #tpu.memory_space<vmem_shared>>) dst(%dma_wait3A_281 : memref<128x16xf32, #tpu.memory_space<vmem>>)
      %dma_start3A_288 = arith.constant 3 : i32
      %dma_start3A_289 = arith.constant 0 : i32
      %dma_start3A_290 = arith.constant 0 : i32
      %dma_start3A_291 = tpu.memref_slice %arg7[%select_n3A_189, %dma_start3A_288, %dma_start3A_289, %dma_start3A_290] : memref<2x8x128x16xf32, #tpu.memory_space<vmem>> -> memref<1x1x128x16xf32, #tpu.memory_space<vmem>>
      %dma_start3A_292 = tpu.memref_squeeze %dma_start3A_291 : memref<1x1x128x16xf32, #tpu.memory_space<vmem>> -> memref<128x16xf32, #tpu.memory_space<vmem>>
      %dma_start3A_293 = arith.constant 0 : i32
      %dma_start3A_294 = tpu.memref_slice %arg6[%add3A_276, %dma_start3A_293] : memref<80x128xi32, #tpu.memory_space<vmem>> -> memref<1x128xi32, #tpu.memory_space<vmem>>
      %dma_start3A_295 = tpu.memref_squeeze %dma_start3A_294 : memref<1x128xi32, #tpu.memory_space<vmem>> -> memref<128xi32, #tpu.memory_space<vmem>>
      %dma_start3A_296 = arith.constant 0 : i32
      %dma_start3A_297 = arith.constant 0 : i32
      %dma_start3A_298 = tpu.memref_slice %arg11[%dma_start3A_296, %dma_start3A_297] : memref<10240x16xf32, #tpu.memory_space<vmem_shared>> -> memref<10240x16xf32, #tpu.memory_space<vmem_shared>>
      tpu.enqueue_indirect_dma source(%dma_start3A_292 : memref<128x16xf32, #tpu.memory_space<vmem>>) target(%dma_start3A_298 : memref<10240x16xf32, #tpu.memory_space<vmem_shared>>) offsets(%dma_start3A_295 : memref<128xi32, #tpu.memory_space<vmem>>) semaphore(%arg13 : memref<!tpu.dma_semaphore, #tpu.memory_space<semaphore_mem>>) {add = true}
      %mul3A_299 = arith.constant 8 : i32
      %mul3A_300 = arith.muli %scan3A_180, %mul3A_299 : i32
      %add3A_301 = arith.constant 4 : i32
      %add3A_302 = arith.addi %mul3A_300, %add3A_301 : i32
      %dma_wait3A_303 = arith.constant 4 : i32
      %dma_wait3A_304 = arith.constant 0 : i32
      %dma_wait3A_305 = arith.constant 0 : i32
      %dma_wait3A_306 = tpu.memref_slice %arg7[%select_n3A_189, %dma_wait3A_303, %dma_wait3A_304, %dma_wait3A_305] : memref<2x8x128x16xf32, #tpu.memory_space<vmem>> -> memref<1x1x128x16xf32, #tpu.memory_space<vmem>>
      %dma_wait3A_307 = tpu.memref_squeeze %dma_wait3A_306 : memref<1x1x128x16xf32, #tpu.memory_space<vmem>> -> memref<128x16xf32, #tpu.memory_space<vmem>>
      %dma_wait3A_308 = arith.constant 0 : i32
      %dma_wait3A_309 = tpu.memref_slice %arg5[%add3A_302, %dma_wait3A_308] : memref<80x128xi32, #tpu.memory_space<vmem>> -> memref<1x128xi32, #tpu.memory_space<vmem>>
      %dma_wait3A_310 = tpu.memref_squeeze %dma_wait3A_309 : memref<1x128xi32, #tpu.memory_space<vmem>> -> memref<128xi32, #tpu.memory_space<vmem>>
      %dma_wait3A_311 = arith.constant 0 : i32
      %dma_wait3A_312 = arith.constant 0 : i32
      %dma_wait3A_313 = tpu.memref_slice %arg10[%dma_wait3A_311, %dma_wait3A_312] : memref<10240x16xf32, #tpu.memory_space<vmem_shared>> -> memref<10240x16xf32, #tpu.memory_space<vmem_shared>>
      tpu.wait_indirect_dma semaphore(%arg12 : memref<!tpu.dma_semaphore, #tpu.memory_space<semaphore_mem>>) src(%dma_wait3A_313 : memref<10240x16xf32, #tpu.memory_space<vmem_shared>>) dst(%dma_wait3A_307 : memref<128x16xf32, #tpu.memory_space<vmem>>)
      %dma_start3A_314 = arith.constant 4 : i32
      %dma_start3A_315 = arith.constant 0 : i32
      %dma_start3A_316 = arith.constant 0 : i32
      %dma_start3A_317 = tpu.memref_slice %arg7[%select_n3A_189, %dma_start3A_314, %dma_start3A_315, %dma_start3A_316] : memref<2x8x128x16xf32, #tpu.memory_space<vmem>> -> memref<1x1x128x16xf32, #tpu.memory_space<vmem>>
      %dma_start3A_318 = tpu.memref_squeeze %dma_start3A_317 : memref<1x1x128x16xf32, #tpu.memory_space<vmem>> -> memref<128x16xf32, #tpu.memory_space<vmem>>
      %dma_start3A_319 = arith.constant 0 : i32
      %dma_start3A_320 = tpu.memref_slice %arg6[%add3A_302, %dma_start3A_319] : memref<80x128xi32, #tpu.memory_space<vmem>> -> memref<1x128xi32, #tpu.memory_space<vmem>>
      %dma_start3A_321 = tpu.memref_squeeze %dma_start3A_320 : memref<1x128xi32, #tpu.memory_space<vmem>> -> memref<128xi32, #tpu.memory_space<vmem>>
      %dma_start3A_322 = arith.constant 0 : i32
      %dma_start3A_323 = arith.constant 0 : i32
      %dma_start3A_324 = tpu.memref_slice %arg11[%dma_start3A_322, %dma_start3A_323] : memref<10240x16xf32, #tpu.memory_space<vmem_shared>> -> memref<10240x16xf32, #tpu.memory_space<vmem_shared>>
      tpu.enqueue_indirect_dma source(%dma_start3A_318 : memref<128x16xf32, #tpu.memory_space<vmem>>) target(%dma_start3A_324 : memref<10240x16xf32, #tpu.memory_space<vmem_shared>>) offsets(%dma_start3A_321 : memref<128xi32, #tpu.memory_space<vmem>>) semaphore(%arg13 : memref<!tpu.dma_semaphore, #tpu.memory_space<semaphore_mem>>) {add = true}
      %mul3A_325 = arith.constant 8 : i32
      %mul3A_326 = arith.muli %scan3A_180, %mul3A_325 : i32
      %add3A_327 = arith.constant 5 : i32
      %add3A_328 = arith.addi %mul3A_326, %add3A_327 : i32
      %dma_wait3A_329 = arith.constant 5 : i32
      %dma_wait3A_330 = arith.constant 0 : i32
      %dma_wait3A_331 = arith.constant 0 : i32
      %dma_wait3A_332 = tpu.memref_slice %arg7[%select_n3A_189, %dma_wait3A_329, %dma_wait3A_330, %dma_wait3A_331] : memref<2x8x128x16xf32, #tpu.memory_space<vmem>> -> memref<1x1x128x16xf32, #tpu.memory_space<vmem>>
      %dma_wait3A_333 = tpu.memref_squeeze %dma_wait3A_332 : memref<1x1x128x16xf32, #tpu.memory_space<vmem>> -> memref<128x16xf32, #tpu.memory_space<vmem>>
      %dma_wait3A_334 = arith.constant 0 : i32
      %dma_wait3A_335 = tpu.memref_slice %arg5[%add3A_328, %dma_wait3A_334] : memref<80x128xi32, #tpu.memory_space<vmem>> -> memref<1x128xi32, #tpu.memory_space<vmem>>
      %dma_wait3A_336 = tpu.memref_squeeze %dma_wait3A_335 : memref<1x128xi32, #tpu.memory_space<vmem>> -> memref<128xi32, #tpu.memory_space<vmem>>
      %dma_wait3A_337 = arith.constant 0 : i32
      %dma_wait3A_338 = arith.constant 0 : i32
      %dma_wait3A_339 = tpu.memref_slice %arg10[%dma_wait3A_337, %dma_wait3A_338] : memref<10240x16xf32, #tpu.memory_space<vmem_shared>> -> memref<10240x16xf32, #tpu.memory_space<vmem_shared>>
      tpu.wait_indirect_dma semaphore(%arg12 : memref<!tpu.dma_semaphore, #tpu.memory_space<semaphore_mem>>) src(%dma_wait3A_339 : memref<10240x16xf32, #tpu.memory_space<vmem_shared>>) dst(%dma_wait3A_333 : memref<128x16xf32, #tpu.memory_space<vmem>>)
      %dma_start3A_340 = arith.constant 5 : i32
      %dma_start3A_341 = arith.constant 0 : i32
      %dma_start3A_342 = arith.constant 0 : i32
      %dma_start3A_343 = tpu.memref_slice %arg7[%select_n3A_189, %dma_start3A_340, %dma_start3A_341, %dma_start3A_342] : memref<2x8x128x16xf32, #tpu.memory_space<vmem>> -> memref<1x1x128x16xf32, #tpu.memory_space<vmem>>
      %dma_start3A_344 = tpu.memref_squeeze %dma_start3A_343 : memref<1x1x128x16xf32, #tpu.memory_space<vmem>> -> memref<128x16xf32, #tpu.memory_space<vmem>>
      %dma_start3A_345 = arith.constant 0 : i32
      %dma_start3A_346 = tpu.memref_slice %arg6[%add3A_328, %dma_start3A_345] : memref<80x128xi32, #tpu.memory_space<vmem>> -> memref<1x128xi32, #tpu.memory_space<vmem>>
      %dma_start3A_347 = tpu.memref_squeeze %dma_start3A_346 : memref<1x128xi32, #tpu.memory_space<vmem>> -> memref<128xi32, #tpu.memory_space<vmem>>
      %dma_start3A_348 = arith.constant 0 : i32
      %dma_start3A_349 = arith.constant 0 : i32
      %dma_start3A_350 = tpu.memref_slice %arg11[%dma_start3A_348, %dma_start3A_349] : memref<10240x16xf32, #tpu.memory_space<vmem_shared>> -> memref<10240x16xf32, #tpu.memory_space<vmem_shared>>
      tpu.enqueue_indirect_dma source(%dma_start3A_344 : memref<128x16xf32, #tpu.memory_space<vmem>>) target(%dma_start3A_350 : memref<10240x16xf32, #tpu.memory_space<vmem_shared>>) offsets(%dma_start3A_347 : memref<128xi32, #tpu.memory_space<vmem>>) semaphore(%arg13 : memref<!tpu.dma_semaphore, #tpu.memory_space<semaphore_mem>>) {add = true}
      %mul3A_351 = arith.constant 8 : i32
      %mul3A_352 = arith.muli %scan3A_180, %mul3A_351 : i32
      %add3A_353 = arith.constant 6 : i32
      %add3A_354 = arith.addi %mul3A_352, %add3A_353 : i32
      %dma_wait3A_355 = arith.constant 6 : i32
      %dma_wait3A_356 = arith.constant 0 : i32
      %dma_wait3A_357 = arith.constant 0 : i32
      %dma_wait3A_358 = tpu.memref_slice %arg7[%select_n3A_189, %dma_wait3A_355, %dma_wait3A_356, %dma_wait3A_357] : memref<2x8x128x16xf32, #tpu.memory_space<vmem>> -> memref<1x1x128x16xf32, #tpu.memory_space<vmem>>
      %dma_wait3A_359 = tpu.memref_squeeze %dma_wait3A_358 : memref<1x1x128x16xf32, #tpu.memory_space<vmem>> -> memref<128x16xf32, #tpu.memory_space<vmem>>
      %dma_wait3A_360 = arith.constant 0 : i32
      %dma_wait3A_361 = tpu.memref_slice %arg5[%add3A_354, %dma_wait3A_360] : memref<80x128xi32, #tpu.memory_space<vmem>> -> memref<1x128xi32, #tpu.memory_space<vmem>>
      %dma_wait3A_362 = tpu.memref_squeeze %dma_wait3A_361 : memref<1x128xi32, #tpu.memory_space<vmem>> -> memref<128xi32, #tpu.memory_space<vmem>>
      %dma_wait3A_363 = arith.constant 0 : i32
      %dma_wait3A_364 = arith.constant 0 : i32
      %dma_wait3A_365 = tpu.memref_slice %arg10[%dma_wait3A_363, %dma_wait3A_364] : memref<10240x16xf32, #tpu.memory_space<vmem_shared>> -> memref<10240x16xf32, #tpu.memory_space<vmem_shared>>
      tpu.wait_indirect_dma semaphore(%arg12 : memref<!tpu.dma_semaphore, #tpu.memory_space<semaphore_mem>>) src(%dma_wait3A_365 : memref<10240x16xf32, #tpu.memory_space<vmem_shared>>) dst(%dma_wait3A_359 : memref<128x16xf32, #tpu.memory_space<vmem>>)
      %dma_start3A_366 = arith.constant 6 : i32
      %dma_start3A_367 = arith.constant 0 : i32
      %dma_start3A_368 = arith.constant 0 : i32
      %dma_start3A_369 = tpu.memref_slice %arg7[%select_n3A_189, %dma_start3A_366, %dma_start3A_367, %dma_start3A_368] : memref<2x8x128x16xf32, #tpu.memory_space<vmem>> -> memref<1x1x128x16xf32, #tpu.memory_space<vmem>>
      %dma_start3A_370 = tpu.memref_squeeze %dma_start3A_369 : memref<1x1x128x16xf32, #tpu.memory_space<vmem>> -> memref<128x16xf32, #tpu.memory_space<vmem>>
      %dma_start3A_371 = arith.constant 0 : i32
      %dma_start3A_372 = tpu.memref_slice %arg6[%add3A_354, %dma_start3A_371] : memref<80x128xi32, #tpu.memory_space<vmem>> -> memref<1x128xi32, #tpu.memory_space<vmem>>
      %dma_start3A_373 = tpu.memref_squeeze %dma_start3A_372 : memref<1x128xi32, #tpu.memory_space<vmem>> -> memref<128xi32, #tpu.memory_space<vmem>>
      %dma_start3A_374 = arith.constant 0 : i32
      %dma_start3A_375 = arith.constant 0 : i32
      %dma_start3A_376 = tpu.memref_slice %arg11[%dma_start3A_374, %dma_start3A_375] : memref<10240x16xf32, #tpu.memory_space<vmem_shared>> -> memref<10240x16xf32, #tpu.memory_space<vmem_shared>>
      tpu.enqueue_indirect_dma source(%dma_start3A_370 : memref<128x16xf32, #tpu.memory_space<vmem>>) target(%dma_start3A_376 : memref<10240x16xf32, #tpu.memory_space<vmem_shared>>) offsets(%dma_start3A_373 : memref<128xi32, #tpu.memory_space<vmem>>) semaphore(%arg13 : memref<!tpu.dma_semaphore, #tpu.memory_space<semaphore_mem>>) {add = true}
      %mul3A_377 = arith.constant 8 : i32
      %mul3A_378 = arith.muli %scan3A_180, %mul3A_377 : i32
      %add3A_379 = arith.constant 7 : i32
      %add3A_380 = arith.addi %mul3A_378, %add3A_379 : i32
      %dma_wait3A_381 = arith.constant 7 : i32
      %dma_wait3A_382 = arith.constant 0 : i32
      %dma_wait3A_383 = arith.constant 0 : i32
      %dma_wait3A_384 = tpu.memref_slice %arg7[%select_n3A_189, %dma_wait3A_381, %dma_wait3A_382, %dma_wait3A_383] : memref<2x8x128x16xf32, #tpu.memory_space<vmem>> -> memref<1x1x128x16xf32, #tpu.memory_space<vmem>>
      %dma_wait3A_385 = tpu.memref_squeeze %dma_wait3A_384 : memref<1x1x128x16xf32, #tpu.memory_space<vmem>> -> memref<128x16xf32, #tpu.memory_space<vmem>>
      %dma_wait3A_386 = arith.constant 0 : i32
      %dma_wait3A_387 = tpu.memref_slice %arg5[%add3A_380, %dma_wait3A_386] : memref<80x128xi32, #tpu.memory_space<vmem>> -> memref<1x128xi32, #tpu.memory_space<vmem>>
      %dma_wait3A_388 = tpu.memref_squeeze %dma_wait3A_387 : memref<1x128xi32, #tpu.memory_space<vmem>> -> memref<128xi32, #tpu.memory_space<vmem>>
      %dma_wait3A_389 = arith.constant 0 : i32
      %dma_wait3A_390 = arith.constant 0 : i32
      %dma_wait3A_391 = tpu.memref_slice %arg10[%dma_wait3A_389, %dma_wait3A_390] : memref<10240x16xf32, #tpu.memory_space<vmem_shared>> -> memref<10240x16xf32, #tpu.memory_space<vmem_shared>>
      tpu.wait_indirect_dma semaphore(%arg12 : memref<!tpu.dma_semaphore, #tpu.memory_space<semaphore_mem>>) src(%dma_wait3A_391 : memref<10240x16xf32, #tpu.memory_space<vmem_shared>>) dst(%dma_wait3A_385 : memref<128x16xf32, #tpu.memory_space<vmem>>)
      %dma_start3A_392 = arith.constant 7 : i32
      %dma_start3A_393 = arith.constant 0 : i32
      %dma_start3A_394 = arith.constant 0 : i32
      %dma_start3A_395 = tpu.memref_slice %arg7[%select_n3A_189, %dma_start3A_392, %dma_start3A_393, %dma_start3A_394] : memref<2x8x128x16xf32, #tpu.memory_space<vmem>> -> memref<1x1x128x16xf32, #tpu.memory_space<vmem>>
      %dma_start3A_396 = tpu.memref_squeeze %dma_start3A_395 : memref<1x1x128x16xf32, #tpu.memory_space<vmem>> -> memref<128x16xf32, #tpu.memory_space<vmem>>
      %dma_start3A_397 = arith.constant 0 : i32
      %dma_start3A_398 = tpu.memref_slice %arg6[%add3A_380, %dma_start3A_397] : memref<80x128xi32, #tpu.memory_space<vmem>> -> memref<1x128xi32, #tpu.memory_space<vmem>>
      %dma_start3A_399 = tpu.memref_squeeze %dma_start3A_398 : memref<1x128xi32, #tpu.memory_space<vmem>> -> memref<128xi32, #tpu.memory_space<vmem>>
      %dma_start3A_400 = arith.constant 0 : i32
      %dma_start3A_401 = arith.constant 0 : i32
      %dma_start3A_402 = tpu.memref_slice %arg11[%dma_start3A_400, %dma_start3A_401] : memref<10240x16xf32, #tpu.memory_space<vmem_shared>> -> memref<10240x16xf32, #tpu.memory_space<vmem_shared>>
      tpu.enqueue_indirect_dma source(%dma_start3A_396 : memref<128x16xf32, #tpu.memory_space<vmem>>) target(%dma_start3A_402 : memref<10240x16xf32, #tpu.memory_space<vmem_shared>>) offsets(%dma_start3A_399 : memref<128xi32, #tpu.memory_space<vmem>>) semaphore(%arg13 : memref<!tpu.dma_semaphore, #tpu.memory_space<semaphore_mem>>) {add = true}
      %dma_wait3A_403 = arith.constant 0 : i32
      %dma_wait3A_404 = arith.constant 0 : i32
      %dma_wait3A_405 = arith.constant 0 : i32
      %dma_wait3A_406 = arith.constant 0 : i32
      %dma_wait3A_407 = tpu.memref_slice %arg7[%select_n3A_189, %dma_wait3A_403, %dma_wait3A_405, %dma_wait3A_406] : memref<2x8x128x16xf32, #tpu.memory_space<vmem>> -> memref<1x1x128x16xf32, #tpu.memory_space<vmem>>
      %dma_wait3A_408 = tpu.memref_squeeze %dma_wait3A_407 : memref<1x1x128x16xf32, #tpu.memory_space<vmem>> -> memref<128x16xf32, #tpu.memory_space<vmem>>
      %dma_wait3A_409 = arith.constant 0 : i32
      %dma_wait3A_410 = tpu.memref_slice %arg6[%dma_wait3A_404, %dma_wait3A_409] : memref<80x128xi32, #tpu.memory_space<vmem>> -> memref<1x128xi32, #tpu.memory_space<vmem>>
      %dma_wait3A_411 = tpu.memref_squeeze %dma_wait3A_410 : memref<1x128xi32, #tpu.memory_space<vmem>> -> memref<128xi32, #tpu.memory_space<vmem>>
      %dma_wait3A_412 = arith.constant 0 : i32
      %dma_wait3A_413 = arith.constant 0 : i32
      %dma_wait3A_414 = tpu.memref_slice %arg11[%dma_wait3A_412, %dma_wait3A_413] : memref<10240x16xf32, #tpu.memory_space<vmem_shared>> -> memref<10240x16xf32, #tpu.memory_space<vmem_shared>>
      tpu.wait_indirect_dma semaphore(%arg13 : memref<!tpu.dma_semaphore, #tpu.memory_space<semaphore_mem>>) src(%dma_wait3A_408 : memref<128x16xf32, #tpu.memory_space<vmem>>) dst(%dma_wait3A_414 : memref<10240x16xf32, #tpu.memory_space<vmem_shared>>)
      %dma_wait3A_415 = arith.constant 1 : i32
      %dma_wait3A_416 = arith.constant 0 : i32
      %dma_wait3A_417 = arith.constant 0 : i32
      %dma_wait3A_418 = arith.constant 0 : i32
      %dma_wait3A_419 = tpu.memref_slice %arg7[%select_n3A_189, %dma_wait3A_415, %dma_wait3A_417, %dma_wait3A_418] : memref<2x8x128x16xf32, #tpu.memory_space<vmem>> -> memref<1x1x128x16xf32, #tpu.memory_space<vmem>>
      %dma_wait3A_420 = tpu.memref_squeeze %dma_wait3A_419 : memref<1x1x128x16xf32, #tpu.memory_space<vmem>> -> memref<128x16xf32, #tpu.memory_space<vmem>>
      %dma_wait3A_421 = arith.constant 0 : i32
      %dma_wait3A_422 = tpu.memref_slice %arg6[%dma_wait3A_416, %dma_wait3A_421] : memref<80x128xi32, #tpu.memory_space<vmem>> -> memref<1x128xi32, #tpu.memory_space<vmem>>
      %dma_wait3A_423 = tpu.memref_squeeze %dma_wait3A_422 : memref<1x128xi32, #tpu.memory_space<vmem>> -> memref<128xi32, #tpu.memory_space<vmem>>
      %dma_wait3A_424 = arith.constant 0 : i32
      %dma_wait3A_425 = arith.constant 0 : i32
      %dma_wait3A_426 = tpu.memref_slice %arg11[%dma_wait3A_424, %dma_wait3A_425] : memref<10240x16xf32, #tpu.memory_space<vmem_shared>> -> memref<10240x16xf32, #tpu.memory_space<vmem_shared>>
      tpu.wait_indirect_dma semaphore(%arg13 : memref<!tpu.dma_semaphore, #tpu.memory_space<semaphore_mem>>) src(%dma_wait3A_420 : memref<128x16xf32, #tpu.memory_space<vmem>>) dst(%dma_wait3A_426 : memref<10240x16xf32, #tpu.memory_space<vmem_shared>>)
      %dma_wait3A_427 = arith.constant 2 : i32
      %dma_wait3A_428 = arith.constant 0 : i32
      %dma_wait3A_429 = arith.constant 0 : i32
      %dma_wait3A_430 = arith.constant 0 : i32
      %dma_wait3A_431 = tpu.memref_slice %arg7[%select_n3A_189, %dma_wait3A_427, %dma_wait3A_429, %dma_wait3A_430] : memref<2x8x128x16xf32, #tpu.memory_space<vmem>> -> memref<1x1x128x16xf32, #tpu.memory_space<vmem>>
      %dma_wait3A_432 = tpu.memref_squeeze %dma_wait3A_431 : memref<1x1x128x16xf32, #tpu.memory_space<vmem>> -> memref<128x16xf32, #tpu.memory_space<vmem>>
      %dma_wait3A_433 = arith.constant 0 : i32
      %dma_wait3A_434 = tpu.memref_slice %arg6[%dma_wait3A_428, %dma_wait3A_433] : memref<80x128xi32, #tpu.memory_space<vmem>> -> memref<1x128xi32, #tpu.memory_space<vmem>>
      %dma_wait3A_435 = tpu.memref_squeeze %dma_wait3A_434 : memref<1x128xi32, #tpu.memory_space<vmem>> -> memref<128xi32, #tpu.memory_space<vmem>>
      %dma_wait3A_436 = arith.constant 0 : i32
      %dma_wait3A_437 = arith.constant 0 : i32
      %dma_wait3A_438 = tpu.memref_slice %arg11[%dma_wait3A_436, %dma_wait3A_437] : memref<10240x16xf32, #tpu.memory_space<vmem_shared>> -> memref<10240x16xf32, #tpu.memory_space<vmem_shared>>
      tpu.wait_indirect_dma semaphore(%arg13 : memref<!tpu.dma_semaphore, #tpu.memory_space<semaphore_mem>>) src(%dma_wait3A_432 : memref<128x16xf32, #tpu.memory_space<vmem>>) dst(%dma_wait3A_438 : memref<10240x16xf32, #tpu.memory_space<vmem_shared>>)
      %dma_wait3A_439 = arith.constant 3 : i32
      %dma_wait3A_440 = arith.constant 0 : i32
      %dma_wait3A_441 = arith.constant 0 : i32
      %dma_wait3A_442 = arith.constant 0 : i32
      %dma_wait3A_443 = tpu.memref_slice %arg7[%select_n3A_189, %dma_wait3A_439, %dma_wait3A_441, %dma_wait3A_442] : memref<2x8x128x16xf32, #tpu.memory_space<vmem>> -> memref<1x1x128x16xf32, #tpu.memory_space<vmem>>
      %dma_wait3A_444 = tpu.memref_squeeze %dma_wait3A_443 : memref<1x1x128x16xf32, #tpu.memory_space<vmem>> -> memref<128x16xf32, #tpu.memory_space<vmem>>
      %dma_wait3A_445 = arith.constant 0 : i32
      %dma_wait3A_446 = tpu.memref_slice %arg6[%dma_wait3A_440, %dma_wait3A_445] : memref<80x128xi32, #tpu.memory_space<vmem>> -> memref<1x128xi32, #tpu.memory_space<vmem>>
      %dma_wait3A_447 = tpu.memref_squeeze %dma_wait3A_446 : memref<1x128xi32, #tpu.memory_space<vmem>> -> memref<128xi32, #tpu.memory_space<vmem>>
      %dma_wait3A_448 = arith.constant 0 : i32
      %dma_wait3A_449 = arith.constant 0 : i32
      %dma_wait3A_450 = tpu.memref_slice %arg11[%dma_wait3A_448, %dma_wait3A_449] : memref<10240x16xf32, #tpu.memory_space<vmem_shared>> -> memref<10240x16xf32, #tpu.memory_space<vmem_shared>>
      tpu.wait_indirect_dma semaphore(%arg13 : memref<!tpu.dma_semaphore, #tpu.memory_space<semaphore_mem>>) src(%dma_wait3A_444 : memref<128x16xf32, #tpu.memory_space<vmem>>) dst(%dma_wait3A_450 : memref<10240x16xf32, #tpu.memory_space<vmem_shared>>)
      %dma_wait3A_451 = arith.constant 4 : i32
      %dma_wait3A_452 = arith.constant 0 : i32
      %dma_wait3A_453 = arith.constant 0 : i32
      %dma_wait3A_454 = arith.constant 0 : i32
      %dma_wait3A_455 = tpu.memref_slice %arg7[%select_n3A_189, %dma_wait3A_451, %dma_wait3A_453, %dma_wait3A_454] : memref<2x8x128x16xf32, #tpu.memory_space<vmem>> -> memref<1x1x128x16xf32, #tpu.memory_space<vmem>>
      %dma_wait3A_456 = tpu.memref_squeeze %dma_wait3A_455 : memref<1x1x128x16xf32, #tpu.memory_space<vmem>> -> memref<128x16xf32, #tpu.memory_space<vmem>>
      %dma_wait3A_457 = arith.constant 0 : i32
      %dma_wait3A_458 = tpu.memref_slice %arg6[%dma_wait3A_452, %dma_wait3A_457] : memref<80x128xi32, #tpu.memory_space<vmem>> -> memref<1x128xi32, #tpu.memory_space<vmem>>
      %dma_wait3A_459 = tpu.memref_squeeze %dma_wait3A_458 : memref<1x128xi32, #tpu.memory_space<vmem>> -> memref<128xi32, #tpu.memory_space<vmem>>
      %dma_wait3A_460 = arith.constant 0 : i32
      %dma_wait3A_461 = arith.constant 0 : i32
      %dma_wait3A_462 = tpu.memref_slice %arg11[%dma_wait3A_460, %dma_wait3A_461] : memref<10240x16xf32, #tpu.memory_space<vmem_shared>> -> memref<10240x16xf32, #tpu.memory_space<vmem_shared>>
      tpu.wait_indirect_dma semaphore(%arg13 : memref<!tpu.dma_semaphore, #tpu.memory_space<semaphore_mem>>) src(%dma_wait3A_456 : memref<128x16xf32, #tpu.memory_space<vmem>>) dst(%dma_wait3A_462 : memref<10240x16xf32, #tpu.memory_space<vmem_shared>>)
      %dma_wait3A_463 = arith.constant 5 : i32
      %dma_wait3A_464 = arith.constant 0 : i32
      %dma_wait3A_465 = arith.constant 0 : i32
      %dma_wait3A_466 = arith.constant 0 : i32
      %dma_wait3A_467 = tpu.memref_slice %arg7[%select_n3A_189, %dma_wait3A_463, %dma_wait3A_465, %dma_wait3A_466] : memref<2x8x128x16xf32, #tpu.memory_space<vmem>> -> memref<1x1x128x16xf32, #tpu.memory_space<vmem>>
      %dma_wait3A_468 = tpu.memref_squeeze %dma_wait3A_467 : memref<1x1x128x16xf32, #tpu.memory_space<vmem>> -> memref<128x16xf32, #tpu.memory_space<vmem>>
      %dma_wait3A_469 = arith.constant 0 : i32
      %dma_wait3A_470 = tpu.memref_slice %arg6[%dma_wait3A_464, %dma_wait3A_469] : memref<80x128xi32, #tpu.memory_space<vmem>> -> memref<1x128xi32, #tpu.memory_space<vmem>>
      %dma_wait3A_471 = tpu.memref_squeeze %dma_wait3A_470 : memref<1x128xi32, #tpu.memory_space<vmem>> -> memref<128xi32, #tpu.memory_space<vmem>>
      %dma_wait3A_472 = arith.constant 0 : i32
      %dma_wait3A_473 = arith.constant 0 : i32
      %dma_wait3A_474 = tpu.memref_slice %arg11[%dma_wait3A_472, %dma_wait3A_473] : memref<10240x16xf32, #tpu.memory_space<vmem_shared>> -> memref<10240x16xf32, #tpu.memory_space<vmem_shared>>
      tpu.wait_indirect_dma semaphore(%arg13 : memref<!tpu.dma_semaphore, #tpu.memory_space<semaphore_mem>>) src(%dma_wait3A_468 : memref<128x16xf32, #tpu.memory_space<vmem>>) dst(%dma_wait3A_474 : memref<10240x16xf32, #tpu.memory_space<vmem_shared>>)
      %dma_wait3A_475 = arith.constant 6 : i32
      %dma_wait3A_476 = arith.constant 0 : i32
      %dma_wait3A_477 = arith.constant 0 : i32
      %dma_wait3A_478 = arith.constant 0 : i32
      %dma_wait3A_479 = tpu.memref_slice %arg7[%select_n3A_189, %dma_wait3A_475, %dma_wait3A_477, %dma_wait3A_478] : memref<2x8x128x16xf32, #tpu.memory_space<vmem>> -> memref<1x1x128x16xf32, #tpu.memory_space<vmem>>
      %dma_wait3A_480 = tpu.memref_squeeze %dma_wait3A_479 : memref<1x1x128x16xf32, #tpu.memory_space<vmem>> -> memref<128x16xf32, #tpu.memory_space<vmem>>
      %dma_wait3A_481 = arith.constant 0 : i32
      %dma_wait3A_482 = tpu.memref_slice %arg6[%dma_wait3A_476, %dma_wait3A_481] : memref<80x128xi32, #tpu.memory_space<vmem>> -> memref<1x128xi32, #tpu.memory_space<vmem>>
      %dma_wait3A_483 = tpu.memref_squeeze %dma_wait3A_482 : memref<1x128xi32, #tpu.memory_space<vmem>> -> memref<128xi32, #tpu.memory_space<vmem>>
      %dma_wait3A_484 = arith.constant 0 : i32
      %dma_wait3A_485 = arith.constant 0 : i32
      %dma_wait3A_486 = tpu.memref_slice %arg11[%dma_wait3A_484, %dma_wait3A_485] : memref<10240x16xf32, #tpu.memory_space<vmem_shared>> -> memref<10240x16xf32, #tpu.memory_space<vmem_shared>>
      tpu.wait_indirect_dma semaphore(%arg13 : memref<!tpu.dma_semaphore, #tpu.memory_space<semaphore_mem>>) src(%dma_wait3A_480 : memref<128x16xf32, #tpu.memory_space<vmem>>) dst(%dma_wait3A_486 : memref<10240x16xf32, #tpu.memory_space<vmem_shared>>)
      %dma_wait3A_487 = arith.constant 7 : i32
      %dma_wait3A_488 = arith.constant 0 : i32
      %dma_wait3A_489 = arith.constant 0 : i32
      %dma_wait3A_490 = arith.constant 0 : i32
      %dma_wait3A_491 = tpu.memref_slice %arg7[%select_n3A_189, %dma_wait3A_487, %dma_wait3A_489, %dma_wait3A_490] : memref<2x8x128x16xf32, #tpu.memory_space<vmem>> -> memref<1x1x128x16xf32, #tpu.memory_space<vmem>>
      %dma_wait3A_492 = tpu.memref_squeeze %dma_wait3A_491 : memref<1x1x128x16xf32, #tpu.memory_space<vmem>> -> memref<128x16xf32, #tpu.memory_space<vmem>>
      %dma_wait3A_493 = arith.constant 0 : i32
      %dma_wait3A_494 = tpu.memref_slice %arg6[%dma_wait3A_488, %dma_wait3A_493] : memref<80x128xi32, #tpu.memory_space<vmem>> -> memref<1x128xi32, #tpu.memory_space<vmem>>
      %dma_wait3A_495 = tpu.memref_squeeze %dma_wait3A_494 : memref<1x128xi32, #tpu.memory_space<vmem>> -> memref<128xi32, #tpu.memory_space<vmem>>
      %dma_wait3A_496 = arith.constant 0 : i32
      %dma_wait3A_497 = arith.constant 0 : i32
      %dma_wait3A_498 = tpu.memref_slice %arg11[%dma_wait3A_496, %dma_wait3A_497] : memref<10240x16xf32, #tpu.memory_space<vmem_shared>> -> memref<10240x16xf32, #tpu.memory_space<vmem_shared>>
      tpu.wait_indirect_dma semaphore(%arg13 : memref<!tpu.dma_semaphore, #tpu.memory_space<semaphore_mem>>) src(%dma_wait3A_492 : memref<128x16xf32, #tpu.memory_space<vmem>>) dst(%dma_wait3A_498 : memref<10240x16xf32, #tpu.memory_space<vmem_shared>>)
    }
    %scan3A_168 = arith.constant 10 : i32
    %barrier3A_169 = arith.constant 0 : index
    tpu.barrier barrier_id(%barrier3A_169)
    %mul3A_170 = arith.constant 640 : i32
    %mul3A_171 = arith.muli %arg1, %mul3A_170 : i32
    "tpu.region"() ({
      %run_scoped3A = tpu.sem_alloc : memref<!tpu.dma_semaphore, #tpu.memory_space<semaphore_mem>>
      %dma_start3A_180 = arith.constant 0 : i32
      %dma_start3A_181 = tpu.memref_slice %arg11[%mul3A_171, %dma_start3A_180] : memref<10240x16xf32, #tpu.memory_space<vmem_shared>> -> memref<640x16xf32, #tpu.memory_space<vmem_shared>>
      %dma_start3A_182 = arith.constant 0 : i32
      %dma_start3A_183 = tpu.memref_slice %arg11[%mul3A_171, %dma_start3A_182] : memref<10240x16xf32, #tpu.memory_space<vmem_shared>> -> memref<640x16xf32, #tpu.memory_space<vmem_shared>>
      tpu.enqueue_dma source(%dma_start3A_183 : memref<640x16xf32, #tpu.memory_space<vmem_shared>>) target(%arg8 : memref<640x16xf32, #tpu.memory_space<vmem>>) target_semaphore(%run_scoped3A : memref<!tpu.dma_semaphore, #tpu.memory_space<semaphore_mem>>)
      %dma_wait3A_184 = arith.constant 0 : i32
      %dma_wait3A_185 = tpu.memref_slice %arg11[%mul3A_171, %dma_wait3A_184] : memref<10240x16xf32, #tpu.memory_space<vmem_shared>> -> memref<640x16xf32, #tpu.memory_space<vmem_shared>>
      %dma_wait3A_186 = arith.constant 0 : i32
      %dma_wait3A_187 = tpu.memref_slice %arg11[%mul3A_171, %dma_wait3A_186] : memref<10240x16xf32, #tpu.memory_space<vmem_shared>> -> memref<640x16xf32, #tpu.memory_space<vmem_shared>>
      tpu.wait_dma2 semaphore(%run_scoped3A : memref<!tpu.dma_semaphore, #tpu.memory_space<semaphore_mem>>) src(%dma_wait3A_187 : memref<640x16xf32, #tpu.memory_space<vmem_shared>>) dst(%arg8 : memref<640x16xf32, #tpu.memory_space<vmem>>)
      tpu.yield
    }) : () -> ()
    %scan3A_172 = arith.constant 0 : i32
    %scan3A_173 = arith.constant 0 : i32
    %scan3A_174 = arith.constant 80 : i32
    %scan3A_175 = arith.addi %scan3A_173, %scan3A_174 : i32
    %scan3A_176 = arith.constant 1 : i32
    scf.for %scan3A_180 = %scan3A_173 to %scan3A_175 step %scan3A_176  : i32 {
      %mul3A_181 = arith.constant 8 : i32
      %mul3A_182 = arith.muli %scan3A_180, %mul3A_181 : i32
      %add3A_183 = arith.constant 0 : i32
      %add3A_184 = arith.addi %mul3A_182, %add3A_183 : i32
      %get3A = arith.index_cast %add3A_184 : i32 to index
      %get3A_185 = arith.constant 0 : index
      %get3A_186 = tpu.vector_load %arg8[%get3A, %get3A_185] {strides = array<i32>} : memref<640x16xf32, #tpu.memory_space<vmem>>, vector<16xf32>,
      %swap3A = arith.index_cast %scan3A_180 : i32 to index
      %swap3A_187 = arith.constant 0 : index
      %swap3A_188 = tpu.vector_load %arg9[%swap3A, %swap3A_187] {strides = array<i32>} : memref<80x128xf32, #tpu.memory_space<vmem>>, vector<16xf32>,
      tpu.vector_store %arg9[%swap3A, %swap3A_187], %get3A_186 {strides = array<i32>} : memref<80x128xf32, #tpu.memory_space<vmem>>, vector<16xf32>,
      %mul3A_189 = arith.constant 8 : i32
      %mul3A_190 = arith.muli %scan3A_180, %mul3A_189 : i32
      %add3A_191 = arith.constant 1 : i32
      %add3A_192 = arith.addi %mul3A_190, %add3A_191 : i32
      %get3A_193 = arith.index_cast %add3A_192 : i32 to index
      %get3A_194 = arith.constant 0 : index
      %get3A_195 = tpu.vector_load %arg8[%get3A_193, %get3A_194] {strides = array<i32>} : memref<640x16xf32, #tpu.memory_space<vmem>>, vector<16xf32>,
      %swap3A_196 = arith.index_cast %scan3A_180 : i32 to index
      %swap3A_197 = arith.constant 16 : index
      %swap3A_198 = tpu.vector_load %arg9[%swap3A_196, %swap3A_197] {strides = array<i32>} : memref<80x128xf32, #tpu.memory_space<vmem>>, vector<16xf32>,
      tpu.vector_store %arg9[%swap3A_196, %swap3A_197], %get3A_195 {strides = array<i32>} : memref<80x128xf32, #tpu.memory_space<vmem>>, vector<16xf32>,
      %mul3A_199 = arith.constant 8 : i32
      %mul3A_200 = arith.muli %scan3A_180, %mul3A_199 : i32
      %add3A_201 = arith.constant 2 : i32
      %add3A_202 = arith.addi %mul3A_200, %add3A_201 : i32
      %get3A_203 = arith.index_cast %add3A_202 : i32 to index
      %get3A_204 = arith.constant 0 : index
      %get3A_205 = tpu.vector_load %arg8[%get3A_203, %get3A_204] {strides = array<i32>} : memref<640x16xf32, #tpu.memory_space<vmem>>, vector<16xf32>,
      %swap3A_206 = arith.index_cast %scan3A_180 : i32 to index
      %swap3A_207 = arith.constant 32 : index
      %swap3A_208 = tpu.vector_load %arg9[%swap3A_206, %swap3A_207] {strides = array<i32>} : memref<80x128xf32, #tpu.memory_space<vmem>>, vector<16xf32>,
      tpu.vector_store %arg9[%swap3A_206, %swap3A_207], %get3A_205 {strides = array<i32>} : memref<80x128xf32, #tpu.memory_space<vmem>>, vector<16xf32>,
      %mul3A_209 = arith.constant 8 : i32
      %mul3A_210 = arith.muli %scan3A_180, %mul3A_209 : i32
      %add3A_211 = arith.constant 3 : i32
      %add3A_212 = arith.addi %mul3A_210, %add3A_211 : i32
      %get3A_213 = arith.index_cast %add3A_212 : i32 to index
      %get3A_214 = arith.constant 0 : index
      %get3A_215 = tpu.vector_load %arg8[%get3A_213, %get3A_214] {strides = array<i32>} : memref<640x16xf32, #tpu.memory_space<vmem>>, vector<16xf32>,
      %swap3A_216 = arith.index_cast %scan3A_180 : i32 to index
      %swap3A_217 = arith.constant 48 : index
      %swap3A_218 = tpu.vector_load %arg9[%swap3A_216, %swap3A_217] {strides = array<i32>} : memref<80x128xf32, #tpu.memory_space<vmem>>, vector<16xf32>,
      tpu.vector_store %arg9[%swap3A_216, %swap3A_217], %get3A_215 {strides = array<i32>} : memref<80x128xf32, #tpu.memory_space<vmem>>, vector<16xf32>,
      %mul3A_219 = arith.constant 8 : i32
      %mul3A_220 = arith.muli %scan3A_180, %mul3A_219 : i32
      %add3A_221 = arith.constant 4 : i32
      %add3A_222 = arith.addi %mul3A_220, %add3A_221 : i32
      %get3A_223 = arith.index_cast %add3A_222 : i32 to index
      %get3A_224 = arith.constant 0 : index
      %get3A_225 = tpu.vector_load %arg8[%get3A_223, %get3A_224] {strides = array<i32>} : memref<640x16xf32, #tpu.memory_space<vmem>>, vector<16xf32>,
      %swap3A_226 = arith.index_cast %scan3A_180 : i32 to index
      %swap3A_227 = arith.constant 64 : index
      %swap3A_228 = tpu.vector_load %arg9[%swap3A_226, %swap3A_227] {strides = array<i32>} : memref<80x128xf32, #tpu.memory_space<vmem>>, vector<16xf32>,
      tpu.vector_store %arg9[%swap3A_226, %swap3A_227], %get3A_225 {strides = array<i32>} : memref<80x128xf32, #tpu.memory_space<vmem>>, vector<16xf32>,
      %mul3A_229 = arith.constant 8 : i32
      %mul3A_230 = arith.muli %scan3A_180, %mul3A_229 : i32
      %add3A_231 = arith.constant 5 : i32
      %add3A_232 = arith.addi %mul3A_230, %add3A_231 : i32
      %get3A_233 = arith.index_cast %add3A_232 : i32 to index
      %get3A_234 = arith.constant 0 : index
      %get3A_235 = tpu.vector_load %arg8[%get3A_233, %get3A_234] {strides = array<i32>} : memref<640x16xf32, #tpu.memory_space<vmem>>, vector<16xf32>,
      %swap3A_236 = arith.index_cast %scan3A_180 : i32 to index
      %swap3A_237 = arith.constant 80 : index
      %swap3A_238 = tpu.vector_load %arg9[%swap3A_236, %swap3A_237] {strides = array<i32>} : memref<80x128xf32, #tpu.memory_space<vmem>>, vector<16xf32>,
      tpu.vector_store %arg9[%swap3A_236, %swap3A_237], %get3A_235 {strides = array<i32>} : memref<80x128xf32, #tpu.memory_space<vmem>>, vector<16xf32>,
      %mul3A_239 = arith.constant 8 : i32
      %mul3A_240 = arith.muli %scan3A_180, %mul3A_239 : i32
      %add3A_241 = arith.constant 6 : i32
      %add3A_242 = arith.addi %mul3A_240, %add3A_241 : i32
      %get3A_243 = arith.index_cast %add3A_242 : i32 to index
      %get3A_244 = arith.constant 0 : index
      %get3A_245 = tpu.vector_load %arg8[%get3A_243, %get3A_244] {strides = array<i32>} : memref<640x16xf32, #tpu.memory_space<vmem>>, vector<16xf32>,
      %swap3A_246 = arith.index_cast %scan3A_180 : i32 to index
      %swap3A_247 = arith.constant 96 : index
      %swap3A_248 = tpu.vector_load %arg9[%swap3A_246, %swap3A_247] {strides = array<i32>} : memref<80x128xf32, #tpu.memory_space<vmem>>, vector<16xf32>,
      tpu.vector_store %arg9[%swap3A_246, %swap3A_247], %get3A_245 {strides = array<i32>} : memref<80x128xf32, #tpu.memory_space<vmem>>, vector<16xf32>,
      %mul3A_249 = arith.constant 8 : i32
      %mul3A_250 = arith.muli %scan3A_180, %mul3A_249 : i32
      %add3A_251 = arith.constant 7 : i32
      %add3A_252 = arith.addi %mul3A_250, %add3A_251 : i32
      %get3A_253 = arith.index_cast %add3A_252 : i32 to index
      %get3A_254 = arith.constant 0 : index
      %get3A_255 = tpu.vector_load %arg8[%get3A_253, %get3A_254] {strides = array<i32>} : memref<640x16xf32, #tpu.memory_space<vmem>>, vector<16xf32>,
      %swap3A_256 = arith.index_cast %scan3A_180 : i32 to index
      %swap3A_257 = arith.constant 112 : index
      %swap3A_258 = tpu.vector_load %arg9[%swap3A_256, %swap3A_257] {strides = array<i32>} : memref<80x128xf32, #tpu.memory_space<vmem>>, vector<16xf32>,
      tpu.vector_store %arg9[%swap3A_256, %swap3A_257], %get3A_255 {strides = array<i32>} : memref<80x128xf32, #tpu.memory_space<vmem>>, vector<16xf32>,
    }
    %scan3A_177 = arith.constant 80 : i32
    %mul3A_178 = arith.constant 80 : i32
    %mul3A_179 = arith.muli %arg1, %mul3A_178 : i32
    "tpu.region"() ({
      %run_scoped3A = tpu.sem_alloc : memref<!tpu.dma_semaphore, #tpu.memory_space<semaphore_mem>>
      %dma_start3A_180 = arith.constant 0 : i32
      %dma_start3A_181 = tpu.memref_slice %arg4[%arg0, %mul3A_179, %dma_start3A_180] : memref<2x1280x128xf32, #tpu.memory_space<hbm>> -> memref<1x80x128xf32, #tpu.memory_space<hbm>>
      %dma_start3A_182 = tpu.memref_squeeze %dma_start3A_181 : memref<1x80x128xf32, #tpu.memory_space<hbm>> -> memref<80x128xf32, #tpu.memory_space<hbm>>
      %dma_start3A_183 = arith.constant 0 : i32
      %dma_start3A_184 = tpu.memref_slice %arg4[%arg0, %mul3A_179, %dma_start3A_183] : memref<2x1280x128xf32, #tpu.memory_space<hbm>> -> memref<1x80x128xf32, #tpu.memory_space<hbm>>
      %dma_start3A_185 = tpu.memref_squeeze %dma_start3A_184 : memref<1x80x128xf32, #tpu.memory_space<hbm>> -> memref<80x128xf32, #tpu.memory_space<hbm>>
      tpu.enqueue_dma source(%arg9 : memref<80x128xf32, #tpu.memory_space<vmem>>) target(%dma_start3A_185 : memref<80x128xf32, #tpu.memory_space<hbm>>) target_semaphore(%run_scoped3A : memref<!tpu.dma_semaphore, #tpu.memory_space<semaphore_mem>>)
      %dma_wait3A_186 = arith.constant 0 : i32
      %dma_wait3A_187 = tpu.memref_slice %arg4[%arg0, %mul3A_179, %dma_wait3A_186] : memref<2x1280x128xf32, #tpu.memory_space<hbm>> -> memref<1x80x128xf32, #tpu.memory_space<hbm>>
      %dma_wait3A_188 = tpu.memref_squeeze %dma_wait3A_187 : memref<1x80x128xf32, #tpu.memory_space<hbm>> -> memref<80x128xf32, #tpu.memory_space<hbm>>
      %dma_wait3A_189 = arith.constant 0 : i32
      %dma_wait3A_190 = tpu.memref_slice %arg4[%arg0, %mul3A_179, %dma_wait3A_189] : memref<2x1280x128xf32, #tpu.memory_space<hbm>> -> memref<1x80x128xf32, #tpu.memory_space<hbm>>
      %dma_wait3A_191 = tpu.memref_squeeze %dma_wait3A_190 : memref<1x80x128xf32, #tpu.memory_space<hbm>> -> memref<80x128xf32, #tpu.memory_space<hbm>>
      tpu.wait_dma2 semaphore(%run_scoped3A : memref<!tpu.dma_semaphore, #tpu.memory_space<semaphore_mem>>) src(%arg9 : memref<80x128xf32, #tpu.memory_space<vmem>>) dst(%dma_wait3A_191 : memref<80x128xf32, #tpu.memory_space<hbm>>)
      tpu.yield
    }) : () -> ()
    return
  }
}

module attributes {stable_mosaic.version = 14 : i64} {
  func.func @_tc_mm_body(%arg0: memref<10000x128xf32, #tpu.memory_space<vmem>>, %arg1: memref<128x16xf32, #tpu.memory_space<vmem>>, %arg2: memref<10240x16xf32, #tpu.memory_space<vmem>>) attributes {dimension_semantics = [], scalar_prefetch = 0 : i64, scratch_operands = 0 : i64, tpu.core_type = #tpu.core_type<tc>} {
    %get3A = arith.constant 0 : index
    %get3A_0 = arith.constant 0 : index
    %get3A_1 = vector.load %arg0[%get3A, %get3A_0] : memref<10000x128xf32, #tpu.memory_space<vmem>>, vector<10000x128xf32>
    %get3A_2 = arith.constant 0 : index
    %get3A_3 = arith.constant 0 : index
    %get3A_4 = vector.load %arg1[%get3A_2, %get3A_3] : memref<128x16xf32, #tpu.memory_space<vmem>>, vector<128x16xf32>
    %dot_general3A = arith.constant dense<0.000000e+00> : vector<10000x16xf32>
    %dot_general3A_5 = tpu.matmul %get3A_1, %get3A_4, %dot_general3A {dimension_numbers = #tpu.dot_dimension_numbers<[1], [0], [0], [1], [0, 0, 1, 1], [], []>, transpose_lhs_hint = false} : vector<10000x128xf32>, vector<128x16xf32>, vector<10000x16xf32> -> vector<10000x16xf32>
    %swap3A = arith.constant 0 : index
    %swap3A_6 = arith.constant 0 : index
    %swap3A_7 = vector.load %arg2[%swap3A, %swap3A_6] : memref<10240x16xf32, #tpu.memory_space<vmem>>, vector<10000x16xf32>
    tpu.vector_store %arg2[%swap3A, %swap3A_6], %dot_general3A_5 {strides = array<i32>} : memref<10240x16xf32, #tpu.memory_space<vmem>>, vector<10000x16xf32>,
    %broadcast_in_dim3A = arith.constant 0.000000e+00 : f32
    %broadcast_in_dim3A_8 = vector.broadcast %broadcast_in_dim3A : f32 to vector<240x16xf32>
    %swap3A_9 = arith.constant 10000 : index
    %swap3A_10 = arith.constant 0 : index
    %swap3A_11 = vector.load %arg2[%swap3A_9, %swap3A_10] : memref<10240x16xf32, #tpu.memory_space<vmem>>, vector<240x16xf32>
    tpu.vector_store %arg2[%swap3A_9, %swap3A_10], %broadcast_in_dim3A_8 {strides = array<i32>} : memref<10240x16xf32, #tpu.memory_space<vmem>>, vector<240x16xf32>,
    return
  }
}

module attributes {stable_mosaic.version = 14 : i64} {
  func.func @_tc_s1_body(%arg0: memref<1280x128xf32, #tpu.memory_space<vmem>>, %arg1: memref<2x1280x128xf32, #tpu.memory_space<vmem>>, %arg2: memref<1280x128xf32, #tpu.memory_space<vmem>>, %arg3: memref<1280x128xf32, #tpu.memory_space<vmem>>) attributes {dimension_semantics = [], scalar_prefetch = 0 : i64, scratch_operands = 0 : i64, tpu.core_type = #tpu.core_type<tc>} {
    %get3A = arith.constant 0 : index
    %get3A_0 = arith.constant 0 : index
    %get3A_1 = arith.constant 0 : index
    %get3A_2 = vector.load %arg1[%get3A, %get3A_0, %get3A_1] : memref<2x1280x128xf32, #tpu.memory_space<vmem>>, vector<1x1280x128xf32>
    %get3A_3 = vector.shape_cast %get3A_2 : vector<1x1280x128xf32> to vector<1280x128xf32>
    %get3A_4 = arith.constant 1 : index
    %get3A_5 = arith.constant 0 : index
    %get3A_6 = arith.constant 0 : index
    %get3A_7 = vector.load %arg1[%get3A_4, %get3A_5, %get3A_6] : memref<2x1280x128xf32, #tpu.memory_space<vmem>>, vector<1x1280x128xf32>
    %get3A_8 = vector.shape_cast %get3A_7 : vector<1x1280x128xf32> to vector<1280x128xf32>
    %add3A = arith.addf %get3A_3, %get3A_8 : vector<1280x128xf32>
    %add3A_9 = arith.constant 1.000000e+00 : f32
    %add3A_10 = vector.broadcast %add3A_9 : f32 to vector<1280x128xf32>
    %add3A_11 = arith.addf %add3A, %add3A_10 : vector<1280x128xf32>
    %rsqrt3A = math.rsqrt %add3A_11 : vector<1280x128xf32>
    %get3A_12 = arith.constant 0 : index
    %get3A_13 = arith.constant 0 : index
    %get3A_14 = vector.load %arg0[%get3A_12, %get3A_13] : memref<1280x128xf32, #tpu.memory_space<vmem>>, vector<1280x128xf32>
    %mul3A = arith.mulf %get3A_14, %rsqrt3A : vector<1280x128xf32>
    %swap3A = arith.constant 0 : index
    %swap3A_15 = arith.constant 0 : index
    %swap3A_16 = vector.load %arg2[%swap3A, %swap3A_15] : memref<1280x128xf32, #tpu.memory_space<vmem>>, vector<1280x128xf32>
    tpu.vector_store %arg2[%swap3A, %swap3A_15], %mul3A {strides = array<i32>} : memref<1280x128xf32, #tpu.memory_space<vmem>>, vector<1280x128xf32>,
    %swap3A_17 = arith.constant 0 : index
    %swap3A_18 = arith.constant 0 : index
    %swap3A_19 = vector.load %arg3[%swap3A_17, %swap3A_18] : memref<1280x128xf32, #tpu.memory_space<vmem>>, vector<1280x128xf32>
    tpu.vector_store %arg3[%swap3A_17, %swap3A_18], %rsqrt3A {strides = array<i32>} : memref<1280x128xf32, #tpu.memory_space<vmem>>, vector<1280x128xf32>,
    return
  }
}

module attributes {stable_mosaic.version = 14 : i64} {
  func.func @_tc_b_body(%arg0: memref<2x1280x128xf32, #tpu.memory_space<vmem>>, %arg1: memref<1280x128xf32, #tpu.memory_space<vmem>>, %arg2: memref<1280x128xf32, #tpu.memory_space<vmem>>, %arg3: memref<1x128xf32, #tpu.memory_space<vmem>>, %arg4: memref<128x128xf32, #tpu.memory_space<vmem>>, %arg5: memref<1280x128xf32, #tpu.memory_space<vmem>>) attributes {dimension_semantics = [], scalar_prefetch = 0 : i64, scratch_operands = 0 : i64, tpu.core_type = #tpu.core_type<tc>} {
    %get3A = arith.constant 0 : index
    %get3A_0 = arith.constant 0 : index
    %get3A_1 = arith.constant 0 : index
    %get3A_2 = vector.load %arg0[%get3A, %get3A_0, %get3A_1] : memref<2x1280x128xf32, #tpu.memory_space<vmem>>, vector<1x1280x128xf32>
    %get3A_3 = vector.shape_cast %get3A_2 : vector<1x1280x128xf32> to vector<1280x128xf32>
    %get3A_4 = arith.constant 1 : index
    %get3A_5 = arith.constant 0 : index
    %get3A_6 = arith.constant 0 : index
    %get3A_7 = vector.load %arg0[%get3A_4, %get3A_5, %get3A_6] : memref<2x1280x128xf32, #tpu.memory_space<vmem>>, vector<1x1280x128xf32>
    %get3A_8 = vector.shape_cast %get3A_7 : vector<1x1280x128xf32> to vector<1280x128xf32>
    %add3A = arith.addf %get3A_3, %get3A_8 : vector<1280x128xf32>
    %get3A_9 = arith.constant 0 : index
    %get3A_10 = arith.constant 0 : index
    %get3A_11 = vector.load %arg1[%get3A_9, %get3A_10] : memref<1280x128xf32, #tpu.memory_space<vmem>>, vector<1280x128xf32>
    %add3A_12 = arith.addf %add3A, %get3A_11 : vector<1280x128xf32>
    %get3A_13 = arith.constant 0 : index
    %get3A_14 = arith.constant 0 : index
    %get3A_15 = vector.load %arg2[%get3A_13, %get3A_14] : memref<1280x128xf32, #tpu.memory_space<vmem>>, vector<1280x128xf32>
    %mul3A = arith.mulf %add3A_12, %get3A_15 : vector<1280x128xf32>
    %get3A_16 = arith.constant 0 : index
    %get3A_17 = arith.constant 0 : index
    %get3A_18 = vector.load %arg3[%get3A_16, %get3A_17] : memref<1x128xf32, #tpu.memory_space<vmem>>, vector<1x128xf32>
    %add3A_19 = vector.broadcast %get3A_18 : vector<1x128xf32> to vector<1280x128xf32>
    %add3A_20 = arith.addf %mul3A, %add3A_19 : vector<1280x128xf32>
    %max3A = arith.constant 0.000000e+00 : f32
    %max3A_21 = vector.broadcast %max3A : f32 to vector<1280x128xf32>
    %max3A_22 = arith.maximumf %add3A_20, %max3A_21 : vector<1280x128xf32>
    %get3A_23 = arith.constant 0 : index
    %get3A_24 = arith.constant 0 : index
    %get3A_25 = vector.load %arg4[%get3A_23, %get3A_24] : memref<128x128xf32, #tpu.memory_space<vmem>>, vector<128x128xf32>
    %dot_general3A = arith.constant dense<0.000000e+00> : vector<1280x128xf32>
    %dot_general3A_26 = tpu.matmul %max3A_22, %get3A_25, %dot_general3A {dimension_numbers = #tpu.dot_dimension_numbers<[1], [0], [0], [1], [0, 0, 1, 1], [], []>, transpose_lhs_hint = false} : vector<1280x128xf32>, vector<128x128xf32>, vector<1280x128xf32> -> vector<1280x128xf32>
    %get3A_27 = arith.constant 0 : index
    %get3A_28 = arith.constant 0 : index
    %get3A_29 = vector.load %arg2[%get3A_27, %get3A_28] : memref<1280x128xf32, #tpu.memory_space<vmem>>, vector<1280x128xf32>
    %mul3A_30 = arith.mulf %dot_general3A_26, %get3A_29 : vector<1280x128xf32>
    %swap3A = arith.constant 0 : index
    %swap3A_31 = arith.constant 0 : index
    %swap3A_32 = vector.load %arg5[%swap3A, %swap3A_31] : memref<1280x128xf32, #tpu.memory_space<vmem>>, vector<1280x128xf32>
    tpu.vector_store %arg5[%swap3A, %swap3A_31], %mul3A_30 {strides = array<i32>} : memref<1280x128xf32, #tpu.memory_space<vmem>>, vector<1280x128xf32>,
    return
  }
}

module attributes {stable_mosaic.version = 14 : i64} {
  func.func @_tc_c_body(%arg0: memref<2x1280x128xf32, #tpu.memory_space<vmem>>, %arg1: memref<1280x128xf32, #tpu.memory_space<vmem>>, %arg2: memref<1280x128xf32, #tpu.memory_space<vmem>>, %arg3: memref<1x128xf32, #tpu.memory_space<vmem>>, %arg4: memref<128x128xf32, #tpu.memory_space<vmem>>, %arg5: memref<1280x128xf32, #tpu.memory_space<vmem>>) attributes {dimension_semantics = [], scalar_prefetch = 0 : i64, scratch_operands = 0 : i64, tpu.core_type = #tpu.core_type<tc>} {
    %get3A = arith.constant 0 : index
    %get3A_0 = arith.constant 0 : index
    %get3A_1 = arith.constant 0 : index
    %get3A_2 = vector.load %arg0[%get3A, %get3A_0, %get3A_1] : memref<2x1280x128xf32, #tpu.memory_space<vmem>>, vector<1x1280x128xf32>
    %get3A_3 = vector.shape_cast %get3A_2 : vector<1x1280x128xf32> to vector<1280x128xf32>
    %get3A_4 = arith.constant 1 : index
    %get3A_5 = arith.constant 0 : index
    %get3A_6 = arith.constant 0 : index
    %get3A_7 = vector.load %arg0[%get3A_4, %get3A_5, %get3A_6] : memref<2x1280x128xf32, #tpu.memory_space<vmem>>, vector<1x1280x128xf32>
    %get3A_8 = vector.shape_cast %get3A_7 : vector<1x1280x128xf32> to vector<1280x128xf32>
    %add3A = arith.addf %get3A_3, %get3A_8 : vector<1280x128xf32>
    %get3A_9 = arith.constant 0 : index
    %get3A_10 = arith.constant 0 : index
    %get3A_11 = vector.load %arg1[%get3A_9, %get3A_10] : memref<1280x128xf32, #tpu.memory_space<vmem>>, vector<1280x128xf32>
    %add3A_12 = arith.addf %add3A, %get3A_11 : vector<1280x128xf32>
    %get3A_13 = arith.constant 0 : index
    %get3A_14 = arith.constant 0 : index
    %get3A_15 = vector.load %arg2[%get3A_13, %get3A_14] : memref<1280x128xf32, #tpu.memory_space<vmem>>, vector<1280x128xf32>
    %mul3A = arith.mulf %add3A_12, %get3A_15 : vector<1280x128xf32>
    %get3A_16 = arith.constant 0 : index
    %get3A_17 = arith.constant 0 : index
    %get3A_18 = vector.load %arg3[%get3A_16, %get3A_17] : memref<1x128xf32, #tpu.memory_space<vmem>>, vector<1x128xf32>
    %add3A_19 = vector.broadcast %get3A_18 : vector<1x128xf32> to vector<1280x128xf32>
    %add3A_20 = arith.addf %mul3A, %add3A_19 : vector<1280x128xf32>
    %exp3A = math.exp %add3A_20 : vector<1280x128xf32>
    %get3A_21 = arith.constant 0 : index
    %get3A_22 = arith.constant 0 : index
    %get3A_23 = vector.load %arg4[%get3A_21, %get3A_22] : memref<128x128xf32, #tpu.memory_space<vmem>>, vector<128x128xf32>
    %dot_general3A = arith.constant dense<0.000000e+00> : vector<1280x128xf32>
    %dot_general3A_24 = tpu.matmul %exp3A, %get3A_23, %dot_general3A {dimension_numbers = #tpu.dot_dimension_numbers<[1], [0], [0], [1], [0, 0, 1, 1], [], []>, transpose_lhs_hint = false} : vector<1280x128xf32>, vector<128x128xf32>, vector<1280x128xf32> -> vector<1280x128xf32>
    %log3A = math.log %dot_general3A_24 : vector<1280x128xf32>
    %sub3A = arith.subf %add3A_20, %log3A : vector<1280x128xf32>
    %swap3A = arith.constant 0 : index
    %swap3A_25 = arith.constant 0 : index
    %swap3A_26 = vector.load %arg5[%swap3A, %swap3A_25] : memref<1280x128xf32, #tpu.memory_space<vmem>>, vector<1280x128xf32>
    tpu.vector_store %arg5[%swap3A, %swap3A_25], %sub3A {strides = array<i32>} : memref<1280x128xf32, #tpu.memory_space<vmem>>, vector<1280x128xf32>,
    return
  }
}

</mosaic_0001>

<sc_bundles>
// kernel: kernel.12.cloned.1.call-start
scs
__scs_entry_jumppad:
0x0: {  	(pc) =	sbr.rel $0x88, $3  }
0x1: {  	(tag) =	ssettag $0x0;
	lr =	simm.s32 $0x1  }
0x2: {  	[smem:$0x3F9B] =	sst lr;
	_ =	strace $0xD0000000  }
0x3: {  	_ = 	snop  }
0x4: {  	_ = 	snop  }
0x5: {  	_ = 	snop  }
0x6: {  	_ = 	snop  }
0x7: {  	_ = 	snop  }
__scs_overlays_trampoline_lowered:
0x8: {  	[smem:$0x3FAA] =	sst s0  }
0x9: {  	[smem:$0x3FAB] =	sst s1  }
0xa: {  	[smem:$0x3FAC] =	sst s2  }
0xb: {  	[smem:$0x3FAD] =	sst s3  }
0xc: {  	[smem:$0x3FAE] =	sst s4  }
0xd: {  	[smem:$0x3FAF] =	sst s5  }
0xe: {  	[smem:$0x3FB0] =	sst s6  }
0xf: {  	[smem:$0x3FB1] =	sst s7  }
0x10: {  	[smem:$0x3FB2] =	sst s8  }
0x11: {  	[smem:$0x3FB3] =	sst s9;
	s0 =	simm.s32 @!p0 $0x0  }
0x12: {  	s1 =	sld [smem:$0x3F99];
	s0 =	simm.s32 @p0 $0x1  }
0x13: {  	[smem:$0x3FB4] =	sst s0;
	s0 =	simm.s32 @!p1 $0x0  }
0x14: {  	s2 =	sld [smem:$0x3F98];
	s0 =	simm.s32 @p1 $0x1  }
0x15: {  	[smem:$0x3FB5] =	sst s0;
	s0 =	simm.s32 @!p2 $0x0  }
0x16: {  	s3 =	sld [smem:$0x3FDB];
	s0 =	simm.s32 @p2 $0x1  }
0x17: {  	s4 =	simm.s32 $0x1BF5;
	[smem:$0x3FB7] =	sst s0  }
0x18: {  	s0 =	sld [smem:$0x3F9A];
	_ =	swait.ge [sflag:s4], $0x0  }
0x19: {  	s7 =	sld [smem:$0x3F9B]  }
0x1a: {  	s8 =	sadd.s32 $0xFFFFE003, lr  }
0x1b: {  	s9 =	sadd.s32 $0xFFFFFEF7, lr;
	s5 =	simm.s32 $0xFFFFFFFF;
	p2 =	slt.u32 s8, $0xFFFFF086  }
0x1c: {  	p1 =	slt.u32 s9, $0xF7A;
	s5 =	simm.s32 @!p2 $0x0  }
0x1d: {  	s5 =	simm.s32 @p1 $0x1;
	p0 =	seq.s32 s7, s2  }
0x1e: {  	s7 =	smul.u32 @!p0 $0xF7A, s2;
	p2 =	seq.s32 @!p0 s5, $0x0  }
0x1f: {  	s9 =	smul.u32 $0xF7A, s1;
	s8 =	simm.s32 @!p0 $0x1BF5;
	p2 =	por !p2, p0  }
0x20: {  	[sflag:s8] =	ssyncset.s32 @!p0 $0xFFFFF086;
	s6 =	sadd.s32 @!p0 s3, s7;
	s7 =	simm.s32 @!p0 $0x108  }
0x21: {  	s3 =	sadd.s32 s3, s9;
	s6 =	sadd.s32 @!p0 $0x88, s6;
	s7 =	simm.s32 @p2 $0x1082  }
0x22: {  	[simem:s7], [sflag:s8] =	dma.local @!p0 [hbm:s6], $0xF7A  }
0x23: {  	s9 =	sor.u32 $0xD0000000, s2;
	s6 =	simm.s32 $0x108;
	_ =	swait.ge @!p0 [sflag:s8], $0x0  }
0x24: {  	s3 =	sadd.s32 $0x88, s3;
	s6 =	simm.s32 @!p1 $0x1082;
	[sflag:s4] =	ssyncset.s32 $0xFFFFF086  }
0x25: {  	[simem:s6], [sflag:s4] =	dma.local [hbm:s3], $0xF7A  }
0x26: {  	[smem:$0x3F9B] =	sst s1;
	(tag) =	ssettag s2;
	_ =	strace s9  }
0x27: {  	s1 =	sld [smem:$0x3FAB]  }
0x28: {  	s2 =	sld [smem:$0x3FAC]  }
0x29: {  	s4 =	sld [smem:$0x3FAE]  }
0x2a: {  	p0 =	seq.s32 s5, $0x0;
	s5 =	sld [smem:$0x3FAF]  }
0x2b: {  	s6 =	sld [smem:$0x3FB0]  }
0x2c: {  	s7 =	sld [smem:$0x3FB1]  }
0x2d: {  	s3 =	simm.s32 $0x108;
	s8 =	sld [smem:$0x3FB2]  }
0x2e: {  	s3 =	simm.s32 @!p0 $0x1082;
	s9 =	sld [smem:$0x3FB3]  }
0x2f: {  	lr =	sadd.s32 s0, s3;
	s0 =	sld [smem:$0x3FAA]  }
0x30: {  	s3 =	sld [smem:$0x3FAD]  }
0x31: {  	[smem:$0x3FB6] =	sst s10  }
0x32: {  	s10 =	sld [smem:$0x3FB4];
	_ =	sdelay $0x3  }
0x33: {  	p0 =	seq.s32 s10, $0x1;
	s10 =	sld [smem:$0x3FB6];
	_ =	sdelay $0x3  }
0x34: {  	[smem:$0x3FB6] =	sst s10  }
0x35: {  	s10 =	sld [smem:$0x3FB5];
	_ =	sdelay $0x3  }
0x36: {  	p1 =	seq.s32 s10, $0x1;
	s10 =	sld [smem:$0x3FB6];
	_ =	sdelay $0x3  }
0x37: {  	[smem:$0x3FB6] =	sst s10  }
0x38: {  	s10 =	sld [smem:$0x3FB7]  }
0x39: {  	_ = 	snop;
	(pc) =	sbr.ind lr, $3  }
0x3a: {  	_ = 	snop  }
0x3b: {  	_ = 	snop  }
0x3c: {  	p2 =	seq.s32 s10, $0x1;
	s10 =	sld [smem:$0x3FB6]  }
0x3d: {  	_ =	shalt  }
0x3e: {  	_ =	shalt  }
0x3f: {  	_ =	shalt  }
0x40: {  	_ =	shalt  }
0x41: {  	_ =	shalt  }
0x42: {  	_ =	shalt  }
0x43: {  	_ =	shalt  }
0x44: {  	_ =	shalt  }
0x45: {  	_ =	shalt  }
0x46: {  	_ =	shalt  }
0x47: {  	_ =	shalt  }
0x48: {  	_ =	shalt  }
0x49: {  	_ =	shalt  }
0x4a: {  	_ =	shalt  }
0x4b: {  	_ =	shalt  }
0x4c: {  	_ =	shalt  }
0x4d: {  	_ =	shalt  }
0x4e: {  	_ =	shalt  }
0x4f: {  	_ =	shalt  }
0x50: {  	_ =	shalt  }
0x51: {  	_ =	shalt  }
0x52: {  	_ =	shalt  }
0x53: {  	_ =	shalt  }
0x54: {  	_ =	shalt  }
0x55: {  	_ =	shalt  }
0x56: {  	_ =	shalt  }
0x57: {  	_ =	shalt  }
0x58: {  	_ =	shalt  }
0x59: {  	_ =	shalt  }
0x5a: {  	_ =	shalt  }
0x5b: {  	_ =	shalt  }
0x5c: {  	_ =	shalt  }
0x5d: {  	_ =	shalt  }
0x5e: {  	_ =	shalt  }
0x5f: {  	_ =	shalt  }
0x60: {  	_ =	shalt  }
0x61: {  	_ =	shalt  }
0x62: {  	_ =	shalt  }
0x63: {  	_ =	shalt  }
0x64: {  	_ =	shalt  }
0x65: {  	_ =	shalt  }
0x66: {  	_ =	shalt  }
0x67: {  	_ =	shalt  }
0x68: {  	_ =	shalt  }
0x69: {  	_ =	shalt  }
0x6a: {  	_ =	shalt  }
0x6b: {  	_ =	shalt  }
0x6c: {  	_ =	shalt  }
0x6d: {  	_ =	shalt  }
0x6e: {  	_ =	shalt  }
0x6f: {  	_ =	shalt  }
0x70: {  	_ =	shalt  }
0x71: {  	_ =	shalt  }
0x72: {  	_ =	shalt  }
0x73: {  	_ =	shalt  }
0x74: {  	_ =	shalt  }
0x75: {  	_ =	shalt  }
0x76: {  	_ =	shalt  }
0x77: {  	_ =	shalt  }
0x78: {  	_ =	shalt  }
0x79: {  	_ =	shalt  }
0x7a: {  	_ =	shalt  }
0x7b: {  	_ =	shalt  }
0x7c: {  	_ =	shalt  }
0x7d: {  	_ =	shalt  }
0x7e: {  	_ =	shalt  }
0x7f: {  	_ =	shalt  }
0x80: {  	_ =	shalt  }
0x81: {  	_ =	shalt  }
0x82: {  	_ =	shalt  }
0x83: {  	_ =	shalt  }
0x84: {  	_ =	shalt  }
0x85: {  	_ =	shalt  }
0x86: {  	_ =	shalt  }
0x87: {  	_ =	shalt  }
.Lfunc_end0:
.L_simem_size_0:
called_computation.1_lowered:
.L_overlay_start_0:
0x88: {  	s2 =	sld [smem:$0x3FD9]  }
0x89: {  	s3 =	sld [smem:$0x3FFE];
	_ =	sdelay $0x1  }
0x8a: {  	s1 =	srdreg.scid  }
0x8b: {  	s0 =	sand.u32 $0x1, s1  }
0x8c: {  	s16 =	sshll.u32 s0, $0xA;
	s2 =	sadd.s32 s3, s2  }
0x8d: {  	s2 =	sadd.s32 s2, s16  }
0x8e: {  	[smem:$0x3FC2] =	sst s2  }
0x8f: {  	_ = 	snop  }
0x90: {  	(tm) =	ssettm $0x1  }
0x91: {  	s17 =	sld [smem:$0x3FFB];
	_ =	sdelay $0x3  }
0x92: {  	_ =	strace s17  }
0x93: {  	s2 =	sld [smem:$0x3FFC];
	_ =	sdelay $0x3  }
0x94: {  	_ =	strace s2  }
0x95: {  	s2 =	sld [smem:$0x3FFD];
	_ =	sdelay $0x3  }
0x96: {  	_ =	strace s2  }
0x97: {  	_ =	strace $0x8FFFFFFF  }
0x98: {  	s18 =	sld [smem:$0x3FDB];
	_ =	sdelay $0x1  }
0x99: {  	s19 =	simm.s32 $_scs_section_size  }
0x9a: {  	s4 =	simm.s32 $_size__tile_overlayer_lowered;
	s5 =	simm.s32 $_tile_overlayer_lowered  }
0x9b: {  	s22 =	simm.s32 $0x1BFF;
	s21 =	sshll.u32 s5, $0x1;
	s2 =	sadd.s32 s19, s18  }
0x9c: {  	s6 =	simm.s32 $0x0;
	s20 =	sshll.u32 s4, $0x1;
	s4 =	sadd.s32 s21, s2  }
0x9d: {  	[timem:s6], [sflag:s22] =	dma.local [hbm:s4], s20  }
0x9e: {  	_ =	swait.ge [sflag:s22], s20  }
0x9f: {  	s3 =	ssub.s32 $0x0, s20;
	[sflag:s22] =	ssyncset.done $0x0  }
0xa0: {  	[sflag:s22] =	ssyncadd.s32 s3;
	_ =	sdelay $0x1  }
0xa1: {  	s23 =	simm.s32 $0x1B8B  }
0xa2: {  	_ =	swait.ge [sflag:s23], $0x1  }
0xa3: {  	[sflag:s23] =	ssyncset.done $0x0  }
0xa4: {  	s25 =	simm.s32 $0x1B8E;
	s24 =	sld [smem:$0x3FFE];
	[sflag:s23] =	ssyncadd.s32 $0xFFFFFFFF  }
0xa5: {  	s26 =	simm.s32 $execute0_lowered;
	[smem:$0x3FD2] =	sst s25  }
0xa6: {  	s4 =	sshll.u32 s26, $0x1;
	_ =	strace $0x80000049;
	[dreg:$0x1] =	wrdreg $0xFFFFFFFF  }
0xa7: {  	s28 =	simm.s32 $_size_execute0_lowered;
	s2 =	sadd.s32 s2, s4;
	[dreg:$0x0] =	wrdreg $0x0  }
0xa8: {  	s4 =	sshll.u32 s28, $0x1;
	[dreg:$0x2] =	wrdreg s2  }
0xa9: {  	[dreg:$0x3] =	wrdreg s4  }
0xaa: {  	[dreg:$0x4] =	wrdreg $0xC0  }
0xab: {  	_ =	task [dreg:s6], $0x5FFFF  }
0xac: {  	[dreg:$0x1] =	wrdreg $0xFFFFFFFF  }
0xad: {  	[dreg:$0x0] =	wrdreg $0x60  }
0xae: {  	[dreg:$0x2] =	wrdreg s24  }
0xaf: {  	[dreg:$0x3] =	wrdreg $0x120000  }
0xb0: {  	[dreg:$0x4] =	wrdreg $0x148000  }
0xb1: {  	[dreg:$0x5] =	wrdreg $0x9  }
0xb2: {  	_ =	task.clear_ibuf [dreg:s6], $0x6FFFF;
	_ =	strace $0x90000049  }
0xb3: {  	s29 =	simm.s32 $0x9;
	_ =	strace $0x8000004B  }
0xb4: {  	_ =	swait.ge [sflag:s29], $0x1  }
0xb5: {  	[sflag:s29] =	ssyncadd.s32 $0xFFFFFFFF  }
0xb6: {  	_ =	strace $0x9000004B  }
0xb7: {  	_ =	sfence  }
0xb8: {  	s30 =	sld [smem:$0x0];
	_ =	sdelay $0x2  }
0xb9: {  	s31 =	sshll.u32 s1, $0xD;
	s1 =	sshrl.u32 s1, $0x2  }
0xba: {  	s3 =	sand.u32 $0x4000, s31;
	s1 =	sadd.s32 s1, s30  }
0xbb: {  	s0 =	sor.u32 s3, s0;
	s1 =	sshll.u32 s1, $0x11  }
0xbc: {  	s0 =	sor.u32 s1, s0  }
0xbd: {  	s0 =	sadd.s32 $0x8F2B, s0  }
0xbe: {  	[sflag:s0] =	ssyncadd.remote.s32 $0x1  }
0xbf: {  	_ =	sfence.sel $0xFFFF  }
0xc0: {  	[dreg:$0x0] =	wrdreg $0xFFFFFFFF;
	(pc) =	sbr.abs _section_cstart, $3  }
0xc1: {  	[dreg:$0x1] =	wrdreg $0xFFFFFFFF  }
0xc2: {  	_ =	task.clear_ibuf [dreg:s6], $0x2FFFF;
	_ =	strace $0x9FFFFFFF  }
0xc3: {  	(tm) =	ssettm $0x7FFFFFFF  }
tec
execute0_lowered:
.L_overlay_start_1:
0x0: {  	(tag) =	ssettag $0x1  }
0x1: {  	s0 =	rddreg [dreg:$0x0]  }
0x2: {  	s2 =	rddreg [dreg:$0x1];
	s1 =	srdreg.scid  }
0x3: {  	s3 =	rddreg [dreg:$0x2];
	s10 =	stileid.u32;
	s4 =	simm.s32 $0x0  }
0x4: {  	s14 =	simm.s32 $0x1;
	s15 =	simm.s32 $0xD000;
	s16 =	simm.s32 $0x3  }
0x5: {  	s17 =	simm.s32 $0x80;
	s18 =	simm.s32 $0x0;
	s1 =	sand.u32 $0x1, s1  }
0x6: {  	s9 =	smul.u32 $0x2800, s10;
	[smem:$0x7FF] =	sst s4;
	s31 =	sshll.u32 s10, $0x6  }
0x7: {  	s5 =	sshll.u32 s1, $0x4;
	s6 =	smul.u32 $0x28000, s1;
	_ =	strace $0x8000004A  }
0x8: {  	s1 =	ssub.s32 $0x2, s1;
	s5 =	sor.u32 s10, s5;
	s7 =	sshrl.u32 s9, $0x3  }
0x9: {  	s28 =	sshrl.u32 s1, $0x1;
	s12 =	sadd.s32 s9, s2;
	s5 =	smul.u32 $0x2800, s5  }
0xa: {  	s7 =	sadd.s32 s7, s0;
	s6 =	sadd.s32 s9, s6;
	s1 =	ssub.s32 s1, s28  }
0xb: {  	s9 =	sadd.s32 s9, s3;
	s13 =	sshrl.u32 s12, $0x3;
	s5 =	sshrl.u32 s5, $0x3  }
0xc: {  	s6 =	sshrl.u32 s6, $0x3;
	s7 =	sadd.s32 $0x16E00, s7;
	s8 =	sadd.s32 s5, s0  }
0xd: {  	s11 =	smax.u32 s1, $0x1;
	s1 =	simm.s32 $0x2;
	s29 =	sadd.s32 $0x2E00, s8  }
0xe: {  	s0 =	sadd.s32 s6, s0;
	s30 =	sadd.s32 $0xCE00, s8;
	[dreg:$0x4] =	wrdreg s29  }
0xf: {  	v0 =	vimm.f32 $0.0e+00;
	s8 =	sor.u32 $0x1C01, s31;
	s10 =	sadd.s32 $0x1BE00, s0;
	[dreg:$0x5] =	wrdreg s30  }
.LBB2_1:
0x10: {  	s0 =	rddreg [dreg:$0x4]  }
0x11: {  	s31 =	rddreg [dreg:$0x5]  }
0x12: {  	[tilespmem:s4], [sflag:$0x1] =	stream.linear.gather [hbm4b:s0+s4], $0x2800, $0x38;
	[tilespmem:$0x17000] =	vst v63  }
0x13: {  	s5 =	simm.s32 $0x2800;
	s20 =	simm.s32 $0x100;
	s19 =	simm.s32 $0x0  }
0x14: {  	[tilespmem:s5], [sflag:$0x1] =	stream.linear.gather [hbm4b:s31+s4], $0x2800, $0x38;
	[tilespmem:$0x17000] =	vst v63  }
0x15: {  	[spmem:s13], [sflag:s8] =	dma.local [hbm:s7], $0x500  }
.LBB2_2:
0x16: {  	p0 =	sne.s32 s20, $0x9F00;
	[tilespmem:s19+$0xD030] =	vst v0;
	s21 =	smov.u32 s20;
	s20 =	sadd.s32 $0x100, s20  }
.Ltmp0:
0x17: {  	[tilespmem:s19+$0xD020] =	vst v0;
	(pc) =	sbr.rel @p0 .LBB2_2-.Ltmp0, $3  }
0x18: {  	[tilespmem:s19+$0xD000] =	vst v0  }
0x19: {  	[tilespmem:s19+$0xD010] =	vst v0;
	_ =	sdelay $0x1  }
0x1a: {  	s19 =	sshra.s32 s21, $0x2  }
0x1b: {  	[tilespmem:s19+$0xD030] =	vst v0  }
0x1c: {  	[tilespmem:s19+$0xD020] =	vst v0  }
0x1d: {  	[tilespmem:s19+$0xD000] =	vst v0  }
0x1e: {  	[tilespmem:s19+$0xD010] =	vst v0  }
0x1f: {  	_ =	swait.ge [sflag:s14], $0x2800  }
0x20: {  	[sflag:s14] =	ssyncset.done $0x0  }
0x21: {  	[sflag:s14] =	ssyncadd.s32 $0xFFFFD800  }
0x22: {  	_ =	swait.ge [sflag:s14], $0x2800  }
0x23: {  	[sflag:s14] =	ssyncset.done $0x0  }
0x24: {  	[sflag:s14] =	ssyncadd.s32 $0xFFFFD800  }
0x25: {  	_ =	swait.ge [sflag:s14], $0x500  }
0x26: {  	[sflag:s14] =	ssyncset.done $0x0  }
0x27: {  	[sflag:s14] =	ssyncadd.s32 $0xFFFFFB00  }
0x28: {  	[spmem:s9] =	stream.linear.scatter [tilespmem:s15], [sflag:$0x3], $0x2800, $0x38;
	[tilespmem:$0x17000] =	vst v63  }
0x29: {  	_ =	swait.ge [sflag:s16], $0x2800  }
0x2a: {  	[sflag:s16] =	ssyncset.done $0x0  }
0x2b: {  	[sflag:s16] =	ssyncadd.s32 $0xFFFFD800  }
0x2c: {  	s31 =	simm.s32 $0x0;
	s0 =	simm.s32 $0x5000;
	[bflag:$0x0] =	sbarrier.arrive $0xFFFF  }
0x2d: {  	[tilespmem:s0], [sflag:$0x1] =	stream.indirect.gather [spmem:s2], $0x10, s31, s17, $0xb8;
	[tilespmem:$0x17000] =	vst v63  }
0x2e: {  	s5 =	simm.s32 $0x5800  }
0x2f: {  	[tilespmem:s5], [sflag:$0x1] =	stream.indirect.gather [spmem:s2], $0x10, s17, s17, $0xb8;
	[tilespmem:$0x17000] =	vst v63  }
0x30: {  	s6 =	simm.s32 $0x100;
	s5 =	simm.s32 $0x6000  }
0x31: {  	[tilespmem:s5], [sflag:$0x1] =	stream.indirect.gather [spmem:s2], $0x10, s6, s17, $0xb8;
	[tilespmem:$0x17000] =	vst v63  }
0x32: {  	s12 =	simm.s32 $0x180;
	s20 =	simm.s32 $0x6800  }
0x33: {  	[tilespmem:s20], [sflag:$0x1] =	stream.indirect.gather [spmem:s2], $0x10, s12, s17, $0xb8;
	[tilespmem:$0x17000] =	vst v63  }
0x34: {  	s21 =	simm.s32 $0x200;
	s22 =	simm.s32 $0x7000;
	s23 =	simm.s32 $0x280  }
0x35: {  	[tilespmem:s22], [sflag:$0x1] =	stream.indirect.gather [spmem:s2], $0x10, s21, s17, $0xb8;
	[tilespmem:$0x17000] =	vst v63  }
0x36: {  	s24 =	simm.s32 $0x7800;
	p0 =	por $0x0, $0x0;
	s19 =	sand.u32 $0x1, s31  }
0x37: {  	[tilespmem:s24], [sflag:$0x1] =	stream.indirect.gather [spmem:s2], $0x10, s23, s17, $0xb8;
	[tilespmem:$0x17000] =	vst v63  }
0x38: {  	s25 =	simm.s32 $0x300;
	s26 =	simm.s32 $0x8000;
	s20 =	sshll.u32 @!p0 s19, $0xE  }
0x39: {  	[tilespmem:s26], [sflag:$0x1] =	stream.indirect.gather [spmem:s2], $0x10, s25, s17, $0xb8;
	[tilespmem:$0x17000] =	vst v63  }
0x3a: {  	s28 =	simm.s32 $0x380;
	s29 =	simm.s32 $0x8800;
	s21 =	sxor.u32 @!p0 $0x4000, s20  }
0x3b: {  	[tilespmem:s29], [sflag:$0x1] =	stream.indirect.gather [spmem:s2], $0x10, s28, s17, $0xb8;
	[tilespmem:$0x17000] =	vst v63  }
0x3c: {  	s22 =	simm.s32 @!p0 $0x400;
	s21 =	sadd.s32 @!p0 $0x5000, s21;
	s23 =	simm.s32 @!p0 $0x80  }
0x3d: {  	[tilespmem:s21], [sflag:$0x1] =	stream.indirect.gather @!p0 [spmem:s2], $0x10, s22, s23, $0xb8;
	[tilespmem:$0x17000] =	vst v63  }
0x3e: {  	s21 =	ssub.s32 @!p0 $0x9800, s20;
	s22 =	simm.s32 @!p0 $0x480  }
0x3f: {  	[tilespmem:s21], [sflag:$0x1] =	stream.indirect.gather @!p0 [spmem:s2], $0x10, s22, s23, $0xb8;
	[tilespmem:$0x17000] =	vst v63  }
0x40: {  	s21 =	ssub.s32 @!p0 $0xA000, s20;
	s22 =	simm.s32 @!p0 $0x500  }
0x41: {  	[tilespmem:s21], [sflag:$0x1] =	stream.indirect.gather @!p0 [spmem:s2], $0x10, s22, s23, $0xb8;
	[tilespmem:$0x17000] =	vst v63  }
0x42: {  	s21 =	ssub.s32 @!p0 $0xA800, s20;
	s22 =	simm.s32 @!p0 $0x580  }
0x43: {  	[tilespmem:s21], [sflag:$0x1] =	stream.indirect.gather @!p0 [spmem:s2], $0x10, s22, s23, $0xb8;
	[tilespmem:$0x17000] =	vst v63  }
0x44: {  	s21 =	ssub.s32 @!p0 $0xB000, s20;
	s22 =	simm.s32 @!p0 $0x600  }
0x45: {  	[tilespmem:s21], [sflag:$0x1] =	stream.indirect.gather @!p0 [spmem:s2], $0x10, s22, s23, $0xb8;
	[tilespmem:$0x17000] =	vst v63  }
0x46: {  	s21 =	ssub.s32 @!p0 $0xB800, s20;
	s22 =	simm.s32 @!p0 $0x680  }
0x47: {  	[tilespmem:s21], [sflag:$0x1] =	stream.indirect.gather @!p0 [spmem:s2], $0x10, s22, s23, $0xb8;
	[tilespmem:$0x17000] =	vst v63  }
0x48: {  	s21 =	sxor.u32 @!p0 $0xC000, s20;
	s22 =	simm.s32 @!p0 $0x700  }
0x49: {  	[tilespmem:s21], [sflag:$0x1] =	stream.indirect.gather @!p0 [spmem:s2], $0x10, s22, s23, $0xb8;
	[tilespmem:$0x17000] =	vst v63  }
0x4a: {  	s20 =	sxor.u32 @!p0 $0xC800, s20;
	s21 =	simm.s32 @!p0 $0x780  }
0x4b: {  	[tilespmem:s20], [sflag:$0x1] =	stream.indirect.gather @!p0 [spmem:s2], $0x10, s21, s23, $0xb8;
	[tilespmem:$0x17000] =	vst v63  }
0x4c: {  	_ =	swait.ge [sflag:s14], $0x800  }
0x4d: {  	s19 =	sshll.u32 s19, $0xE;
	[sflag:s14] =	ssyncset.done $0x0  }
0x4e: {  	s31 =	simm.s32 $0x2800;
	s30 =	sadd.s32 $0x5000, s19;
	[sflag:s14] =	ssyncadd.s32 $0xFFFFF800  }
0x4f: {  	[spmem:s3] =	stream.indirect.scatter.add.f32 [tilespmem:s30], [sflag:$0x2], $0x10, s31, s17, $0xb8;
	[tilespmem:$0x17000] =	vst v63  }
0x50: {  	_ =	swait.ge [sflag:s14], $0x800  }
0x51: {  	[sflag:s14] =	ssyncset.done $0x0  }
0x52: {  	s5 =	simm.s32 $0x2880;
	s0 =	sadd.s32 $0x5800, s19;
	[sflag:s14] =	ssyncadd.s32 $0xFFFFF800  }
0x53: {  	[spmem:s3] =	stream.indirect.scatter.add.f32 [tilespmem:s0], [sflag:$0x2], $0x10, s5, s17, $0xb8;
	[tilespmem:$0x17000] =	vst v63  }
0x54: {  	_ =	swait.ge [sflag:s14], $0x800  }
0x55: {  	[sflag:s14] =	ssyncset.done $0x0  }
0x56: {  	s12 =	simm.s32 $0x2900;
	s6 =	sadd.s32 $0x6000, s19;
	[sflag:s14] =	ssyncadd.s32 $0xFFFFF800  }
0x57: {  	[spmem:s3] =	stream.indirect.scatter.add.f32 [tilespmem:s6], [sflag:$0x2], $0x10, s12, s17, $0xb8;
	[tilespmem:$0x17000] =	vst v63  }
0x58: {  	_ =	swait.ge [sflag:s14], $0x800  }
0x59: {  	[sflag:s14] =	ssyncset.done $0x0  }
0x5a: {  	s22 =	sadd.s32 $0x6800, s19;
	s23 =	simm.s32 $0x2980;
	[sflag:s14] =	ssyncadd.s32 $0xFFFFF800  }
0x5b: {  	[spmem:s3] =	stream.indirect.scatter.add.f32 [tilespmem:s22], [sflag:$0x2], $0x10, s23, s17, $0xb8;
	[tilespmem:$0x17000] =	vst v63  }
0x5c: {  	_ =	swait.ge [sflag:s14], $0x800  }
0x5d: {  	[sflag:s14] =	ssyncset.done $0x0  }
0x5e: {  	s24 =	sadd.s32 $0x7000, s19;
	s25 =	simm.s32 $0x2A00;
	[sflag:s14] =	ssyncadd.s32 $0xFFFFF800  }
0x5f: {  	[spmem:s3] =	stream.indirect.scatter.add.f32 [tilespmem:s24], [sflag:$0x2], $0x10, s25, s17, $0xb8;
	[tilespmem:$0x17000] =	vst v63  }
0x60: {  	_ =	swait.ge [sflag:s14], $0x800  }
0x61: {  	[sflag:s14] =	ssyncset.done $0x0  }
0x62: {  	s26 =	sadd.s32 $0x7800, s19;
	s28 =	simm.s32 $0x2A80;
	[sflag:s14] =	ssyncadd.s32 $0xFFFFF800  }
0x63: {  	[spmem:s3] =	stream.indirect.scatter.add.f32 [tilespmem:s26], [sflag:$0x2], $0x10, s28, s17, $0xb8;
	[tilespmem:$0x17000] =	vst v63  }
0x64: {  	_ =	swait.ge [sflag:s14], $0x800  }
0x65: {  	[sflag:s14] =	ssyncset.done $0x0  }
0x66: {  	s29 =	sor.u32 $0x8000, s19;
	s30 =	simm.s32 $0x2B00;
	[sflag:s14] =	ssyncadd.s32 $0xFFFFF800  }
0x67: {  	[spmem:s3] =	stream.indirect.scatter.add.f32 [tilespmem:s29], [sflag:$0x2], $0x10, s30, s17, $0xb8;
	[tilespmem:$0x17000] =	vst v63  }
0x68: {  	_ =	swait.ge [sflag:s14], $0x800  }
0x69: {  	[sflag:s14] =	ssyncset.done $0x0  }
0x6a: {  	s19 =	sor.u32 $0x8800, s19;
	s31 =	simm.s32 $0x2B80;
	[sflag:s14] =	ssyncadd.s32 $0xFFFFF800  }
0x6b: {  	[spmem:s3] =	stream.indirect.scatter.add.f32 [tilespmem:s19], [sflag:$0x2], $0x10, s31, s17, $0xb8;
	[tilespmem:$0x17000] =	vst v63  }
0x6c: {  	_ =	swait.ge [sflag:s1], $0x800  }
0x6d: {  	[sflag:s1] =	ssyncset.done $0x0  }
0x6e: {  	[sflag:s1] =	ssyncadd.s32 $0xFFFFF800  }
0x6f: {  	_ =	swait.ge [sflag:s1], $0x800  }
0x70: {  	[sflag:s1] =	ssyncset.done $0x0  }
0x71: {  	[sflag:s1] =	ssyncadd.s32 $0xFFFFF800  }
0x72: {  	_ =	swait.ge [sflag:s1], $0x800  }
0x73: {  	[sflag:s1] =	ssyncset.done $0x0  }
0x74: {  	[sflag:s1] =	ssyncadd.s32 $0xFFFFF800  }
0x75: {  	_ =	swait.ge [sflag:s1], $0x800  }
0x76: {  	[sflag:s1] =	ssyncset.done $0x0  }
0x77: {  	[sflag:s1] =	ssyncadd.s32 $0xFFFFF800  }
0x78: {  	_ =	swait.ge [sflag:s1], $0x800  }
0x79: {  	[sflag:s1] =	ssyncset.done $0x0  }
0x7a: {  	[sflag:s1] =	ssyncadd.s32 $0xFFFFF800  }
0x7b: {  	_ =	swait.ge [sflag:s1], $0x800  }
0x7c: {  	s21 =	simm.s32 $0x1;
	[sflag:s1] =	ssyncset.done $0x0  }
0x7d: {  	p1 =	por $0x0, $0x0;
	s22 =	sand.u32 $0x1, s21;
	[sflag:s1] =	ssyncadd.s32 $0xFFFFF800  }
0x7e: {  	s20 =	simm.s32 $0x2000;
	s24 =	sshll.u32 @!p1 s22, $0xE;
	_ =	swait.ge [sflag:s1], $0x800  }
0x7f: {  	s23 =	simm.s32 @!p1 $0x400;
	s25 =	ssub.s32 @!p1 $0x9800, s24;
	[sflag:s1] =	ssyncset.done $0x0  }
0x80: {  	s26 =	simm.s32 @!p1 $0x800;
	s19 =	simm.s32 $0x1000;
	[sflag:s1] =	ssyncadd.s32 $0xFFFFF800  }
.LBB2_4:
0x81: {  	s28 =	sadd.s32 @!p1 $0x480, s23  }
0x82: {  	s29 =	ssub.s32 @!p1 $0xA000, s24;
	_ =	swait.ge [sflag:s1], $0x800;
	s30 =	smov.u32 s20  }
0x83: {  	s31 =	sxor.u32 @!p1 $0x4000, s24;
	s0 =	simm.s32 @!p1 $0x80;
	[sflag:s1] =	ssyncset.done $0x0  }
0x84: {  	s12 =	sadd.s32 @!p1 $0x500, s23;
	s31 =	sadd.s32 @!p1 $0x5000, s31;
	[sflag:s1] =	ssyncadd.s32 $0xFFFFF800  }
0x85: {  	[tilespmem:s31], [sflag:$0x1] =	stream.indirect.gather @!p1 [spmem:s2], $0x10, s26, s0, $0xb8;
	[tilespmem:$0x17000] =	vst v63  }
0x86: {  	s5 =	ssub.s32 @!p1 $0xB000, s24;
	s26 =	ssub.s32 @!p1 $0xA800, s24;
	s31 =	sadd.s32 @!p1 $0x580, s23  }
0x87: {  	[tilespmem:s25], [sflag:$0x1] =	stream.indirect.gather @!p1 [spmem:s2], $0x10, s28, s0, $0xb8;
	[tilespmem:$0x17000] =	vst v63  }
0x88: {  	s6 =	sadd.s32 @!p1 $0x680, s23;
	s25 =	sadd.s32 @!p1 $0x600, s23;
	s28 =	ssub.s32 @!p1 $0xB800, s24  }
0x89: {  	[tilespmem:s29], [sflag:$0x1] =	stream.indirect.gather @!p1 [spmem:s2], $0x10, s12, s0, $0xb8;
	[tilespmem:$0x17000] =	vst v63  }
0x8a: {  	s12 =	sxor.u32 @!p1 $0xC000, s24;
	s29 =	sadd.s32 @!p1 $0x700, s23;
	s24 =	sxor.u32 @!p1 $0xC800, s24  }
0x8b: {  	[tilespmem:s26], [sflag:$0x1] =	stream.indirect.gather @!p1 [spmem:s2], $0x10, s31, s0, $0xb8;
	[tilespmem:$0x17000] =	vst v63  }
0x8c: {  	s20 =	sadd.s32 $0x1000, s20;
	s22 =	sshll.u32 s22, $0xE;
	s23 =	sadd.s32 @!p1 $0x780, s23  }
0x8d: {  	[tilespmem:s5], [sflag:$0x1] =	stream.indirect.gather @!p1 [spmem:s2], $0x10, s25, s0, $0xb8;
	[tilespmem:$0x17000] =	vst v63  }
0x8e: {  	p0 =	sne.s32 s20, $0xA000  }
0x8f: {  	[tilespmem:s28], [sflag:$0x1] =	stream.indirect.gather @!p1 [spmem:s2], $0x10, s6, s0, $0xb8;
	[tilespmem:$0x17000] =	vst v63  }
0x90: {  	_ = 	snop  }
0x91: {  	[tilespmem:s12], [sflag:$0x1] =	stream.indirect.gather @!p1 [spmem:s2], $0x10, s29, s0, $0xb8;
	[tilespmem:$0x17000] =	vst v63  }
0x92: {  	_ = 	snop  }
0x93: {  	[tilespmem:s24], [sflag:$0x1] =	stream.indirect.gather @!p1 [spmem:s2], $0x10, s23, s0, $0xb8;
	[tilespmem:$0x17000] =	vst v63  }
0x94: {  	s23 =	sshra.s32 s19, $0x2;
	s19 =	smov.u32 s30;
	_ =	swait.ge [sflag:s14], $0x800  }
0x95: {  	s0 =	sadd.s32 $0x5000, s22;
	s5 =	sadd.s32 $0x2800, s23;
	[sflag:s14] =	ssyncset.done $0x0  }
0x96: {  	[sflag:s14] =	ssyncadd.s32 $0xFFFFF800  }
0x97: {  	[spmem:s3] =	stream.indirect.scatter.add.f32 [tilespmem:s0], [sflag:$0x2], $0x10, s5, s17, $0xb8;
	[tilespmem:$0x17000] =	vst v63  }
0x98: {  	_ =	swait.ge [sflag:s14], $0x800  }
0x99: {  	s0 =	sadd.s32 $0x5800, s22;
	s5 =	sadd.s32 $0x2880, s23;
	[sflag:s14] =	ssyncset.done $0x0  }
0x9a: {  	[sflag:s14] =	ssyncadd.s32 $0xFFFFF800  }
0x9b: {  	[spmem:s3] =	stream.indirect.scatter.add.f32 [tilespmem:s0], [sflag:$0x2], $0x10, s5, s17, $0xb8;
	[tilespmem:$0x17000] =	vst v63  }
0x9c: {  	_ =	swait.ge [sflag:s14], $0x800  }
0x9d: {  	s0 =	sadd.s32 $0x6000, s22;
	s5 =	sadd.s32 $0x2900, s23;
	[sflag:s14] =	ssyncset.done $0x0  }
0x9e: {  	[sflag:s14] =	ssyncadd.s32 $0xFFFFF800  }
0x9f: {  	[spmem:s3] =	stream.indirect.scatter.add.f32 [tilespmem:s0], [sflag:$0x2], $0x10, s5, s17, $0xb8;
	[tilespmem:$0x17000] =	vst v63  }
0xa0: {  	_ =	swait.ge [sflag:s14], $0x800  }
0xa1: {  	s0 =	sadd.s32 $0x6800, s22;
	s5 =	sadd.s32 $0x2980, s23;
	[sflag:s14] =	ssyncset.done $0x0  }
0xa2: {  	[sflag:s14] =	ssyncadd.s32 $0xFFFFF800  }
0xa3: {  	[spmem:s3] =	stream.indirect.scatter.add.f32 [tilespmem:s0], [sflag:$0x2], $0x10, s5, s17, $0xb8;
	[tilespmem:$0x17000] =	vst v63  }
0xa4: {  	_ =	swait.ge [sflag:s14], $0x800  }
0xa5: {  	s0 =	sadd.s32 $0x7000, s22;
	s5 =	sadd.s32 $0x2A00, s23;
	[sflag:s14] =	ssyncset.done $0x0  }
0xa6: {  	[sflag:s14] =	ssyncadd.s32 $0xFFFFF800  }
0xa7: {  	[spmem:s3] =	stream.indirect.scatter.add.f32 [tilespmem:s0], [sflag:$0x2], $0x10, s5, s17, $0xb8;
	[tilespmem:$0x17000] =	vst v63  }
0xa8: {  	_ =	swait.ge [sflag:s14], $0x800  }
0xa9: {  	s0 =	sadd.s32 $0x7800, s22;
	s5 =	sadd.s32 $0x2A80, s23;
	[sflag:s14] =	ssyncset.done $0x0  }
0xaa: {  	[sflag:s14] =	ssyncadd.s32 $0xFFFFF800  }
0xab: {  	[spmem:s3] =	stream.indirect.scatter.add.f32 [tilespmem:s0], [sflag:$0x2], $0x10, s5, s17, $0xb8;
	[tilespmem:$0x17000] =	vst v63  }
0xac: {  	_ =	swait.ge [sflag:s14], $0x800  }
0xad: {  	s0 =	sor.u32 $0x8000, s22;
	s5 =	sadd.s32 $0x2B00, s23;
	[sflag:s14] =	ssyncset.done $0x0  }
0xae: {  	[sflag:s14] =	ssyncadd.s32 $0xFFFFF800  }
0xaf: {  	[spmem:s3] =	stream.indirect.scatter.add.f32 [tilespmem:s0], [sflag:$0x2], $0x10, s5, s17, $0xb8;
	[tilespmem:$0x17000] =	vst v63  }
0xb0: {  	_ =	swait.ge [sflag:s14], $0x800  }
0xb1: {  	s0 =	sor.u32 $0x8800, s22;
	s5 =	sadd.s32 $0x2B80, s23;
	[sflag:s14] =	ssyncset.done $0x0  }
0xb2: {  	[sflag:s14] =	ssyncadd.s32 $0xFFFFF800  }
0xb3: {  	[spmem:s3] =	stream.indirect.scatter.add.f32 [tilespmem:s0], [sflag:$0x2], $0x10, s5, s17, $0xb8;
	[tilespmem:$0x17000] =	vst v63  }
0xb4: {  	_ =	swait.ge [sflag:s1], $0x800  }
0xb5: {  	[sflag:s1] =	ssyncset.done $0x0  }
0xb6: {  	[sflag:s1] =	ssyncadd.s32 $0xFFFFF800  }
0xb7: {  	_ =	swait.ge [sflag:s1], $0x800  }
0xb8: {  	[sflag:s1] =	ssyncset.done $0x0  }
0xb9: {  	[sflag:s1] =	ssyncadd.s32 $0xFFFFF800  }
0xba: {  	_ =	swait.ge [sflag:s1], $0x800  }
0xbb: {  	[sflag:s1] =	ssyncset.done $0x0  }
0xbc: {  	[sflag:s1] =	ssyncadd.s32 $0xFFFFF800  }
0xbd: {  	_ =	swait.ge [sflag:s1], $0x800  }
0xbe: {  	[sflag:s1] =	ssyncset.done $0x0  }
0xbf: {  	[sflag:s1] =	ssyncadd.s32 $0xFFFFF800  }
0xc0: {  	_ =	swait.ge [sflag:s1], $0x800  }
0xc1: {  	[sflag:s1] =	ssyncset.done $0x0  }
0xc2: {  	[sflag:s1] =	ssyncadd.s32 $0xFFFFF800  }
0xc3: {  	_ =	swait.ge [sflag:s1], $0x800  }
.Ltmp1:
0xc4: {  	[sflag:s1] =	ssyncset.done $0x0;
	(pc) =	sbr.rel @p0 .LBB2_4-.Ltmp1, $4  }
0xc5: {  	s21 =	sadd.s32 $0x1, s21;
	[sflag:s1] =	ssyncadd.s32 $0xFFFFF800  }
0xc6: {  	p1 =	seq.s32 s19, $0x9000;
	s22 =	sand.u32 $0x1, s21;
	_ =	swait.ge [sflag:s1], $0x800  }
0xc7: {  	s23 =	sshra.s32 @!p1 s19, $0x2;
	s24 =	sshll.u32 @!p1 s22, $0xE;
	[sflag:s1] =	ssyncset.done $0x0  }
0xc8: {  	s26 =	sadd.s32 @!p1 $0x400, s23;
	s25 =	ssub.s32 @!p1 $0x9800, s24;
	[sflag:s1] =	ssyncadd.s32 $0xFFFFF800  }
0xc9: {  	_ =	swait.ge [sflag:s1], $0x800  }
0xca: {  	s0 =	sxor.u32 @!p1 $0x4000, s24;
	[sflag:s1] =	ssyncset.done $0x0  }
0xcb: {  	s5 =	simm.s32 @!p1 $0x80;
	s0 =	sadd.s32 @!p1 $0x5000, s0;
	[sflag:s1] =	ssyncadd.s32 $0xFFFFF800  }
0xcc: {  	[tilespmem:s0], [sflag:$0x1] =	stream.indirect.gather @!p1 [spmem:s2], $0x10, s26, s5, $0xb8;
	[tilespmem:$0x17000] =	vst v63  }
0xcd: {  	s0 =	sadd.s32 @!p1 $0x480, s23  }
0xce: {  	[tilespmem:s25], [sflag:$0x1] =	stream.indirect.gather @!p1 [spmem:s2], $0x10, s0, s5, $0xb8;
	[tilespmem:$0x17000] =	vst v63  }
0xcf: {  	s6 =	sadd.s32 @!p1 $0x500, s23;
	s0 =	ssub.s32 @!p1 $0xA000, s24  }
0xd0: {  	[tilespmem:s0], [sflag:$0x1] =	stream.indirect.gather @!p1 [spmem:s2], $0x10, s6, s5, $0xb8;
	[tilespmem:$0x17000] =	vst v63  }
0xd1: {  	s0 =	ssub.s32 @!p1 $0xA800, s24;
	s6 =	sadd.s32 @!p1 $0x580, s23  }
0xd2: {  	[tilespmem:s0], [sflag:$0x1] =	stream.indirect.gather @!p1 [spmem:s2], $0x10, s6, s5, $0xb8;
	[tilespmem:$0x17000] =	vst v63  }
0xd3: {  	s0 =	ssub.s32 @!p1 $0xB000, s24;
	s6 =	sadd.s32 @!p1 $0x600, s23  }
0xd4: {  	[tilespmem:s0], [sflag:$0x1] =	stream.indirect.gather @!p1 [spmem:s2], $0x10, s6, s5, $0xb8;
	[tilespmem:$0x17000] =	vst v63  }
0xd5: {  	s0 =	ssub.s32 @!p1 $0xB800, s24;
	s6 =	sadd.s32 @!p1 $0x680, s23  }
0xd6: {  	[tilespmem:s0], [sflag:$0x1] =	stream.indirect.gather @!p1 [spmem:s2], $0x10, s6, s5, $0xb8;
	[tilespmem:$0x17000] =	vst v63  }
0xd7: {  	s0 =	sxor.u32 @!p1 $0xC000, s24;
	s6 =	sadd.s32 @!p1 $0x700, s23  }
0xd8: {  	[tilespmem:s0], [sflag:$0x1] =	stream.indirect.gather @!p1 [spmem:s2], $0x10, s6, s5, $0xb8;
	[tilespmem:$0x17000] =	vst v63  }
0xd9: {  	s0 =	sxor.u32 @!p1 $0xC800, s24;
	s6 =	sadd.s32 @!p1 $0x780, s23  }
0xda: {  	[tilespmem:s0], [sflag:$0x1] =	stream.indirect.gather @!p1 [spmem:s2], $0x10, s6, s5, $0xb8;
	[tilespmem:$0x17000] =	vst v63  }
0xdb: {  	_ =	swait.ge [sflag:s14], $0x800  }
0xdc: {  	s0 =	sshll.u32 s22, $0xE;
	s5 =	sshra.s32 s19, $0x2;
	[sflag:s14] =	ssyncset.done $0x0  }
0xdd: {  	s31 =	sadd.s32 $0x5000, s0;
	s12 =	sadd.s32 $0x2800, s5;
	[sflag:s14] =	ssyncadd.s32 $0xFFFFF800  }
0xde: {  	[spmem:s3] =	stream.indirect.scatter.add.f32 [tilespmem:s31], [sflag:$0x2], $0x10, s12, s17, $0xb8;
	[tilespmem:$0x17000] =	vst v63  }
0xdf: {  	_ =	swait.ge [sflag:s14], $0x800  }
0xe0: {  	[sflag:s14] =	ssyncset.done $0x0  }
0xe1: {  	s19 =	sadd.s32 $0x5800, s0;
	s20 =	sadd.s32 $0x2880, s5;
	[sflag:s14] =	ssyncadd.s32 $0xFFFFF800  }
0xe2: {  	[spmem:s3] =	stream.indirect.scatter.add.f32 [tilespmem:s19], [sflag:$0x2], $0x10, s20, s17, $0xb8;
	[tilespmem:$0x17000] =	vst v63  }
0xe3: {  	_ =	swait.ge [sflag:s14], $0x800  }
0xe4: {  	[sflag:s14] =	ssyncset.done $0x0  }
0xe5: {  	s21 =	sadd.s32 $0x6000, s0;
	s22 =	sadd.s32 $0x2900, s5;
	[sflag:s14] =	ssyncadd.s32 $0xFFFFF800  }
0xe6: {  	[spmem:s3] =	stream.indirect.scatter.add.f32 [tilespmem:s21], [sflag:$0x2], $0x10, s22, s17, $0xb8;
	[tilespmem:$0x17000] =	vst v63  }
0xe7: {  	_ =	swait.ge [sflag:s14], $0x800  }
0xe8: {  	[sflag:s14] =	ssyncset.done $0x0  }
0xe9: {  	s23 =	sadd.s32 $0x6800, s0;
	s24 =	sadd.s32 $0x2980, s5;
	[sflag:s14] =	ssyncadd.s32 $0xFFFFF800  }
0xea: {  	[spmem:s3] =	stream.indirect.scatter.add.f32 [tilespmem:s23], [sflag:$0x2], $0x10, s24, s17, $0xb8;
	[tilespmem:$0x17000] =	vst v63  }
0xeb: {  	_ =	swait.ge [sflag:s14], $0x800  }
0xec: {  	[sflag:s14] =	ssyncset.done $0x0  }
0xed: {  	s25 =	sadd.s32 $0x7000, s0;
	s26 =	sadd.s32 $0x2A00, s5;
	[sflag:s14] =	ssyncadd.s32 $0xFFFFF800  }
0xee: {  	[spmem:s3] =	stream.indirect.scatter.add.f32 [tilespmem:s25], [sflag:$0x2], $0x10, s26, s17, $0xb8;
	[tilespmem:$0x17000] =	vst v63  }
0xef: {  	_ =	swait.ge [sflag:s14], $0x800  }
0xf0: {  	[sflag:s14] =	ssyncset.done $0x0  }
0xf1: {  	s28 =	sadd.s32 $0x7800, s0;
	s29 =	sadd.s32 $0x2A80, s5;
	[sflag:s14] =	ssyncadd.s32 $0xFFFFF800  }
0xf2: {  	[spmem:s3] =	stream.indirect.scatter.add.f32 [tilespmem:s28], [sflag:$0x2], $0x10, s29, s17, $0xb8;
	[tilespmem:$0x17000] =	vst v63  }
0xf3: {  	_ =	swait.ge [sflag:s14], $0x800  }
0xf4: {  	[sflag:s14] =	ssyncset.done $0x0  }
0xf5: {  	s30 =	sor.u32 $0x8000, s0;
	s31 =	sadd.s32 $0x2B00, s5;
	[sflag:s14] =	ssyncadd.s32 $0xFFFFF800  }
0xf6: {  	[spmem:s3] =	stream.indirect.scatter.add.f32 [tilespmem:s30], [sflag:$0x2], $0x10, s31, s17, $0xb8;
	[tilespmem:$0x17000] =	vst v63  }
0xf7: {  	_ =	swait.ge [sflag:s14], $0x800  }
0xf8: {  	[sflag:s14] =	ssyncset.done $0x0  }
0xf9: {  	s0 =	sor.u32 $0x8800, s0;
	s5 =	sadd.s32 $0x2B80, s5;
	[sflag:s14] =	ssyncadd.s32 $0xFFFFF800  }
0xfa: {  	[spmem:s3] =	stream.indirect.scatter.add.f32 [tilespmem:s0], [sflag:$0x2], $0x10, s5, s17, $0xb8;
	[tilespmem:$0x17000] =	vst v63  }
0xfb: {  	_ =	swait.ge [sflag:s1], $0x800  }
0xfc: {  	[sflag:s1] =	ssyncset.done $0x0  }
0xfd: {  	[sflag:s1] =	ssyncadd.s32 $0xFFFFF800  }
0xfe: {  	_ =	swait.ge [sflag:s1], $0x800  }
0xff: {  	[sflag:s1] =	ssyncset.done $0x0  }
0x100: {  	[sflag:s1] =	ssyncadd.s32 $0xFFFFF800  }
0x101: {  	_ =	swait.ge [sflag:s1], $0x800  }
0x102: {  	[sflag:s1] =	ssyncset.done $0x0  }
0x103: {  	[sflag:s1] =	ssyncadd.s32 $0xFFFFF800  }
0x104: {  	_ =	swait.ge [sflag:s1], $0x800  }
0x105: {  	[sflag:s1] =	ssyncset.done $0x0  }
0x106: {  	[sflag:s1] =	ssyncadd.s32 $0xFFFFF800  }
0x107: {  	_ =	swait.ge [sflag:s1], $0x800  }
0x108: {  	[sflag:s1] =	ssyncset.done $0x0  }
0x109: {  	[sflag:s1] =	ssyncadd.s32 $0xFFFFF800  }
0x10a: {  	_ =	swait.ge [sflag:s1], $0x800  }
0x10b: {  	[sflag:s1] =	ssyncset.done $0x0  }
0x10c: {  	[sflag:s1] =	ssyncadd.s32 $0xFFFFF800  }
0x10d: {  	_ =	swait.ge [sflag:s1], $0x800  }
0x10e: {  	[sflag:s1] =	ssyncset.done $0x0  }
0x10f: {  	[sflag:s1] =	ssyncadd.s32 $0xFFFFF800  }
0x110: {  	_ =	swait.ge [sflag:s1], $0x800  }
0x111: {  	[sflag:s1] =	ssyncset.done $0x0  }
0x112: {  	[sflag:s1] =	ssyncadd.s32 $0xFFFFF800  }
0x113: {  	[bflag:$0x0] =	sbarrier.arrive $0xFFFF  }
0x114: {  	[tilespmem:s15], [sflag:$0x3] =	stream.linear.gather [spmem:s9], $0x2800, $0x38;
	[tilespmem:$0x17000] =	vst v63  }
0x115: {  	_ =	swait.ge [sflag:s16], $0x2800  }
0x116: {  	[sflag:s16] =	ssyncset.done $0x0  }
0x117: {  	s19 =	simm.s32 $0x0;
	[sflag:s16] =	ssyncadd.s32 $0xFFFFD800  }
0x118: {  	v4 =	vld [tilespmem:s19+$0xD070]  }
0x119: {  	v5 =	vld [tilespmem:s19+$0xD000]  }
0x11a: {  	v6 =	vld [tilespmem:s19+$0xD010]  }
0x11b: {  	v3 =	vld [tilespmem:s19+$0xD020]  }
0x11c: {  	v1 =	vld [tilespmem:s19+$0xD030]  }
0x11d: {  	v2 =	vld [tilespmem:s19+$0xD040];
	[tilespmem:s19+$0xF870] =	vst v4  }
0x11e: {  	[tilespmem:s19+$0xF800] =	vst v5;
	v4 =	vld [tilespmem:s19+$0xD050]  }
0x11f: {  	s20 =	simm.s32 $0x80;
	s21 =	simm.s32 $0x400;
	[tilespmem:s19+$0xF810] =	vst v6;
	v5 =	vld [tilespmem:s19+$0xD060]  }
.LBB2_6:
0x120: {  	p0 =	sne.s32 s21, $0x9E00;
	v6 =	vld [tilespmem:s20+$0xD070];
	[tilespmem:s19+$0xF820] =	vst v3  }
0x121: {  	v7 =	vld [tilespmem:s20+$0xD000];
	[tilespmem:s19+$0xF830] =	vst v1  }
0x122: {  	v8 =	vld [tilespmem:s20+$0xD010];
	[tilespmem:s19+$0xF840] =	vst v2  }
.Ltmp2:
0x123: {  	v3 =	vld [tilespmem:s20+$0xD020];
	[tilespmem:s19+$0xF850] =	vst v4;
	(pc) =	sbr.rel @p0 .LBB2_6-.Ltmp2, $4  }
0x124: {  	v1 =	vld [tilespmem:s20+$0xD030];
	[tilespmem:s19+$0xF860] =	vst v5;
	s19 =	smov.u32 s20  }
0x125: {  	v2 =	vld [tilespmem:s19+$0xD040];
	[tilespmem:s19+$0xF870] =	vst v6  }
0x126: {  	[tilespmem:s19+$0xF800] =	vst v7;
	v4 =	vld [tilespmem:s19+$0xD050]  }
0x127: {  	s20 =	sshra.s32 s21, $0x2;
	s21 =	sadd.s32 $0x200, s21;
	[tilespmem:s19+$0xF810] =	vst v8;
	v5 =	vld [tilespmem:s19+$0xD060]  }
0x128: {  	v6 =	vld [tilespmem:s20+$0xD070];
	[tilespmem:s19+$0xF820] =	vst v3  }
0x129: {  	v3 =	vld [tilespmem:s20+$0xD000];
	[tilespmem:s19+$0xF830] =	vst v1  }
0x12a: {  	v1 =	vld [tilespmem:s20+$0xD010];
	[tilespmem:s19+$0xF840] =	vst v2  }
0x12b: {  	v2 =	vld [tilespmem:s20+$0xD020];
	[tilespmem:s19+$0xF850] =	vst v4  }
0x12c: {  	v4 =	vld [tilespmem:s20+$0xD030];
	[tilespmem:s19+$0xF860] =	vst v5  }
0x12d: {  	v5 =	vld [tilespmem:s20+$0xD040];
	[tilespmem:s20+$0xF870] =	vst v6  }
0x12e: {  	[tilespmem:s20+$0xF800] =	vst v3;
	v3 =	vld [tilespmem:s20+$0xD050]  }
0x12f: {  	[tilespmem:s20+$0xF810] =	vst v1;
	v1 =	vld [tilespmem:s20+$0xD060]  }
0x130: {  	[tilespmem:s20+$0xF820] =	vst v2  }
0x131: {  	[tilespmem:s20+$0xF830] =	vst v4  }
0x132: {  	s18 =	sadd.s32 $0x1, s18;
	[tilespmem:s20+$0xF840] =	vst v5  }
0x133: {  	p0 =	sne.s32 s18, s11;
	[tilespmem:s20+$0xF850] =	vst v3  }
.Ltmp3:
0x134: {  	s0 =	simm.s32 $0xF800;
	[tilespmem:s20+$0xF860] =	vst v1;
	(pc) =	sbr.rel @p0 .LBB2_1-.Ltmp3, $4  }
0x135: {  	[hbm4b:s10+s4] =	stream.linear.scatter [tilespmem:s0], [sflag:$0x3], $0x2800, $0x38;
	[tilespmem:$0x17000] =	vst v63  }
0x136: {  	_ =	swait.ge [sflag:s16], $0x2800  }
0x137: {  	[sflag:s16] =	ssyncset.done $0x0  }
0x138: {  	[sflag:s16] =	ssyncadd.s32 $0xFFFFD800  }
0x139: {  	_ =	sfence.sel $0x180000  }
0x13a: {  	[bflag:$0x0] =	sbarrier.arrive $0xFFFF  }
0x13b: {  	_ =	strace $0x9000004A  }
0x13c: {  	s0 =	stileid.u32;
	[bflag:$0x2] =	sbarrier.arrive $0xFFFF  }
0x13d: {  	p0 =	sne.s32 s0, $0x0;
	s0 =	rddreg [dreg:$0x3]  }
0x13e: {  	s0 =	sadd.s32 @!p0 $0x100000, s0  }
0x13f: {  	[sflag:s0] =	ssyncadd.tile.s32 @!p0 $0x1;
	_ =	shalt  }
.Lfunc_end2:
_tile_overlayer_lowered:
.L_overlay_start_2:
0x140: {  	(tag) =	ssettag $0x2  }
0x141: {  	s0 =	rddreg [dreg:$0x0];
	s2 =	stileid.u32  }
0x142: {  	s1 =	rddreg [dreg:$0x1];
	p0 =	sne.s32 s2, $0x0  }
0x143: {  	s3 =	rddreg [dreg:$0x2];
	[bflag:$0x3] =	sbarrier.arrive $0xFFFF;
	s2 =	simm.s32 @!p0 $0x1C03  }
0x144: {  	[timem:s3], [sflag:s2] =	dma.local @!p0 [hbm:s0], s1  }
0x145: {  	s0 =	simm.s32 @!p0 $0x3  }
0x146: {  	_ =	swait.ge @!p0 [sflag:s0], s1  }
0x147: {  	s1 =	ssub.s32 @!p0 $0x0, s1;
	[sflag:s0] =	ssyncset.done @!p0 $0x0  }
0x148: {  	[sflag:s0] =	ssyncadd.s32 @!p0 s1  }
0x149: {  	[bflag:$0x3] =	sbarrier.arrive $0xFFFF  }
0x14a: {  	_ =	shalt  }

// kernel: kernel.15.cloned.1.call-start
scs
__scs_entry_jumppad:
0x0: {  	(pc) =	sbr.rel $0x88, $3  }
0x1: {  	(tag) =	ssettag $0x0;
	lr =	simm.s32 $0x1  }
0x2: {  	[smem:$0x3F9B] =	sst lr;
	_ =	strace $0xD0000000  }
0x3: {  	_ = 	snop  }
0x4: {  	_ = 	snop  }
0x5: {  	_ = 	snop  }
0x6: {  	_ = 	snop  }
0x7: {  	_ = 	snop  }
__scs_overlays_trampoline_lowered:
0x8: {  	[smem:$0x3FAA] =	sst s0  }
0x9: {  	[smem:$0x3FAB] =	sst s1  }
0xa: {  	[smem:$0x3FAC] =	sst s2  }
0xb: {  	[smem:$0x3FAD] =	sst s3  }
0xc: {  	[smem:$0x3FAE] =	sst s4  }
0xd: {  	[smem:$0x3FAF] =	sst s5  }
0xe: {  	[smem:$0x3FB0] =	sst s6  }
0xf: {  	[smem:$0x3FB1] =	sst s7  }
0x10: {  	[smem:$0x3FB2] =	sst s8  }
0x11: {  	[smem:$0x3FB3] =	sst s9;
	s0 =	simm.s32 @!p0 $0x0  }
0x12: {  	s1 =	sld [smem:$0x3F99];
	s0 =	simm.s32 @p0 $0x1  }
0x13: {  	[smem:$0x3FB4] =	sst s0;
	s0 =	simm.s32 @!p1 $0x0  }
0x14: {  	s2 =	sld [smem:$0x3F98];
	s0 =	simm.s32 @p1 $0x1  }
0x15: {  	[smem:$0x3FB5] =	sst s0;
	s0 =	simm.s32 @!p2 $0x0  }
0x16: {  	s3 =	sld [smem:$0x3FDB];
	s0 =	simm.s32 @p2 $0x1  }
0x17: {  	s4 =	simm.s32 $0x1BF5;
	[smem:$0x3FB7] =	sst s0  }
0x18: {  	s0 =	sld [smem:$0x3F9A];
	_ =	swait.ge [sflag:s4], $0x0  }
0x19: {  	s7 =	sld [smem:$0x3F9B]  }
0x1a: {  	s8 =	sadd.s32 $0xFFFFE003, lr  }
0x1b: {  	s9 =	sadd.s32 $0xFFFFFEF7, lr;
	s5 =	simm.s32 $0xFFFFFFFF;
	p2 =	slt.u32 s8, $0xFFFFF086  }
0x1c: {  	p1 =	slt.u32 s9, $0xF7A;
	s5 =	simm.s32 @!p2 $0x0  }
0x1d: {  	s5 =	simm.s32 @p1 $0x1;
	p0 =	seq.s32 s7, s2  }
0x1e: {  	s7 =	smul.u32 @!p0 $0xF7A, s2;
	p2 =	seq.s32 @!p0 s5, $0x0  }
0x1f: {  	s9 =	smul.u32 $0xF7A, s1;
	s8 =	simm.s32 @!p0 $0x1BF5;
	p2 =	por !p2, p0  }
0x20: {  	[sflag:s8] =	ssyncset.s32 @!p0 $0xFFFFF086;
	s6 =	sadd.s32 @!p0 s3, s7;
	s7 =	simm.s32 @!p0 $0x108  }
0x21: {  	s3 =	sadd.s32 s3, s9;
	s6 =	sadd.s32 @!p0 $0x88, s6;
	s7 =	simm.s32 @p2 $0x1082  }
0x22: {  	[simem:s7], [sflag:s8] =	dma.local @!p0 [hbm:s6], $0xF7A  }
0x23: {  	s9 =	sor.u32 $0xD0000000, s2;
	s6 =	simm.s32 $0x108;
	_ =	swait.ge @!p0 [sflag:s8], $0x0  }
0x24: {  	s3 =	sadd.s32 $0x88, s3;
	s6 =	simm.s32 @!p1 $0x1082;
	[sflag:s4] =	ssyncset.s32 $0xFFFFF086  }
0x25: {  	[simem:s6], [sflag:s4] =	dma.local [hbm:s3], $0xF7A  }
0x26: {  	[smem:$0x3F9B] =	sst s1;
	(tag) =	ssettag s2;
	_ =	strace s9  }
0x27: {  	s1 =	sld [smem:$0x3FAB]  }
0x28: {  	s2 =	sld [smem:$0x3FAC]  }
0x29: {  	s4 =	sld [smem:$0x3FAE]  }
0x2a: {  	p0 =	seq.s32 s5, $0x0;
	s5 =	sld [smem:$0x3FAF]  }
0x2b: {  	s6 =	sld [smem:$0x3FB0]  }
0x2c: {  	s7 =	sld [smem:$0x3FB1]  }
0x2d: {  	s3 =	simm.s32 $0x108;
	s8 =	sld [smem:$0x3FB2]  }
0x2e: {  	s3 =	simm.s32 @!p0 $0x1082;
	s9 =	sld [smem:$0x3FB3]  }
0x2f: {  	lr =	sadd.s32 s0, s3;
	s0 =	sld [smem:$0x3FAA]  }
0x30: {  	s3 =	sld [smem:$0x3FAD]  }
0x31: {  	[smem:$0x3FB6] =	sst s10  }
0x32: {  	s10 =	sld [smem:$0x3FB4];
	_ =	sdelay $0x3  }
0x33: {  	p0 =	seq.s32 s10, $0x1;
	s10 =	sld [smem:$0x3FB6];
	_ =	sdelay $0x3  }
0x34: {  	[smem:$0x3FB6] =	sst s10  }
0x35: {  	s10 =	sld [smem:$0x3FB5];
	_ =	sdelay $0x3  }
0x36: {  	p1 =	seq.s32 s10, $0x1;
	s10 =	sld [smem:$0x3FB6];
	_ =	sdelay $0x3  }
0x37: {  	[smem:$0x3FB6] =	sst s10  }
0x38: {  	s10 =	sld [smem:$0x3FB7]  }
0x39: {  	_ = 	snop;
	(pc) =	sbr.ind lr, $3  }
0x3a: {  	_ = 	snop  }
0x3b: {  	_ = 	snop  }
0x3c: {  	p2 =	seq.s32 s10, $0x1;
	s10 =	sld [smem:$0x3FB6]  }
0x3d: {  	_ =	shalt  }
0x3e: {  	_ =	shalt  }
0x3f: {  	_ =	shalt  }
0x40: {  	_ =	shalt  }
0x41: {  	_ =	shalt  }
0x42: {  	_ =	shalt  }
0x43: {  	_ =	shalt  }
0x44: {  	_ =	shalt  }
0x45: {  	_ =	shalt  }
0x46: {  	_ =	shalt  }
0x47: {  	_ =	shalt  }
0x48: {  	_ =	shalt  }
0x49: {  	_ =	shalt  }
0x4a: {  	_ =	shalt  }
0x4b: {  	_ =	shalt  }
0x4c: {  	_ =	shalt  }
0x4d: {  	_ =	shalt  }
0x4e: {  	_ =	shalt  }
0x4f: {  	_ =	shalt  }
0x50: {  	_ =	shalt  }
0x51: {  	_ =	shalt  }
0x52: {  	_ =	shalt  }
0x53: {  	_ =	shalt  }
0x54: {  	_ =	shalt  }
0x55: {  	_ =	shalt  }
0x56: {  	_ =	shalt  }
0x57: {  	_ =	shalt  }
0x58: {  	_ =	shalt  }
0x59: {  	_ =	shalt  }
0x5a: {  	_ =	shalt  }
0x5b: {  	_ =	shalt  }
0x5c: {  	_ =	shalt  }
0x5d: {  	_ =	shalt  }
0x5e: {  	_ =	shalt  }
0x5f: {  	_ =	shalt  }
0x60: {  	_ =	shalt  }
0x61: {  	_ =	shalt  }
0x62: {  	_ =	shalt  }
0x63: {  	_ =	shalt  }
0x64: {  	_ =	shalt  }
0x65: {  	_ =	shalt  }
0x66: {  	_ =	shalt  }
0x67: {  	_ =	shalt  }
0x68: {  	_ =	shalt  }
0x69: {  	_ =	shalt  }
0x6a: {  	_ =	shalt  }
0x6b: {  	_ =	shalt  }
0x6c: {  	_ =	shalt  }
0x6d: {  	_ =	shalt  }
0x6e: {  	_ =	shalt  }
0x6f: {  	_ =	shalt  }
0x70: {  	_ =	shalt  }
0x71: {  	_ =	shalt  }
0x72: {  	_ =	shalt  }
0x73: {  	_ =	shalt  }
0x74: {  	_ =	shalt  }
0x75: {  	_ =	shalt  }
0x76: {  	_ =	shalt  }
0x77: {  	_ =	shalt  }
0x78: {  	_ =	shalt  }
0x79: {  	_ =	shalt  }
0x7a: {  	_ =	shalt  }
0x7b: {  	_ =	shalt  }
0x7c: {  	_ =	shalt  }
0x7d: {  	_ =	shalt  }
0x7e: {  	_ =	shalt  }
0x7f: {  	_ =	shalt  }
0x80: {  	_ =	shalt  }
0x81: {  	_ =	shalt  }
0x82: {  	_ =	shalt  }
0x83: {  	_ =	shalt  }
0x84: {  	_ =	shalt  }
0x85: {  	_ =	shalt  }
0x86: {  	_ =	shalt  }
0x87: {  	_ =	shalt  }
.Lfunc_end0:
.L_simem_size_0:
called_computation.2_lowered:
.L_overlay_start_0:
0x88: {  	s2 =	sld [smem:$0x3FD9]  }
0x89: {  	s3 =	sld [smem:$0x3FFE];
	_ =	sdelay $0x1  }
0x8a: {  	s1 =	srdreg.scid  }
0x8b: {  	s0 =	sand.u32 $0x1, s1  }
0x8c: {  	s16 =	sshll.u32 s0, $0xA;
	s2 =	sadd.s32 s3, s2  }
0x8d: {  	s2 =	sadd.s32 s2, s16  }
0x8e: {  	[smem:$0x3FC2] =	sst s2  }
0x8f: {  	_ = 	snop  }
0x90: {  	(tm) =	ssettm $0x1  }
0x91: {  	s17 =	sld [smem:$0x3FFB];
	_ =	sdelay $0x3  }
0x92: {  	_ =	strace s17  }
0x93: {  	s2 =	sld [smem:$0x3FFC];
	_ =	sdelay $0x3  }
0x94: {  	_ =	strace s2  }
0x95: {  	s2 =	sld [smem:$0x3FFD];
	_ =	sdelay $0x3  }
0x96: {  	_ =	strace s2  }
0x97: {  	_ =	strace $0x8FFFFFFF  }
0x98: {  	s18 =	sld [smem:$0x3FDB];
	_ =	sdelay $0x1  }
0x99: {  	s19 =	simm.s32 $_scs_section_size  }
0x9a: {  	s4 =	simm.s32 $_size__tile_overlayer_lowered;
	s5 =	simm.s32 $_tile_overlayer_lowered  }
0x9b: {  	s22 =	simm.s32 $0x1BFF;
	s21 =	sshll.u32 s5, $0x1;
	s2 =	sadd.s32 s19, s18  }
0x9c: {  	s6 =	simm.s32 $0x0;
	s20 =	sshll.u32 s4, $0x1;
	s4 =	sadd.s32 s21, s2  }
0x9d: {  	[timem:s6], [sflag:s22] =	dma.local [hbm:s4], s20  }
0x9e: {  	_ =	swait.ge [sflag:s22], s20  }
0x9f: {  	s3 =	ssub.s32 $0x0, s20;
	[sflag:s22] =	ssyncset.done $0x0  }
0xa0: {  	[sflag:s22] =	ssyncadd.s32 s3;
	_ =	sdelay $0x1  }
0xa1: {  	s23 =	simm.s32 $0x1B8B  }
0xa2: {  	_ =	swait.ge [sflag:s23], $0x1  }
0xa3: {  	[sflag:s23] =	ssyncset.done $0x0  }
0xa4: {  	s25 =	simm.s32 $0x1B8E;
	s24 =	sld [smem:$0x3FFE];
	[sflag:s23] =	ssyncadd.s32 $0xFFFFFFFF  }
0xa5: {  	s26 =	simm.s32 $execute0_lowered;
	[smem:$0x3FD2] =	sst s25  }
0xa6: {  	s4 =	sshll.u32 s26, $0x1;
	_ =	strace $0x8000004C;
	[dreg:$0x1] =	wrdreg $0xFFFFFFFF  }
0xa7: {  	s28 =	simm.s32 $_size_execute0_lowered;
	s2 =	sadd.s32 s2, s4;
	[dreg:$0x0] =	wrdreg $0x0  }
0xa8: {  	s4 =	sshll.u32 s28, $0x1;
	[dreg:$0x2] =	wrdreg s2  }
0xa9: {  	[dreg:$0x3] =	wrdreg s4  }
0xaa: {  	[dreg:$0x4] =	wrdreg $0xC0  }
0xab: {  	_ =	task [dreg:s6], $0x5FFFF  }
0xac: {  	[dreg:$0x1] =	wrdreg $0xFFFFFFFF  }
0xad: {  	[dreg:$0x0] =	wrdreg $0x60  }
0xae: {  	[dreg:$0x2] =	wrdreg s24  }
0xaf: {  	[dreg:$0x3] =	wrdreg $0x120000  }
0xb0: {  	[dreg:$0x4] =	wrdreg $0x148000  }
0xb1: {  	[dreg:$0x5] =	wrdreg $0x9  }
0xb2: {  	_ =	task.clear_ibuf [dreg:s6], $0x6FFFF;
	_ =	strace $0x9000004C  }
0xb3: {  	s29 =	simm.s32 $0x9;
	_ =	strace $0x8000004E  }
0xb4: {  	_ =	swait.ge [sflag:s29], $0x1  }
0xb5: {  	[sflag:s29] =	ssyncadd.s32 $0xFFFFFFFF  }
0xb6: {  	_ =	strace $0x9000004E  }
0xb7: {  	_ =	sfence  }
0xb8: {  	s30 =	sld [smem:$0x0];
	_ =	sdelay $0x2  }
0xb9: {  	s31 =	sshll.u32 s1, $0xD;
	s1 =	sshrl.u32 s1, $0x2  }
0xba: {  	s3 =	sand.u32 $0x4000, s31;
	s1 =	sadd.s32 s1, s30  }
0xbb: {  	s0 =	sor.u32 s3, s0;
	s1 =	sshll.u32 s1, $0x11  }
0xbc: {  	s0 =	sor.u32 s1, s0  }
0xbd: {  	s0 =	sadd.s32 $0x8F2B, s0  }
0xbe: {  	[sflag:s0] =	ssyncadd.remote.s32 $0x1  }
0xbf: {  	_ =	sfence.sel $0xFFFF  }
0xc0: {  	[dreg:$0x0] =	wrdreg $0xFFFFFFFF;
	(pc) =	sbr.abs _section_cstart, $3  }
0xc1: {  	[dreg:$0x1] =	wrdreg $0xFFFFFFFF  }
0xc2: {  	_ =	task.clear_ibuf [dreg:s6], $0x2FFFF;
	_ =	strace $0x9FFFFFFF  }
0xc3: {  	(tm) =	ssettm $0x7FFFFFFF  }
tec
execute0_lowered:
.L_overlay_start_1:
0x0: {  	(tag) =	ssettag $0x1  }
0x1: {  	s0 =	rddreg [dreg:$0x0]  }
0x2: {  	s2 =	rddreg [dreg:$0x1];
	s1 =	srdreg.scid  }
0x3: {  	s3 =	rddreg [dreg:$0x2];
	s10 =	stileid.u32;
	s4 =	simm.s32 $0x0  }
0x4: {  	s14 =	simm.s32 $0x1;
	s15 =	simm.s32 $0xD000;
	s16 =	simm.s32 $0x3  }
0x5: {  	s17 =	simm.s32 $0x80;
	s18 =	simm.s32 $0x0;
	s1 =	sand.u32 $0x1, s1  }
0x6: {  	s9 =	smul.u32 $0x2800, s10;
	[smem:$0x7FF] =	sst s4;
	s31 =	sshll.u32 s10, $0x6  }
0x7: {  	s5 =	sshll.u32 s1, $0x4;
	s6 =	smul.u32 $0x28000, s1;
	_ =	strace $0x8000004D  }
0x8: {  	s1 =	ssub.s32 $0x2, s1;
	s5 =	sor.u32 s10, s5;
	s7 =	sshrl.u32 s9, $0x3  }
0x9: {  	s28 =	sshrl.u32 s1, $0x1;
	s12 =	sadd.s32 s9, s2;
	s5 =	smul.u32 $0x2800, s5  }
0xa: {  	s7 =	sadd.s32 s7, s0;
	s6 =	sadd.s32 s9, s6;
	s1 =	ssub.s32 s1, s28  }
0xb: {  	s9 =	sadd.s32 s9, s3;
	s13 =	sshrl.u32 s12, $0x3;
	s5 =	sshrl.u32 s5, $0x3  }
0xc: {  	s6 =	sshrl.u32 s6, $0x3;
	s7 =	sadd.s32 $0x16E00, s7;
	s8 =	sadd.s32 s5, s0  }
0xd: {  	s11 =	smax.u32 s1, $0x1;
	s1 =	simm.s32 $0x2;
	s29 =	sadd.s32 $0x2E00, s8  }
0xe: {  	s0 =	sadd.s32 s6, s0;
	s30 =	sadd.s32 $0xCE00, s8;
	[dreg:$0x4] =	wrdreg s29  }
0xf: {  	v0 =	vimm.f32 $0.0e+00;
	s8 =	sor.u32 $0x1C01, s31;
	s10 =	sadd.s32 $0x1BE00, s0;
	[dreg:$0x5] =	wrdreg s30  }
.LBB2_1:
0x10: {  	s0 =	rddreg [dreg:$0x4]  }
0x11: {  	s31 =	rddreg [dreg:$0x5]  }
0x12: {  	[tilespmem:s4], [sflag:$0x1] =	stream.linear.gather [hbm4b:s0+s4], $0x2800, $0x38;
	[tilespmem:$0x17000] =	vst v63  }
0x13: {  	s5 =	simm.s32 $0x2800;
	s20 =	simm.s32 $0x100;
	s19 =	simm.s32 $0x0  }
0x14: {  	[tilespmem:s5], [sflag:$0x1] =	stream.linear.gather [hbm4b:s31+s4], $0x2800, $0x38;
	[tilespmem:$0x17000] =	vst v63  }
0x15: {  	[spmem:s13], [sflag:s8] =	dma.local [hbm:s7], $0x500  }
.LBB2_2:
0x16: {  	p0 =	sne.s32 s20, $0x9F00;
	[tilespmem:s19+$0xD030] =	vst v0;
	s21 =	smov.u32 s20;
	s20 =	sadd.s32 $0x100, s20  }
.Ltmp0:
0x17: {  	[tilespmem:s19+$0xD020] =	vst v0;
	(pc) =	sbr.rel @p0 .LBB2_2-.Ltmp0, $3  }
0x18: {  	[tilespmem:s19+$0xD000] =	vst v0  }
0x19: {  	[tilespmem:s19+$0xD010] =	vst v0;
	_ =	sdelay $0x1  }
0x1a: {  	s19 =	sshra.s32 s21, $0x2  }
0x1b: {  	[tilespmem:s19+$0xD030] =	vst v0  }
0x1c: {  	[tilespmem:s19+$0xD020] =	vst v0  }
0x1d: {  	[tilespmem:s19+$0xD000] =	vst v0  }
0x1e: {  	[tilespmem:s19+$0xD010] =	vst v0  }
0x1f: {  	_ =	swait.ge [sflag:s14], $0x2800  }
0x20: {  	[sflag:s14] =	ssyncset.done $0x0  }
0x21: {  	[sflag:s14] =	ssyncadd.s32 $0xFFFFD800  }
0x22: {  	_ =	swait.ge [sflag:s14], $0x2800  }
0x23: {  	[sflag:s14] =	ssyncset.done $0x0  }
0x24: {  	[sflag:s14] =	ssyncadd.s32 $0xFFFFD800  }
0x25: {  	_ =	swait.ge [sflag:s14], $0x500  }
0x26: {  	[sflag:s14] =	ssyncset.done $0x0  }
0x27: {  	[sflag:s14] =	ssyncadd.s32 $0xFFFFFB00  }
0x28: {  	[spmem:s9] =	stream.linear.scatter [tilespmem:s15], [sflag:$0x3], $0x2800, $0x38;
	[tilespmem:$0x17000] =	vst v63  }
0x29: {  	_ =	swait.ge [sflag:s16], $0x2800  }
0x2a: {  	[sflag:s16] =	ssyncset.done $0x0  }
0x2b: {  	[sflag:s16] =	ssyncadd.s32 $0xFFFFD800  }
0x2c: {  	s31 =	simm.s32 $0x0;
	s0 =	simm.s32 $0x5000;
	[bflag:$0x0] =	sbarrier.arrive $0xFFFF  }
0x2d: {  	[tilespmem:s0], [sflag:$0x1] =	stream.indirect.gather [spmem:s2], $0x10, s31, s17, $0xb8;
	[tilespmem:$0x17000] =	vst v63  }
0x2e: {  	s5 =	simm.s32 $0x5800  }
0x2f: {  	[tilespmem:s5], [sflag:$0x1] =	stream.indirect.gather [spmem:s2], $0x10, s17, s17, $0xb8;
	[tilespmem:$0x17000] =	vst v63  }
0x30: {  	s6 =	simm.s32 $0x100;
	s5 =	simm.s32 $0x6000  }
0x31: {  	[tilespmem:s5], [sflag:$0x1] =	stream.indirect.gather [spmem:s2], $0x10, s6, s17, $0xb8;
	[tilespmem:$0x17000] =	vst v63  }
0x32: {  	s12 =	simm.s32 $0x180;
	s20 =	simm.s32 $0x6800  }
0x33: {  	[tilespmem:s20], [sflag:$0x1] =	stream.indirect.gather [spmem:s2], $0x10, s12, s17, $0xb8;
	[tilespmem:$0x17000] =	vst v63  }
0x34: {  	s21 =	simm.s32 $0x200;
	s22 =	simm.s32 $0x7000;
	s23 =	simm.s32 $0x280  }
0x35: {  	[tilespmem:s22], [sflag:$0x1] =	stream.indirect.gather [spmem:s2], $0x10, s21, s17, $0xb8;
	[tilespmem:$0x17000] =	vst v63  }
0x36: {  	s24 =	simm.s32 $0x7800;
	p0 =	por $0x0, $0x0;
	s19 =	sand.u32 $0x1, s31  }
0x37: {  	[tilespmem:s24], [sflag:$0x1] =	stream.indirect.gather [spmem:s2], $0x10, s23, s17, $0xb8;
	[tilespmem:$0x17000] =	vst v63  }
0x38: {  	s25 =	simm.s32 $0x300;
	s26 =	simm.s32 $0x8000;
	s20 =	sshll.u32 @!p0 s19, $0xE  }
0x39: {  	[tilespmem:s26], [sflag:$0x1] =	stream.indirect.gather [spmem:s2], $0x10, s25, s17, $0xb8;
	[tilespmem:$0x17000] =	vst v63  }
0x3a: {  	s28 =	simm.s32 $0x380;
	s29 =	simm.s32 $0x8800;
	s21 =	sxor.u32 @!p0 $0x4000, s20  }
0x3b: {  	[tilespmem:s29], [sflag:$0x1] =	stream.indirect.gather [spmem:s2], $0x10, s28, s17, $0xb8;
	[tilespmem:$0x17000] =	vst v63  }
0x3c: {  	s22 =	simm.s32 @!p0 $0x400;
	s21 =	sadd.s32 @!p0 $0x5000, s21;
	s23 =	simm.s32 @!p0 $0x80  }
0x3d: {  	[tilespmem:s21], [sflag:$0x1] =	stream.indirect.gather @!p0 [spmem:s2], $0x10, s22, s23, $0xb8;
	[tilespmem:$0x17000] =	vst v63  }
0x3e: {  	s21 =	ssub.s32 @!p0 $0x9800, s20;
	s22 =	simm.s32 @!p0 $0x480  }
0x3f: {  	[tilespmem:s21], [sflag:$0x1] =	stream.indirect.gather @!p0 [spmem:s2], $0x10, s22, s23, $0xb8;
	[tilespmem:$0x17000] =	vst v63  }
0x40: {  	s21 =	ssub.s32 @!p0 $0xA000, s20;
	s22 =	simm.s32 @!p0 $0x500  }
0x41: {  	[tilespmem:s21], [sflag:$0x1] =	stream.indirect.gather @!p0 [spmem:s2], $0x10, s22, s23, $0xb8;
	[tilespmem:$0x17000] =	vst v63  }
0x42: {  	s21 =	ssub.s32 @!p0 $0xA800, s20;
	s22 =	simm.s32 @!p0 $0x580  }
0x43: {  	[tilespmem:s21], [sflag:$0x1] =	stream.indirect.gather @!p0 [spmem:s2], $0x10, s22, s23, $0xb8;
	[tilespmem:$0x17000] =	vst v63  }
0x44: {  	s21 =	ssub.s32 @!p0 $0xB000, s20;
	s22 =	simm.s32 @!p0 $0x600  }
0x45: {  	[tilespmem:s21], [sflag:$0x1] =	stream.indirect.gather @!p0 [spmem:s2], $0x10, s22, s23, $0xb8;
	[tilespmem:$0x17000] =	vst v63  }
0x46: {  	s21 =	ssub.s32 @!p0 $0xB800, s20;
	s22 =	simm.s32 @!p0 $0x680  }
0x47: {  	[tilespmem:s21], [sflag:$0x1] =	stream.indirect.gather @!p0 [spmem:s2], $0x10, s22, s23, $0xb8;
	[tilespmem:$0x17000] =	vst v63  }
0x48: {  	s21 =	sxor.u32 @!p0 $0xC000, s20;
	s22 =	simm.s32 @!p0 $0x700  }
0x49: {  	[tilespmem:s21], [sflag:$0x1] =	stream.indirect.gather @!p0 [spmem:s2], $0x10, s22, s23, $0xb8;
	[tilespmem:$0x17000] =	vst v63  }
0x4a: {  	s20 =	sxor.u32 @!p0 $0xC800, s20;
	s21 =	simm.s32 @!p0 $0x780  }
0x4b: {  	[tilespmem:s20], [sflag:$0x1] =	stream.indirect.gather @!p0 [spmem:s2], $0x10, s21, s23, $0xb8;
	[tilespmem:$0x17000] =	vst v63  }
0x4c: {  	_ =	swait.ge [sflag:s14], $0x800  }
0x4d: {  	s19 =	sshll.u32 s19, $0xE;
	[sflag:s14] =	ssyncset.done $0x0  }
0x4e: {  	s31 =	simm.s32 $0x2800;
	s30 =	sadd.s32 $0x5000, s19;
	[sflag:s14] =	ssyncadd.s32 $0xFFFFF800  }
0x4f: {  	[spmem:s3] =	stream.indirect.scatter.add.f32 [tilespmem:s30], [sflag:$0x2], $0x10, s31, s17, $0xb8;
	[tilespmem:$0x17000] =	vst v63  }
0x50: {  	_ =	swait.ge [sflag:s14], $0x800  }
0x51: {  	[sflag:s14] =	ssyncset.done $0x0  }
0x52: {  	s5 =	simm.s32 $0x2880;
	s0 =	sadd.s32 $0x5800, s19;
	[sflag:s14] =	ssyncadd.s32 $0xFFFFF800  }
0x53: {  	[spmem:s3] =	stream.indirect.scatter.add.f32 [tilespmem:s0], [sflag:$0x2], $0x10, s5, s17, $0xb8;
	[tilespmem:$0x17000] =	vst v63  }
0x54: {  	_ =	swait.ge [sflag:s14], $0x800  }
0x55: {  	[sflag:s14] =	ssyncset.done $0x0  }
0x56: {  	s12 =	simm.s32 $0x2900;
	s6 =	sadd.s32 $0x6000, s19;
	[sflag:s14] =	ssyncadd.s32 $0xFFFFF800  }
0x57: {  	[spmem:s3] =	stream.indirect.scatter.add.f32 [tilespmem:s6], [sflag:$0x2], $0x10, s12, s17, $0xb8;
	[tilespmem:$0x17000] =	vst v63  }
0x58: {  	_ =	swait.ge [sflag:s14], $0x800  }
0x59: {  	[sflag:s14] =	ssyncset.done $0x0  }
0x5a: {  	s22 =	sadd.s32 $0x6800, s19;
	s23 =	simm.s32 $0x2980;
	[sflag:s14] =	ssyncadd.s32 $0xFFFFF800  }
0x5b: {  	[spmem:s3] =	stream.indirect.scatter.add.f32 [tilespmem:s22], [sflag:$0x2], $0x10, s23, s17, $0xb8;
	[tilespmem:$0x17000] =	vst v63  }
0x5c: {  	_ =	swait.ge [sflag:s14], $0x800  }
0x5d: {  	[sflag:s14] =	ssyncset.done $0x0  }
0x5e: {  	s24 =	sadd.s32 $0x7000, s19;
	s25 =	simm.s32 $0x2A00;
	[sflag:s14] =	ssyncadd.s32 $0xFFFFF800  }
0x5f: {  	[spmem:s3] =	stream.indirect.scatter.add.f32 [tilespmem:s24], [sflag:$0x2], $0x10, s25, s17, $0xb8;
	[tilespmem:$0x17000] =	vst v63  }
0x60: {  	_ =	swait.ge [sflag:s14], $0x800  }
0x61: {  	[sflag:s14] =	ssyncset.done $0x0  }
0x62: {  	s26 =	sadd.s32 $0x7800, s19;
	s28 =	simm.s32 $0x2A80;
	[sflag:s14] =	ssyncadd.s32 $0xFFFFF800  }
0x63: {  	[spmem:s3] =	stream.indirect.scatter.add.f32 [tilespmem:s26], [sflag:$0x2], $0x10, s28, s17, $0xb8;
	[tilespmem:$0x17000] =	vst v63  }
0x64: {  	_ =	swait.ge [sflag:s14], $0x800  }
0x65: {  	[sflag:s14] =	ssyncset.done $0x0  }
0x66: {  	s29 =	sor.u32 $0x8000, s19;
	s30 =	simm.s32 $0x2B00;
	[sflag:s14] =	ssyncadd.s32 $0xFFFFF800  }
0x67: {  	[spmem:s3] =	stream.indirect.scatter.add.f32 [tilespmem:s29], [sflag:$0x2], $0x10, s30, s17, $0xb8;
	[tilespmem:$0x17000] =	vst v63  }
0x68: {  	_ =	swait.ge [sflag:s14], $0x800  }
0x69: {  	[sflag:s14] =	ssyncset.done $0x0  }
0x6a: {  	s19 =	sor.u32 $0x8800, s19;
	s31 =	simm.s32 $0x2B80;
	[sflag:s14] =	ssyncadd.s32 $0xFFFFF800  }
0x6b: {  	[spmem:s3] =	stream.indirect.scatter.add.f32 [tilespmem:s19], [sflag:$0x2], $0x10, s31, s17, $0xb8;
	[tilespmem:$0x17000] =	vst v63  }
0x6c: {  	_ =	swait.ge [sflag:s1], $0x800  }
0x6d: {  	[sflag:s1] =	ssyncset.done $0x0  }
0x6e: {  	[sflag:s1] =	ssyncadd.s32 $0xFFFFF800  }
0x6f: {  	_ =	swait.ge [sflag:s1], $0x800  }
0x70: {  	[sflag:s1] =	ssyncset.done $0x0  }
0x71: {  	[sflag:s1] =	ssyncadd.s32 $0xFFFFF800  }
0x72: {  	_ =	swait.ge [sflag:s1], $0x800  }
0x73: {  	[sflag:s1] =	ssyncset.done $0x0  }
0x74: {  	[sflag:s1] =	ssyncadd.s32 $0xFFFFF800  }
0x75: {  	_ =	swait.ge [sflag:s1], $0x800  }
0x76: {  	[sflag:s1] =	ssyncset.done $0x0  }
0x77: {  	[sflag:s1] =	ssyncadd.s32 $0xFFFFF800  }
0x78: {  	_ =	swait.ge [sflag:s1], $0x800  }
0x79: {  	[sflag:s1] =	ssyncset.done $0x0  }
0x7a: {  	[sflag:s1] =	ssyncadd.s32 $0xFFFFF800  }
0x7b: {  	_ =	swait.ge [sflag:s1], $0x800  }
0x7c: {  	s21 =	simm.s32 $0x1;
	[sflag:s1] =	ssyncset.done $0x0  }
0x7d: {  	p1 =	por $0x0, $0x0;
	s22 =	sand.u32 $0x1, s21;
	[sflag:s1] =	ssyncadd.s32 $0xFFFFF800  }
0x7e: {  	s20 =	simm.s32 $0x2000;
	s24 =	sshll.u32 @!p1 s22, $0xE;
	_ =	swait.ge [sflag:s1], $0x800  }
0x7f: {  	s23 =	simm.s32 @!p1 $0x400;
	s25 =	ssub.s32 @!p1 $0x9800, s24;
	[sflag:s1] =	ssyncset.done $0x0  }
0x80: {  	s26 =	simm.s32 @!p1 $0x800;
	s19 =	simm.s32 $0x1000;
	[sflag:s1] =	ssyncadd.s32 $0xFFFFF800  }
.LBB2_4:
0x81: {  	s28 =	sadd.s32 @!p1 $0x480, s23  }
0x82: {  	s29 =	ssub.s32 @!p1 $0xA000, s24;
	_ =	swait.ge [sflag:s1], $0x800;
	s30 =	smov.u32 s20  }
0x83: {  	s31 =	sxor.u32 @!p1 $0x4000, s24;
	s0 =	simm.s32 @!p1 $0x80;
	[sflag:s1] =	ssyncset.done $0x0  }
0x84: {  	s12 =	sadd.s32 @!p1 $0x500, s23;
	s31 =	sadd.s32 @!p1 $0x5000, s31;
	[sflag:s1] =	ssyncadd.s32 $0xFFFFF800  }
0x85: {  	[tilespmem:s31], [sflag:$0x1] =	stream.indirect.gather @!p1 [spmem:s2], $0x10, s26, s0, $0xb8;
	[tilespmem:$0x17000] =	vst v63  }
0x86: {  	s5 =	ssub.s32 @!p1 $0xB000, s24;
	s26 =	ssub.s32 @!p1 $0xA800, s24;
	s31 =	sadd.s32 @!p1 $0x580, s23  }
0x87: {  	[tilespmem:s25], [sflag:$0x1] =	stream.indirect.gather @!p1 [spmem:s2], $0x10, s28, s0, $0xb8;
	[tilespmem:$0x17000] =	vst v63  }
0x88: {  	s6 =	sadd.s32 @!p1 $0x680, s23;
	s25 =	sadd.s32 @!p1 $0x600, s23;
	s28 =	ssub.s32 @!p1 $0xB800, s24  }
0x89: {  	[tilespmem:s29], [sflag:$0x1] =	stream.indirect.gather @!p1 [spmem:s2], $0x10, s12, s0, $0xb8;
	[tilespmem:$0x17000] =	vst v63  }
0x8a: {  	s12 =	sxor.u32 @!p1 $0xC000, s24;
	s29 =	sadd.s32 @!p1 $0x700, s23;
	s24 =	sxor.u32 @!p1 $0xC800, s24  }
0x8b: {  	[tilespmem:s26], [sflag:$0x1] =	stream.indirect.gather @!p1 [spmem:s2], $0x10, s31, s0, $0xb8;
	[tilespmem:$0x17000] =	vst v63  }
0x8c: {  	s20 =	sadd.s32 $0x1000, s20;
	s22 =	sshll.u32 s22, $0xE;
	s23 =	sadd.s32 @!p1 $0x780, s23  }
0x8d: {  	[tilespmem:s5], [sflag:$0x1] =	stream.indirect.gather @!p1 [spmem:s2], $0x10, s25, s0, $0xb8;
	[tilespmem:$0x17000] =	vst v63  }
0x8e: {  	p0 =	sne.s32 s20, $0xA000  }
0x8f: {  	[tilespmem:s28], [sflag:$0x1] =	stream.indirect.gather @!p1 [spmem:s2], $0x10, s6, s0, $0xb8;
	[tilespmem:$0x17000] =	vst v63  }
0x90: {  	_ = 	snop  }
0x91: {  	[tilespmem:s12], [sflag:$0x1] =	stream.indirect.gather @!p1 [spmem:s2], $0x10, s29, s0, $0xb8;
	[tilespmem:$0x17000] =	vst v63  }
0x92: {  	_ = 	snop  }
0x93: {  	[tilespmem:s24], [sflag:$0x1] =	stream.indirect.gather @!p1 [spmem:s2], $0x10, s23, s0, $0xb8;
	[tilespmem:$0x17000] =	vst v63  }
0x94: {  	s23 =	sshra.s32 s19, $0x2;
	s19 =	smov.u32 s30;
	_ =	swait.ge [sflag:s14], $0x800  }
0x95: {  	s0 =	sadd.s32 $0x5000, s22;
	s5 =	sadd.s32 $0x2800, s23;
	[sflag:s14] =	ssyncset.done $0x0  }
0x96: {  	[sflag:s14] =	ssyncadd.s32 $0xFFFFF800  }
0x97: {  	[spmem:s3] =	stream.indirect.scatter.add.f32 [tilespmem:s0], [sflag:$0x2], $0x10, s5, s17, $0xb8;
	[tilespmem:$0x17000] =	vst v63  }
0x98: {  	_ =	swait.ge [sflag:s14], $0x800  }
0x99: {  	s0 =	sadd.s32 $0x5800, s22;
	s5 =	sadd.s32 $0x2880, s23;
	[sflag:s14] =	ssyncset.done $0x0  }
0x9a: {  	[sflag:s14] =	ssyncadd.s32 $0xFFFFF800  }
0x9b: {  	[spmem:s3] =	stream.indirect.scatter.add.f32 [tilespmem:s0], [sflag:$0x2], $0x10, s5, s17, $0xb8;
	[tilespmem:$0x17000] =	vst v63  }
0x9c: {  	_ =	swait.ge [sflag:s14], $0x800  }
0x9d: {  	s0 =	sadd.s32 $0x6000, s22;
	s5 =	sadd.s32 $0x2900, s23;
	[sflag:s14] =	ssyncset.done $0x0  }
0x9e: {  	[sflag:s14] =	ssyncadd.s32 $0xFFFFF800  }
0x9f: {  	[spmem:s3] =	stream.indirect.scatter.add.f32 [tilespmem:s0], [sflag:$0x2], $0x10, s5, s17, $0xb8;
	[tilespmem:$0x17000] =	vst v63  }
0xa0: {  	_ =	swait.ge [sflag:s14], $0x800  }
0xa1: {  	s0 =	sadd.s32 $0x6800, s22;
	s5 =	sadd.s32 $0x2980, s23;
	[sflag:s14] =	ssyncset.done $0x0  }
0xa2: {  	[sflag:s14] =	ssyncadd.s32 $0xFFFFF800  }
0xa3: {  	[spmem:s3] =	stream.indirect.scatter.add.f32 [tilespmem:s0], [sflag:$0x2], $0x10, s5, s17, $0xb8;
	[tilespmem:$0x17000] =	vst v63  }
0xa4: {  	_ =	swait.ge [sflag:s14], $0x800  }
0xa5: {  	s0 =	sadd.s32 $0x7000, s22;
	s5 =	sadd.s32 $0x2A00, s23;
	[sflag:s14] =	ssyncset.done $0x0  }
0xa6: {  	[sflag:s14] =	ssyncadd.s32 $0xFFFFF800  }
0xa7: {  	[spmem:s3] =	stream.indirect.scatter.add.f32 [tilespmem:s0], [sflag:$0x2], $0x10, s5, s17, $0xb8;
	[tilespmem:$0x17000] =	vst v63  }
0xa8: {  	_ =	swait.ge [sflag:s14], $0x800  }
0xa9: {  	s0 =	sadd.s32 $0x7800, s22;
	s5 =	sadd.s32 $0x2A80, s23;
	[sflag:s14] =	ssyncset.done $0x0  }
0xaa: {  	[sflag:s14] =	ssyncadd.s32 $0xFFFFF800  }
0xab: {  	[spmem:s3] =	stream.indirect.scatter.add.f32 [tilespmem:s0], [sflag:$0x2], $0x10, s5, s17, $0xb8;
	[tilespmem:$0x17000] =	vst v63  }
0xac: {  	_ =	swait.ge [sflag:s14], $0x800  }
0xad: {  	s0 =	sor.u32 $0x8000, s22;
	s5 =	sadd.s32 $0x2B00, s23;
	[sflag:s14] =	ssyncset.done $0x0  }
0xae: {  	[sflag:s14] =	ssyncadd.s32 $0xFFFFF800  }
0xaf: {  	[spmem:s3] =	stream.indirect.scatter.add.f32 [tilespmem:s0], [sflag:$0x2], $0x10, s5, s17, $0xb8;
	[tilespmem:$0x17000] =	vst v63  }
0xb0: {  	_ =	swait.ge [sflag:s14], $0x800  }
0xb1: {  	s0 =	sor.u32 $0x8800, s22;
	s5 =	sadd.s32 $0x2B80, s23;
	[sflag:s14] =	ssyncset.done $0x0  }
0xb2: {  	[sflag:s14] =	ssyncadd.s32 $0xFFFFF800  }
0xb3: {  	[spmem:s3] =	stream.indirect.scatter.add.f32 [tilespmem:s0], [sflag:$0x2], $0x10, s5, s17, $0xb8;
	[tilespmem:$0x17000] =	vst v63  }
0xb4: {  	_ =	swait.ge [sflag:s1], $0x800  }
0xb5: {  	[sflag:s1] =	ssyncset.done $0x0  }
0xb6: {  	[sflag:s1] =	ssyncadd.s32 $0xFFFFF800  }
0xb7: {  	_ =	swait.ge [sflag:s1], $0x800  }
0xb8: {  	[sflag:s1] =	ssyncset.done $0x0  }
0xb9: {  	[sflag:s1] =	ssyncadd.s32 $0xFFFFF800  }
0xba: {  	_ =	swait.ge [sflag:s1], $0x800  }
0xbb: {  	[sflag:s1] =	ssyncset.done $0x0  }
0xbc: {  	[sflag:s1] =	ssyncadd.s32 $0xFFFFF800  }
0xbd: {  	_ =	swait.ge [sflag:s1], $0x800  }
0xbe: {  	[sflag:s1] =	ssyncset.done $0x0  }
0xbf: {  	[sflag:s1] =	ssyncadd.s32 $0xFFFFF800  }
0xc0: {  	_ =	swait.ge [sflag:s1], $0x800  }
0xc1: {  	[sflag:s1] =	ssyncset.done $0x0  }
0xc2: {  	[sflag:s1] =	ssyncadd.s32 $0xFFFFF800  }
0xc3: {  	_ =	swait.ge [sflag:s1], $0x800  }
.Ltmp1:
0xc4: {  	[sflag:s1] =	ssyncset.done $0x0;
	(pc) =	sbr.rel @p0 .LBB2_4-.Ltmp1, $4  }
0xc5: {  	s21 =	sadd.s32 $0x1, s21;
	[sflag:s1] =	ssyncadd.s32 $0xFFFFF800  }
0xc6: {  	p1 =	seq.s32 s19, $0x9000;
	s22 =	sand.u32 $0x1, s21;
	_ =	swait.ge [sflag:s1], $0x800  }
0xc7: {  	s23 =	sshra.s32 @!p1 s19, $0x2;
	s24 =	sshll.u32 @!p1 s22, $0xE;
	[sflag:s1] =	ssyncset.done $0x0  }
0xc8: {  	s26 =	sadd.s32 @!p1 $0x400, s23;
	s25 =	ssub.s32 @!p1 $0x9800, s24;
	[sflag:s1] =	ssyncadd.s32 $0xFFFFF800  }
0xc9: {  	_ =	swait.ge [sflag:s1], $0x800  }
0xca: {  	s0 =	sxor.u32 @!p1 $0x4000, s24;
	[sflag:s1] =	ssyncset.done $0x0  }
0xcb: {  	s5 =	simm.s32 @!p1 $0x80;
	s0 =	sadd.s32 @!p1 $0x5000, s0;
	[sflag:s1] =	ssyncadd.s32 $0xFFFFF800  }
0xcc: {  	[tilespmem:s0], [sflag:$0x1] =	stream.indirect.gather @!p1 [spmem:s2], $0x10, s26, s5, $0xb8;
	[tilespmem:$0x17000] =	vst v63  }
0xcd: {  	s0 =	sadd.s32 @!p1 $0x480, s23  }
0xce: {  	[tilespmem:s25], [sflag:$0x1] =	stream.indirect.gather @!p1 [spmem:s2], $0x10, s0, s5, $0xb8;
	[tilespmem:$0x17000] =	vst v63  }
0xcf: {  	s6 =	sadd.s32 @!p1 $0x500, s23;
	s0 =	ssub.s32 @!p1 $0xA000, s24  }
0xd0: {  	[tilespmem:s0], [sflag:$0x1] =	stream.indirect.gather @!p1 [spmem:s2], $0x10, s6, s5, $0xb8;
	[tilespmem:$0x17000] =	vst v63  }
0xd1: {  	s0 =	ssub.s32 @!p1 $0xA800, s24;
	s6 =	sadd.s32 @!p1 $0x580, s23  }
0xd2: {  	[tilespmem:s0], [sflag:$0x1] =	stream.indirect.gather @!p1 [spmem:s2], $0x10, s6, s5, $0xb8;
	[tilespmem:$0x17000] =	vst v63  }
0xd3: {  	s0 =	ssub.s32 @!p1 $0xB000, s24;
	s6 =	sadd.s32 @!p1 $0x600, s23  }
0xd4: {  	[tilespmem:s0], [sflag:$0x1] =	stream.indirect.gather @!p1 [spmem:s2], $0x10, s6, s5, $0xb8;
	[tilespmem:$0x17000] =	vst v63  }
0xd5: {  	s0 =	ssub.s32 @!p1 $0xB800, s24;
	s6 =	sadd.s32 @!p1 $0x680, s23  }
0xd6: {  	[tilespmem:s0], [sflag:$0x1] =	stream.indirect.gather @!p1 [spmem:s2], $0x10, s6, s5, $0xb8;
	[tilespmem:$0x17000] =	vst v63  }
0xd7: {  	s0 =	sxor.u32 @!p1 $0xC000, s24;
	s6 =	sadd.s32 @!p1 $0x700, s23  }
0xd8: {  	[tilespmem:s0], [sflag:$0x1] =	stream.indirect.gather @!p1 [spmem:s2], $0x10, s6, s5, $0xb8;
	[tilespmem:$0x17000] =	vst v63  }
0xd9: {  	s0 =	sxor.u32 @!p1 $0xC800, s24;
	s6 =	sadd.s32 @!p1 $0x780, s23  }
0xda: {  	[tilespmem:s0], [sflag:$0x1] =	stream.indirect.gather @!p1 [spmem:s2], $0x10, s6, s5, $0xb8;
	[tilespmem:$0x17000] =	vst v63  }
0xdb: {  	_ =	swait.ge [sflag:s14], $0x800  }
0xdc: {  	s0 =	sshll.u32 s22, $0xE;
	s5 =	sshra.s32 s19, $0x2;
	[sflag:s14] =	ssyncset.done $0x0  }
0xdd: {  	s31 =	sadd.s32 $0x5000, s0;
	s12 =	sadd.s32 $0x2800, s5;
	[sflag:s14] =	ssyncadd.s32 $0xFFFFF800  }
0xde: {  	[spmem:s3] =	stream.indirect.scatter.add.f32 [tilespmem:s31], [sflag:$0x2], $0x10, s12, s17, $0xb8;
	[tilespmem:$0x17000] =	vst v63  }
0xdf: {  	_ =	swait.ge [sflag:s14], $0x800  }
0xe0: {  	[sflag:s14] =	ssyncset.done $0x0  }
0xe1: {  	s19 =	sadd.s32 $0x5800, s0;
	s20 =	sadd.s32 $0x2880, s5;
	[sflag:s14] =	ssyncadd.s32 $0xFFFFF800  }
0xe2: {  	[spmem:s3] =	stream.indirect.scatter.add.f32 [tilespmem:s19], [sflag:$0x2], $0x10, s20, s17, $0xb8;
	[tilespmem:$0x17000] =	vst v63  }
0xe3: {  	_ =	swait.ge [sflag:s14], $0x800  }
0xe4: {  	[sflag:s14] =	ssyncset.done $0x0  }
0xe5: {  	s21 =	sadd.s32 $0x6000, s0;
	s22 =	sadd.s32 $0x2900, s5;
	[sflag:s14] =	ssyncadd.s32 $0xFFFFF800  }
0xe6: {  	[spmem:s3] =	stream.indirect.scatter.add.f32 [tilespmem:s21], [sflag:$0x2], $0x10, s22, s17, $0xb8;
	[tilespmem:$0x17000] =	vst v63  }
0xe7: {  	_ =	swait.ge [sflag:s14], $0x800  }
0xe8: {  	[sflag:s14] =	ssyncset.done $0x0  }
0xe9: {  	s23 =	sadd.s32 $0x6800, s0;
	s24 =	sadd.s32 $0x2980, s5;
	[sflag:s14] =	ssyncadd.s32 $0xFFFFF800  }
0xea: {  	[spmem:s3] =	stream.indirect.scatter.add.f32 [tilespmem:s23], [sflag:$0x2], $0x10, s24, s17, $0xb8;
	[tilespmem:$0x17000] =	vst v63  }
0xeb: {  	_ =	swait.ge [sflag:s14], $0x800  }
0xec: {  	[sflag:s14] =	ssyncset.done $0x0  }
0xed: {  	s25 =	sadd.s32 $0x7000, s0;
	s26 =	sadd.s32 $0x2A00, s5;
	[sflag:s14] =	ssyncadd.s32 $0xFFFFF800  }
0xee: {  	[spmem:s3] =	stream.indirect.scatter.add.f32 [tilespmem:s25], [sflag:$0x2], $0x10, s26, s17, $0xb8;
	[tilespmem:$0x17000] =	vst v63  }
0xef: {  	_ =	swait.ge [sflag:s14], $0x800  }
0xf0: {  	[sflag:s14] =	ssyncset.done $0x0  }
0xf1: {  	s28 =	sadd.s32 $0x7800, s0;
	s29 =	sadd.s32 $0x2A80, s5;
	[sflag:s14] =	ssyncadd.s32 $0xFFFFF800  }
0xf2: {  	[spmem:s3] =	stream.indirect.scatter.add.f32 [tilespmem:s28], [sflag:$0x2], $0x10, s29, s17, $0xb8;
	[tilespmem:$0x17000] =	vst v63  }
0xf3: {  	_ =	swait.ge [sflag:s14], $0x800  }
0xf4: {  	[sflag:s14] =	ssyncset.done $0x0  }
0xf5: {  	s30 =	sor.u32 $0x8000, s0;
	s31 =	sadd.s32 $0x2B00, s5;
	[sflag:s14] =	ssyncadd.s32 $0xFFFFF800  }
0xf6: {  	[spmem:s3] =	stream.indirect.scatter.add.f32 [tilespmem:s30], [sflag:$0x2], $0x10, s31, s17, $0xb8;
	[tilespmem:$0x17000] =	vst v63  }
0xf7: {  	_ =	swait.ge [sflag:s14], $0x800  }
0xf8: {  	[sflag:s14] =	ssyncset.done $0x0  }
0xf9: {  	s0 =	sor.u32 $0x8800, s0;
	s5 =	sadd.s32 $0x2B80, s5;
	[sflag:s14] =	ssyncadd.s32 $0xFFFFF800  }
0xfa: {  	[spmem:s3] =	stream.indirect.scatter.add.f32 [tilespmem:s0], [sflag:$0x2], $0x10, s5, s17, $0xb8;
	[tilespmem:$0x17000] =	vst v63  }
0xfb: {  	_ =	swait.ge [sflag:s1], $0x800  }
0xfc: {  	[sflag:s1] =	ssyncset.done $0x0  }
0xfd: {  	[sflag:s1] =	ssyncadd.s32 $0xFFFFF800  }
0xfe: {  	_ =	swait.ge [sflag:s1], $0x800  }
0xff: {  	[sflag:s1] =	ssyncset.done $0x0  }
0x100: {  	[sflag:s1] =	ssyncadd.s32 $0xFFFFF800  }
0x101: {  	_ =	swait.ge [sflag:s1], $0x800  }
0x102: {  	[sflag:s1] =	ssyncset.done $0x0  }
0x103: {  	[sflag:s1] =	ssyncadd.s32 $0xFFFFF800  }
0x104: {  	_ =	swait.ge [sflag:s1], $0x800  }
0x105: {  	[sflag:s1] =	ssyncset.done $0x0  }
0x106: {  	[sflag:s1] =	ssyncadd.s32 $0xFFFFF800  }
0x107: {  	_ =	swait.ge [sflag:s1], $0x800  }
0x108: {  	[sflag:s1] =	ssyncset.done $0x0  }
0x109: {  	[sflag:s1] =	ssyncadd.s32 $0xFFFFF800  }
0x10a: {  	_ =	swait.ge [sflag:s1], $0x800  }
0x10b: {  	[sflag:s1] =	ssyncset.done $0x0  }
0x10c: {  	[sflag:s1] =	ssyncadd.s32 $0xFFFFF800  }
0x10d: {  	_ =	swait.ge [sflag:s1], $0x800  }
0x10e: {  	[sflag:s1] =	ssyncset.done $0x0  }
0x10f: {  	[sflag:s1] =	ssyncadd.s32 $0xFFFFF800  }
0x110: {  	_ =	swait.ge [sflag:s1], $0x800  }
0x111: {  	[sflag:s1] =	ssyncset.done $0x0  }
0x112: {  	[sflag:s1] =	ssyncadd.s32 $0xFFFFF800  }
0x113: {  	[bflag:$0x0] =	sbarrier.arrive $0xFFFF  }
0x114: {  	[tilespmem:s15], [sflag:$0x3] =	stream.linear.gather [spmem:s9], $0x2800, $0x38;
	[tilespmem:$0x17000] =	vst v63  }
0x115: {  	_ =	swait.ge [sflag:s16], $0x2800  }
0x116: {  	[sflag:s16] =	ssyncset.done $0x0  }
0x117: {  	s19 =	simm.s32 $0x0;
	[sflag:s16] =	ssyncadd.s32 $0xFFFFD800  }
0x118: {  	v4 =	vld [tilespmem:s19+$0xD070]  }
0x119: {  	v5 =	vld [tilespmem:s19+$0xD000]  }
0x11a: {  	v6 =	vld [tilespmem:s19+$0xD010]  }
0x11b: {  	v3 =	vld [tilespmem:s19+$0xD020]  }
0x11c: {  	v1 =	vld [tilespmem:s19+$0xD030]  }
0x11d: {  	v2 =	vld [tilespmem:s19+$0xD040];
	[tilespmem:s19+$0xF870] =	vst v4  }
0x11e: {  	[tilespmem:s19+$0xF800] =	vst v5;
	v4 =	vld [tilespmem:s19+$0xD050]  }
0x11f: {  	s20 =	simm.s32 $0x80;
	s21 =	simm.s32 $0x400;
	[tilespmem:s19+$0xF810] =	vst v6;
	v5 =	vld [tilespmem:s19+$0xD060]  }
.LBB2_6:
0x120: {  	p0 =	sne.s32 s21, $0x9E00;
	v6 =	vld [tilespmem:s20+$0xD070];
	[tilespmem:s19+$0xF820] =	vst v3  }
0x121: {  	v7 =	vld [tilespmem:s20+$0xD000];
	[tilespmem:s19+$0xF830] =	vst v1  }
0x122: {  	v8 =	vld [tilespmem:s20+$0xD010];
	[tilespmem:s19+$0xF840] =	vst v2  }
.Ltmp2:
0x123: {  	v3 =	vld [tilespmem:s20+$0xD020];
	[tilespmem:s19+$0xF850] =	vst v4;
	(pc) =	sbr.rel @p0 .LBB2_6-.Ltmp2, $4  }
0x124: {  	v1 =	vld [tilespmem:s20+$0xD030];
	[tilespmem:s19+$0xF860] =	vst v5;
	s19 =	smov.u32 s20  }
0x125: {  	v2 =	vld [tilespmem:s19+$0xD040];
	[tilespmem:s19+$0xF870] =	vst v6  }
0x126: {  	[tilespmem:s19+$0xF800] =	vst v7;
	v4 =	vld [tilespmem:s19+$0xD050]  }
0x127: {  	s20 =	sshra.s32 s21, $0x2;
	s21 =	sadd.s32 $0x200, s21;
	[tilespmem:s19+$0xF810] =	vst v8;
	v5 =	vld [tilespmem:s19+$0xD060]  }
0x128: {  	v6 =	vld [tilespmem:s20+$0xD070];
	[tilespmem:s19+$0xF820] =	vst v3  }
0x129: {  	v3 =	vld [tilespmem:s20+$0xD000];
	[tilespmem:s19+$0xF830] =	vst v1  }
0x12a: {  	v1 =	vld [tilespmem:s20+$0xD010];
	[tilespmem:s19+$0xF840] =	vst v2  }
0x12b: {  	v2 =	vld [tilespmem:s20+$0xD020];
	[tilespmem:s19+$0xF850] =	vst v4  }
0x12c: {  	v4 =	vld [tilespmem:s20+$0xD030];
	[tilespmem:s19+$0xF860] =	vst v5  }
0x12d: {  	v5 =	vld [tilespmem:s20+$0xD040];
	[tilespmem:s20+$0xF870] =	vst v6  }
0x12e: {  	[tilespmem:s20+$0xF800] =	vst v3;
	v3 =	vld [tilespmem:s20+$0xD050]  }
0x12f: {  	[tilespmem:s20+$0xF810] =	vst v1;
	v1 =	vld [tilespmem:s20+$0xD060]  }
0x130: {  	[tilespmem:s20+$0xF820] =	vst v2  }
0x131: {  	[tilespmem:s20+$0xF830] =	vst v4  }
0x132: {  	s18 =	sadd.s32 $0x1, s18;
	[tilespmem:s20+$0xF840] =	vst v5  }
0x133: {  	p0 =	sne.s32 s18, s11;
	[tilespmem:s20+$0xF850] =	vst v3  }
.Ltmp3:
0x134: {  	s0 =	simm.s32 $0xF800;
	[tilespmem:s20+$0xF860] =	vst v1;
	(pc) =	sbr.rel @p0 .LBB2_1-.Ltmp3, $4  }
0x135: {  	[hbm4b:s10+s4] =	stream.linear.scatter [tilespmem:s0], [sflag:$0x3], $0x2800, $0x38;
	[tilespmem:$0x17000] =	vst v63  }
0x136: {  	_ =	swait.ge [sflag:s16], $0x2800  }
0x137: {  	[sflag:s16] =	ssyncset.done $0x0  }
0x138: {  	[sflag:s16] =	ssyncadd.s32 $0xFFFFD800  }
0x139: {  	_ =	sfence.sel $0x180000  }
0x13a: {  	[bflag:$0x0] =	sbarrier.arrive $0xFFFF  }
0x13b: {  	_ =	strace $0x9000004D  }
0x13c: {  	s0 =	stileid.u32;
	[bflag:$0x2] =	sbarrier.arrive $0xFFFF  }
0x13d: {  	p0 =	sne.s32 s0, $0x0;
	s0 =	rddreg [dreg:$0x3]  }
0x13e: {  	s0 =	sadd.s32 @!p0 $0x100000, s0  }
0x13f: {  	[sflag:s0] =	ssyncadd.tile.s32 @!p0 $0x1;
	_ =	shalt  }
.Lfunc_end2:
_tile_overlayer_lowered:
.L_overlay_start_2:
0x140: {  	(tag) =	ssettag $0x2  }
0x141: {  	s0 =	rddreg [dreg:$0x0];
	s2 =	stileid.u32  }
0x142: {  	s1 =	rddreg [dreg:$0x1];
	p0 =	sne.s32 s2, $0x0  }
0x143: {  	s3 =	rddreg [dreg:$0x2];
	[bflag:$0x3] =	sbarrier.arrive $0xFFFF;
	s2 =	simm.s32 @!p0 $0x1C03  }
0x144: {  	[timem:s3], [sflag:s2] =	dma.local @!p0 [hbm:s0], s1  }
0x145: {  	s0 =	simm.s32 @!p0 $0x3  }
0x146: {  	_ =	swait.ge @!p0 [sflag:s0], s1  }
0x147: {  	s1 =	ssub.s32 @!p0 $0x0, s1;
	[sflag:s0] =	ssyncset.done @!p0 $0x0  }
0x148: {  	[sflag:s0] =	ssyncadd.s32 @!p0 s1  }
0x149: {  	[bflag:$0x3] =	sbarrier.arrive $0xFFFF  }
0x14a: {  	_ =	shalt  }

// kernel: kernel.9.cloned.1.call-start
scs
__scs_entry_jumppad:
0x0: {  	(pc) =	sbr.rel $0x88, $3  }
0x1: {  	(tag) =	ssettag $0x0;
	lr =	simm.s32 $0x1  }
0x2: {  	[smem:$0x3F9B] =	sst lr;
	_ =	strace $0xD0000000  }
0x3: {  	_ = 	snop  }
0x4: {  	_ = 	snop  }
0x5: {  	_ = 	snop  }
0x6: {  	_ = 	snop  }
0x7: {  	_ = 	snop  }
__scs_overlays_trampoline_lowered:
0x8: {  	[smem:$0x3FAA] =	sst s0  }
0x9: {  	[smem:$0x3FAB] =	sst s1  }
0xa: {  	[smem:$0x3FAC] =	sst s2  }
0xb: {  	[smem:$0x3FAD] =	sst s3  }
0xc: {  	[smem:$0x3FAE] =	sst s4  }
0xd: {  	[smem:$0x3FAF] =	sst s5  }
0xe: {  	[smem:$0x3FB0] =	sst s6  }
0xf: {  	[smem:$0x3FB1] =	sst s7  }
0x10: {  	[smem:$0x3FB2] =	sst s8  }
0x11: {  	[smem:$0x3FB3] =	sst s9;
	s0 =	simm.s32 @!p0 $0x0  }
0x12: {  	s1 =	sld [smem:$0x3F99];
	s0 =	simm.s32 @p0 $0x1  }
0x13: {  	[smem:$0x3FB4] =	sst s0;
	s0 =	simm.s32 @!p1 $0x0  }
0x14: {  	s2 =	sld [smem:$0x3F98];
	s0 =	simm.s32 @p1 $0x1  }
0x15: {  	[smem:$0x3FB5] =	sst s0;
	s0 =	simm.s32 @!p2 $0x0  }
0x16: {  	s3 =	sld [smem:$0x3FDB];
	s0 =	simm.s32 @p2 $0x1  }
0x17: {  	s4 =	simm.s32 $0x1BF5;
	[smem:$0x3FB7] =	sst s0  }
0x18: {  	s0 =	sld [smem:$0x3F9A];
	_ =	swait.ge [sflag:s4], $0x0  }
0x19: {  	s7 =	sld [smem:$0x3F9B]  }
0x1a: {  	s8 =	sadd.s32 $0xFFFFE003, lr  }
0x1b: {  	s9 =	sadd.s32 $0xFFFFFEF7, lr;
	s5 =	simm.s32 $0xFFFFFFFF;
	p2 =	slt.u32 s8, $0xFFFFF086  }
0x1c: {  	p1 =	slt.u32 s9, $0xF7A;
	s5 =	simm.s32 @!p2 $0x0  }
0x1d: {  	s5 =	simm.s32 @p1 $0x1;
	p0 =	seq.s32 s7, s2  }
0x1e: {  	s7 =	smul.u32 @!p0 $0xF7A, s2;
	p2 =	seq.s32 @!p0 s5, $0x0  }
0x1f: {  	s9 =	smul.u32 $0xF7A, s1;
	s8 =	simm.s32 @!p0 $0x1BF5;
	p2 =	por !p2, p0  }
0x20: {  	[sflag:s8] =	ssyncset.s32 @!p0 $0xFFFFF086;
	s6 =	sadd.s32 @!p0 s3, s7;
	s7 =	simm.s32 @!p0 $0x108  }
0x21: {  	s3 =	sadd.s32 s3, s9;
	s6 =	sadd.s32 @!p0 $0x88, s6;
	s7 =	simm.s32 @p2 $0x1082  }
0x22: {  	[simem:s7], [sflag:s8] =	dma.local @!p0 [hbm:s6], $0xF7A  }
0x23: {  	s9 =	sor.u32 $0xD0000000, s2;
	s6 =	simm.s32 $0x108;
	_ =	swait.ge @!p0 [sflag:s8], $0x0  }
0x24: {  	s3 =	sadd.s32 $0x88, s3;
	s6 =	simm.s32 @!p1 $0x1082;
	[sflag:s4] =	ssyncset.s32 $0xFFFFF086  }
0x25: {  	[simem:s6], [sflag:s4] =	dma.local [hbm:s3], $0xF7A  }
0x26: {  	[smem:$0x3F9B] =	sst s1;
	(tag) =	ssettag s2;
	_ =	strace s9  }
0x27: {  	s1 =	sld [smem:$0x3FAB]  }
0x28: {  	s2 =	sld [smem:$0x3FAC]  }
0x29: {  	s4 =	sld [smem:$0x3FAE]  }
0x2a: {  	p0 =	seq.s32 s5, $0x0;
	s5 =	sld [smem:$0x3FAF]  }
0x2b: {  	s6 =	sld [smem:$0x3FB0]  }
0x2c: {  	s7 =	sld [smem:$0x3FB1]  }
0x2d: {  	s3 =	simm.s32 $0x108;
	s8 =	sld [smem:$0x3FB2]  }
0x2e: {  	s3 =	simm.s32 @!p0 $0x1082;
	s9 =	sld [smem:$0x3FB3]  }
0x2f: {  	lr =	sadd.s32 s0, s3;
	s0 =	sld [smem:$0x3FAA]  }
0x30: {  	s3 =	sld [smem:$0x3FAD]  }
0x31: {  	[smem:$0x3FB6] =	sst s10  }
0x32: {  	s10 =	sld [smem:$0x3FB4];
	_ =	sdelay $0x3  }
0x33: {  	p0 =	seq.s32 s10, $0x1;
	s10 =	sld [smem:$0x3FB6];
	_ =	sdelay $0x3  }
0x34: {  	[smem:$0x3FB6] =	sst s10  }
0x35: {  	s10 =	sld [smem:$0x3FB5];
	_ =	sdelay $0x3  }
0x36: {  	p1 =	seq.s32 s10, $0x1;
	s10 =	sld [smem:$0x3FB6];
	_ =	sdelay $0x3  }
0x37: {  	[smem:$0x3FB6] =	sst s10  }
0x38: {  	s10 =	sld [smem:$0x3FB7]  }
0x39: {  	_ = 	snop;
	(pc) =	sbr.ind lr, $3  }
0x3a: {  	_ = 	snop  }
0x3b: {  	_ = 	snop  }
0x3c: {  	p2 =	seq.s32 s10, $0x1;
	s10 =	sld [smem:$0x3FB6]  }
0x3d: {  	_ =	shalt  }
0x3e: {  	_ =	shalt  }
0x3f: {  	_ =	shalt  }
0x40: {  	_ =	shalt  }
0x41: {  	_ =	shalt  }
0x42: {  	_ =	shalt  }
0x43: {  	_ =	shalt  }
0x44: {  	_ =	shalt  }
0x45: {  	_ =	shalt  }
0x46: {  	_ =	shalt  }
0x47: {  	_ =	shalt  }
0x48: {  	_ =	shalt  }
0x49: {  	_ =	shalt  }
0x4a: {  	_ =	shalt  }
0x4b: {  	_ =	shalt  }
0x4c: {  	_ =	shalt  }
0x4d: {  	_ =	shalt  }
0x4e: {  	_ =	shalt  }
0x4f: {  	_ =	shalt  }
0x50: {  	_ =	shalt  }
0x51: {  	_ =	shalt  }
0x52: {  	_ =	shalt  }
0x53: {  	_ =	shalt  }
0x54: {  	_ =	shalt  }
0x55: {  	_ =	shalt  }
0x56: {  	_ =	shalt  }
0x57: {  	_ =	shalt  }
0x58: {  	_ =	shalt  }
0x59: {  	_ =	shalt  }
0x5a: {  	_ =	shalt  }
0x5b: {  	_ =	shalt  }
0x5c: {  	_ =	shalt  }
0x5d: {  	_ =	shalt  }
0x5e: {  	_ =	shalt  }
0x5f: {  	_ =	shalt  }
0x60: {  	_ =	shalt  }
0x61: {  	_ =	shalt  }
0x62: {  	_ =	shalt  }
0x63: {  	_ =	shalt  }
0x64: {  	_ =	shalt  }
0x65: {  	_ =	shalt  }
0x66: {  	_ =	shalt  }
0x67: {  	_ =	shalt  }
0x68: {  	_ =	shalt  }
0x69: {  	_ =	shalt  }
0x6a: {  	_ =	shalt  }
0x6b: {  	_ =	shalt  }
0x6c: {  	_ =	shalt  }
0x6d: {  	_ =	shalt  }
0x6e: {  	_ =	shalt  }
0x6f: {  	_ =	shalt  }
0x70: {  	_ =	shalt  }
0x71: {  	_ =	shalt  }
0x72: {  	_ =	shalt  }
0x73: {  	_ =	shalt  }
0x74: {  	_ =	shalt  }
0x75: {  	_ =	shalt  }
0x76: {  	_ =	shalt  }
0x77: {  	_ =	shalt  }
0x78: {  	_ =	shalt  }
0x79: {  	_ =	shalt  }
0x7a: {  	_ =	shalt  }
0x7b: {  	_ =	shalt  }
0x7c: {  	_ =	shalt  }
0x7d: {  	_ =	shalt  }
0x7e: {  	_ =	shalt  }
0x7f: {  	_ =	shalt  }
0x80: {  	_ =	shalt  }
0x81: {  	_ =	shalt  }
0x82: {  	_ =	shalt  }
0x83: {  	_ =	shalt  }
0x84: {  	_ =	shalt  }
0x85: {  	_ =	shalt  }
0x86: {  	_ =	shalt  }
0x87: {  	_ =	shalt  }
.Lfunc_end0:
.L_simem_size_0:
called_computation_lowered:
.L_overlay_start_0:
0x88: {  	s2 =	sld [smem:$0x3FD9]  }
0x89: {  	s3 =	sld [smem:$0x3FFE];
	_ =	sdelay $0x1  }
0x8a: {  	s1 =	srdreg.scid  }
0x8b: {  	s0 =	sand.u32 $0x1, s1  }
0x8c: {  	s16 =	sshll.u32 s0, $0xA;
	s2 =	sadd.s32 s3, s2  }
0x8d: {  	s2 =	sadd.s32 s2, s16  }
0x8e: {  	[smem:$0x3FC2] =	sst s2  }
0x8f: {  	_ = 	snop  }
0x90: {  	(tm) =	ssettm $0x1  }
0x91: {  	s17 =	sld [smem:$0x3FFB];
	_ =	sdelay $0x3  }
0x92: {  	_ =	strace s17  }
0x93: {  	s2 =	sld [smem:$0x3FFC];
	_ =	sdelay $0x3  }
0x94: {  	_ =	strace s2  }
0x95: {  	s2 =	sld [smem:$0x3FFD];
	_ =	sdelay $0x3  }
0x96: {  	_ =	strace s2  }
0x97: {  	_ =	strace $0x8FFFFFFF  }
0x98: {  	s18 =	sld [smem:$0x3FDB];
	_ =	sdelay $0x1  }
0x99: {  	s19 =	simm.s32 $_scs_section_size  }
0x9a: {  	s4 =	simm.s32 $_size__tile_overlayer_lowered;
	s5 =	simm.s32 $_tile_overlayer_lowered  }
0x9b: {  	s22 =	simm.s32 $0x1BFF;
	s21 =	sshll.u32 s5, $0x1;
	s2 =	sadd.s32 s19, s18  }
0x9c: {  	s6 =	simm.s32 $0x0;
	s20 =	sshll.u32 s4, $0x1;
	s4 =	sadd.s32 s21, s2  }
0x9d: {  	[timem:s6], [sflag:s22] =	dma.local [hbm:s4], s20  }
0x9e: {  	_ =	swait.ge [sflag:s22], s20  }
0x9f: {  	s3 =	ssub.s32 $0x0, s20;
	[sflag:s22] =	ssyncset.done $0x0  }
0xa0: {  	[sflag:s22] =	ssyncadd.s32 s3;
	_ =	sdelay $0x1  }
0xa1: {  	s23 =	simm.s32 $0x1B8B  }
0xa2: {  	_ =	swait.ge [sflag:s23], $0x1  }
0xa3: {  	[sflag:s23] =	ssyncset.done $0x0  }
0xa4: {  	s25 =	simm.s32 $0x1B8E;
	s24 =	sld [smem:$0x3FFE];
	[sflag:s23] =	ssyncadd.s32 $0xFFFFFFFF  }
0xa5: {  	s26 =	simm.s32 $execute0_lowered;
	[smem:$0x3FD2] =	sst s25  }
0xa6: {  	s4 =	sshll.u32 s26, $0x1;
	_ =	strace $0x80000046;
	[dreg:$0x1] =	wrdreg $0xFFFFFFFF  }
0xa7: {  	s28 =	simm.s32 $_size_execute0_lowered;
	s2 =	sadd.s32 s2, s4;
	[dreg:$0x0] =	wrdreg $0x0  }
0xa8: {  	s4 =	sshll.u32 s28, $0x1;
	[dreg:$0x2] =	wrdreg s2  }
0xa9: {  	[dreg:$0x3] =	wrdreg s4  }
0xaa: {  	[dreg:$0x4] =	wrdreg $0xC0  }
0xab: {  	_ =	task [dreg:s6], $0x5FFFF  }
0xac: {  	[dreg:$0x1] =	wrdreg $0xFFFFFFFF  }
0xad: {  	[dreg:$0x0] =	wrdreg $0x60  }
0xae: {  	[dreg:$0x2] =	wrdreg s24  }
0xaf: {  	[dreg:$0x3] =	wrdreg $0xA2800  }
0xb0: {  	[dreg:$0x4] =	wrdreg $0x9  }
0xb1: {  	_ =	task.clear_ibuf [dreg:s6], $0x5FFFF;
	_ =	strace $0x90000046  }
0xb2: {  	s29 =	simm.s32 $0x9;
	_ =	strace $0x80000048  }
0xb3: {  	_ =	swait.ge [sflag:s29], $0x1  }
0xb4: {  	[sflag:s29] =	ssyncadd.s32 $0xFFFFFFFF  }
0xb5: {  	_ =	strace $0x90000048  }
0xb6: {  	_ =	sfence  }
0xb7: {  	s30 =	sld [smem:$0x0];
	_ =	sdelay $0x2  }
0xb8: {  	s31 =	sshll.u32 s1, $0xD;
	s1 =	sshrl.u32 s1, $0x2  }
0xb9: {  	s3 =	sand.u32 $0x4000, s31;
	s1 =	sadd.s32 s1, s30  }
0xba: {  	s0 =	sor.u32 s3, s0;
	s1 =	sshll.u32 s1, $0x11  }
0xbb: {  	s0 =	sor.u32 s1, s0  }
0xbc: {  	s0 =	sadd.s32 $0x8F2B, s0  }
0xbd: {  	[sflag:s0] =	ssyncadd.remote.s32 $0x1  }
0xbe: {  	_ =	sfence.sel $0xFFFF  }
0xbf: {  	[dreg:$0x0] =	wrdreg $0xFFFFFFFF;
	(pc) =	sbr.abs _section_cstart, $3  }
0xc0: {  	[dreg:$0x1] =	wrdreg $0xFFFFFFFF  }
0xc1: {  	_ =	task.clear_ibuf [dreg:s6], $0x2FFFF;
	_ =	strace $0x9FFFFFFF  }
0xc2: {  	(tm) =	ssettm $0x7FFFFFFF  }
0xc3: {  	_ =	shalt  }
tec
execute0_lowered:
.L_overlay_start_1:
0x0: {  	(tag) =	ssettag $0x1  }
0x1: {  	s3 =	rddreg [dreg:$0x0]  }
0x2: {  	s5 =	rddreg [dreg:$0x1]  }
0x3: {  	s1 =	srdreg.scid;
	s0 =	rddreg [dreg:$0x2];
	s2 =	simm.s32 $0x0  }
0x4: {  	s11 =	simm.s32 $0x280;
	s12 =	simm.s32 $0x5000;
	s4 =	sand.u32 $0x1, s1  }
0x5: {  	s13 =	simm.s32 $0x7A80;
	s1 =	stileid.u32;
	s6 =	smul.u32 $0x28000, s4  }
0x6: {  	s14 =	simm.s32 $0x0;
	[smem:$0x7FF] =	sst s2;
	s8 =	smul.u32 $0x2800, s1  }
0x7: {  	s7 =	sshll.u32 s4, $0x4;
	_ =	strace $0x80000047;
	s28 =	smul.u32 $0xA000, s1  }
0x8: {  	s4 =	ssub.s32 $0x2, s4;
	s10 =	smul.u32 $0xA00, s1;
	s7 =	sor.u32 s1, s7  }
0x9: {  	s9 =	sshrl.u32 s4, $0x1;
	s7 =	smul.u32 $0x2800, s7;
	s6 =	sadd.s32 s8, s6  }
0xa: {  	s9 =	ssub.s32 s4, s9;
	s30 =	sshrl.u32 s28, $0x2;
	s31 =	sshrl.u32 s10, $0x2  }
0xb: {  	s8 =	simm.s32 $0x1;
	s10 =	simm.s32 $0x2;
	s6 =	sshrl.u32 s6, $0x3  }
0xc: {  	s4 =	sadd.s32 s30, s5;
	s5 =	sadd.s32 s31, s5;
	s29 =	sshrl.u32 s7, $0x3  }
0xd: {  	s6 =	sadd.s32 s6, s3;
	s7 =	smax.u32 s9, $0x1;
	s3 =	sadd.s32 s3, s29  }
0xe: {  	v0 =	vimm.f32 $0.0e+00;
	v1 =	vimm.f32 $1.000000000e+00;
	s9 =	simm.s32 $0x2800;
	s6 =	sadd.s32 $0x16E00, s6;
	s3 =	sadd.s32 $0xCE00, s3  }
.LBB2_1:
0xf: {  	[tilespmem:s2], [sflag:$0x1] =	stream.linear.gather [hbm4b:s3+s2], $0x2800, $0x38;
	[tilespmem:$0xCA80] =	vst v63  }
0x10: {  	s16 =	simm.s32 $0x100;
	s15 =	simm.s32 $0x0  }
.LBB2_2:
0x11: {  	p0 =	sne.s32 s16, $0x9F00;
	[tilespmem:s15+$0x2830] =	vst v0;
	s17 =	smov.u32 s16;
	s16 =	sadd.s32 $0x100, s16  }
.Ltmp0:
0x12: {  	[tilespmem:s15+$0x2820] =	vst v0;
	(pc) =	sbr.rel @p0 .LBB2_2-.Ltmp0, $3  }
0x13: {  	[tilespmem:s15+$0x2800] =	vst v0  }
0x14: {  	[tilespmem:s15+$0x2810] =	vst v0;
	_ =	sdelay $0x1  }
0x15: {  	s15 =	sshra.s32 s17, $0x2  }
0x16: {  	[tilespmem:s15+$0x2830] =	vst v0  }
0x17: {  	[tilespmem:s15+$0x2820] =	vst v0  }
0x18: {  	[tilespmem:s15+$0x2800] =	vst v0  }
0x19: {  	[tilespmem:s15+$0x2810] =	vst v0  }
0x1a: {  	_ =	swait.ge [sflag:s8], $0x2800  }
0x1b: {  	[sflag:s8] =	ssyncset.done $0x0  }
0x1c: {  	s15 =	simm.s32 $0x0;
	[sflag:s8] =	ssyncadd.s32 $0xFFFFD800  }
.LBB2_4:
0x1d: {  	s16 =	sshra.s32 s15, $0x2  }
0x1e: {  	v2 =	vld [tilespmem:s16+$0x0];
	_ =	sdelay $0x7  }
0x1f: {  	[tilespmem:v2+s9+$0x0] =	vst.idx.add.f32.msk $0xffff, v1  }
0x20: {  	v2 =	vld [tilespmem:s16+$0x10];
	_ =	sdelay $0x7  }
0x21: {  	[tilespmem:v2+s9+$0x0] =	vst.idx.add.f32.msk $0xffff, v1  }
0x22: {  	v2 =	vld [tilespmem:s16+$0x20];
	_ =	sdelay $0x7  }
0x23: {  	[tilespmem:v2+s9+$0x0] =	vst.idx.add.f32.msk $0xffff, v1  }
0x24: {  	v2 =	vld [tilespmem:s16+$0x30];
	_ =	sdelay $0x7  }
0x25: {  	[tilespmem:v2+s9+$0x0] =	vst.idx.add.f32.msk $0xffff, v1  }
0x26: {  	v2 =	vld [tilespmem:s16+$0x40];
	_ =	sdelay $0x7  }
0x27: {  	[tilespmem:v2+s9+$0x0] =	vst.idx.add.f32.msk $0xffff, v1  }
0x28: {  	v2 =	vld [tilespmem:s16+$0x50];
	_ =	sdelay $0x7  }
0x29: {  	[tilespmem:v2+s9+$0x0] =	vst.idx.add.f32.msk $0xffff, v1  }
0x2a: {  	v2 =	vld [tilespmem:s16+$0x60];
	_ =	sdelay $0x7  }
0x2b: {  	[tilespmem:v2+s9+$0x0] =	vst.idx.add.f32.msk $0xffff, v1  }
0x2c: {  	v2 =	vld [tilespmem:s16+$0x70];
	_ =	sdelay $0x2  }
0x2d: {  	p0 =	sne.s32 s15, $0x9E00  }
.Ltmp1:
0x2e: {  	_ = 	snop;
	(pc) =	sbr.rel @p0 .LBB2_4-.Ltmp1, $2  }
0x2f: {  	_ =	sdelay $0x2  }
0x30: {  	s15 =	sadd.s32 $0x200, s15;
	[tilespmem:v2+s9+$0x0] =	vst.idx.add.f32.msk $0xffff, v1  }
0x31: {  	[spmem:s4] =	stream.linear.scatter [tilespmem:s9], [sflag:$0x2], $0x2800, $0x38;
	[tilespmem:$0xCA80] =	vst v63  }
0x32: {  	_ =	swait.ge [sflag:s10], $0x2800  }
0x33: {  	[sflag:s10] =	ssyncset.done $0x0  }
0x34: {  	[sflag:s10] =	ssyncadd.s32 $0xFFFFD800  }
0x35: {  	[bflag:$0x0] =	sbarrier.arrive $0xFFFF  }
0x36: {  	[tilespmem:s12], [sflag:$0x2] =	stream.strided.gather [spmem:s5], $0x2800, s9, s11, $0x38;
	[tilespmem:$0xCA80] =	vst v63  }
0x37: {  	_ =	swait.ge [sflag:s10], $0x2800  }
0x38: {  	[sflag:s10] =	ssyncset.done $0x0  }
0x39: {  	s17 =	simm.s32 $0x0;
	[sflag:s10] =	ssyncadd.s32 $0xFFFFD800  }
0x3a: {  	v2 =	vld [tilespmem:s17+$0x5000]  }
0x3b: {  	v3 =	vld [tilespmem:s17+$0x5280];
	_ =	sdelay $0x1  }
0x3c: {  	v4 =	vld [tilespmem:s17+$0x5500];
	_ =	sdelay $0x1  }
0x3d: {  	v5 =	vld [tilespmem:s17+$0x5780]  }
0x3e: {  	v2 =	vadd.f32 v3, v2  }
0x3f: {  	v3 =	vld [tilespmem:s17+$0x5A00]  }
0x40: {  	v2 =	vadd.f32 v4, v2  }
0x41: {  	v4 =	vld [tilespmem:s17+$0x5C80]  }
0x42: {  	v2 =	vadd.f32 v5, v2  }
0x43: {  	v5 =	vld [tilespmem:s17+$0x5F00]  }
0x44: {  	v2 =	vadd.f32 v3, v2  }
0x45: {  	v3 =	vld [tilespmem:s17+$0x6180]  }
0x46: {  	s16 =	simm.s32 $0x10;
	v6 =	vld [tilespmem:s17+$0x6400];
	v2 =	vadd.f32 v4, v2  }
0x47: {  	v7 =	vld [tilespmem:s16+$0x5000]  }
0x48: {  	v4 =	vld [tilespmem:s17+$0x6680];
	v2 =	vadd.f32 v5, v2  }
0x49: {  	v5 =	vld [tilespmem:s16+$0x5280]  }
0x4a: {  	v8 =	vld [tilespmem:s16+$0x5500];
	v2 =	vadd.f32 v3, v2  }
0x4b: {  	v3 =	vld [tilespmem:s17+$0x6900]  }
0x4c: {  	v9 =	vld [tilespmem:s16+$0x5780];
	v2 =	vadd.f32 v6, v2  }
0x4d: {  	v6 =	vld [tilespmem:s17+$0x6B80]  }
0x4e: {  	v5 =	vadd.f32 v5, v7;
	v7 =	vld [tilespmem:s16+$0x5A00];
	v2 =	vadd.f32 v4, v2  }
0x4f: {  	v4 =	vld [tilespmem:s17+$0x6E00]  }
0x50: {  	v10 =	vld [tilespmem:s16+$0x5C80];
	v5 =	vadd.f32 v8, v5;
	v2 =	vadd.f32 v3, v2  }
0x51: {  	v8 =	vld [tilespmem:s17+$0x7080]  }
0x52: {  	v11 =	vld [tilespmem:s16+$0x5F00];
	v3 =	vadd.f32 v9, v5;
	v2 =	vadd.f32 v6, v2  }
0x53: {  	v9 =	vld [tilespmem:s17+$0x7300]  }
0x54: {  	v5 =	vld [tilespmem:s16+$0x6180];
	v6 =	vadd.f32 v7, v3;
	v4 =	vadd.f32 v4, v2  }
0x55: {  	v3 =	vld [tilespmem:s17+$0x7580]  }
0x56: {  	v2 =	vld [tilespmem:s16+$0x6680];
	v7 =	vadd.f32 v10, v6;
	v8 =	vadd.f32 v8, v4  }
0x57: {  	s15 =	simm.s32 $0x80;
	s19 =	simm.s32 $0x20;
	v6 =	vld [tilespmem:s16+$0x6400]  }
0x58: {  	s21 =	simm.s32 $0xC0;
	s18 =	simm.s32 $0x10;
	s20 =	simm.s32 $0x0;
	v4 =	vld [tilespmem:s19+$0x5000];
	v7 =	vadd.f32 v11, v7;
	v8 =	vadd.f32 v9, v8  }
.LBB2_6:
0x59: {  	p0 =	sne.s32 s21, $0x9C0;
	v9 =	vld [tilespmem:s19+$0x5280]  }
0x5a: {  	v5 =	vadd.f32 v5, v7;
	v7 =	vld [tilespmem:s18+$0x6900];
	v3 =	vadd.f32 v3, v8  }
0x5b: {  	v8 =	vld [tilespmem:s19+$0x5500]  }
0x5c: {  	v5 =	vadd.f32 v6, v5;
	v6 =	vld [tilespmem:s18+$0x6B80];
	[tilespmem:s20+$0x7800] =	vst v3;
	s20 =	smov.u32 s18;
	s18 =	smov.u32 s19  }
0x5d: {  	v3 =	vld [tilespmem:s18+$0x5780]  }
0x5e: {  	v4 =	vadd.f32 v9, v4;
	v2 =	vadd.f32 v2, v5;
	v5 =	vld [tilespmem:s20+$0x6E00]  }
0x5f: {  	v9 =	vld [tilespmem:s18+$0x5A00]  }
0x60: {  	v4 =	vadd.f32 v8, v4;
	v2 =	vadd.f32 v7, v2;
	v7 =	vld [tilespmem:s20+$0x7080]  }
0x61: {  	v8 =	vld [tilespmem:s18+$0x5C80]  }
0x62: {  	v3 =	vadd.f32 v3, v4;
	v2 =	vadd.f32 v6, v2;
	v10 =	vld [tilespmem:s20+$0x7300]  }
0x63: {  	v11 =	vld [tilespmem:s18+$0x5F00]  }
.Ltmp2:
0x64: {  	v4 =	vadd.f32 v9, v3;
	v6 =	vadd.f32 v5, v2;
	v3 =	vld [tilespmem:s20+$0x7580];
	(pc) =	sbr.rel @p0 .LBB2_6-.Ltmp2, $4  }
0x65: {  	v5 =	vld [tilespmem:s18+$0x6180]  }
0x66: {  	v8 =	vadd.f32 v8, v4;
	v2 =	vld [tilespmem:s18+$0x6680];
	v9 =	vadd.f32 v7, v6  }
0x67: {  	s19 =	sshra.s32 s21, $0x2;
	v6 =	vld [tilespmem:s18+$0x6400]  }
0x68: {  	s21 =	sadd.s32 $0x40, s21;
	v4 =	vld [tilespmem:s19+$0x5000];
	v7 =	vadd.f32 v11, v8;
	v8 =	vadd.f32 v10, v9  }
0x69: {  	v9 =	vld [tilespmem:s19+$0x5280]  }
0x6a: {  	v10 =	vld [tilespmem:s18+$0x6900];
	v3 =	vadd.f32 v3, v8  }
0x6b: {  	v39 =	vld [tilespmem:s19+$0x5500]  }
0x6c: {  	v11 =	vld [tilespmem:s18+$0x6B80];
	v5 =	vadd.f32 v5, v7;
	[tilespmem:s20+$0x7800] =	vst v3  }
0x6d: {  	v3 =	vld [tilespmem:s19+$0x5780]  }
0x6e: {  	v5 =	vadd.f32 v6, v5;
	v4 =	vadd.f32 v9, v4  }
0x6f: {  	v40 =	vld [tilespmem:s19+$0x5A00]  }
0x70: {  	v41 =	vld [tilespmem:s18+$0x6E00];
	v2 =	vadd.f32 v2, v5;
	v4 =	vadd.f32 v39, v4  }
0x71: {  	v42 =	vld [tilespmem:s19+$0x5C80]  }
0x72: {  	v43 =	vld [tilespmem:s18+$0x7080];
	v2 =	vadd.f32 v10, v2;
	v3 =	vadd.f32 v3, v4  }
0x73: {  	v44 =	vld [tilespmem:s19+$0x5F00]  }
0x74: {  	v45 =	vld [tilespmem:s18+$0x7300];
	v2 =	vadd.f32 v11, v2;
	v3 =	vadd.f32 v40, v3  }
0x75: {  	v46 =	vld [tilespmem:s19+$0x6180]  }
0x76: {  	v47 =	vld [tilespmem:s18+$0x7580];
	v2 =	vadd.f32 v41, v2;
	v3 =	vadd.f32 v42, v3  }
0x77: {  	v48 =	vld [tilespmem:s19+$0x6400]  }
0x78: {  	v2 =	vadd.f32 v43, v2;
	v3 =	vadd.f32 v44, v3  }
0x79: {  	v49 =	vld [tilespmem:s19+$0x6680]  }
0x7a: {  	v2 =	vadd.f32 v45, v2;
	v3 =	vadd.f32 v46, v3  }
0x7b: {  	v50 =	vld [tilespmem:s19+$0x6900]  }
0x7c: {  	v2 =	vadd.f32 v47, v2;
	v3 =	vadd.f32 v48, v3  }
0x7d: {  	v51 =	vld [tilespmem:s19+$0x6B80]  }
0x7e: {  	[tilespmem:s18+$0x7800] =	vst v2;
	v2 =	vadd.f32 v49, v3  }
0x7f: {  	v3 =	vld [tilespmem:s19+$0x6E00]  }
0x80: {  	v2 =	vadd.f32 v50, v2  }
0x81: {  	v52 =	vld [tilespmem:s19+$0x7080]  }
0x82: {  	v2 =	vadd.f32 v51, v2  }
0x83: {  	v53 =	vld [tilespmem:s19+$0x7300]  }
0x84: {  	v2 =	vadd.f32 v3, v2  }
0x85: {  	v3 =	vld [tilespmem:s19+$0x7580]  }
0x86: {  	v2 =	vadd.f32 v52, v2;
	_ =	sdelay $0x1  }
0x87: {  	v2 =	vadd.f32 v53, v2;
	_ =	sdelay $0x1  }
0x88: {  	v2 =	vadd.f32 v3, v2;
	_ =	sdelay $0x1  }
0x89: {  	[tilespmem:s19+$0x7800] =	vst v2  }
0x8a: {  	v2 =	vld [tilespmem:s17+$0x7800];
	_ =	sdelay $0x4  }
0x8b: {  	v3 =	vbroadcast v2, $0x0  }
0x8c: {  	s17 =	simm.s32 $0x7B00;
	v54 =	vbroadcast v2, $0x1  }
0x8d: {  	v55 =	vbroadcast v2, $0x2;
	[tilespmem:s17+$0xFFFFFF80] =	vst v3  }
0x8e: {  	v56 =	vbroadcast v2, $0x4;
	[tilespmem:s17+$0xFFFFFF90] =	vst v54  }
0x8f: {  	v57 =	vbroadcast v2, $0x5;
	[tilespmem:s17+$0xFFFFFFA0] =	vst v55  }
0x90: {  	v58 =	vbroadcast v2, $0x7;
	[tilespmem:s17+$0xFFFFFFC0] =	vst v56  }
0x91: {  	v59 =	vbroadcast v2, $0x8;
	[tilespmem:s17+$0xFFFFFFD0] =	vst v57  }
0x92: {  	v60 =	vbroadcast v2, $0xA;
	[tilespmem:s17+$0xFFFFFFF0] =	vst v58  }
0x93: {  	v3 =	vbroadcast v2, $0x3;
	[tilespmem:s17+$0x0] =	vst v59  }
0x94: {  	v61 =	vbroadcast v2, $0xB;
	[tilespmem:s17+$0x20] =	vst v60  }
0x95: {  	[tilespmem:s17+$0xFFFFFFB0] =	vst v3;
	v3 =	vbroadcast v2, $0x6  }
0x96: {  	v62 =	vbroadcast v2, $0xD;
	[tilespmem:s17+$0x30] =	vst v61  }
0x97: {  	[tilespmem:s17+$0xFFFFFFE0] =	vst v3;
	v3 =	vbroadcast v2, $0x9  }
0x98: {  	v63 =	vbroadcast v2, $0xE;
	[tilespmem:s17+$0x50] =	vst v62  }
0x99: {  	[tilespmem:s17+$0x10] =	vst v3;
	v3 =	vbroadcast v2, $0xC  }
0x9a: {  	[tilespmem:s17+$0x60] =	vst v63;
	v2 =	vbroadcast v2, $0xF  }
0x9b: {  	[tilespmem:s17+$0x40] =	vst v3  }
0x9c: {  	[tilespmem:s17+$0x70] =	vst v2  }
.LBB2_8:
0x9d: {  	p0 =	sne.s32 s15, $0x9C0;
	v2 =	vld [tilespmem:s16+$0x7800];
	_ =	sdelay $0x4  }
0x9e: {  	v3 =	vbroadcast v2, $0x0;
	v4 =	vbroadcast v2, $0x1  }
0x9f: {  	s17 =	sadd.s32 $0x100, s17;
	v5 =	vbroadcast v2, $0x2;
	v6 =	vbroadcast v2, $0x3  }
0xa0: {  	v7 =	vbroadcast v2, $0x5;
	[tilespmem:s17+$0xFFFFFF80] =	vst v3;
	v3 =	vbroadcast v2, $0x4  }
0xa1: {  	v8 =	vbroadcast v2, $0x7;
	[tilespmem:s17+$0xFFFFFF90] =	vst v4;
	v4 =	vbroadcast v2, $0x6  }
0xa2: {  	v9 =	vbroadcast v2, $0x9;
	[tilespmem:s17+$0xFFFFFFA0] =	vst v5;
	v5 =	vbroadcast v2, $0x8  }
0xa3: {  	v10 =	vbroadcast v2, $0xB;
	[tilespmem:s17+$0xFFFFFFB0] =	vst v6;
	v6 =	vbroadcast v2, $0xA  }
0xa4: {  	v11 =	vbroadcast v2, $0xD;
	[tilespmem:s17+$0xFFFFFFC0] =	vst v3;
	v3 =	vbroadcast v2, $0xC  }
0xa5: {  	[tilespmem:s17+$0xFFFFFFD0] =	vst v7;
	v7 =	vbroadcast v2, $0xE;
	v2 =	vbroadcast v2, $0xF  }
0xa6: {  	[tilespmem:s17+$0xFFFFFFE0] =	vst v4  }
0xa7: {  	[tilespmem:s17+$0xFFFFFFF0] =	vst v8  }
0xa8: {  	[tilespmem:s17+$0x0] =	vst v5  }
0xa9: {  	[tilespmem:s17+$0x10] =	vst v9  }
0xaa: {  	[tilespmem:s17+$0x20] =	vst v6  }
.Ltmp3:
0xab: {  	[tilespmem:s17+$0x30] =	vst v10;
	(pc) =	sbr.rel @p0 .LBB2_8-.Ltmp3, $4  }
0xac: {  	[tilespmem:s17+$0x40] =	vst v3  }
0xad: {  	[tilespmem:s17+$0x50] =	vst v11  }
0xae: {  	[tilespmem:s17+$0x60] =	vst v7  }
0xaf: {  	s16 =	sshra.s32 s15, $0x2;
	s15 =	sadd.s32 $0x40, s15;
	[tilespmem:s17+$0x70] =	vst v2  }
0xb0: {  	v2 =	vld [tilespmem:s16+$0x7800];
	_ =	sdelay $0x4  }
0xb1: {  	v3 =	vbroadcast v2, $0x0  }
0xb2: {  	s15 =	sadd.s32 $0x100, s17;
	v4 =	vbroadcast v2, $0x1  }
0xb3: {  	v5 =	vbroadcast v2, $0x2;
	[tilespmem:s15+$0xFFFFFF80] =	vst v3  }
0xb4: {  	v56 =	vbroadcast v2, $0x4;
	[tilespmem:s15+$0xFFFFFF90] =	vst v4  }
0xb5: {  	v57 =	vbroadcast v2, $0x5;
	[tilespmem:s15+$0xFFFFFFA0] =	vst v5  }
0xb6: {  	v58 =	vbroadcast v2, $0x7;
	[tilespmem:s15+$0xFFFFFFC0] =	vst v56  }
0xb7: {  	v59 =	vbroadcast v2, $0x8;
	[tilespmem:s15+$0xFFFFFFD0] =	vst v57  }
0xb8: {  	v60 =	vbroadcast v2, $0xA;
	[tilespmem:s15+$0xFFFFFFF0] =	vst v58  }
0xb9: {  	v3 =	vbroadcast v2, $0x3;
	[tilespmem:s15+$0x0] =	vst v59  }
0xba: {  	v61 =	vbroadcast v2, $0xB;
	[tilespmem:s15+$0x20] =	vst v60  }
0xbb: {  	[tilespmem:s15+$0xFFFFFFB0] =	vst v3;
	v3 =	vbroadcast v2, $0x6  }
0xbc: {  	v62 =	vbroadcast v2, $0xD;
	[tilespmem:s15+$0x30] =	vst v61  }
0xbd: {  	[tilespmem:s15+$0xFFFFFFE0] =	vst v3;
	v3 =	vbroadcast v2, $0x9  }
0xbe: {  	v63 =	vbroadcast v2, $0xE;
	[tilespmem:s15+$0x50] =	vst v62  }
0xbf: {  	[tilespmem:s15+$0x10] =	vst v3;
	v3 =	vbroadcast v2, $0xC  }
0xc0: {  	s14 =	sadd.s32 $0x1, s14;
	[tilespmem:s15+$0x60] =	vst v63;
	v2 =	vbroadcast v2, $0xF  }
0xc1: {  	p0 =	sne.s32 s14, s7;
	[tilespmem:s15+$0x40] =	vst v3  }
.Ltmp4:
0xc2: {  	[tilespmem:s15+$0x70] =	vst v2;
	(pc) =	sbr.rel @p0 .LBB2_1-.Ltmp4, $4  }
0xc3: {  	[hbm4b:s6+s2] =	stream.linear.scatter [tilespmem:s13], [sflag:$0x2], $0x2800, $0x38;
	[tilespmem:$0xCA80] =	vst v63  }
0xc4: {  	_ =	swait.ge [sflag:s10], $0x2800  }
0xc5: {  	[sflag:s10] =	ssyncset.done $0x0  }
0xc6: {  	[sflag:s10] =	ssyncadd.s32 $0xFFFFD800  }
0xc7: {  	_ =	sfence.sel $0x180000  }
0xc8: {  	[bflag:$0x0] =	sbarrier.arrive $0xFFFF  }
0xc9: {  	p0 =	sne.s32 s1, $0x0;
	_ =	strace $0x90000047  }
0xca: {  	s0 =	sadd.s32 @!p0 $0x100000, s0;
	[bflag:$0x2] =	sbarrier.arrive $0xFFFF  }
0xcb: {  	[sflag:s0] =	ssyncadd.tile.s32 @!p0 $0x1;
	_ =	shalt  }
.Lfunc_end2:
_tile_overlayer_lowered:
.L_overlay_start_2:
0xcc: {  	(tag) =	ssettag $0x2  }
0xcd: {  	s0 =	rddreg [dreg:$0x0];
	s2 =	stileid.u32  }
0xce: {  	s1 =	rddreg [dreg:$0x1];
	p0 =	sne.s32 s2, $0x0  }
0xcf: {  	s3 =	rddreg [dreg:$0x2];
	[bflag:$0x3] =	sbarrier.arrive $0xFFFF;
	s2 =	simm.s32 @!p0 $0x1C02  }
0xd0: {  	[timem:s3], [sflag:s2] =	dma.local @!p0 [hbm:s0], s1  }
0xd1: {  	s0 =	simm.s32 @!p0 $0x2  }
0xd2: {  	_ =	swait.ge @!p0 [sflag:s0], s1  }
0xd3: {  	s1 =	ssub.s32 @!p0 $0x0, s1;
	[sflag:s0] =	ssyncset.done @!p0 $0x0  }
0xd4: {  	[sflag:s0] =	ssyncadd.s32 @!p0 s1  }
0xd5: {  	[bflag:$0x3] =	sbarrier.arrive $0xFFFF  }
0xd6: {  	_ =	shalt  }

</sc_bundles>
